<compile_context>
chip_gen: v7x
topology: tpu7x:2x2x1
jax: 0.10.2.dev20260603
libtpu: 0.0.44.dev20260713+nightly
codegen_flags: <defaults>
</compile_context>

<pallas_src>
import functools

import jax
import jax.numpy as jnp
from jax import lax
from jax.experimental import pallas as pl
from jax.experimental.pallas import tpu as pltpu
from jax.experimental.pallas import tpu_sc as plsc

STEPS_PER_DAY = 288
TE_DIM = 32
NUM_NODES = 170
SE_DIM = 16
OUT_DIM = SE_DIM + TE_DIM
ND = NUM_NODES * OUT_DIM
NW = 32
BT = 3072
RPW = BT // NW


def _sc_body(tod_hbm, dow_hbm, tw_hbm, dw_hbm, out_hbm,
             idx_t, idx_d, rows_t, rows_d, sem):
    wid = lax.axis_index("s") * 2 + lax.axis_index("c")
    base = wid * RPW
    pltpu.sync_copy(tod_hbm.at[pl.ds(base, RPW)], idx_t)
    pltpu.sync_copy(dow_hbm.at[pl.ds(base, RPW)], idx_d)
    for k in range(RPW // 16):
        sl = pl.ds(k * 16, 16)
        idx_t[sl] = jnp.clip(idx_t[sl], 0, STEPS_PER_DAY - 1)
        idx_d[sl] = jnp.clip(idx_d[sl], 0, 6)
    pltpu.async_copy(tw_hbm.at[idx_t], rows_t, sem).wait()
    pltpu.async_copy(dw_hbm.at[idx_d], rows_d, sem).wait()
    for r in range(RPW):
        for c in range(TE_DIM // 16):
            sl = pl.ds(c * 16, 16)
            rows_t[r, sl] = rows_t[r, sl] + rows_d[r, sl]
    pltpu.sync_copy(rows_t, out_hbm.at[pl.ds(base, RPW)])


def _tc_body(te_ref, se_ref, a2_ref, o_ref):
    te_t = te_ref[0, :, :TE_DIM]
    o_ref[0] = lax.dot_general(
        a2_ref[...], te_t,
        dimension_numbers=(((1,), (1,)), ((), ())),
        preferred_element_type=jnp.float32) + se_ref[...]


@jax.jit
def kernel(te, se, tod_weight, dow_weight):
    b, t = te.shape[0], te.shape[1]
    tod_ids = te[..., 0].astype(jnp.int32).T.reshape(BT)
    dow_ids = te[..., 1].astype(jnp.int32).T.reshape(BT)
    tod_w128 = jnp.pad(tod_weight, ((0, 0), (0, 128 - TE_DIM)))
    dow_w128 = jnp.pad(dow_weight, ((0, 1), (0, 128 - TE_DIM)))
    se_col = jnp.pad(se, ((0, 0), (0, TE_DIM))).reshape(ND, 1)
    a2mat = jnp.tile(
        jnp.concatenate([jnp.zeros((SE_DIM, TE_DIM), jnp.float32),
                         jnp.eye(TE_DIM, dtype=jnp.float32)], axis=0),
        (NUM_NODES, 1))

    mesh = plsc.VectorSubcoreMesh(core_axis_name="c", subcore_axis_name="s")
    sc_gather = functools.partial(
        pl.kernel, mesh=mesh,
        out_type=jax.ShapeDtypeStruct((BT, 128), jnp.float32),
        scratch_types=[
            pltpu.VMEM((RPW,), jnp.int32),
            pltpu.VMEM((RPW,), jnp.int32),
            pltpu.VMEM((RPW, 128), jnp.float32),
            pltpu.VMEM((RPW, 128), jnp.float32),
            pltpu.SemaphoreType.DMA,
        ],
    )(_sc_body)
    te_emb = sc_gather(tod_ids, dow_ids, tod_w128, dow_w128)
    te_emb = te_emb.reshape(t, b, 128)

    out = pl.pallas_call(
        _tc_body,
        grid=(t,),
        in_specs=[
            pl.BlockSpec((1, b, 128), lambda i: (i, 0, 0)),
            pl.BlockSpec((ND, 1), lambda i: (0, 0)),
            pl.BlockSpec((ND, TE_DIM), lambda i: (0, 0)),
        ],
        out_specs=pl.BlockSpec((1, ND, b), lambda i: (i, 0, 0)),
        out_shape=jax.ShapeDtypeStruct((t, ND, b), jnp.float32),
    )(te_emb, se_col, a2mat)
    out = out.reshape(t, NUM_NODES, OUT_DIM, b)
    return jnp.transpose(out, (3, 0, 1, 2))

# --- scband reference (transcript-rebuilt; emitter-appended) ---
"""Pipeline reference for scband-stembedding-48490180772622 (READ-ONLY COPY).

The authoritative reference and input builder live on the scoring server;
editing this copy changes nothing except your own understanding.
"""

import jax, jax.numpy as jnp
import numpy as np

STEPS_PER_DAY = 288
TE_DIM = 32
NUM_NODES = 170
SE_DIM = 16
B = 256
T = 12


def setup_inputs(seed: int = 0) -> dict:
    key = jax.random.key(seed)
    k1, k2, k3, k4 = jax.random.split(key, 4)
    te = jax.random.randint(k1, (B, T, 2), 0, STEPS_PER_DAY).astype(jnp.int64)
    se = jax.random.normal(k2, (NUM_NODES, SE_DIM), dtype=jnp.float32)
    tod_weight = jax.random.normal(k3, (STEPS_PER_DAY, TE_DIM), dtype=jnp.float32) * 0.02
    dow_weight = jax.random.normal(k4, (7, TE_DIM), dtype=jnp.float32) * 0.02
    return {"te": te, "se": se, "tod_weight": tod_weight, "dow_weight": dow_weight}


def reference(te, se, tod_weight, dow_weight):
    b, t = te.shape[0], te.shape[1]
    n, se_dim = se.shape
    te_dim = tod_weight.shape[1]
    tod_id = jnp.clip(te[..., 0], 0, tod_weight.shape[0] - 1)
    dow_id = jnp.clip(te[..., 1], 0, 6)
    te_emb = jnp.take(tod_weight, tod_id, axis=0) + jnp.take(dow_weight, dow_id, axis=0)
    se_b = jnp.broadcast_to(se.reshape(1, 1, n, se_dim), (b, t, n, se_dim))
    te_b = jnp.broadcast_to(te_emb.reshape(b, t, 1, te_dim), (b, t, n, te_dim))
    ste = jnp.concatenate([se_b, te_b], axis=-1)
    return ste

if __name__ == "__main__":
    import jax
    _d = setup_inputs()
    print(jax.jit(kernel)(*tuple(_d.values())))

</pallas_src>

<mosaic_0001>
#map = affine_map<(d0, d1) -> (0)>
#map1 = affine_map<(d0, d1) -> (0, 0)>
module attributes {stable_mosaic.version = 14 : i64} {
  func.func @_sc_body(%arg0: i32, %arg1: i32, %arg2: memref<3072xi32, #tpu.memory_space<hbm>>, %arg3: memref<3072xi32, #tpu.memory_space<hbm>>, %arg4: memref<288x128xf32, #tpu.memory_space<hbm>>, %arg5: memref<8x128xf32, #tpu.memory_space<hbm>>, %arg6: memref<3072x128xf32, #tpu.memory_space<hbm>>, %arg7: memref<96xi32, #tpu.memory_space<vmem>>, %arg8: memref<96xi32, #tpu.memory_space<vmem>>, %arg9: memref<96x128xf32, #tpu.memory_space<vmem>>, %arg10: memref<96x128xf32, #tpu.memory_space<vmem>>, %arg11: memref<!tpu.dma_semaphore, #tpu.memory_space<semaphore_mem>>) attributes {dimension_semantics = [#tpu.dimension_semantics<core_parallel>, #tpu.dimension_semantics<subcore_parallel>], iteration_bounds = array<i64: 2, 16>, scalar_prefetch = 0 : i64, scratch_operands = 5 : i64, tpu.core_type = #tpu.core_type<sc_vector_subcore>, window_params = [{transform_indices = #map}, {transform_indices = #map}, {transform_indices = #map1}, {transform_indices = #map1}, {transform_indices = #map1}]} {
    %mul3A = arith.constant 2 : i32
    %mul3A_0 = arith.muli %arg1, %mul3A : i32
    %add3A = arith.addi %mul3A_0, %arg0 : i32
    %mul3A_1 = arith.constant 96 : i32
    %mul3A_2 = arith.muli %add3A, %mul3A_1 : i32
    "tpu.region"() ({
      %run_scoped3A = tpu.sem_alloc : memref<!tpu.dma_semaphore, #tpu.memory_space<semaphore_mem>>
      %dma_start3A_3428 = tpu.memref_slice %arg2[%mul3A_2] : memref<3072xi32, #tpu.memory_space<hbm>> -> memref<96xi32, #tpu.memory_space<hbm>>
      %dma_start3A_3429 = tpu.memref_slice %arg2[%mul3A_2] : memref<3072xi32, #tpu.memory_space<hbm>> -> memref<96xi32, #tpu.memory_space<hbm>>
      tpu.enqueue_dma source(%dma_start3A_3429 : memref<96xi32, #tpu.memory_space<hbm>>) target(%arg7 : memref<96xi32, #tpu.memory_space<vmem>>) target_semaphore(%run_scoped3A : memref<!tpu.dma_semaphore, #tpu.memory_space<semaphore_mem>>)
      %dma_wait3A_3430 = tpu.memref_slice %arg2[%mul3A_2] : memref<3072xi32, #tpu.memory_space<hbm>> -> memref<96xi32, #tpu.memory_space<hbm>>
      %dma_wait3A_3431 = tpu.memref_slice %arg2[%mul3A_2] : memref<3072xi32, #tpu.memory_space<hbm>> -> memref<96xi32, #tpu.memory_space<hbm>>
      tpu.wait_dma2 semaphore(%run_scoped3A : memref<!tpu.dma_semaphore, #tpu.memory_space<semaphore_mem>>) src(%dma_wait3A_3431 : memref<96xi32, #tpu.memory_space<hbm>>) dst(%arg7 : memref<96xi32, #tpu.memory_space<vmem>>)
      tpu.yield
    }) : () -> ()
    "tpu.region"() ({
      %run_scoped3A = tpu.sem_alloc : memref<!tpu.dma_semaphore, #tpu.memory_space<semaphore_mem>>
      %dma_start3A_3428 = tpu.memref_slice %arg3[%mul3A_2] : memref<3072xi32, #tpu.memory_space<hbm>> -> memref<96xi32, #tpu.memory_space<hbm>>
      %dma_start3A_3429 = tpu.memref_slice %arg3[%mul3A_2] : memref<3072xi32, #tpu.memory_space<hbm>> -> memref<96xi32, #tpu.memory_space<hbm>>
      tpu.enqueue_dma source(%dma_start3A_3429 : memref<96xi32, #tpu.memory_space<hbm>>) target(%arg8 : memref<96xi32, #tpu.memory_space<vmem>>) target_semaphore(%run_scoped3A : memref<!tpu.dma_semaphore, #tpu.memory_space<semaphore_mem>>)
      %dma_wait3A_3430 = tpu.memref_slice %arg3[%mul3A_2] : memref<3072xi32, #tpu.memory_space<hbm>> -> memref<96xi32, #tpu.memory_space<hbm>>
      %dma_wait3A_3431 = tpu.memref_slice %arg3[%mul3A_2] : memref<3072xi32, #tpu.memory_space<hbm>> -> memref<96xi32, #tpu.memory_space<hbm>>
      tpu.wait_dma2 semaphore(%run_scoped3A : memref<!tpu.dma_semaphore, #tpu.memory_space<semaphore_mem>>) src(%dma_wait3A_3431 : memref<96xi32, #tpu.memory_space<hbm>>) dst(%arg8 : memref<96xi32, #tpu.memory_space<vmem>>)
      tpu.yield
    }) : () -> ()
    %get3A = arith.constant 0 : index
    %get3A_3 = tpu.vector_load %arg7[%get3A] {strides = array<i32>} : memref<96xi32, #tpu.memory_space<vmem>>, vector<16xi32>,
    %get3A_4 = vector.shape_cast %get3A_3 : vector<16xi32> to vector<16xi32>
    %jit3A = arith.constant 0 : i32
    %jit3A_5 = arith.constant 287 : i32
    %max3A = vector.broadcast %jit3A : i32 to vector<16xi32>
    %max3A_6 = arith.maxsi %max3A, %get3A_4 : vector<16xi32>
    %min3A = vector.broadcast %jit3A_5 : i32 to vector<16xi32>
    %min3A_7 = arith.minsi %min3A, %max3A_6 : vector<16xi32>
    %swap3A = arith.constant 0 : index
    %swap3A_8 = tpu.vector_load %arg7[%swap3A] {strides = array<i32>} : memref<96xi32, #tpu.memory_space<vmem>>, vector<16xi32>,
    %swap3A_9 = vector.shape_cast %swap3A_8 : vector<16xi32> to vector<16xi32>
    %swap3A_10 = vector.shape_cast %min3A_7 : vector<16xi32> to vector<16xi32>
    tpu.vector_store %arg7[%swap3A], %swap3A_10 {strides = array<i32>} : memref<96xi32, #tpu.memory_space<vmem>>, vector<16xi32>,
    %get3A_11 = arith.constant 0 : index
    %get3A_12 = tpu.vector_load %arg8[%get3A_11] {strides = array<i32>} : memref<96xi32, #tpu.memory_space<vmem>>, vector<16xi32>,
    %get3A_13 = vector.shape_cast %get3A_12 : vector<16xi32> to vector<16xi32>
    %jit3A_14 = arith.constant 0 : i32
    %jit3A_15 = arith.constant 6 : i32
    %max3A_16 = vector.broadcast %jit3A_14 : i32 to vector<16xi32>
    %max3A_17 = arith.maxsi %max3A_16, %get3A_13 : vector<16xi32>
    %min3A_18 = vector.broadcast %jit3A_15 : i32 to vector<16xi32>
    %min3A_19 = arith.minsi %min3A_18, %max3A_17 : vector<16xi32>
    %swap3A_20 = arith.constant 0 : index
    %swap3A_21 = tpu.vector_load %arg8[%swap3A_20] {strides = array<i32>} : memref<96xi32, #tpu.memory_space<vmem>>, vector<16xi32>,
    %swap3A_22 = vector.shape_cast %swap3A_21 : vector<16xi32> to vector<16xi32>
    %swap3A_23 = vector.shape_cast %min3A_19 : vector<16xi32> to vector<16xi32>
    tpu.vector_store %arg8[%swap3A_20], %swap3A_23 {strides = array<i32>} : memref<96xi32, #tpu.memory_space<vmem>>, vector<16xi32>,
    %get3A_24 = arith.constant 16 : index
    %get3A_25 = tpu.vector_load %arg7[%get3A_24] {strides = array<i32>} : memref<96xi32, #tpu.memory_space<vmem>>, vector<16xi32>,
    %get3A_26 = vector.shape_cast %get3A_25 : vector<16xi32> to vector<16xi32>
    %jit3A_27 = arith.constant 0 : i32
    %jit3A_28 = arith.constant 287 : i32
    %max3A_29 = vector.broadcast %jit3A_27 : i32 to vector<16xi32>
    %max3A_30 = arith.maxsi %max3A_29, %get3A_26 : vector<16xi32>
    %min3A_31 = vector.broadcast %jit3A_28 : i32 to vector<16xi32>
    %min3A_32 = arith.minsi %min3A_31, %max3A_30 : vector<16xi32>
    %swap3A_33 = arith.constant 16 : index
    %swap3A_34 = tpu.vector_load %arg7[%swap3A_33] {strides = array<i32>} : memref<96xi32, #tpu.memory_space<vmem>>, vector<16xi32>,
    %swap3A_35 = vector.shape_cast %swap3A_34 : vector<16xi32> to vector<16xi32>
    %swap3A_36 = vector.shape_cast %min3A_32 : vector<16xi32> to vector<16xi32>
    tpu.vector_store %arg7[%swap3A_33], %swap3A_36 {strides = array<i32>} : memref<96xi32, #tpu.memory_space<vmem>>, vector<16xi32>,
    %get3A_37 = arith.constant 16 : index
    %get3A_38 = tpu.vector_load %arg8[%get3A_37] {strides = array<i32>} : memref<96xi32, #tpu.memory_space<vmem>>, vector<16xi32>,
    %get3A_39 = vector.shape_cast %get3A_38 : vector<16xi32> to vector<16xi32>
    %jit3A_40 = arith.constant 0 : i32
    %jit3A_41 = arith.constant 6 : i32
    %max3A_42 = vector.broadcast %jit3A_40 : i32 to vector<16xi32>
    %max3A_43 = arith.maxsi %max3A_42, %get3A_39 : vector<16xi32>
    %min3A_44 = vector.broadcast %jit3A_41 : i32 to vector<16xi32>
    %min3A_45 = arith.minsi %min3A_44, %max3A_43 : vector<16xi32>
    %swap3A_46 = arith.constant 16 : index
    %swap3A_47 = tpu.vector_load %arg8[%swap3A_46] {strides = array<i32>} : memref<96xi32, #tpu.memory_space<vmem>>, vector<16xi32>,
    %swap3A_48 = vector.shape_cast %swap3A_47 : vector<16xi32> to vector<16xi32>
    %swap3A_49 = vector.shape_cast %min3A_45 : vector<16xi32> to vector<16xi32>
    tpu.vector_store %arg8[%swap3A_46], %swap3A_49 {strides = array<i32>} : memref<96xi32, #tpu.memory_space<vmem>>, vector<16xi32>,
    %get3A_50 = arith.constant 32 : index
    %get3A_51 = tpu.vector_load %arg7[%get3A_50] {strides = array<i32>} : memref<96xi32, #tpu.memory_space<vmem>>, vector<16xi32>,
    %get3A_52 = vector.shape_cast %get3A_51 : vector<16xi32> to vector<16xi32>
    %jit3A_53 = arith.constant 0 : i32
    %jit3A_54 = arith.constant 287 : i32
    %max3A_55 = vector.broadcast %jit3A_53 : i32 to vector<16xi32>
    %max3A_56 = arith.maxsi %max3A_55, %get3A_52 : vector<16xi32>
    %min3A_57 = vector.broadcast %jit3A_54 : i32 to vector<16xi32>
    %min3A_58 = arith.minsi %min3A_57, %max3A_56 : vector<16xi32>
    %swap3A_59 = arith.constant 32 : index
    %swap3A_60 = tpu.vector_load %arg7[%swap3A_59] {strides = array<i32>} : memref<96xi32, #tpu.memory_space<vmem>>, vector<16xi32>,
    %swap3A_61 = vector.shape_cast %swap3A_60 : vector<16xi32> to vector<16xi32>
    %swap3A_62 = vector.shape_cast %min3A_58 : vector<16xi32> to vector<16xi32>
    tpu.vector_store %arg7[%swap3A_59], %swap3A_62 {strides = array<i32>} : memref<96xi32, #tpu.memory_space<vmem>>, vector<16xi32>,
    %get3A_63 = arith.constant 32 : index
    %get3A_64 = tpu.vector_load %arg8[%get3A_63] {strides = array<i32>} : memref<96xi32, #tpu.memory_space<vmem>>, vector<16xi32>,
    %get3A_65 = vector.shape_cast %get3A_64 : vector<16xi32> to vector<16xi32>
    %jit3A_66 = arith.constant 0 : i32
    %jit3A_67 = arith.constant 6 : i32
    %max3A_68 = vector.broadcast %jit3A_66 : i32 to vector<16xi32>
    %max3A_69 = arith.maxsi %max3A_68, %get3A_65 : vector<16xi32>
    %min3A_70 = vector.broadcast %jit3A_67 : i32 to vector<16xi32>
    %min3A_71 = arith.minsi %min3A_70, %max3A_69 : vector<16xi32>
    %swap3A_72 = arith.constant 32 : index
    %swap3A_73 = tpu.vector_load %arg8[%swap3A_72] {strides = array<i32>} : memref<96xi32, #tpu.memory_space<vmem>>, vector<16xi32>,
    %swap3A_74 = vector.shape_cast %swap3A_73 : vector<16xi32> to vector<16xi32>
    %swap3A_75 = vector.shape_cast %min3A_71 : vector<16xi32> to vector<16xi32>
    tpu.vector_store %arg8[%swap3A_72], %swap3A_75 {strides = array<i32>} : memref<96xi32, #tpu.memory_space<vmem>>, vector<16xi32>,
    %get3A_76 = arith.constant 48 : index
    %get3A_77 = tpu.vector_load %arg7[%get3A_76] {strides = array<i32>} : memref<96xi32, #tpu.memory_space<vmem>>, vector<16xi32>,
    %get3A_78 = vector.shape_cast %get3A_77 : vector<16xi32> to vector<16xi32>
    %jit3A_79 = arith.constant 0 : i32
    %jit3A_80 = arith.constant 287 : i32
    %max3A_81 = vector.broadcast %jit3A_79 : i32 to vector<16xi32>
    %max3A_82 = arith.maxsi %max3A_81, %get3A_78 : vector<16xi32>
    %min3A_83 = vector.broadcast %jit3A_80 : i32 to vector<16xi32>
    %min3A_84 = arith.minsi %min3A_83, %max3A_82 : vector<16xi32>
    %swap3A_85 = arith.constant 48 : index
    %swap3A_86 = tpu.vector_load %arg7[%swap3A_85] {strides = array<i32>} : memref<96xi32, #tpu.memory_space<vmem>>, vector<16xi32>,
    %swap3A_87 = vector.shape_cast %swap3A_86 : vector<16xi32> to vector<16xi32>
    %swap3A_88 = vector.shape_cast %min3A_84 : vector<16xi32> to vector<16xi32>
    tpu.vector_store %arg7[%swap3A_85], %swap3A_88 {strides = array<i32>} : memref<96xi32, #tpu.memory_space<vmem>>, vector<16xi32>,
    %get3A_89 = arith.constant 48 : index
    %get3A_90 = tpu.vector_load %arg8[%get3A_89] {strides = array<i32>} : memref<96xi32, #tpu.memory_space<vmem>>, vector<16xi32>,
    %get3A_91 = vector.shape_cast %get3A_90 : vector<16xi32> to vector<16xi32>
    %jit3A_92 = arith.constant 0 : i32
    %jit3A_93 = arith.constant 6 : i32
    %max3A_94 = vector.broadcast %jit3A_92 : i32 to vector<16xi32>
    %max3A_95 = arith.maxsi %max3A_94, %get3A_91 : vector<16xi32>
    %min3A_96 = vector.broadcast %jit3A_93 : i32 to vector<16xi32>
    %min3A_97 = arith.minsi %min3A_96, %max3A_95 : vector<16xi32>
    %swap3A_98 = arith.constant 48 : index
    %swap3A_99 = tpu.vector_load %arg8[%swap3A_98] {strides = array<i32>} : memref<96xi32, #tpu.memory_space<vmem>>, vector<16xi32>,
    %swap3A_100 = vector.shape_cast %swap3A_99 : vector<16xi32> to vector<16xi32>
    %swap3A_101 = vector.shape_cast %min3A_97 : vector<16xi32> to vector<16xi32>
    tpu.vector_store %arg8[%swap3A_98], %swap3A_101 {strides = array<i32>} : memref<96xi32, #tpu.memory_space<vmem>>, vector<16xi32>,
    %get3A_102 = arith.constant 64 : index
    %get3A_103 = tpu.vector_load %arg7[%get3A_102] {strides = array<i32>} : memref<96xi32, #tpu.memory_space<vmem>>, vector<16xi32>,
    %get3A_104 = vector.shape_cast %get3A_103 : vector<16xi32> to vector<16xi32>
    %jit3A_105 = arith.constant 0 : i32
    %jit3A_106 = arith.constant 287 : i32
    %max3A_107 = vector.broadcast %jit3A_105 : i32 to vector<16xi32>
    %max3A_108 = arith.maxsi %max3A_107, %get3A_104 : vector<16xi32>
    %min3A_109 = vector.broadcast %jit3A_106 : i32 to vector<16xi32>
    %min3A_110 = arith.minsi %min3A_109, %max3A_108 : vector<16xi32>
    %swap3A_111 = arith.constant 64 : index
    %swap3A_112 = tpu.vector_load %arg7[%swap3A_111] {strides = array<i32>} : memref<96xi32, #tpu.memory_space<vmem>>, vector<16xi32>,
    %swap3A_113 = vector.shape_cast %swap3A_112 : vector<16xi32> to vector<16xi32>
    %swap3A_114 = vector.shape_cast %min3A_110 : vector<16xi32> to vector<16xi32>
    tpu.vector_store %arg7[%swap3A_111], %swap3A_114 {strides = array<i32>} : memref<96xi32, #tpu.memory_space<vmem>>, vector<16xi32>,
    %get3A_115 = arith.constant 64 : index
    %get3A_116 = tpu.vector_load %arg8[%get3A_115] {strides = array<i32>} : memref<96xi32, #tpu.memory_space<vmem>>, vector<16xi32>,
    %get3A_117 = vector.shape_cast %get3A_116 : vector<16xi32> to vector<16xi32>
    %jit3A_118 = arith.constant 0 : i32
    %jit3A_119 = arith.constant 6 : i32
    %max3A_120 = vector.broadcast %jit3A_118 : i32 to vector<16xi32>
    %max3A_121 = arith.maxsi %max3A_120, %get3A_117 : vector<16xi32>
    %min3A_122 = vector.broadcast %jit3A_119 : i32 to vector<16xi32>
    %min3A_123 = arith.minsi %min3A_122, %max3A_121 : vector<16xi32>
    %swap3A_124 = arith.constant 64 : index
    %swap3A_125 = tpu.vector_load %arg8[%swap3A_124] {strides = array<i32>} : memref<96xi32, #tpu.memory_space<vmem>>, vector<16xi32>,
    %swap3A_126 = vector.shape_cast %swap3A_125 : vector<16xi32> to vector<16xi32>
    %swap3A_127 = vector.shape_cast %min3A_123 : vector<16xi32> to vector<16xi32>
    tpu.vector_store %arg8[%swap3A_124], %swap3A_127 {strides = array<i32>} : memref<96xi32, #tpu.memory_space<vmem>>, vector<16xi32>,
    %get3A_128 = arith.constant 80 : index
    %get3A_129 = tpu.vector_load %arg7[%get3A_128] {strides = array<i32>} : memref<96xi32, #tpu.memory_space<vmem>>, vector<16xi32>,
    %get3A_130 = vector.shape_cast %get3A_129 : vector<16xi32> to vector<16xi32>
    %jit3A_131 = arith.constant 0 : i32
    %jit3A_132 = arith.constant 287 : i32
    %max3A_133 = vector.broadcast %jit3A_131 : i32 to vector<16xi32>
    %max3A_134 = arith.maxsi %max3A_133, %get3A_130 : vector<16xi32>
    %min3A_135 = vector.broadcast %jit3A_132 : i32 to vector<16xi32>
    %min3A_136 = arith.minsi %min3A_135, %max3A_134 : vector<16xi32>
    %swap3A_137 = arith.constant 80 : index
    %swap3A_138 = tpu.vector_load %arg7[%swap3A_137] {strides = array<i32>} : memref<96xi32, #tpu.memory_space<vmem>>, vector<16xi32>,
    %swap3A_139 = vector.shape_cast %swap3A_138 : vector<16xi32> to vector<16xi32>
    %swap3A_140 = vector.shape_cast %min3A_136 : vector<16xi32> to vector<16xi32>
    tpu.vector_store %arg7[%swap3A_137], %swap3A_140 {strides = array<i32>} : memref<96xi32, #tpu.memory_space<vmem>>, vector<16xi32>,
    %get3A_141 = arith.constant 80 : index
    %get3A_142 = tpu.vector_load %arg8[%get3A_141] {strides = array<i32>} : memref<96xi32, #tpu.memory_space<vmem>>, vector<16xi32>,
    %get3A_143 = vector.shape_cast %get3A_142 : vector<16xi32> to vector<16xi32>
    %jit3A_144 = arith.constant 0 : i32
    %jit3A_145 = arith.constant 6 : i32
    %max3A_146 = vector.broadcast %jit3A_144 : i32 to vector<16xi32>
    %max3A_147 = arith.maxsi %max3A_146, %get3A_143 : vector<16xi32>
    %min3A_148 = vector.broadcast %jit3A_145 : i32 to vector<16xi32>
    %min3A_149 = arith.minsi %min3A_148, %max3A_147 : vector<16xi32>
    %swap3A_150 = arith.constant 80 : index
    %swap3A_151 = tpu.vector_load %arg8[%swap3A_150] {strides = array<i32>} : memref<96xi32, #tpu.memory_space<vmem>>, vector<16xi32>,
    %swap3A_152 = vector.shape_cast %swap3A_151 : vector<16xi32> to vector<16xi32>
    %swap3A_153 = vector.shape_cast %min3A_149 : vector<16xi32> to vector<16xi32>
    tpu.vector_store %arg8[%swap3A_150], %swap3A_153 {strides = array<i32>} : memref<96xi32, #tpu.memory_space<vmem>>, vector<16xi32>,
    %dma_start3A = arith.constant 0 : i32
    %dma_start3A_154 = arith.constant 0 : i32
    %dma_start3A_155 = tpu.memref_slice %arg4[%dma_start3A, %dma_start3A_154] : memref<288x128xf32, #tpu.memory_space<hbm>> -> memref<288x128xf32, #tpu.memory_space<hbm>>
    tpu.enqueue_indirect_dma source(%dma_start3A_155 : memref<288x128xf32, #tpu.memory_space<hbm>>) target(%arg9 : memref<96x128xf32, #tpu.memory_space<vmem>>) offsets(%arg7 : memref<96xi32, #tpu.memory_space<vmem>>) semaphore(%arg11 : memref<!tpu.dma_semaphore, #tpu.memory_space<semaphore_mem>>)
    %dma_wait3A = arith.constant 0 : i32
    %dma_wait3A_156 = arith.constant 0 : i32
    %dma_wait3A_157 = tpu.memref_slice %arg4[%dma_wait3A, %dma_wait3A_156] : memref<288x128xf32, #tpu.memory_space<hbm>> -> memref<288x128xf32, #tpu.memory_space<hbm>>
    tpu.wait_indirect_dma semaphore(%arg11 : memref<!tpu.dma_semaphore, #tpu.memory_space<semaphore_mem>>) src(%dma_wait3A_157 : memref<288x128xf32, #tpu.memory_space<hbm>>) dst(%arg9 : memref<96x128xf32, #tpu.memory_space<vmem>>)
    %dma_start3A_158 = arith.constant 0 : i32
    %dma_start3A_159 = arith.constant 0 : i32
    %dma_start3A_160 = tpu.memref_slice %arg5[%dma_start3A_158, %dma_start3A_159] : memref<8x128xf32, #tpu.memory_space<hbm>> -> memref<8x128xf32, #tpu.memory_space<hbm>>
    tpu.enqueue_indirect_dma source(%dma_start3A_160 : memref<8x128xf32, #tpu.memory_space<hbm>>) target(%arg10 : memref<96x128xf32, #tpu.memory_space<vmem>>) offsets(%arg8 : memref<96xi32, #tpu.memory_space<vmem>>) semaphore(%arg11 : memref<!tpu.dma_semaphore, #tpu.memory_space<semaphore_mem>>)
    %dma_wait3A_161 = arith.constant 0 : i32
    %dma_wait3A_162 = arith.constant 0 : i32
    %dma_wait3A_163 = tpu.memref_slice %arg5[%dma_wait3A_161, %dma_wait3A_162] : memref<8x128xf32, #tpu.memory_space<hbm>> -> memref<8x128xf32, #tpu.memory_space<hbm>>
    tpu.wait_indirect_dma semaphore(%arg11 : memref<!tpu.dma_semaphore, #tpu.memory_space<semaphore_mem>>) src(%dma_wait3A_163 : memref<8x128xf32, #tpu.memory_space<hbm>>) dst(%arg10 : memref<96x128xf32, #tpu.memory_space<vmem>>)
    %get3A_164 = arith.constant 0 : i32
    %get3A_165 = arith.index_cast %get3A_164 : i32 to index
    %get3A_166 = arith.constant 0 : index
    %get3A_167 = tpu.vector_load %arg9[%get3A_165, %get3A_166] {strides = array<i32>} : memref<96x128xf32, #tpu.memory_space<vmem>>, vector<1x16xf32>,
    %get3A_168 = vector.shape_cast %get3A_167 : vector<1x16xf32> to vector<16xf32>
    %get3A_169 = arith.constant 0 : i32
    %get3A_170 = arith.index_cast %get3A_169 : i32 to index
    %get3A_171 = arith.constant 0 : index
    %get3A_172 = tpu.vector_load %arg10[%get3A_170, %get3A_171] {strides = array<i32>} : memref<96x128xf32, #tpu.memory_space<vmem>>, vector<1x16xf32>,
    %get3A_173 = vector.shape_cast %get3A_172 : vector<1x16xf32> to vector<16xf32>
    %add3A_174 = arith.addf %get3A_168, %get3A_173 : vector<16xf32>
    %swap3A_175 = arith.constant 0 : i32
    %swap3A_176 = arith.index_cast %swap3A_175 : i32 to index
    %swap3A_177 = arith.constant 0 : index
    %swap3A_178 = tpu.vector_load %arg9[%swap3A_176, %swap3A_177] {strides = array<i32>} : memref<96x128xf32, #tpu.memory_space<vmem>>, vector<1x16xf32>,
    %swap3A_179 = vector.shape_cast %swap3A_178 : vector<1x16xf32> to vector<16xf32>
    %swap3A_180 = vector.shape_cast %add3A_174 : vector<16xf32> to vector<1x16xf32>
    tpu.vector_store %arg9[%swap3A_176, %swap3A_177], %swap3A_180 {strides = array<i32>} : memref<96x128xf32, #tpu.memory_space<vmem>>, vector<1x16xf32>,
    %get3A_181 = arith.constant 0 : i32
    %get3A_182 = arith.index_cast %get3A_181 : i32 to index
    %get3A_183 = arith.constant 16 : index
    %get3A_184 = tpu.vector_load %arg9[%get3A_182, %get3A_183] {strides = array<i32>} : memref<96x128xf32, #tpu.memory_space<vmem>>, vector<1x16xf32>,
    %get3A_185 = vector.shape_cast %get3A_184 : vector<1x16xf32> to vector<16xf32>
    %get3A_186 = arith.constant 0 : i32
    %get3A_187 = arith.index_cast %get3A_186 : i32 to index
    %get3A_188 = arith.constant 16 : index
    %get3A_189 = tpu.vector_load %arg10[%get3A_187, %get3A_188] {strides = array<i32>} : memref<96x128xf32, #tpu.memory_space<vmem>>, vector<1x16xf32>,
    %get3A_190 = vector.shape_cast %get3A_189 : vector<1x16xf32> to vector<16xf32>
    %add3A_191 = arith.addf %get3A_185, %get3A_190 : vector<16xf32>
    %swap3A_192 = arith.constant 0 : i32
    %swap3A_193 = arith.index_cast %swap3A_192 : i32 to index
    %swap3A_194 = arith.constant 16 : index
    %swap3A_195 = tpu.vector_load %arg9[%swap3A_193, %swap3A_194] {strides = array<i32>} : memref<96x128xf32, #tpu.memory_space<vmem>>, vector<1x16xf32>,
    %swap3A_196 = vector.shape_cast %swap3A_195 : vector<1x16xf32> to vector<16xf32>
    %swap3A_197 = vector.shape_cast %add3A_191 : vector<16xf32> to vector<1x16xf32>
    tpu.vector_store %arg9[%swap3A_193, %swap3A_194], %swap3A_197 {strides = array<i32>} : memref<96x128xf32, #tpu.memory_space<vmem>>, vector<1x16xf32>,
    %get3A_198 = arith.constant 1 : i32
    %get3A_199 = arith.index_cast %get3A_198 : i32 to index
    %get3A_200 = arith.constant 0 : index
    %get3A_201 = tpu.vector_load %arg9[%get3A_199, %get3A_200] {strides = array<i32>} : memref<96x128xf32, #tpu.memory_space<vmem>>, vector<1x16xf32>,
    %get3A_202 = vector.shape_cast %get3A_201 : vector<1x16xf32> to vector<16xf32>
    %get3A_203 = arith.constant 1 : i32
    %get3A_204 = arith.index_cast %get3A_203 : i32 to index
    %get3A_205 = arith.constant 0 : index
    %get3A_206 = tpu.vector_load %arg10[%get3A_204, %get3A_205] {strides = array<i32>} : memref<96x128xf32, #tpu.memory_space<vmem>>, vector<1x16xf32>,
    %get3A_207 = vector.shape_cast %get3A_206 : vector<1x16xf32> to vector<16xf32>
    %add3A_208 = arith.addf %get3A_202, %get3A_207 : vector<16xf32>
    %swap3A_209 = arith.constant 1 : i32
    %swap3A_210 = arith.index_cast %swap3A_209 : i32 to index
    %swap3A_211 = arith.constant 0 : index
    %swap3A_212 = tpu.vector_load %arg9[%swap3A_210, %swap3A_211] {strides = array<i32>} : memref<96x128xf32, #tpu.memory_space<vmem>>, vector<1x16xf32>,
    %swap3A_213 = vector.shape_cast %swap3A_212 : vector<1x16xf32> to vector<16xf32>
    %swap3A_214 = vector.shape_cast %add3A_208 : vector<16xf32> to vector<1x16xf32>
    tpu.vector_store %arg9[%swap3A_210, %swap3A_211], %swap3A_214 {strides = array<i32>} : memref<96x128xf32, #tpu.memory_space<vmem>>, vector<1x16xf32>,
    %get3A_215 = arith.constant 1 : i32
    %get3A_216 = arith.index_cast %get3A_215 : i32 to index
    %get3A_217 = arith.constant 16 : index
    %get3A_218 = tpu.vector_load %arg9[%get3A_216, %get3A_217] {strides = array<i32>} : memref<96x128xf32, #tpu.memory_space<vmem>>, vector<1x16xf32>,
    %get3A_219 = vector.shape_cast %get3A_218 : vector<1x16xf32> to vector<16xf32>
    %get3A_220 = arith.constant 1 : i32
    %get3A_221 = arith.index_cast %get3A_220 : i32 to index
    %get3A_222 = arith.constant 16 : index
    %get3A_223 = tpu.vector_load %arg10[%get3A_221, %get3A_222] {strides = array<i32>} : memref<96x128xf32, #tpu.memory_space<vmem>>, vector<1x16xf32>,
    %get3A_224 = vector.shape_cast %get3A_223 : vector<1x16xf32> to vector<16xf32>
    %add3A_225 = arith.addf %get3A_219, %get3A_224 : vector<16xf32>
    %swap3A_226 = arith.constant 1 : i32
    %swap3A_227 = arith.index_cast %swap3A_226 : i32 to index
    %swap3A_228 = arith.constant 16 : index
    %swap3A_229 = tpu.vector_load %arg9[%swap3A_227, %swap3A_228] {strides = array<i32>} : memref<96x128xf32, #tpu.memory_space<vmem>>, vector<1x16xf32>,
    %swap3A_230 = vector.shape_cast %swap3A_229 : vector<1x16xf32> to vector<16xf32>
    %swap3A_231 = vector.shape_cast %add3A_225 : vector<16xf32> to vector<1x16xf32>
    tpu.vector_store %arg9[%swap3A_227, %swap3A_228], %swap3A_231 {strides = array<i32>} : memref<96x128xf32, #tpu.memory_space<vmem>>, vector<1x16xf32>,
    %get3A_232 = arith.constant 2 : i32
    %get3A_233 = arith.index_cast %get3A_232 : i32 to index
    %get3A_234 = arith.constant 0 : index
    %get3A_235 = tpu.vector_load %arg9[%get3A_233, %get3A_234] {strides = array<i32>} : memref<96x128xf32, #tpu.memory_space<vmem>>, vector<1x16xf32>,
    %get3A_236 = vector.shape_cast %get3A_235 : vector<1x16xf32> to vector<16xf32>
    %get3A_237 = arith.constant 2 : i32
    %get3A_238 = arith.index_cast %get3A_237 : i32 to index
    %get3A_239 = arith.constant 0 : index
    %get3A_240 = tpu.vector_load %arg10[%get3A_238, %get3A_239] {strides = array<i32>} : memref<96x128xf32, #tpu.memory_space<vmem>>, vector<1x16xf32>,
    %get3A_241 = vector.shape_cast %get3A_240 : vector<1x16xf32> to vector<16xf32>
    %add3A_242 = arith.addf %get3A_236, %get3A_241 : vector<16xf32>
    %swap3A_243 = arith.constant 2 : i32
    %swap3A_244 = arith.index_cast %swap3A_243 : i32 to index
    %swap3A_245 = arith.constant 0 : index
    %swap3A_246 = tpu.vector_load %arg9[%swap3A_244, %swap3A_245] {strides = array<i32>} : memref<96x128xf32, #tpu.memory_space<vmem>>, vector<1x16xf32>,
    %swap3A_247 = vector.shape_cast %swap3A_246 : vector<1x16xf32> to vector<16xf32>
    %swap3A_248 = vector.shape_cast %add3A_242 : vector<16xf32> to vector<1x16xf32>
    tpu.vector_store %arg9[%swap3A_244, %swap3A_245], %swap3A_248 {strides = array<i32>} : memref<96x128xf32, #tpu.memory_space<vmem>>, vector<1x16xf32>,
    %get3A_249 = arith.constant 2 : i32
    %get3A_250 = arith.index_cast %get3A_249 : i32 to index
    %get3A_251 = arith.constant 16 : index
    %get3A_252 = tpu.vector_load %arg9[%get3A_250, %get3A_251] {strides = array<i32>} : memref<96x128xf32, #tpu.memory_space<vmem>>, vector<1x16xf32>,
    %get3A_253 = vector.shape_cast %get3A_252 : vector<1x16xf32> to vector<16xf32>
    %get3A_254 = arith.constant 2 : i32
    %get3A_255 = arith.index_cast %get3A_254 : i32 to index
    %get3A_256 = arith.constant 16 : index
    %get3A_257 = tpu.vector_load %arg10[%get3A_255, %get3A_256] {strides = array<i32>} : memref<96x128xf32, #tpu.memory_space<vmem>>, vector<1x16xf32>,
    %get3A_258 = vector.shape_cast %get3A_257 : vector<1x16xf32> to vector<16xf32>
    %add3A_259 = arith.addf %get3A_253, %get3A_258 : vector<16xf32>
    %swap3A_260 = arith.constant 2 : i32
    %swap3A_261 = arith.index_cast %swap3A_260 : i32 to index
    %swap3A_262 = arith.constant 16 : index
    %swap3A_263 = tpu.vector_load %arg9[%swap3A_261, %swap3A_262] {strides = array<i32>} : memref<96x128xf32, #tpu.memory_space<vmem>>, vector<1x16xf32>,
    %swap3A_264 = vector.shape_cast %swap3A_263 : vector<1x16xf32> to vector<16xf32>
    %swap3A_265 = vector.shape_cast %add3A_259 : vector<16xf32> to vector<1x16xf32>
    tpu.vector_store %arg9[%swap3A_261, %swap3A_262], %swap3A_265 {strides = array<i32>} : memref<96x128xf32, #tpu.memory_space<vmem>>, vector<1x16xf32>,
    %get3A_266 = arith.constant 3 : i32
    %get3A_267 = arith.index_cast %get3A_266 : i32 to index
    %get3A_268 = arith.constant 0 : index
    %get3A_269 = tpu.vector_load %arg9[%get3A_267, %get3A_268] {strides = array<i32>} : memref<96x128xf32, #tpu.memory_space<vmem>>, vector<1x16xf32>,
    %get3A_270 = vector.shape_cast %get3A_269 : vector<1x16xf32> to vector<16xf32>
    %get3A_271 = arith.constant 3 : i32
    %get3A_272 = arith.index_cast %get3A_271 : i32 to index
    %get3A_273 = arith.constant 0 : index
    %get3A_274 = tpu.vector_load %arg10[%get3A_272, %get3A_273] {strides = array<i32>} : memref<96x128xf32, #tpu.memory_space<vmem>>, vector<1x16xf32>,
    %get3A_275 = vector.shape_cast %get3A_274 : vector<1x16xf32> to vector<16xf32>
    %add3A_276 = arith.addf %get3A_270, %get3A_275 : vector<16xf32>
    %swap3A_277 = arith.constant 3 : i32
    %swap3A_278 = arith.index_cast %swap3A_277 : i32 to index
    %swap3A_279 = arith.constant 0 : index
    %swap3A_280 = tpu.vector_load %arg9[%swap3A_278, %swap3A_279] {strides = array<i32>} : memref<96x128xf32, #tpu.memory_space<vmem>>, vector<1x16xf32>,
    %swap3A_281 = vector.shape_cast %swap3A_280 : vector<1x16xf32> to vector<16xf32>
    %swap3A_282 = vector.shape_cast %add3A_276 : vector<16xf32> to vector<1x16xf32>
    tpu.vector_store %arg9[%swap3A_278, %swap3A_279], %swap3A_282 {strides = array<i32>} : memref<96x128xf32, #tpu.memory_space<vmem>>, vector<1x16xf32>,
    %get3A_283 = arith.constant 3 : i32
    %get3A_284 = arith.index_cast %get3A_283 : i32 to index
    %get3A_285 = arith.constant 16 : index
    %get3A_286 = tpu.vector_load %arg9[%get3A_284, %get3A_285] {strides = array<i32>} : memref<96x128xf32, #tpu.memory_space<vmem>>, vector<1x16xf32>,
    %get3A_287 = vector.shape_cast %get3A_286 : vector<1x16xf32> to vector<16xf32>
    %get3A_288 = arith.constant 3 : i32
    %get3A_289 = arith.index_cast %get3A_288 : i32 to index
    %get3A_290 = arith.constant 16 : index
    %get3A_291 = tpu.vector_load %arg10[%get3A_289, %get3A_290] {strides = array<i32>} : memref<96x128xf32, #tpu.memory_space<vmem>>, vector<1x16xf32>,
    %get3A_292 = vector.shape_cast %get3A_291 : vector<1x16xf32> to vector<16xf32>
    %add3A_293 = arith.addf %get3A_287, %get3A_292 : vector<16xf32>
    %swap3A_294 = arith.constant 3 : i32
    %swap3A_295 = arith.index_cast %swap3A_294 : i32 to index
    %swap3A_296 = arith.constant 16 : index
    %swap3A_297 = tpu.vector_load %arg9[%swap3A_295, %swap3A_296] {strides = array<i32>} : memref<96x128xf32, #tpu.memory_space<vmem>>, vector<1x16xf32>,
    %swap3A_298 = vector.shape_cast %swap3A_297 : vector<1x16xf32> to vector<16xf32>
    %swap3A_299 = vector.shape_cast %add3A_293 : vector<16xf32> to vector<1x16xf32>
    tpu.vector_store %arg9[%swap3A_295, %swap3A_296], %swap3A_299 {strides = array<i32>} : memref<96x128xf32, #tpu.memory_space<vmem>>, vector<1x16xf32>,
    %get3A_300 = arith.constant 4 : i32
    %get3A_301 = arith.index_cast %get3A_300 : i32 to index
    %get3A_302 = arith.constant 0 : index
    %get3A_303 = tpu.vector_load %arg9[%get3A_301, %get3A_302] {strides = array<i32>} : memref<96x128xf32, #tpu.memory_space<vmem>>, vector<1x16xf32>,
    %get3A_304 = vector.shape_cast %get3A_303 : vector<1x16xf32> to vector<16xf32>
    %get3A_305 = arith.constant 4 : i32
    %get3A_306 = arith.index_cast %get3A_305 : i32 to index
    %get3A_307 = arith.constant 0 : index
    %get3A_308 = tpu.vector_load %arg10[%get3A_306, %get3A_307] {strides = array<i32>} : memref<96x128xf32, #tpu.memory_space<vmem>>, vector<1x16xf32>,
    %get3A_309 = vector.shape_cast %get3A_308 : vector<1x16xf32> to vector<16xf32>
    %add3A_310 = arith.addf %get3A_304, %get3A_309 : vector<16xf32>
    %swap3A_311 = arith.constant 4 : i32
    %swap3A_312 = arith.index_cast %swap3A_311 : i32 to index
    %swap3A_313 = arith.constant 0 : index
    %swap3A_314 = tpu.vector_load %arg9[%swap3A_312, %swap3A_313] {strides = array<i32>} : memref<96x128xf32, #tpu.memory_space<vmem>>, vector<1x16xf32>,
    %swap3A_315 = vector.shape_cast %swap3A_314 : vector<1x16xf32> to vector<16xf32>
    %swap3A_316 = vector.shape_cast %add3A_310 : vector<16xf32> to vector<1x16xf32>
    tpu.vector_store %arg9[%swap3A_312, %swap3A_313], %swap3A_316 {strides = array<i32>} : memref<96x128xf32, #tpu.memory_space<vmem>>, vector<1x16xf32>,
    %get3A_317 = arith.constant 4 : i32
    %get3A_318 = arith.index_cast %get3A_317 : i32 to index
    %get3A_319 = arith.constant 16 : index
    %get3A_320 = tpu.vector_load %arg9[%get3A_318, %get3A_319] {strides = array<i32>} : memref<96x128xf32, #tpu.memory_space<vmem>>, vector<1x16xf32>,
    %get3A_321 = vector.shape_cast %get3A_320 : vector<1x16xf32> to vector<16xf32>
    %get3A_322 = arith.constant 4 : i32
    %get3A_323 = arith.index_cast %get3A_322 : i32 to index
    %get3A_324 = arith.constant 16 : index
    %get3A_325 = tpu.vector_load %arg10[%get3A_323, %get3A_324] {strides = array<i32>} : memref<96x128xf32, #tpu.memory_space<vmem>>, vector<1x16xf32>,
    %get3A_326 = vector.shape_cast %get3A_325 : vector<1x16xf32> to vector<16xf32>
    %add3A_327 = arith.addf %get3A_321, %get3A_326 : vector<16xf32>
    %swap3A_328 = arith.constant 4 : i32
    %swap3A_329 = arith.index_cast %swap3A_328 : i32 to index
    %swap3A_330 = arith.constant 16 : index
    %swap3A_331 = tpu.vector_load %arg9[%swap3A_329, %swap3A_330] {strides = array<i32>} : memref<96x128xf32, #tpu.memory_space<vmem>>, vector<1x16xf32>,
    %swap3A_332 = vector.shape_cast %swap3A_331 : vector<1x16xf32> to vector<16xf32>
    %swap3A_333 = vector.shape_cast %add3A_327 : vector<16xf32> to vector<1x16xf32>
    tpu.vector_store %arg9[%swap3A_329, %swap3A_330], %swap3A_333 {strides = array<i32>} : memref<96x128xf32, #tpu.memory_space<vmem>>, vector<1x16xf32>,
    %get3A_334 = arith.constant 5 : i32
    %get3A_335 = arith.index_cast %get3A_334 : i32 to index
    %get3A_336 = arith.constant 0 : index
    %get3A_337 = tpu.vector_load %arg9[%get3A_335, %get3A_336] {strides = array<i32>} : memref<96x128xf32, #tpu.memory_space<vmem>>, vector<1x16xf32>,
    %get3A_338 = vector.shape_cast %get3A_337 : vector<1x16xf32> to vector<16xf32>
    %get3A_339 = arith.constant 5 : i32
    %get3A_340 = arith.index_cast %get3A_339 : i32 to index
    %get3A_341 = arith.constant 0 : index
    %get3A_342 = tpu.vector_load %arg10[%get3A_340, %get3A_341] {strides = array<i32>} : memref<96x128xf32, #tpu.memory_space<vmem>>, vector<1x16xf32>,
    %get3A_343 = vector.shape_cast %get3A_342 : vector<1x16xf32> to vector<16xf32>
    %add3A_344 = arith.addf %get3A_338, %get3A_343 : vector<16xf32>
    %swap3A_345 = arith.constant 5 : i32
    %swap3A_346 = arith.index_cast %swap3A_345 : i32 to index
    %swap3A_347 = arith.constant 0 : index
    %swap3A_348 = tpu.vector_load %arg9[%swap3A_346, %swap3A_347] {strides = array<i32>} : memref<96x128xf32, #tpu.memory_space<vmem>>, vector<1x16xf32>,
    %swap3A_349 = vector.shape_cast %swap3A_348 : vector<1x16xf32> to vector<16xf32>
    %swap3A_350 = vector.shape_cast %add3A_344 : vector<16xf32> to vector<1x16xf32>
    tpu.vector_store %arg9[%swap3A_346, %swap3A_347], %swap3A_350 {strides = array<i32>} : memref<96x128xf32, #tpu.memory_space<vmem>>, vector<1x16xf32>,
    %get3A_351 = arith.constant 5 : i32
    %get3A_352 = arith.index_cast %get3A_351 : i32 to index
    %get3A_353 = arith.constant 16 : index
    %get3A_354 = tpu.vector_load %arg9[%get3A_352, %get3A_353] {strides = array<i32>} : memref<96x128xf32, #tpu.memory_space<vmem>>, vector<1x16xf32>,
    %get3A_355 = vector.shape_cast %get3A_354 : vector<1x16xf32> to vector<16xf32>
    %get3A_356 = arith.constant 5 : i32
    %get3A_357 = arith.index_cast %get3A_356 : i32 to index
    %get3A_358 = arith.constant 16 : index
    %get3A_359 = tpu.vector_load %arg10[%get3A_357, %get3A_358] {strides = array<i32>} : memref<96x128xf32, #tpu.memory_space<vmem>>, vector<1x16xf32>,
    %get3A_360 = vector.shape_cast %get3A_359 : vector<1x16xf32> to vector<16xf32>
    %add3A_361 = arith.addf %get3A_355, %get3A_360 : vector<16xf32>
    %swap3A_362 = arith.constant 5 : i32
    %swap3A_363 = arith.index_cast %swap3A_362 : i32 to index
    %swap3A_364 = arith.constant 16 : index
    %swap3A_365 = tpu.vector_load %arg9[%swap3A_363, %swap3A_364] {strides = array<i32>} : memref<96x128xf32, #tpu.memory_space<vmem>>, vector<1x16xf32>,
    %swap3A_366 = vector.shape_cast %swap3A_365 : vector<1x16xf32> to vector<16xf32>
    %swap3A_367 = vector.shape_cast %add3A_361 : vector<16xf32> to vector<1x16xf32>
    tpu.vector_store %arg9[%swap3A_363, %swap3A_364], %swap3A_367 {strides = array<i32>} : memref<96x128xf32, #tpu.memory_space<vmem>>, vector<1x16xf32>,
    %get3A_368 = arith.constant 6 : i32
    %get3A_369 = arith.index_cast %get3A_368 : i32 to index
    %get3A_370 = arith.constant 0 : index
    %get3A_371 = tpu.vector_load %arg9[%get3A_369, %get3A_370] {strides = array<i32>} : memref<96x128xf32, #tpu.memory_space<vmem>>, vector<1x16xf32>,
    %get3A_372 = vector.shape_cast %get3A_371 : vector<1x16xf32> to vector<16xf32>
    %get3A_373 = arith.constant 6 : i32
    %get3A_374 = arith.index_cast %get3A_373 : i32 to index
    %get3A_375 = arith.constant 0 : index
    %get3A_376 = tpu.vector_load %arg10[%get3A_374, %get3A_375] {strides = array<i32>} : memref<96x128xf32, #tpu.memory_space<vmem>>, vector<1x16xf32>,
    %get3A_377 = vector.shape_cast %get3A_376 : vector<1x16xf32> to vector<16xf32>
    %add3A_378 = arith.addf %get3A_372, %get3A_377 : vector<16xf32>
    %swap3A_379 = arith.constant 6 : i32
    %swap3A_380 = arith.index_cast %swap3A_379 : i32 to index
    %swap3A_381 = arith.constant 0 : index
    %swap3A_382 = tpu.vector_load %arg9[%swap3A_380, %swap3A_381] {strides = array<i32>} : memref<96x128xf32, #tpu.memory_space<vmem>>, vector<1x16xf32>,
    %swap3A_383 = vector.shape_cast %swap3A_382 : vector<1x16xf32> to vector<16xf32>
    %swap3A_384 = vector.shape_cast %add3A_378 : vector<16xf32> to vector<1x16xf32>
    tpu.vector_store %arg9[%swap3A_380, %swap3A_381], %swap3A_384 {strides = array<i32>} : memref<96x128xf32, #tpu.memory_space<vmem>>, vector<1x16xf32>,
    %get3A_385 = arith.constant 6 : i32
    %get3A_386 = arith.index_cast %get3A_385 : i32 to index
    %get3A_387 = arith.constant 16 : index
    %get3A_388 = tpu.vector_load %arg9[%get3A_386, %get3A_387] {strides = array<i32>} : memref<96x128xf32, #tpu.memory_space<vmem>>, vector<1x16xf32>,
    %get3A_389 = vector.shape_cast %get3A_388 : vector<1x16xf32> to vector<16xf32>
    %get3A_390 = arith.constant 6 : i32
    %get3A_391 = arith.index_cast %get3A_390 : i32 to index
    %get3A_392 = arith.constant 16 : index
    %get3A_393 = tpu.vector_load %arg10[%get3A_391, %get3A_392] {strides = array<i32>} : memref<96x128xf32, #tpu.memory_space<vmem>>, vector<1x16xf32>,
    %get3A_394 = vector.shape_cast %get3A_393 : vector<1x16xf32> to vector<16xf32>
    %add3A_395 = arith.addf %get3A_389, %get3A_394 : vector<16xf32>
    %swap3A_396 = arith.constant 6 : i32
    %swap3A_397 = arith.index_cast %swap3A_396 : i32 to index
    %swap3A_398 = arith.constant 16 : index
    %swap3A_399 = tpu.vector_load %arg9[%swap3A_397, %swap3A_398] {strides = array<i32>} : memref<96x128xf32, #tpu.memory_space<vmem>>, vector<1x16xf32>,
    %swap3A_400 = vector.shape_cast %swap3A_399 : vector<1x16xf32> to vector<16xf32>
    %swap3A_401 = vector.shape_cast %add3A_395 : vector<16xf32> to vector<1x16xf32>
    tpu.vector_store %arg9[%swap3A_397, %swap3A_398], %swap3A_401 {strides = array<i32>} : memref<96x128xf32, #tpu.memory_space<vmem>>, vector<1x16xf32>,
    %get3A_402 = arith.constant 7 : i32
    %get3A_403 = arith.index_cast %get3A_402 : i32 to index
    %get3A_404 = arith.constant 0 : index
    %get3A_405 = tpu.vector_load %arg9[%get3A_403, %get3A_404] {strides = array<i32>} : memref<96x128xf32, #tpu.memory_space<vmem>>, vector<1x16xf32>,
    %get3A_406 = vector.shape_cast %get3A_405 : vector<1x16xf32> to vector<16xf32>
    %get3A_407 = arith.constant 7 : i32
    %get3A_408 = arith.index_cast %get3A_407 : i32 to index
    %get3A_409 = arith.constant 0 : index
    %get3A_410 = tpu.vector_load %arg10[%get3A_408, %get3A_409] {strides = array<i32>} : memref<96x128xf32, #tpu.memory_space<vmem>>, vector<1x16xf32>,
    %get3A_411 = vector.shape_cast %get3A_410 : vector<1x16xf32> to vector<16xf32>
    %add3A_412 = arith.addf %get3A_406, %get3A_411 : vector<16xf32>
    %swap3A_413 = arith.constant 7 : i32
    %swap3A_414 = arith.index_cast %swap3A_413 : i32 to index
    %swap3A_415 = arith.constant 0 : index
    %swap3A_416 = tpu.vector_load %arg9[%swap3A_414, %swap3A_415] {strides = array<i32>} : memref<96x128xf32, #tpu.memory_space<vmem>>, vector<1x16xf32>,
    %swap3A_417 = vector.shape_cast %swap3A_416 : vector<1x16xf32> to vector<16xf32>
    %swap3A_418 = vector.shape_cast %add3A_412 : vector<16xf32> to vector<1x16xf32>
    tpu.vector_store %arg9[%swap3A_414, %swap3A_415], %swap3A_418 {strides = array<i32>} : memref<96x128xf32, #tpu.memory_space<vmem>>, vector<1x16xf32>,
    %get3A_419 = arith.constant 7 : i32
    %get3A_420 = arith.index_cast %get3A_419 : i32 to index
    %get3A_421 = arith.constant 16 : index
    %get3A_422 = tpu.vector_load %arg9[%get3A_420, %get3A_421] {strides = array<i32>} : memref<96x128xf32, #tpu.memory_space<vmem>>, vector<1x16xf32>,
    %get3A_423 = vector.shape_cast %get3A_422 : vector<1x16xf32> to vector<16xf32>
    %get3A_424 = arith.constant 7 : i32
    %get3A_425 = arith.index_cast %get3A_424 : i32 to index
    %get3A_426 = arith.constant 16 : index
    %get3A_427 = tpu.vector_load %arg10[%get3A_425, %get3A_426] {strides = array<i32>} : memref<96x128xf32, #tpu.memory_space<vmem>>, vector<1x16xf32>,
    %get3A_428 = vector.shape_cast %get3A_427 : vector<1x16xf32> to vector<16xf32>
    %add3A_429 = arith.addf %get3A_423, %get3A_428 : vector<16xf32>
    %swap3A_430 = arith.constant 7 : i32
    %swap3A_431 = arith.index_cast %swap3A_430 : i32 to index
    %swap3A_432 = arith.constant 16 : index
    %swap3A_433 = tpu.vector_load %arg9[%swap3A_431, %swap3A_432] {strides = array<i32>} : memref<96x128xf32, #tpu.memory_space<vmem>>, vector<1x16xf32>,
    %swap3A_434 = vector.shape_cast %swap3A_433 : vector<1x16xf32> to vector<16xf32>
    %swap3A_435 = vector.shape_cast %add3A_429 : vector<16xf32> to vector<1x16xf32>
    tpu.vector_store %arg9[%swap3A_431, %swap3A_432], %swap3A_435 {strides = array<i32>} : memref<96x128xf32, #tpu.memory_space<vmem>>, vector<1x16xf32>,
    %get3A_436 = arith.constant 8 : i32
    %get3A_437 = arith.index_cast %get3A_436 : i32 to index
    %get3A_438 = arith.constant 0 : index
    %get3A_439 = tpu.vector_load %arg9[%get3A_437, %get3A_438] {strides = array<i32>} : memref<96x128xf32, #tpu.memory_space<vmem>>, vector<1x16xf32>,
    %get3A_440 = vector.shape_cast %get3A_439 : vector<1x16xf32> to vector<16xf32>
    %get3A_441 = arith.constant 8 : i32
    %get3A_442 = arith.index_cast %get3A_441 : i32 to index
    %get3A_443 = arith.constant 0 : index
    %get3A_444 = tpu.vector_load %arg10[%get3A_442, %get3A_443] {strides = array<i32>} : memref<96x128xf32, #tpu.memory_space<vmem>>, vector<1x16xf32>,
    %get3A_445 = vector.shape_cast %get3A_444 : vector<1x16xf32> to vector<16xf32>
    %add3A_446 = arith.addf %get3A_440, %get3A_445 : vector<16xf32>
    %swap3A_447 = arith.constant 8 : i32
    %swap3A_448 = arith.index_cast %swap3A_447 : i32 to index
    %swap3A_449 = arith.constant 0 : index
    %swap3A_450 = tpu.vector_load %arg9[%swap3A_448, %swap3A_449] {strides = array<i32>} : memref<96x128xf32, #tpu.memory_space<vmem>>, vector<1x16xf32>,
    %swap3A_451 = vector.shape_cast %swap3A_450 : vector<1x16xf32> to vector<16xf32>
    %swap3A_452 = vector.shape_cast %add3A_446 : vector<16xf32> to vector<1x16xf32>
    tpu.vector_store %arg9[%swap3A_448, %swap3A_449], %swap3A_452 {strides = array<i32>} : memref<96x128xf32, #tpu.memory_space<vmem>>, vector<1x16xf32>,
    %get3A_453 = arith.constant 8 : i32
    %get3A_454 = arith.index_cast %get3A_453 : i32 to index
    %get3A_455 = arith.constant 16 : index
    %get3A_456 = tpu.vector_load %arg9[%get3A_454, %get3A_455] {strides = array<i32>} : memref<96x128xf32, #tpu.memory_space<vmem>>, vector<1x16xf32>,
    %get3A_457 = vector.shape_cast %get3A_456 : vector<1x16xf32> to vector<16xf32>
    %get3A_458 = arith.constant 8 : i32
    %get3A_459 = arith.index_cast %get3A_458 : i32 to index
    %get3A_460 = arith.constant 16 : index
    %get3A_461 = tpu.vector_load %arg10[%get3A_459, %get3A_460] {strides = array<i32>} : memref<96x128xf32, #tpu.memory_space<vmem>>, vector<1x16xf32>,
    %get3A_462 = vector.shape_cast %get3A_461 : vector<1x16xf32> to vector<16xf32>
    %add3A_463 = arith.addf %get3A_457, %get3A_462 : vector<16xf32>
    %swap3A_464 = arith.constant 8 : i32
    %swap3A_465 = arith.index_cast %swap3A_464 : i32 to index
    %swap3A_466 = arith.constant 16 : index
    %swap3A_467 = tpu.vector_load %arg9[%swap3A_465, %swap3A_466] {strides = array<i32>} : memref<96x128xf32, #tpu.memory_space<vmem>>, vector<1x16xf32>,
    %swap3A_468 = vector.shape_cast %swap3A_467 : vector<1x16xf32> to vector<16xf32>
    %swap3A_469 = vector.shape_cast %add3A_463 : vector<16xf32> to vector<1x16xf32>
    tpu.vector_store %arg9[%swap3A_465, %swap3A_466], %swap3A_469 {strides = array<i32>} : memref<96x128xf32, #tpu.memory_space<vmem>>, vector<1x16xf32>,
    %get3A_470 = arith.constant 9 : i32
    %get3A_471 = arith.index_cast %get3A_470 : i32 to index
    %get3A_472 = arith.constant 0 : index
    %get3A_473 = tpu.vector_load %arg9[%get3A_471, %get3A_472] {strides = array<i32>} : memref<96x128xf32, #tpu.memory_space<vmem>>, vector<1x16xf32>,
    %get3A_474 = vector.shape_cast %get3A_473 : vector<1x16xf32> to vector<16xf32>
    %get3A_475 = arith.constant 9 : i32
    %get3A_476 = arith.index_cast %get3A_475 : i32 to index
    %get3A_477 = arith.constant 0 : index
    %get3A_478 = tpu.vector_load %arg10[%get3A_476, %get3A_477] {strides = array<i32>} : memref<96x128xf32, #tpu.memory_space<vmem>>, vector<1x16xf32>,
    %get3A_479 = vector.shape_cast %get3A_478 : vector<1x16xf32> to vector<16xf32>
    %add3A_480 = arith.addf %get3A_474, %get3A_479 : vector<16xf32>
    %swap3A_481 = arith.constant 9 : i32
    %swap3A_482 = arith.index_cast %swap3A_481 : i32 to index
    %swap3A_483 = arith.constant 0 : index
    %swap3A_484 = tpu.vector_load %arg9[%swap3A_482, %swap3A_483] {strides = array<i32>} : memref<96x128xf32, #tpu.memory_space<vmem>>, vector<1x16xf32>,
    %swap3A_485 = vector.shape_cast %swap3A_484 : vector<1x16xf32> to vector<16xf32>
    %swap3A_486 = vector.shape_cast %add3A_480 : vector<16xf32> to vector<1x16xf32>
    tpu.vector_store %arg9[%swap3A_482, %swap3A_483], %swap3A_486 {strides = array<i32>} : memref<96x128xf32, #tpu.memory_space<vmem>>, vector<1x16xf32>,
    %get3A_487 = arith.constant 9 : i32
    %get3A_488 = arith.index_cast %get3A_487 : i32 to index
    %get3A_489 = arith.constant 16 : index
    %get3A_490 = tpu.vector_load %arg9[%get3A_488, %get3A_489] {strides = array<i32>} : memref<96x128xf32, #tpu.memory_space<vmem>>, vector<1x16xf32>,
    %get3A_491 = vector.shape_cast %get3A_490 : vector<1x16xf32> to vector<16xf32>
    %get3A_492 = arith.constant 9 : i32
    %get3A_493 = arith.index_cast %get3A_492 : i32 to index
    %get3A_494 = arith.constant 16 : index
    %get3A_495 = tpu.vector_load %arg10[%get3A_493, %get3A_494] {strides = array<i32>} : memref<96x128xf32, #tpu.memory_space<vmem>>, vector<1x16xf32>,
    %get3A_496 = vector.shape_cast %get3A_495 : vector<1x16xf32> to vector<16xf32>
    %add3A_497 = arith.addf %get3A_491, %get3A_496 : vector<16xf32>
    %swap3A_498 = arith.constant 9 : i32
    %swap3A_499 = arith.index_cast %swap3A_498 : i32 to index
    %swap3A_500 = arith.constant 16 : index
    %swap3A_501 = tpu.vector_load %arg9[%swap3A_499, %swap3A_500] {strides = array<i32>} : memref<96x128xf32, #tpu.memory_space<vmem>>, vector<1x16xf32>,
    %swap3A_502 = vector.shape_cast %swap3A_501 : vector<1x16xf32> to vector<16xf32>
    %swap3A_503 = vector.shape_cast %add3A_497 : vector<16xf32> to vector<1x16xf32>
    tpu.vector_store %arg9[%swap3A_499, %swap3A_500], %swap3A_503 {strides = array<i32>} : memref<96x128xf32, #tpu.memory_space<vmem>>, vector<1x16xf32>,
    %get3A_504 = arith.constant 10 : i32
    %get3A_505 = arith.index_cast %get3A_504 : i32 to index
    %get3A_506 = arith.constant 0 : index
    %get3A_507 = tpu.vector_load %arg9[%get3A_505, %get3A_506] {strides = array<i32>} : memref<96x128xf32, #tpu.memory_space<vmem>>, vector<1x16xf32>,
    %get3A_508 = vector.shape_cast %get3A_507 : vector<1x16xf32> to vector<16xf32>
    %get3A_509 = arith.constant 10 : i32
    %get3A_510 = arith.index_cast %get3A_509 : i32 to index
    %get3A_511 = arith.constant 0 : index
    %get3A_512 = tpu.vector_load %arg10[%get3A_510, %get3A_511] {strides = array<i32>} : memref<96x128xf32, #tpu.memory_space<vmem>>, vector<1x16xf32>,
    %get3A_513 = vector.shape_cast %get3A_512 : vector<1x16xf32> to vector<16xf32>
    %add3A_514 = arith.addf %get3A_508, %get3A_513 : vector<16xf32>
    %swap3A_515 = arith.constant 10 : i32
    %swap3A_516 = arith.index_cast %swap3A_515 : i32 to index
    %swap3A_517 = arith.constant 0 : index
    %swap3A_518 = tpu.vector_load %arg9[%swap3A_516, %swap3A_517] {strides = array<i32>} : memref<96x128xf32, #tpu.memory_space<vmem>>, vector<1x16xf32>,
    %swap3A_519 = vector.shape_cast %swap3A_518 : vector<1x16xf32> to vector<16xf32>
    %swap3A_520 = vector.shape_cast %add3A_514 : vector<16xf32> to vector<1x16xf32>
    tpu.vector_store %arg9[%swap3A_516, %swap3A_517], %swap3A_520 {strides = array<i32>} : memref<96x128xf32, #tpu.memory_space<vmem>>, vector<1x16xf32>,
    %get3A_521 = arith.constant 10 : i32
    %get3A_522 = arith.index_cast %get3A_521 : i32 to index
    %get3A_523 = arith.constant 16 : index
    %get3A_524 = tpu.vector_load %arg9[%get3A_522, %get3A_523] {strides = array<i32>} : memref<96x128xf32, #tpu.memory_space<vmem>>, vector<1x16xf32>,
    %get3A_525 = vector.shape_cast %get3A_524 : vector<1x16xf32> to vector<16xf32>
    %get3A_526 = arith.constant 10 : i32
    %get3A_527 = arith.index_cast %get3A_526 : i32 to index
    %get3A_528 = arith.constant 16 : index
    %get3A_529 = tpu.vector_load %arg10[%get3A_527, %get3A_528] {strides = array<i32>} : memref<96x128xf32, #tpu.memory_space<vmem>>, vector<1x16xf32>,
    %get3A_530 = vector.shape_cast %get3A_529 : vector<1x16xf32> to vector<16xf32>
    %add3A_531 = arith.addf %get3A_525, %get3A_530 : vector<16xf32>
    %swap3A_532 = arith.constant 10 : i32
    %swap3A_533 = arith.index_cast %swap3A_532 : i32 to index
    %swap3A_534 = arith.constant 16 : index
    %swap3A_535 = tpu.vector_load %arg9[%swap3A_533, %swap3A_534] {strides = array<i32>} : memref<96x128xf32, #tpu.memory_space<vmem>>, vector<1x16xf32>,
    %swap3A_536 = vector.shape_cast %swap3A_535 : vector<1x16xf32> to vector<16xf32>
    %swap3A_537 = vector.shape_cast %add3A_531 : vector<16xf32> to vector<1x16xf32>
    tpu.vector_store %arg9[%swap3A_533, %swap3A_534], %swap3A_537 {strides = array<i32>} : memref<96x128xf32, #tpu.memory_space<vmem>>, vector<1x16xf32>,
    %get3A_538 = arith.constant 11 : i32
    %get3A_539 = arith.index_cast %get3A_538 : i32 to index
    %get3A_540 = arith.constant 0 : index
    %get3A_541 = tpu.vector_load %arg9[%get3A_539, %get3A_540] {strides = array<i32>} : memref<96x128xf32, #tpu.memory_space<vmem>>, vector<1x16xf32>,
    %get3A_542 = vector.shape_cast %get3A_541 : vector<1x16xf32> to vector<16xf32>
    %get3A_543 = arith.constant 11 : i32
    %get3A_544 = arith.index_cast %get3A_543 : i32 to index
    %get3A_545 = arith.constant 0 : index
    %get3A_546 = tpu.vector_load %arg10[%get3A_544, %get3A_545] {strides = array<i32>} : memref<96x128xf32, #tpu.memory_space<vmem>>, vector<1x16xf32>,
    %get3A_547 = vector.shape_cast %get3A_546 : vector<1x16xf32> to vector<16xf32>
    %add3A_548 = arith.addf %get3A_542, %get3A_547 : vector<16xf32>
    %swap3A_549 = arith.constant 11 : i32
    %swap3A_550 = arith.index_cast %swap3A_549 : i32 to index
    %swap3A_551 = arith.constant 0 : index
    %swap3A_552 = tpu.vector_load %arg9[%swap3A_550, %swap3A_551] {strides = array<i32>} : memref<96x128xf32, #tpu.memory_space<vmem>>, vector<1x16xf32>,
    %swap3A_553 = vector.shape_cast %swap3A_552 : vector<1x16xf32> to vector<16xf32>
    %swap3A_554 = vector.shape_cast %add3A_548 : vector<16xf32> to vector<1x16xf32>
    tpu.vector_store %arg9[%swap3A_550, %swap3A_551], %swap3A_554 {strides = array<i32>} : memref<96x128xf32, #tpu.memory_space<vmem>>, vector<1x16xf32>,
    %get3A_555 = arith.constant 11 : i32
    %get3A_556 = arith.index_cast %get3A_555 : i32 to index
    %get3A_557 = arith.constant 16 : index
    %get3A_558 = tpu.vector_load %arg9[%get3A_556, %get3A_557] {strides = array<i32>} : memref<96x128xf32, #tpu.memory_space<vmem>>, vector<1x16xf32>,
    %get3A_559 = vector.shape_cast %get3A_558 : vector<1x16xf32> to vector<16xf32>
    %get3A_560 = arith.constant 11 : i32
    %get3A_561 = arith.index_cast %get3A_560 : i32 to index
    %get3A_562 = arith.constant 16 : index
    %get3A_563 = tpu.vector_load %arg10[%get3A_561, %get3A_562] {strides = array<i32>} : memref<96x128xf32, #tpu.memory_space<vmem>>, vector<1x16xf32>,
    %get3A_564 = vector.shape_cast %get3A_563 : vector<1x16xf32> to vector<16xf32>
    %add3A_565 = arith.addf %get3A_559, %get3A_564 : vector<16xf32>
    %swap3A_566 = arith.constant 11 : i32
    %swap3A_567 = arith.index_cast %swap3A_566 : i32 to index
    %swap3A_568 = arith.constant 16 : index
    %swap3A_569 = tpu.vector_load %arg9[%swap3A_567, %swap3A_568] {strides = array<i32>} : memref<96x128xf32, #tpu.memory_space<vmem>>, vector<1x16xf32>,
    %swap3A_570 = vector.shape_cast %swap3A_569 : vector<1x16xf32> to vector<16xf32>
    %swap3A_571 = vector.shape_cast %add3A_565 : vector<16xf32> to vector<1x16xf32>
    tpu.vector_store %arg9[%swap3A_567, %swap3A_568], %swap3A_571 {strides = array<i32>} : memref<96x128xf32, #tpu.memory_space<vmem>>, vector<1x16xf32>,
    %get3A_572 = arith.constant 12 : i32
    %get3A_573 = arith.index_cast %get3A_572 : i32 to index
    %get3A_574 = arith.constant 0 : index
    %get3A_575 = tpu.vector_load %arg9[%get3A_573, %get3A_574] {strides = array<i32>} : memref<96x128xf32, #tpu.memory_space<vmem>>, vector<1x16xf32>,
    %get3A_576 = vector.shape_cast %get3A_575 : vector<1x16xf32> to vector<16xf32>
    %get3A_577 = arith.constant 12 : i32
    %get3A_578 = arith.index_cast %get3A_577 : i32 to index
    %get3A_579 = arith.constant 0 : index
    %get3A_580 = tpu.vector_load %arg10[%get3A_578, %get3A_579] {strides = array<i32>} : memref<96x128xf32, #tpu.memory_space<vmem>>, vector<1x16xf32>,
    %get3A_581 = vector.shape_cast %get3A_580 : vector<1x16xf32> to vector<16xf32>
    %add3A_582 = arith.addf %get3A_576, %get3A_581 : vector<16xf32>
    %swap3A_583 = arith.constant 12 : i32
    %swap3A_584 = arith.index_cast %swap3A_583 : i32 to index
    %swap3A_585 = arith.constant 0 : index
    %swap3A_586 = tpu.vector_load %arg9[%swap3A_584, %swap3A_585] {strides = array<i32>} : memref<96x128xf32, #tpu.memory_space<vmem>>, vector<1x16xf32>,
    %swap3A_587 = vector.shape_cast %swap3A_586 : vector<1x16xf32> to vector<16xf32>
    %swap3A_588 = vector.shape_cast %add3A_582 : vector<16xf32> to vector<1x16xf32>
    tpu.vector_store %arg9[%swap3A_584, %swap3A_585], %swap3A_588 {strides = array<i32>} : memref<96x128xf32, #tpu.memory_space<vmem>>, vector<1x16xf32>,
    %get3A_589 = arith.constant 12 : i32
    %get3A_590 = arith.index_cast %get3A_589 : i32 to index
    %get3A_591 = arith.constant 16 : index
    %get3A_592 = tpu.vector_load %arg9[%get3A_590, %get3A_591] {strides = array<i32>} : memref<96x128xf32, #tpu.memory_space<vmem>>, vector<1x16xf32>,
    %get3A_593 = vector.shape_cast %get3A_592 : vector<1x16xf32> to vector<16xf32>
    %get3A_594 = arith.constant 12 : i32
    %get3A_595 = arith.index_cast %get3A_594 : i32 to index
    %get3A_596 = arith.constant 16 : index
    %get3A_597 = tpu.vector_load %arg10[%get3A_595, %get3A_596] {strides = array<i32>} : memref<96x128xf32, #tpu.memory_space<vmem>>, vector<1x16xf32>,
    %get3A_598 = vector.shape_cast %get3A_597 : vector<1x16xf32> to vector<16xf32>
    %add3A_599 = arith.addf %get3A_593, %get3A_598 : vector<16xf32>
    %swap3A_600 = arith.constant 12 : i32
    %swap3A_601 = arith.index_cast %swap3A_600 : i32 to index
    %swap3A_602 = arith.constant 16 : index
    %swap3A_603 = tpu.vector_load %arg9[%swap3A_601, %swap3A_602] {strides = array<i32>} : memref<96x128xf32, #tpu.memory_space<vmem>>, vector<1x16xf32>,
    %swap3A_604 = vector.shape_cast %swap3A_603 : vector<1x16xf32> to vector<16xf32>
    %swap3A_605 = vector.shape_cast %add3A_599 : vector<16xf32> to vector<1x16xf32>
    tpu.vector_store %arg9[%swap3A_601, %swap3A_602], %swap3A_605 {strides = array<i32>} : memref<96x128xf32, #tpu.memory_space<vmem>>, vector<1x16xf32>,
    %get3A_606 = arith.constant 13 : i32
    %get3A_607 = arith.index_cast %get3A_606 : i32 to index
    %get3A_608 = arith.constant 0 : index
    %get3A_609 = tpu.vector_load %arg9[%get3A_607, %get3A_608] {strides = array<i32>} : memref<96x128xf32, #tpu.memory_space<vmem>>, vector<1x16xf32>,
    %get3A_610 = vector.shape_cast %get3A_609 : vector<1x16xf32> to vector<16xf32>
    %get3A_611 = arith.constant 13 : i32
    %get3A_612 = arith.index_cast %get3A_611 : i32 to index
    %get3A_613 = arith.constant 0 : index
    %get3A_614 = tpu.vector_load %arg10[%get3A_612, %get3A_613] {strides = array<i32>} : memref<96x128xf32, #tpu.memory_space<vmem>>, vector<1x16xf32>,
    %get3A_615 = vector.shape_cast %get3A_614 : vector<1x16xf32> to vector<16xf32>
    %add3A_616 = arith.addf %get3A_610, %get3A_615 : vector<16xf32>
    %swap3A_617 = arith.constant 13 : i32
    %swap3A_618 = arith.index_cast %swap3A_617 : i32 to index
    %swap3A_619 = arith.constant 0 : index
    %swap3A_620 = tpu.vector_load %arg9[%swap3A_618, %swap3A_619] {strides = array<i32>} : memref<96x128xf32, #tpu.memory_space<vmem>>, vector<1x16xf32>,
    %swap3A_621 = vector.shape_cast %swap3A_620 : vector<1x16xf32> to vector<16xf32>
    %swap3A_622 = vector.shape_cast %add3A_616 : vector<16xf32> to vector<1x16xf32>
    tpu.vector_store %arg9[%swap3A_618, %swap3A_619], %swap3A_622 {strides = array<i32>} : memref<96x128xf32, #tpu.memory_space<vmem>>, vector<1x16xf32>,
    %get3A_623 = arith.constant 13 : i32
    %get3A_624 = arith.index_cast %get3A_623 : i32 to index
    %get3A_625 = arith.constant 16 : index
    %get3A_626 = tpu.vector_load %arg9[%get3A_624, %get3A_625] {strides = array<i32>} : memref<96x128xf32, #tpu.memory_space<vmem>>, vector<1x16xf32>,
    %get3A_627 = vector.shape_cast %get3A_626 : vector<1x16xf32> to vector<16xf32>
    %get3A_628 = arith.constant 13 : i32
    %get3A_629 = arith.index_cast %get3A_628 : i32 to index
    %get3A_630 = arith.constant 16 : index
    %get3A_631 = tpu.vector_load %arg10[%get3A_629, %get3A_630] {strides = array<i32>} : memref<96x128xf32, #tpu.memory_space<vmem>>, vector<1x16xf32>,
    %get3A_632 = vector.shape_cast %get3A_631 : vector<1x16xf32> to vector<16xf32>
    %add3A_633 = arith.addf %get3A_627, %get3A_632 : vector<16xf32>
    %swap3A_634 = arith.constant 13 : i32
    %swap3A_635 = arith.index_cast %swap3A_634 : i32 to index
    %swap3A_636 = arith.constant 16 : index
    %swap3A_637 = tpu.vector_load %arg9[%swap3A_635, %swap3A_636] {strides = array<i32>} : memref<96x128xf32, #tpu.memory_space<vmem>>, vector<1x16xf32>,
    %swap3A_638 = vector.shape_cast %swap3A_637 : vector<1x16xf32> to vector<16xf32>
    %swap3A_639 = vector.shape_cast %add3A_633 : vector<16xf32> to vector<1x16xf32>
    tpu.vector_store %arg9[%swap3A_635, %swap3A_636], %swap3A_639 {strides = array<i32>} : memref<96x128xf32, #tpu.memory_space<vmem>>, vector<1x16xf32>,
    %get3A_640 = arith.constant 14 : i32
    %get3A_641 = arith.index_cast %get3A_640 : i32 to index
    %get3A_642 = arith.constant 0 : index
    %get3A_643 = tpu.vector_load %arg9[%get3A_641, %get3A_642] {strides = array<i32>} : memref<96x128xf32, #tpu.memory_space<vmem>>, vector<1x16xf32>,
    %get3A_644 = vector.shape_cast %get3A_643 : vector<1x16xf32> to vector<16xf32>
    %get3A_645 = arith.constant 14 : i32
    %get3A_646 = arith.index_cast %get3A_645 : i32 to index
    %get3A_647 = arith.constant 0 : index
    %get3A_648 = tpu.vector_load %arg10[%get3A_646, %get3A_647] {strides = array<i32>} : memref<96x128xf32, #tpu.memory_space<vmem>>, vector<1x16xf32>,
    %get3A_649 = vector.shape_cast %get3A_648 : vector<1x16xf32> to vector<16xf32>
    %add3A_650 = arith.addf %get3A_644, %get3A_649 : vector<16xf32>
    %swap3A_651 = arith.constant 14 : i32
    %swap3A_652 = arith.index_cast %swap3A_651 : i32 to index
    %swap3A_653 = arith.constant 0 : index
    %swap3A_654 = tpu.vector_load %arg9[%swap3A_652, %swap3A_653] {strides = array<i32>} : memref<96x128xf32, #tpu.memory_space<vmem>>, vector<1x16xf32>,
    %swap3A_655 = vector.shape_cast %swap3A_654 : vector<1x16xf32> to vector<16xf32>
    %swap3A_656 = vector.shape_cast %add3A_650 : vector<16xf32> to vector<1x16xf32>
    tpu.vector_store %arg9[%swap3A_652, %swap3A_653], %swap3A_656 {strides = array<i32>} : memref<96x128xf32, #tpu.memory_space<vmem>>, vector<1x16xf32>,
    %get3A_657 = arith.constant 14 : i32
    %get3A_658 = arith.index_cast %get3A_657 : i32 to index
    %get3A_659 = arith.constant 16 : index
    %get3A_660 = tpu.vector_load %arg9[%get3A_658, %get3A_659] {strides = array<i32>} : memref<96x128xf32, #tpu.memory_space<vmem>>, vector<1x16xf32>,
    %get3A_661 = vector.shape_cast %get3A_660 : vector<1x16xf32> to vector<16xf32>
    %get3A_662 = arith.constant 14 : i32
    %get3A_663 = arith.index_cast %get3A_662 : i32 to index
    %get3A_664 = arith.constant 16 : index
    %get3A_665 = tpu.vector_load %arg10[%get3A_663, %get3A_664] {strides = array<i32>} : memref<96x128xf32, #tpu.memory_space<vmem>>, vector<1x16xf32>,
    %get3A_666 = vector.shape_cast %get3A_665 : vector<1x16xf32> to vector<16xf32>
    %add3A_667 = arith.addf %get3A_661, %get3A_666 : vector<16xf32>
    %swap3A_668 = arith.constant 14 : i32
    %swap3A_669 = arith.index_cast %swap3A_668 : i32 to index
    %swap3A_670 = arith.constant 16 : index
    %swap3A_671 = tpu.vector_load %arg9[%swap3A_669, %swap3A_670] {strides = array<i32>} : memref<96x128xf32, #tpu.memory_space<vmem>>, vector<1x16xf32>,
    %swap3A_672 = vector.shape_cast %swap3A_671 : vector<1x16xf32> to vector<16xf32>
    %swap3A_673 = vector.shape_cast %add3A_667 : vector<16xf32> to vector<1x16xf32>
    tpu.vector_store %arg9[%swap3A_669, %swap3A_670], %swap3A_673 {strides = array<i32>} : memref<96x128xf32, #tpu.memory_space<vmem>>, vector<1x16xf32>,
    %get3A_674 = arith.constant 15 : i32
    %get3A_675 = arith.index_cast %get3A_674 : i32 to index
    %get3A_676 = arith.constant 0 : index
    %get3A_677 = tpu.vector_load %arg9[%get3A_675, %get3A_676] {strides = array<i32>} : memref<96x128xf32, #tpu.memory_space<vmem>>, vector<1x16xf32>,
    %get3A_678 = vector.shape_cast %get3A_677 : vector<1x16xf32> to vector<16xf32>
    %get3A_679 = arith.constant 15 : i32
    %get3A_680 = arith.index_cast %get3A_679 : i32 to index
    %get3A_681 = arith.constant 0 : index
    %get3A_682 = tpu.vector_load %arg10[%get3A_680, %get3A_681] {strides = array<i32>} : memref<96x128xf32, #tpu.memory_space<vmem>>, vector<1x16xf32>,
    %get3A_683 = vector.shape_cast %get3A_682 : vector<1x16xf32> to vector<16xf32>
    %add3A_684 = arith.addf %get3A_678, %get3A_683 : vector<16xf32>
    %swap3A_685 = arith.constant 15 : i32
    %swap3A_686 = arith.index_cast %swap3A_685 : i32 to index
    %swap3A_687 = arith.constant 0 : index
    %swap3A_688 = tpu.vector_load %arg9[%swap3A_686, %swap3A_687] {strides = array<i32>} : memref<96x128xf32, #tpu.memory_space<vmem>>, vector<1x16xf32>,
    %swap3A_689 = vector.shape_cast %swap3A_688 : vector<1x16xf32> to vector<16xf32>
    %swap3A_690 = vector.shape_cast %add3A_684 : vector<16xf32> to vector<1x16xf32>
    tpu.vector_store %arg9[%swap3A_686, %swap3A_687], %swap3A_690 {strides = array<i32>} : memref<96x128xf32, #tpu.memory_space<vmem>>, vector<1x16xf32>,
    %get3A_691 = arith.constant 15 : i32
    %get3A_692 = arith.index_cast %get3A_691 : i32 to index
    %get3A_693 = arith.constant 16 : index
    %get3A_694 = tpu.vector_load %arg9[%get3A_692, %get3A_693] {strides = array<i32>} : memref<96x128xf32, #tpu.memory_space<vmem>>, vector<1x16xf32>,
    %get3A_695 = vector.shape_cast %get3A_694 : vector<1x16xf32> to vector<16xf32>
    %get3A_696 = arith.constant 15 : i32
    %get3A_697 = arith.index_cast %get3A_696 : i32 to index
    %get3A_698 = arith.constant 16 : index
    %get3A_699 = tpu.vector_load %arg10[%get3A_697, %get3A_698] {strides = array<i32>} : memref<96x128xf32, #tpu.memory_space<vmem>>, vector<1x16xf32>,
    %get3A_700 = vector.shape_cast %get3A_699 : vector<1x16xf32> to vector<16xf32>
    %add3A_701 = arith.addf %get3A_695, %get3A_700 : vector<16xf32>
    %swap3A_702 = arith.constant 15 : i32
    %swap3A_703 = arith.index_cast %swap3A_702 : i32 to index
    %swap3A_704 = arith.constant 16 : index
    %swap3A_705 = tpu.vector_load %arg9[%swap3A_703, %swap3A_704] {strides = array<i32>} : memref<96x128xf32, #tpu.memory_space<vmem>>, vector<1x16xf32>,
    %swap3A_706 = vector.shape_cast %swap3A_705 : vector<1x16xf32> to vector<16xf32>
    %swap3A_707 = vector.shape_cast %add3A_701 : vector<16xf32> to vector<1x16xf32>
    tpu.vector_store %arg9[%swap3A_703, %swap3A_704], %swap3A_707 {strides = array<i32>} : memref<96x128xf32, #tpu.memory_space<vmem>>, vector<1x16xf32>,
    %get3A_708 = arith.constant 16 : i32
    %get3A_709 = arith.index_cast %get3A_708 : i32 to index
    %get3A_710 = arith.constant 0 : index
    %get3A_711 = tpu.vector_load %arg9[%get3A_709, %get3A_710] {strides = array<i32>} : memref<96x128xf32, #tpu.memory_space<vmem>>, vector<1x16xf32>,
    %get3A_712 = vector.shape_cast %get3A_711 : vector<1x16xf32> to vector<16xf32>
    %get3A_713 = arith.constant 16 : i32
    %get3A_714 = arith.index_cast %get3A_713 : i32 to index
    %get3A_715 = arith.constant 0 : index
    %get3A_716 = tpu.vector_load %arg10[%get3A_714, %get3A_715] {strides = array<i32>} : memref<96x128xf32, #tpu.memory_space<vmem>>, vector<1x16xf32>,
    %get3A_717 = vector.shape_cast %get3A_716 : vector<1x16xf32> to vector<16xf32>
    %add3A_718 = arith.addf %get3A_712, %get3A_717 : vector<16xf32>
    %swap3A_719 = arith.constant 16 : i32
    %swap3A_720 = arith.index_cast %swap3A_719 : i32 to index
    %swap3A_721 = arith.constant 0 : index
    %swap3A_722 = tpu.vector_load %arg9[%swap3A_720, %swap3A_721] {strides = array<i32>} : memref<96x128xf32, #tpu.memory_space<vmem>>, vector<1x16xf32>,
    %swap3A_723 = vector.shape_cast %swap3A_722 : vector<1x16xf32> to vector<16xf32>
    %swap3A_724 = vector.shape_cast %add3A_718 : vector<16xf32> to vector<1x16xf32>
    tpu.vector_store %arg9[%swap3A_720, %swap3A_721], %swap3A_724 {strides = array<i32>} : memref<96x128xf32, #tpu.memory_space<vmem>>, vector<1x16xf32>,
    %get3A_725 = arith.constant 16 : i32
    %get3A_726 = arith.index_cast %get3A_725 : i32 to index
    %get3A_727 = arith.constant 16 : index
    %get3A_728 = tpu.vector_load %arg9[%get3A_726, %get3A_727] {strides = array<i32>} : memref<96x128xf32, #tpu.memory_space<vmem>>, vector<1x16xf32>,
    %get3A_729 = vector.shape_cast %get3A_728 : vector<1x16xf32> to vector<16xf32>
    %get3A_730 = arith.constant 16 : i32
    %get3A_731 = arith.index_cast %get3A_730 : i32 to index
    %get3A_732 = arith.constant 16 : index
    %get3A_733 = tpu.vector_load %arg10[%get3A_731, %get3A_732] {strides = array<i32>} : memref<96x128xf32, #tpu.memory_space<vmem>>, vector<1x16xf32>,
    %get3A_734 = vector.shape_cast %get3A_733 : vector<1x16xf32> to vector<16xf32>
    %add3A_735 = arith.addf %get3A_729, %get3A_734 : vector<16xf32>
    %swap3A_736 = arith.constant 16 : i32
    %swap3A_737 = arith.index_cast %swap3A_736 : i32 to index
    %swap3A_738 = arith.constant 16 : index
    %swap3A_739 = tpu.vector_load %arg9[%swap3A_737, %swap3A_738] {strides = array<i32>} : memref<96x128xf32, #tpu.memory_space<vmem>>, vector<1x16xf32>,
    %swap3A_740 = vector.shape_cast %swap3A_739 : vector<1x16xf32> to vector<16xf32>
    %swap3A_741 = vector.shape_cast %add3A_735 : vector<16xf32> to vector<1x16xf32>
    tpu.vector_store %arg9[%swap3A_737, %swap3A_738], %swap3A_741 {strides = array<i32>} : memref<96x128xf32, #tpu.memory_space<vmem>>, vector<1x16xf32>,
    %get3A_742 = arith.constant 17 : i32
    %get3A_743 = arith.index_cast %get3A_742 : i32 to index
    %get3A_744 = arith.constant 0 : index
    %get3A_745 = tpu.vector_load %arg9[%get3A_743, %get3A_744] {strides = array<i32>} : memref<96x128xf32, #tpu.memory_space<vmem>>, vector<1x16xf32>,
    %get3A_746 = vector.shape_cast %get3A_745 : vector<1x16xf32> to vector<16xf32>
    %get3A_747 = arith.constant 17 : i32
    %get3A_748 = arith.index_cast %get3A_747 : i32 to index
    %get3A_749 = arith.constant 0 : index
    %get3A_750 = tpu.vector_load %arg10[%get3A_748, %get3A_749] {strides = array<i32>} : memref<96x128xf32, #tpu.memory_space<vmem>>, vector<1x16xf32>,
    %get3A_751 = vector.shape_cast %get3A_750 : vector<1x16xf32> to vector<16xf32>
    %add3A_752 = arith.addf %get3A_746, %get3A_751 : vector<16xf32>
    %swap3A_753 = arith.constant 17 : i32
    %swap3A_754 = arith.index_cast %swap3A_753 : i32 to index
    %swap3A_755 = arith.constant 0 : index
    %swap3A_756 = tpu.vector_load %arg9[%swap3A_754, %swap3A_755] {strides = array<i32>} : memref<96x128xf32, #tpu.memory_space<vmem>>, vector<1x16xf32>,
    %swap3A_757 = vector.shape_cast %swap3A_756 : vector<1x16xf32> to vector<16xf32>
    %swap3A_758 = vector.shape_cast %add3A_752 : vector<16xf32> to vector<1x16xf32>
    tpu.vector_store %arg9[%swap3A_754, %swap3A_755], %swap3A_758 {strides = array<i32>} : memref<96x128xf32, #tpu.memory_space<vmem>>, vector<1x16xf32>,
    %get3A_759 = arith.constant 17 : i32
    %get3A_760 = arith.index_cast %get3A_759 : i32 to index
    %get3A_761 = arith.constant 16 : index
    %get3A_762 = tpu.vector_load %arg9[%get3A_760, %get3A_761] {strides = array<i32>} : memref<96x128xf32, #tpu.memory_space<vmem>>, vector<1x16xf32>,
    %get3A_763 = vector.shape_cast %get3A_762 : vector<1x16xf32> to vector<16xf32>
    %get3A_764 = arith.constant 17 : i32
    %get3A_765 = arith.index_cast %get3A_764 : i32 to index
    %get3A_766 = arith.constant 16 : index
    %get3A_767 = tpu.vector_load %arg10[%get3A_765, %get3A_766] {strides = array<i32>} : memref<96x128xf32, #tpu.memory_space<vmem>>, vector<1x16xf32>,
    %get3A_768 = vector.shape_cast %get3A_767 : vector<1x16xf32> to vector<16xf32>
    %add3A_769 = arith.addf %get3A_763, %get3A_768 : vector<16xf32>
    %swap3A_770 = arith.constant 17 : i32
    %swap3A_771 = arith.index_cast %swap3A_770 : i32 to index
    %swap3A_772 = arith.constant 16 : index
    %swap3A_773 = tpu.vector_load %arg9[%swap3A_771, %swap3A_772] {strides = array<i32>} : memref<96x128xf32, #tpu.memory_space<vmem>>, vector<1x16xf32>,
    %swap3A_774 = vector.shape_cast %swap3A_773 : vector<1x16xf32> to vector<16xf32>
    %swap3A_775 = vector.shape_cast %add3A_769 : vector<16xf32> to vector<1x16xf32>
    tpu.vector_store %arg9[%swap3A_771, %swap3A_772], %swap3A_775 {strides = array<i32>} : memref<96x128xf32, #tpu.memory_space<vmem>>, vector<1x16xf32>,
    %get3A_776 = arith.constant 18 : i32
    %get3A_777 = arith.index_cast %get3A_776 : i32 to index
    %get3A_778 = arith.constant 0 : index
    %get3A_779 = tpu.vector_load %arg9[%get3A_777, %get3A_778] {strides = array<i32>} : memref<96x128xf32, #tpu.memory_space<vmem>>, vector<1x16xf32>,
    %get3A_780 = vector.shape_cast %get3A_779 : vector<1x16xf32> to vector<16xf32>
    %get3A_781 = arith.constant 18 : i32
    %get3A_782 = arith.index_cast %get3A_781 : i32 to index
    %get3A_783 = arith.constant 0 : index
    %get3A_784 = tpu.vector_load %arg10[%get3A_782, %get3A_783] {strides = array<i32>} : memref<96x128xf32, #tpu.memory_space<vmem>>, vector<1x16xf32>,
    %get3A_785 = vector.shape_cast %get3A_784 : vector<1x16xf32> to vector<16xf32>
    %add3A_786 = arith.addf %get3A_780, %get3A_785 : vector<16xf32>
    %swap3A_787 = arith.constant 18 : i32
    %swap3A_788 = arith.index_cast %swap3A_787 : i32 to index
    %swap3A_789 = arith.constant 0 : index
    %swap3A_790 = tpu.vector_load %arg9[%swap3A_788, %swap3A_789] {strides = array<i32>} : memref<96x128xf32, #tpu.memory_space<vmem>>, vector<1x16xf32>,
    %swap3A_791 = vector.shape_cast %swap3A_790 : vector<1x16xf32> to vector<16xf32>
    %swap3A_792 = vector.shape_cast %add3A_786 : vector<16xf32> to vector<1x16xf32>
    tpu.vector_store %arg9[%swap3A_788, %swap3A_789], %swap3A_792 {strides = array<i32>} : memref<96x128xf32, #tpu.memory_space<vmem>>, vector<1x16xf32>,
    %get3A_793 = arith.constant 18 : i32
    %get3A_794 = arith.index_cast %get3A_793 : i32 to index
    %get3A_795 = arith.constant 16 : index
    %get3A_796 = tpu.vector_load %arg9[%get3A_794, %get3A_795] {strides = array<i32>} : memref<96x128xf32, #tpu.memory_space<vmem>>, vector<1x16xf32>,
    %get3A_797 = vector.shape_cast %get3A_796 : vector<1x16xf32> to vector<16xf32>
    %get3A_798 = arith.constant 18 : i32
    %get3A_799 = arith.index_cast %get3A_798 : i32 to index
    %get3A_800 = arith.constant 16 : index
    %get3A_801 = tpu.vector_load %arg10[%get3A_799, %get3A_800] {strides = array<i32>} : memref<96x128xf32, #tpu.memory_space<vmem>>, vector<1x16xf32>,
    %get3A_802 = vector.shape_cast %get3A_801 : vector<1x16xf32> to vector<16xf32>
    %add3A_803 = arith.addf %get3A_797, %get3A_802 : vector<16xf32>
    %swap3A_804 = arith.constant 18 : i32
    %swap3A_805 = arith.index_cast %swap3A_804 : i32 to index
    %swap3A_806 = arith.constant 16 : index
    %swap3A_807 = tpu.vector_load %arg9[%swap3A_805, %swap3A_806] {strides = array<i32>} : memref<96x128xf32, #tpu.memory_space<vmem>>, vector<1x16xf32>,
    %swap3A_808 = vector.shape_cast %swap3A_807 : vector<1x16xf32> to vector<16xf32>
    %swap3A_809 = vector.shape_cast %add3A_803 : vector<16xf32> to vector<1x16xf32>
    tpu.vector_store %arg9[%swap3A_805, %swap3A_806], %swap3A_809 {strides = array<i32>} : memref<96x128xf32, #tpu.memory_space<vmem>>, vector<1x16xf32>,
    %get3A_810 = arith.constant 19 : i32
    %get3A_811 = arith.index_cast %get3A_810 : i32 to index
    %get3A_812 = arith.constant 0 : index
    %get3A_813 = tpu.vector_load %arg9[%get3A_811, %get3A_812] {strides = array<i32>} : memref<96x128xf32, #tpu.memory_space<vmem>>, vector<1x16xf32>,
    %get3A_814 = vector.shape_cast %get3A_813 : vector<1x16xf32> to vector<16xf32>
    %get3A_815 = arith.constant 19 : i32
    %get3A_816 = arith.index_cast %get3A_815 : i32 to index
    %get3A_817 = arith.constant 0 : index
    %get3A_818 = tpu.vector_load %arg10[%get3A_816, %get3A_817] {strides = array<i32>} : memref<96x128xf32, #tpu.memory_space<vmem>>, vector<1x16xf32>,
    %get3A_819 = vector.shape_cast %get3A_818 : vector<1x16xf32> to vector<16xf32>
    %add3A_820 = arith.addf %get3A_814, %get3A_819 : vector<16xf32>
    %swap3A_821 = arith.constant 19 : i32
    %swap3A_822 = arith.index_cast %swap3A_821 : i32 to index
    %swap3A_823 = arith.constant 0 : index
    %swap3A_824 = tpu.vector_load %arg9[%swap3A_822, %swap3A_823] {strides = array<i32>} : memref<96x128xf32, #tpu.memory_space<vmem>>, vector<1x16xf32>,
    %swap3A_825 = vector.shape_cast %swap3A_824 : vector<1x16xf32> to vector<16xf32>
    %swap3A_826 = vector.shape_cast %add3A_820 : vector<16xf32> to vector<1x16xf32>
    tpu.vector_store %arg9[%swap3A_822, %swap3A_823], %swap3A_826 {strides = array<i32>} : memref<96x128xf32, #tpu.memory_space<vmem>>, vector<1x16xf32>,
    %get3A_827 = arith.constant 19 : i32
    %get3A_828 = arith.index_cast %get3A_827 : i32 to index
    %get3A_829 = arith.constant 16 : index
    %get3A_830 = tpu.vector_load %arg9[%get3A_828, %get3A_829] {strides = array<i32>} : memref<96x128xf32, #tpu.memory_space<vmem>>, vector<1x16xf32>,
    %get3A_831 = vector.shape_cast %get3A_830 : vector<1x16xf32> to vector<16xf32>
    %get3A_832 = arith.constant 19 : i32
    %get3A_833 = arith.index_cast %get3A_832 : i32 to index
    %get3A_834 = arith.constant 16 : index
    %get3A_835 = tpu.vector_load %arg10[%get3A_833, %get3A_834] {strides = array<i32>} : memref<96x128xf32, #tpu.memory_space<vmem>>, vector<1x16xf32>,
    %get3A_836 = vector.shape_cast %get3A_835 : vector<1x16xf32> to vector<16xf32>
    %add3A_837 = arith.addf %get3A_831, %get3A_836 : vector<16xf32>
    %swap3A_838 = arith.constant 19 : i32
    %swap3A_839 = arith.index_cast %swap3A_838 : i32 to index
    %swap3A_840 = arith.constant 16 : index
    %swap3A_841 = tpu.vector_load %arg9[%swap3A_839, %swap3A_840] {strides = array<i32>} : memref<96x128xf32, #tpu.memory_space<vmem>>, vector<1x16xf32>,
    %swap3A_842 = vector.shape_cast %swap3A_841 : vector<1x16xf32> to vector<16xf32>
    %swap3A_843 = vector.shape_cast %add3A_837 : vector<16xf32> to vector<1x16xf32>
    tpu.vector_store %arg9[%swap3A_839, %swap3A_840], %swap3A_843 {strides = array<i32>} : memref<96x128xf32, #tpu.memory_space<vmem>>, vector<1x16xf32>,
    %get3A_844 = arith.constant 20 : i32
    %get3A_845 = arith.index_cast %get3A_844 : i32 to index
    %get3A_846 = arith.constant 0 : index
    %get3A_847 = tpu.vector_load %arg9[%get3A_845, %get3A_846] {strides = array<i32>} : memref<96x128xf32, #tpu.memory_space<vmem>>, vector<1x16xf32>,
    %get3A_848 = vector.shape_cast %get3A_847 : vector<1x16xf32> to vector<16xf32>
    %get3A_849 = arith.constant 20 : i32
    %get3A_850 = arith.index_cast %get3A_849 : i32 to index
    %get3A_851 = arith.constant 0 : index
    %get3A_852 = tpu.vector_load %arg10[%get3A_850, %get3A_851] {strides = array<i32>} : memref<96x128xf32, #tpu.memory_space<vmem>>, vector<1x16xf32>,
    %get3A_853 = vector.shape_cast %get3A_852 : vector<1x16xf32> to vector<16xf32>
    %add3A_854 = arith.addf %get3A_848, %get3A_853 : vector<16xf32>
    %swap3A_855 = arith.constant 20 : i32
    %swap3A_856 = arith.index_cast %swap3A_855 : i32 to index
    %swap3A_857 = arith.constant 0 : index
    %swap3A_858 = tpu.vector_load %arg9[%swap3A_856, %swap3A_857] {strides = array<i32>} : memref<96x128xf32, #tpu.memory_space<vmem>>, vector<1x16xf32>,
    %swap3A_859 = vector.shape_cast %swap3A_858 : vector<1x16xf32> to vector<16xf32>
    %swap3A_860 = vector.shape_cast %add3A_854 : vector<16xf32> to vector<1x16xf32>
    tpu.vector_store %arg9[%swap3A_856, %swap3A_857], %swap3A_860 {strides = array<i32>} : memref<96x128xf32, #tpu.memory_space<vmem>>, vector<1x16xf32>,
    %get3A_861 = arith.constant 20 : i32
    %get3A_862 = arith.index_cast %get3A_861 : i32 to index
    %get3A_863 = arith.constant 16 : index
    %get3A_864 = tpu.vector_load %arg9[%get3A_862, %get3A_863] {strides = array<i32>} : memref<96x128xf32, #tpu.memory_space<vmem>>, vector<1x16xf32>,
    %get3A_865 = vector.shape_cast %get3A_864 : vector<1x16xf32> to vector<16xf32>
    %get3A_866 = arith.constant 20 : i32
    %get3A_867 = arith.index_cast %get3A_866 : i32 to index
    %get3A_868 = arith.constant 16 : index
    %get3A_869 = tpu.vector_load %arg10[%get3A_867, %get3A_868] {strides = array<i32>} : memref<96x128xf32, #tpu.memory_space<vmem>>, vector<1x16xf32>,
    %get3A_870 = vector.shape_cast %get3A_869 : vector<1x16xf32> to vector<16xf32>
    %add3A_871 = arith.addf %get3A_865, %get3A_870 : vector<16xf32>
    %swap3A_872 = arith.constant 20 : i32
    %swap3A_873 = arith.index_cast %swap3A_872 : i32 to index
    %swap3A_874 = arith.constant 16 : index
    %swap3A_875 = tpu.vector_load %arg9[%swap3A_873, %swap3A_874] {strides = array<i32>} : memref<96x128xf32, #tpu.memory_space<vmem>>, vector<1x16xf32>,
    %swap3A_876 = vector.shape_cast %swap3A_875 : vector<1x16xf32> to vector<16xf32>
    %swap3A_877 = vector.shape_cast %add3A_871 : vector<16xf32> to vector<1x16xf32>
    tpu.vector_store %arg9[%swap3A_873, %swap3A_874], %swap3A_877 {strides = array<i32>} : memref<96x128xf32, #tpu.memory_space<vmem>>, vector<1x16xf32>,
    %get3A_878 = arith.constant 21 : i32
    %get3A_879 = arith.index_cast %get3A_878 : i32 to index
    %get3A_880 = arith.constant 0 : index
    %get3A_881 = tpu.vector_load %arg9[%get3A_879, %get3A_880] {strides = array<i32>} : memref<96x128xf32, #tpu.memory_space<vmem>>, vector<1x16xf32>,
    %get3A_882 = vector.shape_cast %get3A_881 : vector<1x16xf32> to vector<16xf32>
    %get3A_883 = arith.constant 21 : i32
    %get3A_884 = arith.index_cast %get3A_883 : i32 to index
    %get3A_885 = arith.constant 0 : index
    %get3A_886 = tpu.vector_load %arg10[%get3A_884, %get3A_885] {strides = array<i32>} : memref<96x128xf32, #tpu.memory_space<vmem>>, vector<1x16xf32>,
    %get3A_887 = vector.shape_cast %get3A_886 : vector<1x16xf32> to vector<16xf32>
    %add3A_888 = arith.addf %get3A_882, %get3A_887 : vector<16xf32>
    %swap3A_889 = arith.constant 21 : i32
    %swap3A_890 = arith.index_cast %swap3A_889 : i32 to index
    %swap3A_891 = arith.constant 0 : index
    %swap3A_892 = tpu.vector_load %arg9[%swap3A_890, %swap3A_891] {strides = array<i32>} : memref<96x128xf32, #tpu.memory_space<vmem>>, vector<1x16xf32>,
    %swap3A_893 = vector.shape_cast %swap3A_892 : vector<1x16xf32> to vector<16xf32>
    %swap3A_894 = vector.shape_cast %add3A_888 : vector<16xf32> to vector<1x16xf32>
    tpu.vector_store %arg9[%swap3A_890, %swap3A_891], %swap3A_894 {strides = array<i32>} : memref<96x128xf32, #tpu.memory_space<vmem>>, vector<1x16xf32>,
    %get3A_895 = arith.constant 21 : i32
    %get3A_896 = arith.index_cast %get3A_895 : i32 to index
    %get3A_897 = arith.constant 16 : index
    %get3A_898 = tpu.vector_load %arg9[%get3A_896, %get3A_897] {strides = array<i32>} : memref<96x128xf32, #tpu.memory_space<vmem>>, vector<1x16xf32>,
    %get3A_899 = vector.shape_cast %get3A_898 : vector<1x16xf32> to vector<16xf32>
    %get3A_900 = arith.constant 21 : i32
    %get3A_901 = arith.index_cast %get3A_900 : i32 to index
    %get3A_902 = arith.constant 16 : index
    %get3A_903 = tpu.vector_load %arg10[%get3A_901, %get3A_902] {strides = array<i32>} : memref<96x128xf32, #tpu.memory_space<vmem>>, vector<1x16xf32>,
    %get3A_904 = vector.shape_cast %get3A_903 : vector<1x16xf32> to vector<16xf32>
    %add3A_905 = arith.addf %get3A_899, %get3A_904 : vector<16xf32>
    %swap3A_906 = arith.constant 21 : i32
    %swap3A_907 = arith.index_cast %swap3A_906 : i32 to index
    %swap3A_908 = arith.constant 16 : index
    %swap3A_909 = tpu.vector_load %arg9[%swap3A_907, %swap3A_908] {strides = array<i32>} : memref<96x128xf32, #tpu.memory_space<vmem>>, vector<1x16xf32>,
    %swap3A_910 = vector.shape_cast %swap3A_909 : vector<1x16xf32> to vector<16xf32>
    %swap3A_911 = vector.shape_cast %add3A_905 : vector<16xf32> to vector<1x16xf32>
    tpu.vector_store %arg9[%swap3A_907, %swap3A_908], %swap3A_911 {strides = array<i32>} : memref<96x128xf32, #tpu.memory_space<vmem>>, vector<1x16xf32>,
    %get3A_912 = arith.constant 22 : i32
    %get3A_913 = arith.index_cast %get3A_912 : i32 to index
    %get3A_914 = arith.constant 0 : index
    %get3A_915 = tpu.vector_load %arg9[%get3A_913, %get3A_914] {strides = array<i32>} : memref<96x128xf32, #tpu.memory_space<vmem>>, vector<1x16xf32>,
    %get3A_916 = vector.shape_cast %get3A_915 : vector<1x16xf32> to vector<16xf32>
    %get3A_917 = arith.constant 22 : i32
    %get3A_918 = arith.index_cast %get3A_917 : i32 to index
    %get3A_919 = arith.constant 0 : index
    %get3A_920 = tpu.vector_load %arg10[%get3A_918, %get3A_919] {strides = array<i32>} : memref<96x128xf32, #tpu.memory_space<vmem>>, vector<1x16xf32>,
    %get3A_921 = vector.shape_cast %get3A_920 : vector<1x16xf32> to vector<16xf32>
    %add3A_922 = arith.addf %get3A_916, %get3A_921 : vector<16xf32>
    %swap3A_923 = arith.constant 22 : i32
    %swap3A_924 = arith.index_cast %swap3A_923 : i32 to index
    %swap3A_925 = arith.constant 0 : index
    %swap3A_926 = tpu.vector_load %arg9[%swap3A_924, %swap3A_925] {strides = array<i32>} : memref<96x128xf32, #tpu.memory_space<vmem>>, vector<1x16xf32>,
    %swap3A_927 = vector.shape_cast %swap3A_926 : vector<1x16xf32> to vector<16xf32>
    %swap3A_928 = vector.shape_cast %add3A_922 : vector<16xf32> to vector<1x16xf32>
    tpu.vector_store %arg9[%swap3A_924, %swap3A_925], %swap3A_928 {strides = array<i32>} : memref<96x128xf32, #tpu.memory_space<vmem>>, vector<1x16xf32>,
    %get3A_929 = arith.constant 22 : i32
    %get3A_930 = arith.index_cast %get3A_929 : i32 to index
    %get3A_931 = arith.constant 16 : index
    %get3A_932 = tpu.vector_load %arg9[%get3A_930, %get3A_931] {strides = array<i32>} : memref<96x128xf32, #tpu.memory_space<vmem>>, vector<1x16xf32>,
    %get3A_933 = vector.shape_cast %get3A_932 : vector<1x16xf32> to vector<16xf32>
    %get3A_934 = arith.constant 22 : i32
    %get3A_935 = arith.index_cast %get3A_934 : i32 to index
    %get3A_936 = arith.constant 16 : index
    %get3A_937 = tpu.vector_load %arg10[%get3A_935, %get3A_936] {strides = array<i32>} : memref<96x128xf32, #tpu.memory_space<vmem>>, vector<1x16xf32>,
    %get3A_938 = vector.shape_cast %get3A_937 : vector<1x16xf32> to vector<16xf32>
    %add3A_939 = arith.addf %get3A_933, %get3A_938 : vector<16xf32>
    %swap3A_940 = arith.constant 22 : i32
    %swap3A_941 = arith.index_cast %swap3A_940 : i32 to index
    %swap3A_942 = arith.constant 16 : index
    %swap3A_943 = tpu.vector_load %arg9[%swap3A_941, %swap3A_942] {strides = array<i32>} : memref<96x128xf32, #tpu.memory_space<vmem>>, vector<1x16xf32>,
    %swap3A_944 = vector.shape_cast %swap3A_943 : vector<1x16xf32> to vector<16xf32>
    %swap3A_945 = vector.shape_cast %add3A_939 : vector<16xf32> to vector<1x16xf32>
    tpu.vector_store %arg9[%swap3A_941, %swap3A_942], %swap3A_945 {strides = array<i32>} : memref<96x128xf32, #tpu.memory_space<vmem>>, vector<1x16xf32>,
    %get3A_946 = arith.constant 23 : i32
    %get3A_947 = arith.index_cast %get3A_946 : i32 to index
    %get3A_948 = arith.constant 0 : index
    %get3A_949 = tpu.vector_load %arg9[%get3A_947, %get3A_948] {strides = array<i32>} : memref<96x128xf32, #tpu.memory_space<vmem>>, vector<1x16xf32>,
    %get3A_950 = vector.shape_cast %get3A_949 : vector<1x16xf32> to vector<16xf32>
    %get3A_951 = arith.constant 23 : i32
    %get3A_952 = arith.index_cast %get3A_951 : i32 to index
    %get3A_953 = arith.constant 0 : index
    %get3A_954 = tpu.vector_load %arg10[%get3A_952, %get3A_953] {strides = array<i32>} : memref<96x128xf32, #tpu.memory_space<vmem>>, vector<1x16xf32>,
    %get3A_955 = vector.shape_cast %get3A_954 : vector<1x16xf32> to vector<16xf32>
    %add3A_956 = arith.addf %get3A_950, %get3A_955 : vector<16xf32>
    %swap3A_957 = arith.constant 23 : i32
    %swap3A_958 = arith.index_cast %swap3A_957 : i32 to index
    %swap3A_959 = arith.constant 0 : index
    %swap3A_960 = tpu.vector_load %arg9[%swap3A_958, %swap3A_959] {strides = array<i32>} : memref<96x128xf32, #tpu.memory_space<vmem>>, vector<1x16xf32>,
    %swap3A_961 = vector.shape_cast %swap3A_960 : vector<1x16xf32> to vector<16xf32>
    %swap3A_962 = vector.shape_cast %add3A_956 : vector<16xf32> to vector<1x16xf32>
    tpu.vector_store %arg9[%swap3A_958, %swap3A_959], %swap3A_962 {strides = array<i32>} : memref<96x128xf32, #tpu.memory_space<vmem>>, vector<1x16xf32>,
    %get3A_963 = arith.constant 23 : i32
    %get3A_964 = arith.index_cast %get3A_963 : i32 to index
    %get3A_965 = arith.constant 16 : index
    %get3A_966 = tpu.vector_load %arg9[%get3A_964, %get3A_965] {strides = array<i32>} : memref<96x128xf32, #tpu.memory_space<vmem>>, vector<1x16xf32>,
    %get3A_967 = vector.shape_cast %get3A_966 : vector<1x16xf32> to vector<16xf32>
    %get3A_968 = arith.constant 23 : i32
    %get3A_969 = arith.index_cast %get3A_968 : i32 to index
    %get3A_970 = arith.constant 16 : index
    %get3A_971 = tpu.vector_load %arg10[%get3A_969, %get3A_970] {strides = array<i32>} : memref<96x128xf32, #tpu.memory_space<vmem>>, vector<1x16xf32>,
    %get3A_972 = vector.shape_cast %get3A_971 : vector<1x16xf32> to vector<16xf32>
    %add3A_973 = arith.addf %get3A_967, %get3A_972 : vector<16xf32>
    %swap3A_974 = arith.constant 23 : i32
    %swap3A_975 = arith.index_cast %swap3A_974 : i32 to index
    %swap3A_976 = arith.constant 16 : index
    %swap3A_977 = tpu.vector_load %arg9[%swap3A_975, %swap3A_976] {strides = array<i32>} : memref<96x128xf32, #tpu.memory_space<vmem>>, vector<1x16xf32>,
    %swap3A_978 = vector.shape_cast %swap3A_977 : vector<1x16xf32> to vector<16xf32>
    %swap3A_979 = vector.shape_cast %add3A_973 : vector<16xf32> to vector<1x16xf32>
    tpu.vector_store %arg9[%swap3A_975, %swap3A_976], %swap3A_979 {strides = array<i32>} : memref<96x128xf32, #tpu.memory_space<vmem>>, vector<1x16xf32>,
    %get3A_980 = arith.constant 24 : i32
    %get3A_981 = arith.index_cast %get3A_980 : i32 to index
    %get3A_982 = arith.constant 0 : index
    %get3A_983 = tpu.vector_load %arg9[%get3A_981, %get3A_982] {strides = array<i32>} : memref<96x128xf32, #tpu.memory_space<vmem>>, vector<1x16xf32>,
    %get3A_984 = vector.shape_cast %get3A_983 : vector<1x16xf32> to vector<16xf32>
    %get3A_985 = arith.constant 24 : i32
    %get3A_986 = arith.index_cast %get3A_985 : i32 to index
    %get3A_987 = arith.constant 0 : index
    %get3A_988 = tpu.vector_load %arg10[%get3A_986, %get3A_987] {strides = array<i32>} : memref<96x128xf32, #tpu.memory_space<vmem>>, vector<1x16xf32>,
    %get3A_989 = vector.shape_cast %get3A_988 : vector<1x16xf32> to vector<16xf32>
    %add3A_990 = arith.addf %get3A_984, %get3A_989 : vector<16xf32>
    %swap3A_991 = arith.constant 24 : i32
    %swap3A_992 = arith.index_cast %swap3A_991 : i32 to index
    %swap3A_993 = arith.constant 0 : index
    %swap3A_994 = tpu.vector_load %arg9[%swap3A_992, %swap3A_993] {strides = array<i32>} : memref<96x128xf32, #tpu.memory_space<vmem>>, vector<1x16xf32>,
    %swap3A_995 = vector.shape_cast %swap3A_994 : vector<1x16xf32> to vector<16xf32>
    %swap3A_996 = vector.shape_cast %add3A_990 : vector<16xf32> to vector<1x16xf32>
    tpu.vector_store %arg9[%swap3A_992, %swap3A_993], %swap3A_996 {strides = array<i32>} : memref<96x128xf32, #tpu.memory_space<vmem>>, vector<1x16xf32>,
    %get3A_997 = arith.constant 24 : i32
    %get3A_998 = arith.index_cast %get3A_997 : i32 to index
    %get3A_999 = arith.constant 16 : index
    %get3A_1000 = tpu.vector_load %arg9[%get3A_998, %get3A_999] {strides = array<i32>} : memref<96x128xf32, #tpu.memory_space<vmem>>, vector<1x16xf32>,
    %get3A_1001 = vector.shape_cast %get3A_1000 : vector<1x16xf32> to vector<16xf32>
    %get3A_1002 = arith.constant 24 : i32
    %get3A_1003 = arith.index_cast %get3A_1002 : i32 to index
    %get3A_1004 = arith.constant 16 : index
    %get3A_1005 = tpu.vector_load %arg10[%get3A_1003, %get3A_1004] {strides = array<i32>} : memref<96x128xf32, #tpu.memory_space<vmem>>, vector<1x16xf32>,
    %get3A_1006 = vector.shape_cast %get3A_1005 : vector<1x16xf32> to vector<16xf32>
    %add3A_1007 = arith.addf %get3A_1001, %get3A_1006 : vector<16xf32>
    %swap3A_1008 = arith.constant 24 : i32
    %swap3A_1009 = arith.index_cast %swap3A_1008 : i32 to index
    %swap3A_1010 = arith.constant 16 : index
    %swap3A_1011 = tpu.vector_load %arg9[%swap3A_1009, %swap3A_1010] {strides = array<i32>} : memref<96x128xf32, #tpu.memory_space<vmem>>, vector<1x16xf32>,
    %swap3A_1012 = vector.shape_cast %swap3A_1011 : vector<1x16xf32> to vector<16xf32>
    %swap3A_1013 = vector.shape_cast %add3A_1007 : vector<16xf32> to vector<1x16xf32>
    tpu.vector_store %arg9[%swap3A_1009, %swap3A_1010], %swap3A_1013 {strides = array<i32>} : memref<96x128xf32, #tpu.memory_space<vmem>>, vector<1x16xf32>,
    %get3A_1014 = arith.constant 25 : i32
    %get3A_1015 = arith.index_cast %get3A_1014 : i32 to index
    %get3A_1016 = arith.constant 0 : index
    %get3A_1017 = tpu.vector_load %arg9[%get3A_1015, %get3A_1016] {strides = array<i32>} : memref<96x128xf32, #tpu.memory_space<vmem>>, vector<1x16xf32>,
    %get3A_1018 = vector.shape_cast %get3A_1017 : vector<1x16xf32> to vector<16xf32>
    %get3A_1019 = arith.constant 25 : i32
    %get3A_1020 = arith.index_cast %get3A_1019 : i32 to index
    %get3A_1021 = arith.constant 0 : index
    %get3A_1022 = tpu.vector_load %arg10[%get3A_1020, %get3A_1021] {strides = array<i32>} : memref<96x128xf32, #tpu.memory_space<vmem>>, vector<1x16xf32>,
    %get3A_1023 = vector.shape_cast %get3A_1022 : vector<1x16xf32> to vector<16xf32>
    %add3A_1024 = arith.addf %get3A_1018, %get3A_1023 : vector<16xf32>
    %swap3A_1025 = arith.constant 25 : i32
    %swap3A_1026 = arith.index_cast %swap3A_1025 : i32 to index
    %swap3A_1027 = arith.constant 0 : index
    %swap3A_1028 = tpu.vector_load %arg9[%swap3A_1026, %swap3A_1027] {strides = array<i32>} : memref<96x128xf32, #tpu.memory_space<vmem>>, vector<1x16xf32>,
    %swap3A_1029 = vector.shape_cast %swap3A_1028 : vector<1x16xf32> to vector<16xf32>
    %swap3A_1030 = vector.shape_cast %add3A_1024 : vector<16xf32> to vector<1x16xf32>
    tpu.vector_store %arg9[%swap3A_1026, %swap3A_1027], %swap3A_1030 {strides = array<i32>} : memref<96x128xf32, #tpu.memory_space<vmem>>, vector<1x16xf32>,
    %get3A_1031 = arith.constant 25 : i32
    %get3A_1032 = arith.index_cast %get3A_1031 : i32 to index
    %get3A_1033 = arith.constant 16 : index
    %get3A_1034 = tpu.vector_load %arg9[%get3A_1032, %get3A_1033] {strides = array<i32>} : memref<96x128xf32, #tpu.memory_space<vmem>>, vector<1x16xf32>,
    %get3A_1035 = vector.shape_cast %get3A_1034 : vector<1x16xf32> to vector<16xf32>
    %get3A_1036 = arith.constant 25 : i32
    %get3A_1037 = arith.index_cast %get3A_1036 : i32 to index
    %get3A_1038 = arith.constant 16 : index
    %get3A_1039 = tpu.vector_load %arg10[%get3A_1037, %get3A_1038] {strides = array<i32>} : memref<96x128xf32, #tpu.memory_space<vmem>>, vector<1x16xf32>,
    %get3A_1040 = vector.shape_cast %get3A_1039 : vector<1x16xf32> to vector<16xf32>
    %add3A_1041 = arith.addf %get3A_1035, %get3A_1040 : vector<16xf32>
    %swap3A_1042 = arith.constant 25 : i32
    %swap3A_1043 = arith.index_cast %swap3A_1042 : i32 to index
    %swap3A_1044 = arith.constant 16 : index
    %swap3A_1045 = tpu.vector_load %arg9[%swap3A_1043, %swap3A_1044] {strides = array<i32>} : memref<96x128xf32, #tpu.memory_space<vmem>>, vector<1x16xf32>,
    %swap3A_1046 = vector.shape_cast %swap3A_1045 : vector<1x16xf32> to vector<16xf32>
    %swap3A_1047 = vector.shape_cast %add3A_1041 : vector<16xf32> to vector<1x16xf32>
    tpu.vector_store %arg9[%swap3A_1043, %swap3A_1044], %swap3A_1047 {strides = array<i32>} : memref<96x128xf32, #tpu.memory_space<vmem>>, vector<1x16xf32>,
    %get3A_1048 = arith.constant 26 : i32
    %get3A_1049 = arith.index_cast %get3A_1048 : i32 to index
    %get3A_1050 = arith.constant 0 : index
    %get3A_1051 = tpu.vector_load %arg9[%get3A_1049, %get3A_1050] {strides = array<i32>} : memref<96x128xf32, #tpu.memory_space<vmem>>, vector<1x16xf32>,
    %get3A_1052 = vector.shape_cast %get3A_1051 : vector<1x16xf32> to vector<16xf32>
    %get3A_1053 = arith.constant 26 : i32
    %get3A_1054 = arith.index_cast %get3A_1053 : i32 to index
    %get3A_1055 = arith.constant 0 : index
    %get3A_1056 = tpu.vector_load %arg10[%get3A_1054, %get3A_1055] {strides = array<i32>} : memref<96x128xf32, #tpu.memory_space<vmem>>, vector<1x16xf32>,
    %get3A_1057 = vector.shape_cast %get3A_1056 : vector<1x16xf32> to vector<16xf32>
    %add3A_1058 = arith.addf %get3A_1052, %get3A_1057 : vector<16xf32>
    %swap3A_1059 = arith.constant 26 : i32
    %swap3A_1060 = arith.index_cast %swap3A_1059 : i32 to index
    %swap3A_1061 = arith.constant 0 : index
    %swap3A_1062 = tpu.vector_load %arg9[%swap3A_1060, %swap3A_1061] {strides = array<i32>} : memref<96x128xf32, #tpu.memory_space<vmem>>, vector<1x16xf32>,
    %swap3A_1063 = vector.shape_cast %swap3A_1062 : vector<1x16xf32> to vector<16xf32>
    %swap3A_1064 = vector.shape_cast %add3A_1058 : vector<16xf32> to vector<1x16xf32>
    tpu.vector_store %arg9[%swap3A_1060, %swap3A_1061], %swap3A_1064 {strides = array<i32>} : memref<96x128xf32, #tpu.memory_space<vmem>>, vector<1x16xf32>,
    %get3A_1065 = arith.constant 26 : i32
    %get3A_1066 = arith.index_cast %get3A_1065 : i32 to index
    %get3A_1067 = arith.constant 16 : index
    %get3A_1068 = tpu.vector_load %arg9[%get3A_1066, %get3A_1067] {strides = array<i32>} : memref<96x128xf32, #tpu.memory_space<vmem>>, vector<1x16xf32>,
    %get3A_1069 = vector.shape_cast %get3A_1068 : vector<1x16xf32> to vector<16xf32>
    %get3A_1070 = arith.constant 26 : i32
    %get3A_1071 = arith.index_cast %get3A_1070 : i32 to index
    %get3A_1072 = arith.constant 16 : index
    %get3A_1073 = tpu.vector_load %arg10[%get3A_1071, %get3A_1072] {strides = array<i32>} : memref<96x128xf32, #tpu.memory_space<vmem>>, vector<1x16xf32>,
    %get3A_1074 = vector.shape_cast %get3A_1073 : vector<1x16xf32> to vector<16xf32>
    %add3A_1075 = arith.addf %get3A_1069, %get3A_1074 : vector<16xf32>
    %swap3A_1076 = arith.constant 26 : i32
    %swap3A_1077 = arith.index_cast %swap3A_1076 : i32 to index
    %swap3A_1078 = arith.constant 16 : index
    %swap3A_1079 = tpu.vector_load %arg9[%swap3A_1077, %swap3A_1078] {strides = array<i32>} : memref<96x128xf32, #tpu.memory_space<vmem>>, vector<1x16xf32>,
    %swap3A_1080 = vector.shape_cast %swap3A_1079 : vector<1x16xf32> to vector<16xf32>
    %swap3A_1081 = vector.shape_cast %add3A_1075 : vector<16xf32> to vector<1x16xf32>
    tpu.vector_store %arg9[%swap3A_1077, %swap3A_1078], %swap3A_1081 {strides = array<i32>} : memref<96x128xf32, #tpu.memory_space<vmem>>, vector<1x16xf32>,
    %get3A_1082 = arith.constant 27 : i32
    %get3A_1083 = arith.index_cast %get3A_1082 : i32 to index
    %get3A_1084 = arith.constant 0 : index
    %get3A_1085 = tpu.vector_load %arg9[%get3A_1083, %get3A_1084] {strides = array<i32>} : memref<96x128xf32, #tpu.memory_space<vmem>>, vector<1x16xf32>,
    %get3A_1086 = vector.shape_cast %get3A_1085 : vector<1x16xf32> to vector<16xf32>
    %get3A_1087 = arith.constant 27 : i32
    %get3A_1088 = arith.index_cast %get3A_1087 : i32 to index
    %get3A_1089 = arith.constant 0 : index
    %get3A_1090 = tpu.vector_load %arg10[%get3A_1088, %get3A_1089] {strides = array<i32>} : memref<96x128xf32, #tpu.memory_space<vmem>>, vector<1x16xf32>,
    %get3A_1091 = vector.shape_cast %get3A_1090 : vector<1x16xf32> to vector<16xf32>
    %add3A_1092 = arith.addf %get3A_1086, %get3A_1091 : vector<16xf32>
    %swap3A_1093 = arith.constant 27 : i32
    %swap3A_1094 = arith.index_cast %swap3A_1093 : i32 to index
    %swap3A_1095 = arith.constant 0 : index
    %swap3A_1096 = tpu.vector_load %arg9[%swap3A_1094, %swap3A_1095] {strides = array<i32>} : memref<96x128xf32, #tpu.memory_space<vmem>>, vector<1x16xf32>,
    %swap3A_1097 = vector.shape_cast %swap3A_1096 : vector<1x16xf32> to vector<16xf32>
    %swap3A_1098 = vector.shape_cast %add3A_1092 : vector<16xf32> to vector<1x16xf32>
    tpu.vector_store %arg9[%swap3A_1094, %swap3A_1095], %swap3A_1098 {strides = array<i32>} : memref<96x128xf32, #tpu.memory_space<vmem>>, vector<1x16xf32>,
    %get3A_1099 = arith.constant 27 : i32
    %get3A_1100 = arith.index_cast %get3A_1099 : i32 to index
    %get3A_1101 = arith.constant 16 : index
    %get3A_1102 = tpu.vector_load %arg9[%get3A_1100, %get3A_1101] {strides = array<i32>} : memref<96x128xf32, #tpu.memory_space<vmem>>, vector<1x16xf32>,
    %get3A_1103 = vector.shape_cast %get3A_1102 : vector<1x16xf32> to vector<16xf32>
    %get3A_1104 = arith.constant 27 : i32
    %get3A_1105 = arith.index_cast %get3A_1104 : i32 to index
    %get3A_1106 = arith.constant 16 : index
    %get3A_1107 = tpu.vector_load %arg10[%get3A_1105, %get3A_1106] {strides = array<i32>} : memref<96x128xf32, #tpu.memory_space<vmem>>, vector<1x16xf32>,
    %get3A_1108 = vector.shape_cast %get3A_1107 : vector<1x16xf32> to vector<16xf32>
    %add3A_1109 = arith.addf %get3A_1103, %get3A_1108 : vector<16xf32>
    %swap3A_1110 = arith.constant 27 : i32
    %swap3A_1111 = arith.index_cast %swap3A_1110 : i32 to index
    %swap3A_1112 = arith.constant 16 : index
    %swap3A_1113 = tpu.vector_load %arg9[%swap3A_1111, %swap3A_1112] {strides = array<i32>} : memref<96x128xf32, #tpu.memory_space<vmem>>, vector<1x16xf32>,
    %swap3A_1114 = vector.shape_cast %swap3A_1113 : vector<1x16xf32> to vector<16xf32>
    %swap3A_1115 = vector.shape_cast %add3A_1109 : vector<16xf32> to vector<1x16xf32>
    tpu.vector_store %arg9[%swap3A_1111, %swap3A_1112], %swap3A_1115 {strides = array<i32>} : memref<96x128xf32, #tpu.memory_space<vmem>>, vector<1x16xf32>,
    %get3A_1116 = arith.constant 28 : i32
    %get3A_1117 = arith.index_cast %get3A_1116 : i32 to index
    %get3A_1118 = arith.constant 0 : index
    %get3A_1119 = tpu.vector_load %arg9[%get3A_1117, %get3A_1118] {strides = array<i32>} : memref<96x128xf32, #tpu.memory_space<vmem>>, vector<1x16xf32>,
    %get3A_1120 = vector.shape_cast %get3A_1119 : vector<1x16xf32> to vector<16xf32>
    %get3A_1121 = arith.constant 28 : i32
    %get3A_1122 = arith.index_cast %get3A_1121 : i32 to index
    %get3A_1123 = arith.constant 0 : index
    %get3A_1124 = tpu.vector_load %arg10[%get3A_1122, %get3A_1123] {strides = array<i32>} : memref<96x128xf32, #tpu.memory_space<vmem>>, vector<1x16xf32>,
    %get3A_1125 = vector.shape_cast %get3A_1124 : vector<1x16xf32> to vector<16xf32>
    %add3A_1126 = arith.addf %get3A_1120, %get3A_1125 : vector<16xf32>
    %swap3A_1127 = arith.constant 28 : i32
    %swap3A_1128 = arith.index_cast %swap3A_1127 : i32 to index
    %swap3A_1129 = arith.constant 0 : index
    %swap3A_1130 = tpu.vector_load %arg9[%swap3A_1128, %swap3A_1129] {strides = array<i32>} : memref<96x128xf32, #tpu.memory_space<vmem>>, vector<1x16xf32>,
    %swap3A_1131 = vector.shape_cast %swap3A_1130 : vector<1x16xf32> to vector<16xf32>
    %swap3A_1132 = vector.shape_cast %add3A_1126 : vector<16xf32> to vector<1x16xf32>
    tpu.vector_store %arg9[%swap3A_1128, %swap3A_1129], %swap3A_1132 {strides = array<i32>} : memref<96x128xf32, #tpu.memory_space<vmem>>, vector<1x16xf32>,
    %get3A_1133 = arith.constant 28 : i32
    %get3A_1134 = arith.index_cast %get3A_1133 : i32 to index
    %get3A_1135 = arith.constant 16 : index
    %get3A_1136 = tpu.vector_load %arg9[%get3A_1134, %get3A_1135] {strides = array<i32>} : memref<96x128xf32, #tpu.memory_space<vmem>>, vector<1x16xf32>,
    %get3A_1137 = vector.shape_cast %get3A_1136 : vector<1x16xf32> to vector<16xf32>
    %get3A_1138 = arith.constant 28 : i32
    %get3A_1139 = arith.index_cast %get3A_1138 : i32 to index
    %get3A_1140 = arith.constant 16 : index
    %get3A_1141 = tpu.vector_load %arg10[%get3A_1139, %get3A_1140] {strides = array<i32>} : memref<96x128xf32, #tpu.memory_space<vmem>>, vector<1x16xf32>,
    %get3A_1142 = vector.shape_cast %get3A_1141 : vector<1x16xf32> to vector<16xf32>
    %add3A_1143 = arith.addf %get3A_1137, %get3A_1142 : vector<16xf32>
    %swap3A_1144 = arith.constant 28 : i32
    %swap3A_1145 = arith.index_cast %swap3A_1144 : i32 to index
    %swap3A_1146 = arith.constant 16 : index
    %swap3A_1147 = tpu.vector_load %arg9[%swap3A_1145, %swap3A_1146] {strides = array<i32>} : memref<96x128xf32, #tpu.memory_space<vmem>>, vector<1x16xf32>,
    %swap3A_1148 = vector.shape_cast %swap3A_1147 : vector<1x16xf32> to vector<16xf32>
    %swap3A_1149 = vector.shape_cast %add3A_1143 : vector<16xf32> to vector<1x16xf32>
    tpu.vector_store %arg9[%swap3A_1145, %swap3A_1146], %swap3A_1149 {strides = array<i32>} : memref<96x128xf32, #tpu.memory_space<vmem>>, vector<1x16xf32>,
    %get3A_1150 = arith.constant 29 : i32
    %get3A_1151 = arith.index_cast %get3A_1150 : i32 to index
    %get3A_1152 = arith.constant 0 : index
    %get3A_1153 = tpu.vector_load %arg9[%get3A_1151, %get3A_1152] {strides = array<i32>} : memref<96x128xf32, #tpu.memory_space<vmem>>, vector<1x16xf32>,
    %get3A_1154 = vector.shape_cast %get3A_1153 : vector<1x16xf32> to vector<16xf32>
    %get3A_1155 = arith.constant 29 : i32
    %get3A_1156 = arith.index_cast %get3A_1155 : i32 to index
    %get3A_1157 = arith.constant 0 : index
    %get3A_1158 = tpu.vector_load %arg10[%get3A_1156, %get3A_1157] {strides = array<i32>} : memref<96x128xf32, #tpu.memory_space<vmem>>, vector<1x16xf32>,
    %get3A_1159 = vector.shape_cast %get3A_1158 : vector<1x16xf32> to vector<16xf32>
    %add3A_1160 = arith.addf %get3A_1154, %get3A_1159 : vector<16xf32>
    %swap3A_1161 = arith.constant 29 : i32
    %swap3A_1162 = arith.index_cast %swap3A_1161 : i32 to index
    %swap3A_1163 = arith.constant 0 : index
    %swap3A_1164 = tpu.vector_load %arg9[%swap3A_1162, %swap3A_1163] {strides = array<i32>} : memref<96x128xf32, #tpu.memory_space<vmem>>, vector<1x16xf32>,
    %swap3A_1165 = vector.shape_cast %swap3A_1164 : vector<1x16xf32> to vector<16xf32>
    %swap3A_1166 = vector.shape_cast %add3A_1160 : vector<16xf32> to vector<1x16xf32>
    tpu.vector_store %arg9[%swap3A_1162, %swap3A_1163], %swap3A_1166 {strides = array<i32>} : memref<96x128xf32, #tpu.memory_space<vmem>>, vector<1x16xf32>,
    %get3A_1167 = arith.constant 29 : i32
    %get3A_1168 = arith.index_cast %get3A_1167 : i32 to index
    %get3A_1169 = arith.constant 16 : index
    %get3A_1170 = tpu.vector_load %arg9[%get3A_1168, %get3A_1169] {strides = array<i32>} : memref<96x128xf32, #tpu.memory_space<vmem>>, vector<1x16xf32>,
    %get3A_1171 = vector.shape_cast %get3A_1170 : vector<1x16xf32> to vector<16xf32>
    %get3A_1172 = arith.constant 29 : i32
    %get3A_1173 = arith.index_cast %get3A_1172 : i32 to index
    %get3A_1174 = arith.constant 16 : index
    %get3A_1175 = tpu.vector_load %arg10[%get3A_1173, %get3A_1174] {strides = array<i32>} : memref<96x128xf32, #tpu.memory_space<vmem>>, vector<1x16xf32>,
    %get3A_1176 = vector.shape_cast %get3A_1175 : vector<1x16xf32> to vector<16xf32>
    %add3A_1177 = arith.addf %get3A_1171, %get3A_1176 : vector<16xf32>
    %swap3A_1178 = arith.constant 29 : i32
    %swap3A_1179 = arith.index_cast %swap3A_1178 : i32 to index
    %swap3A_1180 = arith.constant 16 : index
    %swap3A_1181 = tpu.vector_load %arg9[%swap3A_1179, %swap3A_1180] {strides = array<i32>} : memref<96x128xf32, #tpu.memory_space<vmem>>, vector<1x16xf32>,
    %swap3A_1182 = vector.shape_cast %swap3A_1181 : vector<1x16xf32> to vector<16xf32>
    %swap3A_1183 = vector.shape_cast %add3A_1177 : vector<16xf32> to vector<1x16xf32>
    tpu.vector_store %arg9[%swap3A_1179, %swap3A_1180], %swap3A_1183 {strides = array<i32>} : memref<96x128xf32, #tpu.memory_space<vmem>>, vector<1x16xf32>,
    %get3A_1184 = arith.constant 30 : i32
    %get3A_1185 = arith.index_cast %get3A_1184 : i32 to index
    %get3A_1186 = arith.constant 0 : index
    %get3A_1187 = tpu.vector_load %arg9[%get3A_1185, %get3A_1186] {strides = array<i32>} : memref<96x128xf32, #tpu.memory_space<vmem>>, vector<1x16xf32>,
    %get3A_1188 = vector.shape_cast %get3A_1187 : vector<1x16xf32> to vector<16xf32>
    %get3A_1189 = arith.constant 30 : i32
    %get3A_1190 = arith.index_cast %get3A_1189 : i32 to index
    %get3A_1191 = arith.constant 0 : index
    %get3A_1192 = tpu.vector_load %arg10[%get3A_1190, %get3A_1191] {strides = array<i32>} : memref<96x128xf32, #tpu.memory_space<vmem>>, vector<1x16xf32>,
    %get3A_1193 = vector.shape_cast %get3A_1192 : vector<1x16xf32> to vector<16xf32>
    %add3A_1194 = arith.addf %get3A_1188, %get3A_1193 : vector<16xf32>
    %swap3A_1195 = arith.constant 30 : i32
    %swap3A_1196 = arith.index_cast %swap3A_1195 : i32 to index
    %swap3A_1197 = arith.constant 0 : index
    %swap3A_1198 = tpu.vector_load %arg9[%swap3A_1196, %swap3A_1197] {strides = array<i32>} : memref<96x128xf32, #tpu.memory_space<vmem>>, vector<1x16xf32>,
    %swap3A_1199 = vector.shape_cast %swap3A_1198 : vector<1x16xf32> to vector<16xf32>
    %swap3A_1200 = vector.shape_cast %add3A_1194 : vector<16xf32> to vector<1x16xf32>
    tpu.vector_store %arg9[%swap3A_1196, %swap3A_1197], %swap3A_1200 {strides = array<i32>} : memref<96x128xf32, #tpu.memory_space<vmem>>, vector<1x16xf32>,
    %get3A_1201 = arith.constant 30 : i32
    %get3A_1202 = arith.index_cast %get3A_1201 : i32 to index
    %get3A_1203 = arith.constant 16 : index
    %get3A_1204 = tpu.vector_load %arg9[%get3A_1202, %get3A_1203] {strides = array<i32>} : memref<96x128xf32, #tpu.memory_space<vmem>>, vector<1x16xf32>,
    %get3A_1205 = vector.shape_cast %get3A_1204 : vector<1x16xf32> to vector<16xf32>
    %get3A_1206 = arith.constant 30 : i32
    %get3A_1207 = arith.index_cast %get3A_1206 : i32 to index
    %get3A_1208 = arith.constant 16 : index
    %get3A_1209 = tpu.vector_load %arg10[%get3A_1207, %get3A_1208] {strides = array<i32>} : memref<96x128xf32, #tpu.memory_space<vmem>>, vector<1x16xf32>,
    %get3A_1210 = vector.shape_cast %get3A_1209 : vector<1x16xf32> to vector<16xf32>
    %add3A_1211 = arith.addf %get3A_1205, %get3A_1210 : vector<16xf32>
    %swap3A_1212 = arith.constant 30 : i32
    %swap3A_1213 = arith.index_cast %swap3A_1212 : i32 to index
    %swap3A_1214 = arith.constant 16 : index
    %swap3A_1215 = tpu.vector_load %arg9[%swap3A_1213, %swap3A_1214] {strides = array<i32>} : memref<96x128xf32, #tpu.memory_space<vmem>>, vector<1x16xf32>,
    %swap3A_1216 = vector.shape_cast %swap3A_1215 : vector<1x16xf32> to vector<16xf32>
    %swap3A_1217 = vector.shape_cast %add3A_1211 : vector<16xf32> to vector<1x16xf32>
    tpu.vector_store %arg9[%swap3A_1213, %swap3A_1214], %swap3A_1217 {strides = array<i32>} : memref<96x128xf32, #tpu.memory_space<vmem>>, vector<1x16xf32>,
    %get3A_1218 = arith.constant 31 : i32
    %get3A_1219 = arith.index_cast %get3A_1218 : i32 to index
    %get3A_1220 = arith.constant 0 : index
    %get3A_1221 = tpu.vector_load %arg9[%get3A_1219, %get3A_1220] {strides = array<i32>} : memref<96x128xf32, #tpu.memory_space<vmem>>, vector<1x16xf32>,
    %get3A_1222 = vector.shape_cast %get3A_1221 : vector<1x16xf32> to vector<16xf32>
    %get3A_1223 = arith.constant 31 : i32
    %get3A_1224 = arith.index_cast %get3A_1223 : i32 to index
    %get3A_1225 = arith.constant 0 : index
    %get3A_1226 = tpu.vector_load %arg10[%get3A_1224, %get3A_1225] {strides = array<i32>} : memref<96x128xf32, #tpu.memory_space<vmem>>, vector<1x16xf32>,
    %get3A_1227 = vector.shape_cast %get3A_1226 : vector<1x16xf32> to vector<16xf32>
    %add3A_1228 = arith.addf %get3A_1222, %get3A_1227 : vector<16xf32>
    %swap3A_1229 = arith.constant 31 : i32
    %swap3A_1230 = arith.index_cast %swap3A_1229 : i32 to index
    %swap3A_1231 = arith.constant 0 : index
    %swap3A_1232 = tpu.vector_load %arg9[%swap3A_1230, %swap3A_1231] {strides = array<i32>} : memref<96x128xf32, #tpu.memory_space<vmem>>, vector<1x16xf32>,
    %swap3A_1233 = vector.shape_cast %swap3A_1232 : vector<1x16xf32> to vector<16xf32>
    %swap3A_1234 = vector.shape_cast %add3A_1228 : vector<16xf32> to vector<1x16xf32>
    tpu.vector_store %arg9[%swap3A_1230, %swap3A_1231], %swap3A_1234 {strides = array<i32>} : memref<96x128xf32, #tpu.memory_space<vmem>>, vector<1x16xf32>,
    %get3A_1235 = arith.constant 31 : i32
    %get3A_1236 = arith.index_cast %get3A_1235 : i32 to index
    %get3A_1237 = arith.constant 16 : index
    %get3A_1238 = tpu.vector_load %arg9[%get3A_1236, %get3A_1237] {strides = array<i32>} : memref<96x128xf32, #tpu.memory_space<vmem>>, vector<1x16xf32>,
    %get3A_1239 = vector.shape_cast %get3A_1238 : vector<1x16xf32> to vector<16xf32>
    %get3A_1240 = arith.constant 31 : i32
    %get3A_1241 = arith.index_cast %get3A_1240 : i32 to index
    %get3A_1242 = arith.constant 16 : index
    %get3A_1243 = tpu.vector_load %arg10[%get3A_1241, %get3A_1242] {strides = array<i32>} : memref<96x128xf32, #tpu.memory_space<vmem>>, vector<1x16xf32>,
    %get3A_1244 = vector.shape_cast %get3A_1243 : vector<1x16xf32> to vector<16xf32>
    %add3A_1245 = arith.addf %get3A_1239, %get3A_1244 : vector<16xf32>
    %swap3A_1246 = arith.constant 31 : i32
    %swap3A_1247 = arith.index_cast %swap3A_1246 : i32 to index
    %swap3A_1248 = arith.constant 16 : index
    %swap3A_1249 = tpu.vector_load %arg9[%swap3A_1247, %swap3A_1248] {strides = array<i32>} : memref<96x128xf32, #tpu.memory_space<vmem>>, vector<1x16xf32>,
    %swap3A_1250 = vector.shape_cast %swap3A_1249 : vector<1x16xf32> to vector<16xf32>
    %swap3A_1251 = vector.shape_cast %add3A_1245 : vector<16xf32> to vector<1x16xf32>
    tpu.vector_store %arg9[%swap3A_1247, %swap3A_1248], %swap3A_1251 {strides = array<i32>} : memref<96x128xf32, #tpu.memory_space<vmem>>, vector<1x16xf32>,
    %get3A_1252 = arith.constant 32 : i32
    %get3A_1253 = arith.index_cast %get3A_1252 : i32 to index
    %get3A_1254 = arith.constant 0 : index
    %get3A_1255 = tpu.vector_load %arg9[%get3A_1253, %get3A_1254] {strides = array<i32>} : memref<96x128xf32, #tpu.memory_space<vmem>>, vector<1x16xf32>,
    %get3A_1256 = vector.shape_cast %get3A_1255 : vector<1x16xf32> to vector<16xf32>
    %get3A_1257 = arith.constant 32 : i32
    %get3A_1258 = arith.index_cast %get3A_1257 : i32 to index
    %get3A_1259 = arith.constant 0 : index
    %get3A_1260 = tpu.vector_load %arg10[%get3A_1258, %get3A_1259] {strides = array<i32>} : memref<96x128xf32, #tpu.memory_space<vmem>>, vector<1x16xf32>,
    %get3A_1261 = vector.shape_cast %get3A_1260 : vector<1x16xf32> to vector<16xf32>
    %add3A_1262 = arith.addf %get3A_1256, %get3A_1261 : vector<16xf32>
    %swap3A_1263 = arith.constant 32 : i32
    %swap3A_1264 = arith.index_cast %swap3A_1263 : i32 to index
    %swap3A_1265 = arith.constant 0 : index
    %swap3A_1266 = tpu.vector_load %arg9[%swap3A_1264, %swap3A_1265] {strides = array<i32>} : memref<96x128xf32, #tpu.memory_space<vmem>>, vector<1x16xf32>,
    %swap3A_1267 = vector.shape_cast %swap3A_1266 : vector<1x16xf32> to vector<16xf32>
    %swap3A_1268 = vector.shape_cast %add3A_1262 : vector<16xf32> to vector<1x16xf32>
    tpu.vector_store %arg9[%swap3A_1264, %swap3A_1265], %swap3A_1268 {strides = array<i32>} : memref<96x128xf32, #tpu.memory_space<vmem>>, vector<1x16xf32>,
    %get3A_1269 = arith.constant 32 : i32
    %get3A_1270 = arith.index_cast %get3A_1269 : i32 to index
    %get3A_1271 = arith.constant 16 : index
    %get3A_1272 = tpu.vector_load %arg9[%get3A_1270, %get3A_1271] {strides = array<i32>} : memref<96x128xf32, #tpu.memory_space<vmem>>, vector<1x16xf32>,
    %get3A_1273 = vector.shape_cast %get3A_1272 : vector<1x16xf32> to vector<16xf32>
    %get3A_1274 = arith.constant 32 : i32
    %get3A_1275 = arith.index_cast %get3A_1274 : i32 to index
    %get3A_1276 = arith.constant 16 : index
    %get3A_1277 = tpu.vector_load %arg10[%get3A_1275, %get3A_1276] {strides = array<i32>} : memref<96x128xf32, #tpu.memory_space<vmem>>, vector<1x16xf32>,
    %get3A_1278 = vector.shape_cast %get3A_1277 : vector<1x16xf32> to vector<16xf32>
    %add3A_1279 = arith.addf %get3A_1273, %get3A_1278 : vector<16xf32>
    %swap3A_1280 = arith.constant 32 : i32
    %swap3A_1281 = arith.index_cast %swap3A_1280 : i32 to index
    %swap3A_1282 = arith.constant 16 : index
    %swap3A_1283 = tpu.vector_load %arg9[%swap3A_1281, %swap3A_1282] {strides = array<i32>} : memref<96x128xf32, #tpu.memory_space<vmem>>, vector<1x16xf32>,
    %swap3A_1284 = vector.shape_cast %swap3A_1283 : vector<1x16xf32> to vector<16xf32>
    %swap3A_1285 = vector.shape_cast %add3A_1279 : vector<16xf32> to vector<1x16xf32>
    tpu.vector_store %arg9[%swap3A_1281, %swap3A_1282], %swap3A_1285 {strides = array<i32>} : memref<96x128xf32, #tpu.memory_space<vmem>>, vector<1x16xf32>,
    %get3A_1286 = arith.constant 33 : i32
    %get3A_1287 = arith.index_cast %get3A_1286 : i32 to index
    %get3A_1288 = arith.constant 0 : index
    %get3A_1289 = tpu.vector_load %arg9[%get3A_1287, %get3A_1288] {strides = array<i32>} : memref<96x128xf32, #tpu.memory_space<vmem>>, vector<1x16xf32>,
    %get3A_1290 = vector.shape_cast %get3A_1289 : vector<1x16xf32> to vector<16xf32>
    %get3A_1291 = arith.constant 33 : i32
    %get3A_1292 = arith.index_cast %get3A_1291 : i32 to index
    %get3A_1293 = arith.constant 0 : index
    %get3A_1294 = tpu.vector_load %arg10[%get3A_1292, %get3A_1293] {strides = array<i32>} : memref<96x128xf32, #tpu.memory_space<vmem>>, vector<1x16xf32>,
    %get3A_1295 = vector.shape_cast %get3A_1294 : vector<1x16xf32> to vector<16xf32>
    %add3A_1296 = arith.addf %get3A_1290, %get3A_1295 : vector<16xf32>
    %swap3A_1297 = arith.constant 33 : i32
    %swap3A_1298 = arith.index_cast %swap3A_1297 : i32 to index
    %swap3A_1299 = arith.constant 0 : index
    %swap3A_1300 = tpu.vector_load %arg9[%swap3A_1298, %swap3A_1299] {strides = array<i32>} : memref<96x128xf32, #tpu.memory_space<vmem>>, vector<1x16xf32>,
    %swap3A_1301 = vector.shape_cast %swap3A_1300 : vector<1x16xf32> to vector<16xf32>
    %swap3A_1302 = vector.shape_cast %add3A_1296 : vector<16xf32> to vector<1x16xf32>
    tpu.vector_store %arg9[%swap3A_1298, %swap3A_1299], %swap3A_1302 {strides = array<i32>} : memref<96x128xf32, #tpu.memory_space<vmem>>, vector<1x16xf32>,
    %get3A_1303 = arith.constant 33 : i32
    %get3A_1304 = arith.index_cast %get3A_1303 : i32 to index
    %get3A_1305 = arith.constant 16 : index
    %get3A_1306 = tpu.vector_load %arg9[%get3A_1304, %get3A_1305] {strides = array<i32>} : memref<96x128xf32, #tpu.memory_space<vmem>>, vector<1x16xf32>,
    %get3A_1307 = vector.shape_cast %get3A_1306 : vector<1x16xf32> to vector<16xf32>
    %get3A_1308 = arith.constant 33 : i32
    %get3A_1309 = arith.index_cast %get3A_1308 : i32 to index
    %get3A_1310 = arith.constant 16 : index
    %get3A_1311 = tpu.vector_load %arg10[%get3A_1309, %get3A_1310] {strides = array<i32>} : memref<96x128xf32, #tpu.memory_space<vmem>>, vector<1x16xf32>,
    %get3A_1312 = vector.shape_cast %get3A_1311 : vector<1x16xf32> to vector<16xf32>
    %add3A_1313 = arith.addf %get3A_1307, %get3A_1312 : vector<16xf32>
    %swap3A_1314 = arith.constant 33 : i32
    %swap3A_1315 = arith.index_cast %swap3A_1314 : i32 to index
    %swap3A_1316 = arith.constant 16 : index
    %swap3A_1317 = tpu.vector_load %arg9[%swap3A_1315, %swap3A_1316] {strides = array<i32>} : memref<96x128xf32, #tpu.memory_space<vmem>>, vector<1x16xf32>,
    %swap3A_1318 = vector.shape_cast %swap3A_1317 : vector<1x16xf32> to vector<16xf32>
    %swap3A_1319 = vector.shape_cast %add3A_1313 : vector<16xf32> to vector<1x16xf32>
    tpu.vector_store %arg9[%swap3A_1315, %swap3A_1316], %swap3A_1319 {strides = array<i32>} : memref<96x128xf32, #tpu.memory_space<vmem>>, vector<1x16xf32>,
    %get3A_1320 = arith.constant 34 : i32
    %get3A_1321 = arith.index_cast %get3A_1320 : i32 to index
    %get3A_1322 = arith.constant 0 : index
    %get3A_1323 = tpu.vector_load %arg9[%get3A_1321, %get3A_1322] {strides = array<i32>} : memref<96x128xf32, #tpu.memory_space<vmem>>, vector<1x16xf32>,
    %get3A_1324 = vector.shape_cast %get3A_1323 : vector<1x16xf32> to vector<16xf32>
    %get3A_1325 = arith.constant 34 : i32
    %get3A_1326 = arith.index_cast %get3A_1325 : i32 to index
    %get3A_1327 = arith.constant 0 : index
    %get3A_1328 = tpu.vector_load %arg10[%get3A_1326, %get3A_1327] {strides = array<i32>} : memref<96x128xf32, #tpu.memory_space<vmem>>, vector<1x16xf32>,
    %get3A_1329 = vector.shape_cast %get3A_1328 : vector<1x16xf32> to vector<16xf32>
    %add3A_1330 = arith.addf %get3A_1324, %get3A_1329 : vector<16xf32>
    %swap3A_1331 = arith.constant 34 : i32
    %swap3A_1332 = arith.index_cast %swap3A_1331 : i32 to index
    %swap3A_1333 = arith.constant 0 : index
    %swap3A_1334 = tpu.vector_load %arg9[%swap3A_1332, %swap3A_1333] {strides = array<i32>} : memref<96x128xf32, #tpu.memory_space<vmem>>, vector<1x16xf32>,
    %swap3A_1335 = vector.shape_cast %swap3A_1334 : vector<1x16xf32> to vector<16xf32>
    %swap3A_1336 = vector.shape_cast %add3A_1330 : vector<16xf32> to vector<1x16xf32>
    tpu.vector_store %arg9[%swap3A_1332, %swap3A_1333], %swap3A_1336 {strides = array<i32>} : memref<96x128xf32, #tpu.memory_space<vmem>>, vector<1x16xf32>,
    %get3A_1337 = arith.constant 34 : i32
    %get3A_1338 = arith.index_cast %get3A_1337 : i32 to index
    %get3A_1339 = arith.constant 16 : index
    %get3A_1340 = tpu.vector_load %arg9[%get3A_1338, %get3A_1339] {strides = array<i32>} : memref<96x128xf32, #tpu.memory_space<vmem>>, vector<1x16xf32>,
    %get3A_1341 = vector.shape_cast %get3A_1340 : vector<1x16xf32> to vector<16xf32>
    %get3A_1342 = arith.constant 34 : i32
    %get3A_1343 = arith.index_cast %get3A_1342 : i32 to index
    %get3A_1344 = arith.constant 16 : index
    %get3A_1345 = tpu.vector_load %arg10[%get3A_1343, %get3A_1344] {strides = array<i32>} : memref<96x128xf32, #tpu.memory_space<vmem>>, vector<1x16xf32>,
    %get3A_1346 = vector.shape_cast %get3A_1345 : vector<1x16xf32> to vector<16xf32>
    %add3A_1347 = arith.addf %get3A_1341, %get3A_1346 : vector<16xf32>
    %swap3A_1348 = arith.constant 34 : i32
    %swap3A_1349 = arith.index_cast %swap3A_1348 : i32 to index
    %swap3A_1350 = arith.constant 16 : index
    %swap3A_1351 = tpu.vector_load %arg9[%swap3A_1349, %swap3A_1350] {strides = array<i32>} : memref<96x128xf32, #tpu.memory_space<vmem>>, vector<1x16xf32>,
    %swap3A_1352 = vector.shape_cast %swap3A_1351 : vector<1x16xf32> to vector<16xf32>
    %swap3A_1353 = vector.shape_cast %add3A_1347 : vector<16xf32> to vector<1x16xf32>
    tpu.vector_store %arg9[%swap3A_1349, %swap3A_1350], %swap3A_1353 {strides = array<i32>} : memref<96x128xf32, #tpu.memory_space<vmem>>, vector<1x16xf32>,
    %get3A_1354 = arith.constant 35 : i32
    %get3A_1355 = arith.index_cast %get3A_1354 : i32 to index
    %get3A_1356 = arith.constant 0 : index
    %get3A_1357 = tpu.vector_load %arg9[%get3A_1355, %get3A_1356] {strides = array<i32>} : memref<96x128xf32, #tpu.memory_space<vmem>>, vector<1x16xf32>,
    %get3A_1358 = vector.shape_cast %get3A_1357 : vector<1x16xf32> to vector<16xf32>
    %get3A_1359 = arith.constant 35 : i32
    %get3A_1360 = arith.index_cast %get3A_1359 : i32 to index
    %get3A_1361 = arith.constant 0 : index
    %get3A_1362 = tpu.vector_load %arg10[%get3A_1360, %get3A_1361] {strides = array<i32>} : memref<96x128xf32, #tpu.memory_space<vmem>>, vector<1x16xf32>,
    %get3A_1363 = vector.shape_cast %get3A_1362 : vector<1x16xf32> to vector<16xf32>
    %add3A_1364 = arith.addf %get3A_1358, %get3A_1363 : vector<16xf32>
    %swap3A_1365 = arith.constant 35 : i32
    %swap3A_1366 = arith.index_cast %swap3A_1365 : i32 to index
    %swap3A_1367 = arith.constant 0 : index
    %swap3A_1368 = tpu.vector_load %arg9[%swap3A_1366, %swap3A_1367] {strides = array<i32>} : memref<96x128xf32, #tpu.memory_space<vmem>>, vector<1x16xf32>,
    %swap3A_1369 = vector.shape_cast %swap3A_1368 : vector<1x16xf32> to vector<16xf32>
    %swap3A_1370 = vector.shape_cast %add3A_1364 : vector<16xf32> to vector<1x16xf32>
    tpu.vector_store %arg9[%swap3A_1366, %swap3A_1367], %swap3A_1370 {strides = array<i32>} : memref<96x128xf32, #tpu.memory_space<vmem>>, vector<1x16xf32>,
    %get3A_1371 = arith.constant 35 : i32
    %get3A_1372 = arith.index_cast %get3A_1371 : i32 to index
    %get3A_1373 = arith.constant 16 : index
    %get3A_1374 = tpu.vector_load %arg9[%get3A_1372, %get3A_1373] {strides = array<i32>} : memref<96x128xf32, #tpu.memory_space<vmem>>, vector<1x16xf32>,
    %get3A_1375 = vector.shape_cast %get3A_1374 : vector<1x16xf32> to vector<16xf32>
    %get3A_1376 = arith.constant 35 : i32
    %get3A_1377 = arith.index_cast %get3A_1376 : i32 to index
    %get3A_1378 = arith.constant 16 : index
    %get3A_1379 = tpu.vector_load %arg10[%get3A_1377, %get3A_1378] {strides = array<i32>} : memref<96x128xf32, #tpu.memory_space<vmem>>, vector<1x16xf32>,
    %get3A_1380 = vector.shape_cast %get3A_1379 : vector<1x16xf32> to vector<16xf32>
    %add3A_1381 = arith.addf %get3A_1375, %get3A_1380 : vector<16xf32>
    %swap3A_1382 = arith.constant 35 : i32
    %swap3A_1383 = arith.index_cast %swap3A_1382 : i32 to index
    %swap3A_1384 = arith.constant 16 : index
    %swap3A_1385 = tpu.vector_load %arg9[%swap3A_1383, %swap3A_1384] {strides = array<i32>} : memref<96x128xf32, #tpu.memory_space<vmem>>, vector<1x16xf32>,
    %swap3A_1386 = vector.shape_cast %swap3A_1385 : vector<1x16xf32> to vector<16xf32>
    %swap3A_1387 = vector.shape_cast %add3A_1381 : vector<16xf32> to vector<1x16xf32>
    tpu.vector_store %arg9[%swap3A_1383, %swap3A_1384], %swap3A_1387 {strides = array<i32>} : memref<96x128xf32, #tpu.memory_space<vmem>>, vector<1x16xf32>,
    %get3A_1388 = arith.constant 36 : i32
    %get3A_1389 = arith.index_cast %get3A_1388 : i32 to index
    %get3A_1390 = arith.constant 0 : index
    %get3A_1391 = tpu.vector_load %arg9[%get3A_1389, %get3A_1390] {strides = array<i32>} : memref<96x128xf32, #tpu.memory_space<vmem>>, vector<1x16xf32>,
    %get3A_1392 = vector.shape_cast %get3A_1391 : vector<1x16xf32> to vector<16xf32>
    %get3A_1393 = arith.constant 36 : i32
    %get3A_1394 = arith.index_cast %get3A_1393 : i32 to index
    %get3A_1395 = arith.constant 0 : index
    %get3A_1396 = tpu.vector_load %arg10[%get3A_1394, %get3A_1395] {strides = array<i32>} : memref<96x128xf32, #tpu.memory_space<vmem>>, vector<1x16xf32>,
    %get3A_1397 = vector.shape_cast %get3A_1396 : vector<1x16xf32> to vector<16xf32>
    %add3A_1398 = arith.addf %get3A_1392, %get3A_1397 : vector<16xf32>
    %swap3A_1399 = arith.constant 36 : i32
    %swap3A_1400 = arith.index_cast %swap3A_1399 : i32 to index
    %swap3A_1401 = arith.constant 0 : index
    %swap3A_1402 = tpu.vector_load %arg9[%swap3A_1400, %swap3A_1401] {strides = array<i32>} : memref<96x128xf32, #tpu.memory_space<vmem>>, vector<1x16xf32>,
    %swap3A_1403 = vector.shape_cast %swap3A_1402 : vector<1x16xf32> to vector<16xf32>
    %swap3A_1404 = vector.shape_cast %add3A_1398 : vector<16xf32> to vector<1x16xf32>
    tpu.vector_store %arg9[%swap3A_1400, %swap3A_1401], %swap3A_1404 {strides = array<i32>} : memref<96x128xf32, #tpu.memory_space<vmem>>, vector<1x16xf32>,
    %get3A_1405 = arith.constant 36 : i32
    %get3A_1406 = arith.index_cast %get3A_1405 : i32 to index
    %get3A_1407 = arith.constant 16 : index
    %get3A_1408 = tpu.vector_load %arg9[%get3A_1406, %get3A_1407] {strides = array<i32>} : memref<96x128xf32, #tpu.memory_space<vmem>>, vector<1x16xf32>,
    %get3A_1409 = vector.shape_cast %get3A_1408 : vector<1x16xf32> to vector<16xf32>
    %get3A_1410 = arith.constant 36 : i32
    %get3A_1411 = arith.index_cast %get3A_1410 : i32 to index
    %get3A_1412 = arith.constant 16 : index
    %get3A_1413 = tpu.vector_load %arg10[%get3A_1411, %get3A_1412] {strides = array<i32>} : memref<96x128xf32, #tpu.memory_space<vmem>>, vector<1x16xf32>,
    %get3A_1414 = vector.shape_cast %get3A_1413 : vector<1x16xf32> to vector<16xf32>
    %add3A_1415 = arith.addf %get3A_1409, %get3A_1414 : vector<16xf32>
    %swap3A_1416 = arith.constant 36 : i32
    %swap3A_1417 = arith.index_cast %swap3A_1416 : i32 to index
    %swap3A_1418 = arith.constant 16 : index
    %swap3A_1419 = tpu.vector_load %arg9[%swap3A_1417, %swap3A_1418] {strides = array<i32>} : memref<96x128xf32, #tpu.memory_space<vmem>>, vector<1x16xf32>,
    %swap3A_1420 = vector.shape_cast %swap3A_1419 : vector<1x16xf32> to vector<16xf32>
    %swap3A_1421 = vector.shape_cast %add3A_1415 : vector<16xf32> to vector<1x16xf32>
    tpu.vector_store %arg9[%swap3A_1417, %swap3A_1418], %swap3A_1421 {strides = array<i32>} : memref<96x128xf32, #tpu.memory_space<vmem>>, vector<1x16xf32>,
    %get3A_1422 = arith.constant 37 : i32
    %get3A_1423 = arith.index_cast %get3A_1422 : i32 to index
    %get3A_1424 = arith.constant 0 : index
    %get3A_1425 = tpu.vector_load %arg9[%get3A_1423, %get3A_1424] {strides = array<i32>} : memref<96x128xf32, #tpu.memory_space<vmem>>, vector<1x16xf32>,
    %get3A_1426 = vector.shape_cast %get3A_1425 : vector<1x16xf32> to vector<16xf32>
    %get3A_1427 = arith.constant 37 : i32
    %get3A_1428 = arith.index_cast %get3A_1427 : i32 to index
    %get3A_1429 = arith.constant 0 : index
    %get3A_1430 = tpu.vector_load %arg10[%get3A_1428, %get3A_1429] {strides = array<i32>} : memref<96x128xf32, #tpu.memory_space<vmem>>, vector<1x16xf32>,
    %get3A_1431 = vector.shape_cast %get3A_1430 : vector<1x16xf32> to vector<16xf32>
    %add3A_1432 = arith.addf %get3A_1426, %get3A_1431 : vector<16xf32>
    %swap3A_1433 = arith.constant 37 : i32
    %swap3A_1434 = arith.index_cast %swap3A_1433 : i32 to index
    %swap3A_1435 = arith.constant 0 : index
    %swap3A_1436 = tpu.vector_load %arg9[%swap3A_1434, %swap3A_1435] {strides = array<i32>} : memref<96x128xf32, #tpu.memory_space<vmem>>, vector<1x16xf32>,
    %swap3A_1437 = vector.shape_cast %swap3A_1436 : vector<1x16xf32> to vector<16xf32>
    %swap3A_1438 = vector.shape_cast %add3A_1432 : vector<16xf32> to vector<1x16xf32>
    tpu.vector_store %arg9[%swap3A_1434, %swap3A_1435], %swap3A_1438 {strides = array<i32>} : memref<96x128xf32, #tpu.memory_space<vmem>>, vector<1x16xf32>,
    %get3A_1439 = arith.constant 37 : i32
    %get3A_1440 = arith.index_cast %get3A_1439 : i32 to index
    %get3A_1441 = arith.constant 16 : index
    %get3A_1442 = tpu.vector_load %arg9[%get3A_1440, %get3A_1441] {strides = array<i32>} : memref<96x128xf32, #tpu.memory_space<vmem>>, vector<1x16xf32>,
    %get3A_1443 = vector.shape_cast %get3A_1442 : vector<1x16xf32> to vector<16xf32>
    %get3A_1444 = arith.constant 37 : i32
    %get3A_1445 = arith.index_cast %get3A_1444 : i32 to index
    %get3A_1446 = arith.constant 16 : index
    %get3A_1447 = tpu.vector_load %arg10[%get3A_1445, %get3A_1446] {strides = array<i32>} : memref<96x128xf32, #tpu.memory_space<vmem>>, vector<1x16xf32>,
    %get3A_1448 = vector.shape_cast %get3A_1447 : vector<1x16xf32> to vector<16xf32>
    %add3A_1449 = arith.addf %get3A_1443, %get3A_1448 : vector<16xf32>
    %swap3A_1450 = arith.constant 37 : i32
    %swap3A_1451 = arith.index_cast %swap3A_1450 : i32 to index
    %swap3A_1452 = arith.constant 16 : index
    %swap3A_1453 = tpu.vector_load %arg9[%swap3A_1451, %swap3A_1452] {strides = array<i32>} : memref<96x128xf32, #tpu.memory_space<vmem>>, vector<1x16xf32>,
    %swap3A_1454 = vector.shape_cast %swap3A_1453 : vector<1x16xf32> to vector<16xf32>
    %swap3A_1455 = vector.shape_cast %add3A_1449 : vector<16xf32> to vector<1x16xf32>
    tpu.vector_store %arg9[%swap3A_1451, %swap3A_1452], %swap3A_1455 {strides = array<i32>} : memref<96x128xf32, #tpu.memory_space<vmem>>, vector<1x16xf32>,
    %get3A_1456 = arith.constant 38 : i32
    %get3A_1457 = arith.index_cast %get3A_1456 : i32 to index
    %get3A_1458 = arith.constant 0 : index
    %get3A_1459 = tpu.vector_load %arg9[%get3A_1457, %get3A_1458] {strides = array<i32>} : memref<96x128xf32, #tpu.memory_space<vmem>>, vector<1x16xf32>,
    %get3A_1460 = vector.shape_cast %get3A_1459 : vector<1x16xf32> to vector<16xf32>
    %get3A_1461 = arith.constant 38 : i32
    %get3A_1462 = arith.index_cast %get3A_1461 : i32 to index
    %get3A_1463 = arith.constant 0 : index
    %get3A_1464 = tpu.vector_load %arg10[%get3A_1462, %get3A_1463] {strides = array<i32>} : memref<96x128xf32, #tpu.memory_space<vmem>>, vector<1x16xf32>,
    %get3A_1465 = vector.shape_cast %get3A_1464 : vector<1x16xf32> to vector<16xf32>
    %add3A_1466 = arith.addf %get3A_1460, %get3A_1465 : vector<16xf32>
    %swap3A_1467 = arith.constant 38 : i32
    %swap3A_1468 = arith.index_cast %swap3A_1467 : i32 to index
    %swap3A_1469 = arith.constant 0 : index
    %swap3A_1470 = tpu.vector_load %arg9[%swap3A_1468, %swap3A_1469] {strides = array<i32>} : memref<96x128xf32, #tpu.memory_space<vmem>>, vector<1x16xf32>,
    %swap3A_1471 = vector.shape_cast %swap3A_1470 : vector<1x16xf32> to vector<16xf32>
    %swap3A_1472 = vector.shape_cast %add3A_1466 : vector<16xf32> to vector<1x16xf32>
    tpu.vector_store %arg9[%swap3A_1468, %swap3A_1469], %swap3A_1472 {strides = array<i32>} : memref<96x128xf32, #tpu.memory_space<vmem>>, vector<1x16xf32>,
    %get3A_1473 = arith.constant 38 : i32
    %get3A_1474 = arith.index_cast %get3A_1473 : i32 to index
    %get3A_1475 = arith.constant 16 : index
    %get3A_1476 = tpu.vector_load %arg9[%get3A_1474, %get3A_1475] {strides = array<i32>} : memref<96x128xf32, #tpu.memory_space<vmem>>, vector<1x16xf32>,
    %get3A_1477 = vector.shape_cast %get3A_1476 : vector<1x16xf32> to vector<16xf32>
    %get3A_1478 = arith.constant 38 : i32
    %get3A_1479 = arith.index_cast %get3A_1478 : i32 to index
    %get3A_1480 = arith.constant 16 : index
    %get3A_1481 = tpu.vector_load %arg10[%get3A_1479, %get3A_1480] {strides = array<i32>} : memref<96x128xf32, #tpu.memory_space<vmem>>, vector<1x16xf32>,
    %get3A_1482 = vector.shape_cast %get3A_1481 : vector<1x16xf32> to vector<16xf32>
    %add3A_1483 = arith.addf %get3A_1477, %get3A_1482 : vector<16xf32>
    %swap3A_1484 = arith.constant 38 : i32
    %swap3A_1485 = arith.index_cast %swap3A_1484 : i32 to index
    %swap3A_1486 = arith.constant 16 : index
    %swap3A_1487 = tpu.vector_load %arg9[%swap3A_1485, %swap3A_1486] {strides = array<i32>} : memref<96x128xf32, #tpu.memory_space<vmem>>, vector<1x16xf32>,
    %swap3A_1488 = vector.shape_cast %swap3A_1487 : vector<1x16xf32> to vector<16xf32>
    %swap3A_1489 = vector.shape_cast %add3A_1483 : vector<16xf32> to vector<1x16xf32>
    tpu.vector_store %arg9[%swap3A_1485, %swap3A_1486], %swap3A_1489 {strides = array<i32>} : memref<96x128xf32, #tpu.memory_space<vmem>>, vector<1x16xf32>,
    %get3A_1490 = arith.constant 39 : i32
    %get3A_1491 = arith.index_cast %get3A_1490 : i32 to index
    %get3A_1492 = arith.constant 0 : index
    %get3A_1493 = tpu.vector_load %arg9[%get3A_1491, %get3A_1492] {strides = array<i32>} : memref<96x128xf32, #tpu.memory_space<vmem>>, vector<1x16xf32>,
    %get3A_1494 = vector.shape_cast %get3A_1493 : vector<1x16xf32> to vector<16xf32>
    %get3A_1495 = arith.constant 39 : i32
    %get3A_1496 = arith.index_cast %get3A_1495 : i32 to index
    %get3A_1497 = arith.constant 0 : index
    %get3A_1498 = tpu.vector_load %arg10[%get3A_1496, %get3A_1497] {strides = array<i32>} : memref<96x128xf32, #tpu.memory_space<vmem>>, vector<1x16xf32>,
    %get3A_1499 = vector.shape_cast %get3A_1498 : vector<1x16xf32> to vector<16xf32>
    %add3A_1500 = arith.addf %get3A_1494, %get3A_1499 : vector<16xf32>
    %swap3A_1501 = arith.constant 39 : i32
    %swap3A_1502 = arith.index_cast %swap3A_1501 : i32 to index
    %swap3A_1503 = arith.constant 0 : index
    %swap3A_1504 = tpu.vector_load %arg9[%swap3A_1502, %swap3A_1503] {strides = array<i32>} : memref<96x128xf32, #tpu.memory_space<vmem>>, vector<1x16xf32>,
    %swap3A_1505 = vector.shape_cast %swap3A_1504 : vector<1x16xf32> to vector<16xf32>
    %swap3A_1506 = vector.shape_cast %add3A_1500 : vector<16xf32> to vector<1x16xf32>
    tpu.vector_store %arg9[%swap3A_1502, %swap3A_1503], %swap3A_1506 {strides = array<i32>} : memref<96x128xf32, #tpu.memory_space<vmem>>, vector<1x16xf32>,
    %get3A_1507 = arith.constant 39 : i32
    %get3A_1508 = arith.index_cast %get3A_1507 : i32 to index
    %get3A_1509 = arith.constant 16 : index
    %get3A_1510 = tpu.vector_load %arg9[%get3A_1508, %get3A_1509] {strides = array<i32>} : memref<96x128xf32, #tpu.memory_space<vmem>>, vector<1x16xf32>,
    %get3A_1511 = vector.shape_cast %get3A_1510 : vector<1x16xf32> to vector<16xf32>
    %get3A_1512 = arith.constant 39 : i32
    %get3A_1513 = arith.index_cast %get3A_1512 : i32 to index
    %get3A_1514 = arith.constant 16 : index
    %get3A_1515 = tpu.vector_load %arg10[%get3A_1513, %get3A_1514] {strides = array<i32>} : memref<96x128xf32, #tpu.memory_space<vmem>>, vector<1x16xf32>,
    %get3A_1516 = vector.shape_cast %get3A_1515 : vector<1x16xf32> to vector<16xf32>
    %add3A_1517 = arith.addf %get3A_1511, %get3A_1516 : vector<16xf32>
    %swap3A_1518 = arith.constant 39 : i32
    %swap3A_1519 = arith.index_cast %swap3A_1518 : i32 to index
    %swap3A_1520 = arith.constant 16 : index
    %swap3A_1521 = tpu.vector_load %arg9[%swap3A_1519, %swap3A_1520] {strides = array<i32>} : memref<96x128xf32, #tpu.memory_space<vmem>>, vector<1x16xf32>,
    %swap3A_1522 = vector.shape_cast %swap3A_1521 : vector<1x16xf32> to vector<16xf32>
    %swap3A_1523 = vector.shape_cast %add3A_1517 : vector<16xf32> to vector<1x16xf32>
    tpu.vector_store %arg9[%swap3A_1519, %swap3A_1520], %swap3A_1523 {strides = array<i32>} : memref<96x128xf32, #tpu.memory_space<vmem>>, vector<1x16xf32>,
    %get3A_1524 = arith.constant 40 : i32
    %get3A_1525 = arith.index_cast %get3A_1524 : i32 to index
    %get3A_1526 = arith.constant 0 : index
    %get3A_1527 = tpu.vector_load %arg9[%get3A_1525, %get3A_1526] {strides = array<i32>} : memref<96x128xf32, #tpu.memory_space<vmem>>, vector<1x16xf32>,
    %get3A_1528 = vector.shape_cast %get3A_1527 : vector<1x16xf32> to vector<16xf32>
    %get3A_1529 = arith.constant 40 : i32
    %get3A_1530 = arith.index_cast %get3A_1529 : i32 to index
    %get3A_1531 = arith.constant 0 : index
    %get3A_1532 = tpu.vector_load %arg10[%get3A_1530, %get3A_1531] {strides = array<i32>} : memref<96x128xf32, #tpu.memory_space<vmem>>, vector<1x16xf32>,
    %get3A_1533 = vector.shape_cast %get3A_1532 : vector<1x16xf32> to vector<16xf32>
    %add3A_1534 = arith.addf %get3A_1528, %get3A_1533 : vector<16xf32>
    %swap3A_1535 = arith.constant 40 : i32
    %swap3A_1536 = arith.index_cast %swap3A_1535 : i32 to index
    %swap3A_1537 = arith.constant 0 : index
    %swap3A_1538 = tpu.vector_load %arg9[%swap3A_1536, %swap3A_1537] {strides = array<i32>} : memref<96x128xf32, #tpu.memory_space<vmem>>, vector<1x16xf32>,
    %swap3A_1539 = vector.shape_cast %swap3A_1538 : vector<1x16xf32> to vector<16xf32>
    %swap3A_1540 = vector.shape_cast %add3A_1534 : vector<16xf32> to vector<1x16xf32>
    tpu.vector_store %arg9[%swap3A_1536, %swap3A_1537], %swap3A_1540 {strides = array<i32>} : memref<96x128xf32, #tpu.memory_space<vmem>>, vector<1x16xf32>,
    %get3A_1541 = arith.constant 40 : i32
    %get3A_1542 = arith.index_cast %get3A_1541 : i32 to index
    %get3A_1543 = arith.constant 16 : index
    %get3A_1544 = tpu.vector_load %arg9[%get3A_1542, %get3A_1543] {strides = array<i32>} : memref<96x128xf32, #tpu.memory_space<vmem>>, vector<1x16xf32>,
    %get3A_1545 = vector.shape_cast %get3A_1544 : vector<1x16xf32> to vector<16xf32>
    %get3A_1546 = arith.constant 40 : i32
    %get3A_1547 = arith.index_cast %get3A_1546 : i32 to index
    %get3A_1548 = arith.constant 16 : index
    %get3A_1549 = tpu.vector_load %arg10[%get3A_1547, %get3A_1548] {strides = array<i32>} : memref<96x128xf32, #tpu.memory_space<vmem>>, vector<1x16xf32>,
    %get3A_1550 = vector.shape_cast %get3A_1549 : vector<1x16xf32> to vector<16xf32>
    %add3A_1551 = arith.addf %get3A_1545, %get3A_1550 : vector<16xf32>
    %swap3A_1552 = arith.constant 40 : i32
    %swap3A_1553 = arith.index_cast %swap3A_1552 : i32 to index
    %swap3A_1554 = arith.constant 16 : index
    %swap3A_1555 = tpu.vector_load %arg9[%swap3A_1553, %swap3A_1554] {strides = array<i32>} : memref<96x128xf32, #tpu.memory_space<vmem>>, vector<1x16xf32>,
    %swap3A_1556 = vector.shape_cast %swap3A_1555 : vector<1x16xf32> to vector<16xf32>
    %swap3A_1557 = vector.shape_cast %add3A_1551 : vector<16xf32> to vector<1x16xf32>
    tpu.vector_store %arg9[%swap3A_1553, %swap3A_1554], %swap3A_1557 {strides = array<i32>} : memref<96x128xf32, #tpu.memory_space<vmem>>, vector<1x16xf32>,
    %get3A_1558 = arith.constant 41 : i32
    %get3A_1559 = arith.index_cast %get3A_1558 : i32 to index
    %get3A_1560 = arith.constant 0 : index
    %get3A_1561 = tpu.vector_load %arg9[%get3A_1559, %get3A_1560] {strides = array<i32>} : memref<96x128xf32, #tpu.memory_space<vmem>>, vector<1x16xf32>,
    %get3A_1562 = vector.shape_cast %get3A_1561 : vector<1x16xf32> to vector<16xf32>
    %get3A_1563 = arith.constant 41 : i32
    %get3A_1564 = arith.index_cast %get3A_1563 : i32 to index
    %get3A_1565 = arith.constant 0 : index
    %get3A_1566 = tpu.vector_load %arg10[%get3A_1564, %get3A_1565] {strides = array<i32>} : memref<96x128xf32, #tpu.memory_space<vmem>>, vector<1x16xf32>,
    %get3A_1567 = vector.shape_cast %get3A_1566 : vector<1x16xf32> to vector<16xf32>
    %add3A_1568 = arith.addf %get3A_1562, %get3A_1567 : vector<16xf32>
    %swap3A_1569 = arith.constant 41 : i32
    %swap3A_1570 = arith.index_cast %swap3A_1569 : i32 to index
    %swap3A_1571 = arith.constant 0 : index
    %swap3A_1572 = tpu.vector_load %arg9[%swap3A_1570, %swap3A_1571] {strides = array<i32>} : memref<96x128xf32, #tpu.memory_space<vmem>>, vector<1x16xf32>,
    %swap3A_1573 = vector.shape_cast %swap3A_1572 : vector<1x16xf32> to vector<16xf32>
    %swap3A_1574 = vector.shape_cast %add3A_1568 : vector<16xf32> to vector<1x16xf32>
    tpu.vector_store %arg9[%swap3A_1570, %swap3A_1571], %swap3A_1574 {strides = array<i32>} : memref<96x128xf32, #tpu.memory_space<vmem>>, vector<1x16xf32>,
    %get3A_1575 = arith.constant 41 : i32
    %get3A_1576 = arith.index_cast %get3A_1575 : i32 to index
    %get3A_1577 = arith.constant 16 : index
    %get3A_1578 = tpu.vector_load %arg9[%get3A_1576, %get3A_1577] {strides = array<i32>} : memref<96x128xf32, #tpu.memory_space<vmem>>, vector<1x16xf32>,
    %get3A_1579 = vector.shape_cast %get3A_1578 : vector<1x16xf32> to vector<16xf32>
    %get3A_1580 = arith.constant 41 : i32
    %get3A_1581 = arith.index_cast %get3A_1580 : i32 to index
    %get3A_1582 = arith.constant 16 : index
    %get3A_1583 = tpu.vector_load %arg10[%get3A_1581, %get3A_1582] {strides = array<i32>} : memref<96x128xf32, #tpu.memory_space<vmem>>, vector<1x16xf32>,
    %get3A_1584 = vector.shape_cast %get3A_1583 : vector<1x16xf32> to vector<16xf32>
    %add3A_1585 = arith.addf %get3A_1579, %get3A_1584 : vector<16xf32>
    %swap3A_1586 = arith.constant 41 : i32
    %swap3A_1587 = arith.index_cast %swap3A_1586 : i32 to index
    %swap3A_1588 = arith.constant 16 : index
    %swap3A_1589 = tpu.vector_load %arg9[%swap3A_1587, %swap3A_1588] {strides = array<i32>} : memref<96x128xf32, #tpu.memory_space<vmem>>, vector<1x16xf32>,
    %swap3A_1590 = vector.shape_cast %swap3A_1589 : vector<1x16xf32> to vector<16xf32>
    %swap3A_1591 = vector.shape_cast %add3A_1585 : vector<16xf32> to vector<1x16xf32>
    tpu.vector_store %arg9[%swap3A_1587, %swap3A_1588], %swap3A_1591 {strides = array<i32>} : memref<96x128xf32, #tpu.memory_space<vmem>>, vector<1x16xf32>,
    %get3A_1592 = arith.constant 42 : i32
    %get3A_1593 = arith.index_cast %get3A_1592 : i32 to index
    %get3A_1594 = arith.constant 0 : index
    %get3A_1595 = tpu.vector_load %arg9[%get3A_1593, %get3A_1594] {strides = array<i32>} : memref<96x128xf32, #tpu.memory_space<vmem>>, vector<1x16xf32>,
    %get3A_1596 = vector.shape_cast %get3A_1595 : vector<1x16xf32> to vector<16xf32>
    %get3A_1597 = arith.constant 42 : i32
    %get3A_1598 = arith.index_cast %get3A_1597 : i32 to index
    %get3A_1599 = arith.constant 0 : index
    %get3A_1600 = tpu.vector_load %arg10[%get3A_1598, %get3A_1599] {strides = array<i32>} : memref<96x128xf32, #tpu.memory_space<vmem>>, vector<1x16xf32>,
    %get3A_1601 = vector.shape_cast %get3A_1600 : vector<1x16xf32> to vector<16xf32>
    %add3A_1602 = arith.addf %get3A_1596, %get3A_1601 : vector<16xf32>
    %swap3A_1603 = arith.constant 42 : i32
    %swap3A_1604 = arith.index_cast %swap3A_1603 : i32 to index
    %swap3A_1605 = arith.constant 0 : index
    %swap3A_1606 = tpu.vector_load %arg9[%swap3A_1604, %swap3A_1605] {strides = array<i32>} : memref<96x128xf32, #tpu.memory_space<vmem>>, vector<1x16xf32>,
    %swap3A_1607 = vector.shape_cast %swap3A_1606 : vector<1x16xf32> to vector<16xf32>
    %swap3A_1608 = vector.shape_cast %add3A_1602 : vector<16xf32> to vector<1x16xf32>
    tpu.vector_store %arg9[%swap3A_1604, %swap3A_1605], %swap3A_1608 {strides = array<i32>} : memref<96x128xf32, #tpu.memory_space<vmem>>, vector<1x16xf32>,
    %get3A_1609 = arith.constant 42 : i32
    %get3A_1610 = arith.index_cast %get3A_1609 : i32 to index
    %get3A_1611 = arith.constant 16 : index
    %get3A_1612 = tpu.vector_load %arg9[%get3A_1610, %get3A_1611] {strides = array<i32>} : memref<96x128xf32, #tpu.memory_space<vmem>>, vector<1x16xf32>,
    %get3A_1613 = vector.shape_cast %get3A_1612 : vector<1x16xf32> to vector<16xf32>
    %get3A_1614 = arith.constant 42 : i32
    %get3A_1615 = arith.index_cast %get3A_1614 : i32 to index
    %get3A_1616 = arith.constant 16 : index
    %get3A_1617 = tpu.vector_load %arg10[%get3A_1615, %get3A_1616] {strides = array<i32>} : memref<96x128xf32, #tpu.memory_space<vmem>>, vector<1x16xf32>,
    %get3A_1618 = vector.shape_cast %get3A_1617 : vector<1x16xf32> to vector<16xf32>
    %add3A_1619 = arith.addf %get3A_1613, %get3A_1618 : vector<16xf32>
    %swap3A_1620 = arith.constant 42 : i32
    %swap3A_1621 = arith.index_cast %swap3A_1620 : i32 to index
    %swap3A_1622 = arith.constant 16 : index
    %swap3A_1623 = tpu.vector_load %arg9[%swap3A_1621, %swap3A_1622] {strides = array<i32>} : memref<96x128xf32, #tpu.memory_space<vmem>>, vector<1x16xf32>,
    %swap3A_1624 = vector.shape_cast %swap3A_1623 : vector<1x16xf32> to vector<16xf32>
    %swap3A_1625 = vector.shape_cast %add3A_1619 : vector<16xf32> to vector<1x16xf32>
    tpu.vector_store %arg9[%swap3A_1621, %swap3A_1622], %swap3A_1625 {strides = array<i32>} : memref<96x128xf32, #tpu.memory_space<vmem>>, vector<1x16xf32>,
    %get3A_1626 = arith.constant 43 : i32
    %get3A_1627 = arith.index_cast %get3A_1626 : i32 to index
    %get3A_1628 = arith.constant 0 : index
    %get3A_1629 = tpu.vector_load %arg9[%get3A_1627, %get3A_1628] {strides = array<i32>} : memref<96x128xf32, #tpu.memory_space<vmem>>, vector<1x16xf32>,
    %get3A_1630 = vector.shape_cast %get3A_1629 : vector<1x16xf32> to vector<16xf32>
    %get3A_1631 = arith.constant 43 : i32
    %get3A_1632 = arith.index_cast %get3A_1631 : i32 to index
    %get3A_1633 = arith.constant 0 : index
    %get3A_1634 = tpu.vector_load %arg10[%get3A_1632, %get3A_1633] {strides = array<i32>} : memref<96x128xf32, #tpu.memory_space<vmem>>, vector<1x16xf32>,
    %get3A_1635 = vector.shape_cast %get3A_1634 : vector<1x16xf32> to vector<16xf32>
    %add3A_1636 = arith.addf %get3A_1630, %get3A_1635 : vector<16xf32>
    %swap3A_1637 = arith.constant 43 : i32
    %swap3A_1638 = arith.index_cast %swap3A_1637 : i32 to index
    %swap3A_1639 = arith.constant 0 : index
    %swap3A_1640 = tpu.vector_load %arg9[%swap3A_1638, %swap3A_1639] {strides = array<i32>} : memref<96x128xf32, #tpu.memory_space<vmem>>, vector<1x16xf32>,
    %swap3A_1641 = vector.shape_cast %swap3A_1640 : vector<1x16xf32> to vector<16xf32>
    %swap3A_1642 = vector.shape_cast %add3A_1636 : vector<16xf32> to vector<1x16xf32>
    tpu.vector_store %arg9[%swap3A_1638, %swap3A_1639], %swap3A_1642 {strides = array<i32>} : memref<96x128xf32, #tpu.memory_space<vmem>>, vector<1x16xf32>,
    %get3A_1643 = arith.constant 43 : i32
    %get3A_1644 = arith.index_cast %get3A_1643 : i32 to index
    %get3A_1645 = arith.constant 16 : index
    %get3A_1646 = tpu.vector_load %arg9[%get3A_1644, %get3A_1645] {strides = array<i32>} : memref<96x128xf32, #tpu.memory_space<vmem>>, vector<1x16xf32>,
    %get3A_1647 = vector.shape_cast %get3A_1646 : vector<1x16xf32> to vector<16xf32>
    %get3A_1648 = arith.constant 43 : i32
    %get3A_1649 = arith.index_cast %get3A_1648 : i32 to index
    %get3A_1650 = arith.constant 16 : index
    %get3A_1651 = tpu.vector_load %arg10[%get3A_1649, %get3A_1650] {strides = array<i32>} : memref<96x128xf32, #tpu.memory_space<vmem>>, vector<1x16xf32>,
    %get3A_1652 = vector.shape_cast %get3A_1651 : vector<1x16xf32> to vector<16xf32>
    %add3A_1653 = arith.addf %get3A_1647, %get3A_1652 : vector<16xf32>
    %swap3A_1654 = arith.constant 43 : i32
    %swap3A_1655 = arith.index_cast %swap3A_1654 : i32 to index
    %swap3A_1656 = arith.constant 16 : index
    %swap3A_1657 = tpu.vector_load %arg9[%swap3A_1655, %swap3A_1656] {strides = array<i32>} : memref<96x128xf32, #tpu.memory_space<vmem>>, vector<1x16xf32>,
    %swap3A_1658 = vector.shape_cast %swap3A_1657 : vector<1x16xf32> to vector<16xf32>
    %swap3A_1659 = vector.shape_cast %add3A_1653 : vector<16xf32> to vector<1x16xf32>
    tpu.vector_store %arg9[%swap3A_1655, %swap3A_1656], %swap3A_1659 {strides = array<i32>} : memref<96x128xf32, #tpu.memory_space<vmem>>, vector<1x16xf32>,
    %get3A_1660 = arith.constant 44 : i32
    %get3A_1661 = arith.index_cast %get3A_1660 : i32 to index
    %get3A_1662 = arith.constant 0 : index
    %get3A_1663 = tpu.vector_load %arg9[%get3A_1661, %get3A_1662] {strides = array<i32>} : memref<96x128xf32, #tpu.memory_space<vmem>>, vector<1x16xf32>,
    %get3A_1664 = vector.shape_cast %get3A_1663 : vector<1x16xf32> to vector<16xf32>
    %get3A_1665 = arith.constant 44 : i32
    %get3A_1666 = arith.index_cast %get3A_1665 : i32 to index
    %get3A_1667 = arith.constant 0 : index
    %get3A_1668 = tpu.vector_load %arg10[%get3A_1666, %get3A_1667] {strides = array<i32>} : memref<96x128xf32, #tpu.memory_space<vmem>>, vector<1x16xf32>,
    %get3A_1669 = vector.shape_cast %get3A_1668 : vector<1x16xf32> to vector<16xf32>
    %add3A_1670 = arith.addf %get3A_1664, %get3A_1669 : vector<16xf32>
    %swap3A_1671 = arith.constant 44 : i32
    %swap3A_1672 = arith.index_cast %swap3A_1671 : i32 to index
    %swap3A_1673 = arith.constant 0 : index
    %swap3A_1674 = tpu.vector_load %arg9[%swap3A_1672, %swap3A_1673] {strides = array<i32>} : memref<96x128xf32, #tpu.memory_space<vmem>>, vector<1x16xf32>,
    %swap3A_1675 = vector.shape_cast %swap3A_1674 : vector<1x16xf32> to vector<16xf32>
    %swap3A_1676 = vector.shape_cast %add3A_1670 : vector<16xf32> to vector<1x16xf32>
    tpu.vector_store %arg9[%swap3A_1672, %swap3A_1673], %swap3A_1676 {strides = array<i32>} : memref<96x128xf32, #tpu.memory_space<vmem>>, vector<1x16xf32>,
    %get3A_1677 = arith.constant 44 : i32
    %get3A_1678 = arith.index_cast %get3A_1677 : i32 to index
    %get3A_1679 = arith.constant 16 : index
    %get3A_1680 = tpu.vector_load %arg9[%get3A_1678, %get3A_1679] {strides = array<i32>} : memref<96x128xf32, #tpu.memory_space<vmem>>, vector<1x16xf32>,
    %get3A_1681 = vector.shape_cast %get3A_1680 : vector<1x16xf32> to vector<16xf32>
    %get3A_1682 = arith.constant 44 : i32
    %get3A_1683 = arith.index_cast %get3A_1682 : i32 to index
    %get3A_1684 = arith.constant 16 : index
    %get3A_1685 = tpu.vector_load %arg10[%get3A_1683, %get3A_1684] {strides = array<i32>} : memref<96x128xf32, #tpu.memory_space<vmem>>, vector<1x16xf32>,
    %get3A_1686 = vector.shape_cast %get3A_1685 : vector<1x16xf32> to vector<16xf32>
    %add3A_1687 = arith.addf %get3A_1681, %get3A_1686 : vector<16xf32>
    %swap3A_1688 = arith.constant 44 : i32
    %swap3A_1689 = arith.index_cast %swap3A_1688 : i32 to index
    %swap3A_1690 = arith.constant 16 : index
    %swap3A_1691 = tpu.vector_load %arg9[%swap3A_1689, %swap3A_1690] {strides = array<i32>} : memref<96x128xf32, #tpu.memory_space<vmem>>, vector<1x16xf32>,
    %swap3A_1692 = vector.shape_cast %swap3A_1691 : vector<1x16xf32> to vector<16xf32>
    %swap3A_1693 = vector.shape_cast %add3A_1687 : vector<16xf32> to vector<1x16xf32>
    tpu.vector_store %arg9[%swap3A_1689, %swap3A_1690], %swap3A_1693 {strides = array<i32>} : memref<96x128xf32, #tpu.memory_space<vmem>>, vector<1x16xf32>,
    %get3A_1694 = arith.constant 45 : i32
    %get3A_1695 = arith.index_cast %get3A_1694 : i32 to index
    %get3A_1696 = arith.constant 0 : index
    %get3A_1697 = tpu.vector_load %arg9[%get3A_1695, %get3A_1696] {strides = array<i32>} : memref<96x128xf32, #tpu.memory_space<vmem>>, vector<1x16xf32>,
    %get3A_1698 = vector.shape_cast %get3A_1697 : vector<1x16xf32> to vector<16xf32>
    %get3A_1699 = arith.constant 45 : i32
    %get3A_1700 = arith.index_cast %get3A_1699 : i32 to index
    %get3A_1701 = arith.constant 0 : index
    %get3A_1702 = tpu.vector_load %arg10[%get3A_1700, %get3A_1701] {strides = array<i32>} : memref<96x128xf32, #tpu.memory_space<vmem>>, vector<1x16xf32>,
    %get3A_1703 = vector.shape_cast %get3A_1702 : vector<1x16xf32> to vector<16xf32>
    %add3A_1704 = arith.addf %get3A_1698, %get3A_1703 : vector<16xf32>
    %swap3A_1705 = arith.constant 45 : i32
    %swap3A_1706 = arith.index_cast %swap3A_1705 : i32 to index
    %swap3A_1707 = arith.constant 0 : index
    %swap3A_1708 = tpu.vector_load %arg9[%swap3A_1706, %swap3A_1707] {strides = array<i32>} : memref<96x128xf32, #tpu.memory_space<vmem>>, vector<1x16xf32>,
    %swap3A_1709 = vector.shape_cast %swap3A_1708 : vector<1x16xf32> to vector<16xf32>
    %swap3A_1710 = vector.shape_cast %add3A_1704 : vector<16xf32> to vector<1x16xf32>
    tpu.vector_store %arg9[%swap3A_1706, %swap3A_1707], %swap3A_1710 {strides = array<i32>} : memref<96x128xf32, #tpu.memory_space<vmem>>, vector<1x16xf32>,
    %get3A_1711 = arith.constant 45 : i32
    %get3A_1712 = arith.index_cast %get3A_1711 : i32 to index
    %get3A_1713 = arith.constant 16 : index
    %get3A_1714 = tpu.vector_load %arg9[%get3A_1712, %get3A_1713] {strides = array<i32>} : memref<96x128xf32, #tpu.memory_space<vmem>>, vector<1x16xf32>,
    %get3A_1715 = vector.shape_cast %get3A_1714 : vector<1x16xf32> to vector<16xf32>
    %get3A_1716 = arith.constant 45 : i32
    %get3A_1717 = arith.index_cast %get3A_1716 : i32 to index
    %get3A_1718 = arith.constant 16 : index
    %get3A_1719 = tpu.vector_load %arg10[%get3A_1717, %get3A_1718] {strides = array<i32>} : memref<96x128xf32, #tpu.memory_space<vmem>>, vector<1x16xf32>,
    %get3A_1720 = vector.shape_cast %get3A_1719 : vector<1x16xf32> to vector<16xf32>
    %add3A_1721 = arith.addf %get3A_1715, %get3A_1720 : vector<16xf32>
    %swap3A_1722 = arith.constant 45 : i32
    %swap3A_1723 = arith.index_cast %swap3A_1722 : i32 to index
    %swap3A_1724 = arith.constant 16 : index
    %swap3A_1725 = tpu.vector_load %arg9[%swap3A_1723, %swap3A_1724] {strides = array<i32>} : memref<96x128xf32, #tpu.memory_space<vmem>>, vector<1x16xf32>,
    %swap3A_1726 = vector.shape_cast %swap3A_1725 : vector<1x16xf32> to vector<16xf32>
    %swap3A_1727 = vector.shape_cast %add3A_1721 : vector<16xf32> to vector<1x16xf32>
    tpu.vector_store %arg9[%swap3A_1723, %swap3A_1724], %swap3A_1727 {strides = array<i32>} : memref<96x128xf32, #tpu.memory_space<vmem>>, vector<1x16xf32>,
    %get3A_1728 = arith.constant 46 : i32
    %get3A_1729 = arith.index_cast %get3A_1728 : i32 to index
    %get3A_1730 = arith.constant 0 : index
    %get3A_1731 = tpu.vector_load %arg9[%get3A_1729, %get3A_1730] {strides = array<i32>} : memref<96x128xf32, #tpu.memory_space<vmem>>, vector<1x16xf32>,
    %get3A_1732 = vector.shape_cast %get3A_1731 : vector<1x16xf32> to vector<16xf32>
    %get3A_1733 = arith.constant 46 : i32
    %get3A_1734 = arith.index_cast %get3A_1733 : i32 to index
    %get3A_1735 = arith.constant 0 : index
    %get3A_1736 = tpu.vector_load %arg10[%get3A_1734, %get3A_1735] {strides = array<i32>} : memref<96x128xf32, #tpu.memory_space<vmem>>, vector<1x16xf32>,
    %get3A_1737 = vector.shape_cast %get3A_1736 : vector<1x16xf32> to vector<16xf32>
    %add3A_1738 = arith.addf %get3A_1732, %get3A_1737 : vector<16xf32>
    %swap3A_1739 = arith.constant 46 : i32
    %swap3A_1740 = arith.index_cast %swap3A_1739 : i32 to index
    %swap3A_1741 = arith.constant 0 : index
    %swap3A_1742 = tpu.vector_load %arg9[%swap3A_1740, %swap3A_1741] {strides = array<i32>} : memref<96x128xf32, #tpu.memory_space<vmem>>, vector<1x16xf32>,
    %swap3A_1743 = vector.shape_cast %swap3A_1742 : vector<1x16xf32> to vector<16xf32>
    %swap3A_1744 = vector.shape_cast %add3A_1738 : vector<16xf32> to vector<1x16xf32>
    tpu.vector_store %arg9[%swap3A_1740, %swap3A_1741], %swap3A_1744 {strides = array<i32>} : memref<96x128xf32, #tpu.memory_space<vmem>>, vector<1x16xf32>,
    %get3A_1745 = arith.constant 46 : i32
    %get3A_1746 = arith.index_cast %get3A_1745 : i32 to index
    %get3A_1747 = arith.constant 16 : index
    %get3A_1748 = tpu.vector_load %arg9[%get3A_1746, %get3A_1747] {strides = array<i32>} : memref<96x128xf32, #tpu.memory_space<vmem>>, vector<1x16xf32>,
    %get3A_1749 = vector.shape_cast %get3A_1748 : vector<1x16xf32> to vector<16xf32>
    %get3A_1750 = arith.constant 46 : i32
    %get3A_1751 = arith.index_cast %get3A_1750 : i32 to index
    %get3A_1752 = arith.constant 16 : index
    %get3A_1753 = tpu.vector_load %arg10[%get3A_1751, %get3A_1752] {strides = array<i32>} : memref<96x128xf32, #tpu.memory_space<vmem>>, vector<1x16xf32>,
    %get3A_1754 = vector.shape_cast %get3A_1753 : vector<1x16xf32> to vector<16xf32>
    %add3A_1755 = arith.addf %get3A_1749, %get3A_1754 : vector<16xf32>
    %swap3A_1756 = arith.constant 46 : i32
    %swap3A_1757 = arith.index_cast %swap3A_1756 : i32 to index
    %swap3A_1758 = arith.constant 16 : index
    %swap3A_1759 = tpu.vector_load %arg9[%swap3A_1757, %swap3A_1758] {strides = array<i32>} : memref<96x128xf32, #tpu.memory_space<vmem>>, vector<1x16xf32>,
    %swap3A_1760 = vector.shape_cast %swap3A_1759 : vector<1x16xf32> to vector<16xf32>
    %swap3A_1761 = vector.shape_cast %add3A_1755 : vector<16xf32> to vector<1x16xf32>
    tpu.vector_store %arg9[%swap3A_1757, %swap3A_1758], %swap3A_1761 {strides = array<i32>} : memref<96x128xf32, #tpu.memory_space<vmem>>, vector<1x16xf32>,
    %get3A_1762 = arith.constant 47 : i32
    %get3A_1763 = arith.index_cast %get3A_1762 : i32 to index
    %get3A_1764 = arith.constant 0 : index
    %get3A_1765 = tpu.vector_load %arg9[%get3A_1763, %get3A_1764] {strides = array<i32>} : memref<96x128xf32, #tpu.memory_space<vmem>>, vector<1x16xf32>,
    %get3A_1766 = vector.shape_cast %get3A_1765 : vector<1x16xf32> to vector<16xf32>
    %get3A_1767 = arith.constant 47 : i32
    %get3A_1768 = arith.index_cast %get3A_1767 : i32 to index
    %get3A_1769 = arith.constant 0 : index
    %get3A_1770 = tpu.vector_load %arg10[%get3A_1768, %get3A_1769] {strides = array<i32>} : memref<96x128xf32, #tpu.memory_space<vmem>>, vector<1x16xf32>,
    %get3A_1771 = vector.shape_cast %get3A_1770 : vector<1x16xf32> to vector<16xf32>
    %add3A_1772 = arith.addf %get3A_1766, %get3A_1771 : vector<16xf32>
    %swap3A_1773 = arith.constant 47 : i32
    %swap3A_1774 = arith.index_cast %swap3A_1773 : i32 to index
    %swap3A_1775 = arith.constant 0 : index
    %swap3A_1776 = tpu.vector_load %arg9[%swap3A_1774, %swap3A_1775] {strides = array<i32>} : memref<96x128xf32, #tpu.memory_space<vmem>>, vector<1x16xf32>,
    %swap3A_1777 = vector.shape_cast %swap3A_1776 : vector<1x16xf32> to vector<16xf32>
    %swap3A_1778 = vector.shape_cast %add3A_1772 : vector<16xf32> to vector<1x16xf32>
    tpu.vector_store %arg9[%swap3A_1774, %swap3A_1775], %swap3A_1778 {strides = array<i32>} : memref<96x128xf32, #tpu.memory_space<vmem>>, vector<1x16xf32>,
    %get3A_1779 = arith.constant 47 : i32
    %get3A_1780 = arith.index_cast %get3A_1779 : i32 to index
    %get3A_1781 = arith.constant 16 : index
    %get3A_1782 = tpu.vector_load %arg9[%get3A_1780, %get3A_1781] {strides = array<i32>} : memref<96x128xf32, #tpu.memory_space<vmem>>, vector<1x16xf32>,
    %get3A_1783 = vector.shape_cast %get3A_1782 : vector<1x16xf32> to vector<16xf32>
    %get3A_1784 = arith.constant 47 : i32
    %get3A_1785 = arith.index_cast %get3A_1784 : i32 to index
    %get3A_1786 = arith.constant 16 : index
    %get3A_1787 = tpu.vector_load %arg10[%get3A_1785, %get3A_1786] {strides = array<i32>} : memref<96x128xf32, #tpu.memory_space<vmem>>, vector<1x16xf32>,
    %get3A_1788 = vector.shape_cast %get3A_1787 : vector<1x16xf32> to vector<16xf32>
    %add3A_1789 = arith.addf %get3A_1783, %get3A_1788 : vector<16xf32>
    %swap3A_1790 = arith.constant 47 : i32
    %swap3A_1791 = arith.index_cast %swap3A_1790 : i32 to index
    %swap3A_1792 = arith.constant 16 : index
    %swap3A_1793 = tpu.vector_load %arg9[%swap3A_1791, %swap3A_1792] {strides = array<i32>} : memref<96x128xf32, #tpu.memory_space<vmem>>, vector<1x16xf32>,
    %swap3A_1794 = vector.shape_cast %swap3A_1793 : vector<1x16xf32> to vector<16xf32>
    %swap3A_1795 = vector.shape_cast %add3A_1789 : vector<16xf32> to vector<1x16xf32>
    tpu.vector_store %arg9[%swap3A_1791, %swap3A_1792], %swap3A_1795 {strides = array<i32>} : memref<96x128xf32, #tpu.memory_space<vmem>>, vector<1x16xf32>,
    %get3A_1796 = arith.constant 48 : i32
    %get3A_1797 = arith.index_cast %get3A_1796 : i32 to index
    %get3A_1798 = arith.constant 0 : index
    %get3A_1799 = tpu.vector_load %arg9[%get3A_1797, %get3A_1798] {strides = array<i32>} : memref<96x128xf32, #tpu.memory_space<vmem>>, vector<1x16xf32>,
    %get3A_1800 = vector.shape_cast %get3A_1799 : vector<1x16xf32> to vector<16xf32>
    %get3A_1801 = arith.constant 48 : i32
    %get3A_1802 = arith.index_cast %get3A_1801 : i32 to index
    %get3A_1803 = arith.constant 0 : index
    %get3A_1804 = tpu.vector_load %arg10[%get3A_1802, %get3A_1803] {strides = array<i32>} : memref<96x128xf32, #tpu.memory_space<vmem>>, vector<1x16xf32>,
    %get3A_1805 = vector.shape_cast %get3A_1804 : vector<1x16xf32> to vector<16xf32>
    %add3A_1806 = arith.addf %get3A_1800, %get3A_1805 : vector<16xf32>
    %swap3A_1807 = arith.constant 48 : i32
    %swap3A_1808 = arith.index_cast %swap3A_1807 : i32 to index
    %swap3A_1809 = arith.constant 0 : index
    %swap3A_1810 = tpu.vector_load %arg9[%swap3A_1808, %swap3A_1809] {strides = array<i32>} : memref<96x128xf32, #tpu.memory_space<vmem>>, vector<1x16xf32>,
    %swap3A_1811 = vector.shape_cast %swap3A_1810 : vector<1x16xf32> to vector<16xf32>
    %swap3A_1812 = vector.shape_cast %add3A_1806 : vector<16xf32> to vector<1x16xf32>
    tpu.vector_store %arg9[%swap3A_1808, %swap3A_1809], %swap3A_1812 {strides = array<i32>} : memref<96x128xf32, #tpu.memory_space<vmem>>, vector<1x16xf32>,
    %get3A_1813 = arith.constant 48 : i32
    %get3A_1814 = arith.index_cast %get3A_1813 : i32 to index
    %get3A_1815 = arith.constant 16 : index
    %get3A_1816 = tpu.vector_load %arg9[%get3A_1814, %get3A_1815] {strides = array<i32>} : memref<96x128xf32, #tpu.memory_space<vmem>>, vector<1x16xf32>,
    %get3A_1817 = vector.shape_cast %get3A_1816 : vector<1x16xf32> to vector<16xf32>
    %get3A_1818 = arith.constant 48 : i32
    %get3A_1819 = arith.index_cast %get3A_1818 : i32 to index
    %get3A_1820 = arith.constant 16 : index
    %get3A_1821 = tpu.vector_load %arg10[%get3A_1819, %get3A_1820] {strides = array<i32>} : memref<96x128xf32, #tpu.memory_space<vmem>>, vector<1x16xf32>,
    %get3A_1822 = vector.shape_cast %get3A_1821 : vector<1x16xf32> to vector<16xf32>
    %add3A_1823 = arith.addf %get3A_1817, %get3A_1822 : vector<16xf32>
    %swap3A_1824 = arith.constant 48 : i32
    %swap3A_1825 = arith.index_cast %swap3A_1824 : i32 to index
    %swap3A_1826 = arith.constant 16 : index
    %swap3A_1827 = tpu.vector_load %arg9[%swap3A_1825, %swap3A_1826] {strides = array<i32>} : memref<96x128xf32, #tpu.memory_space<vmem>>, vector<1x16xf32>,
    %swap3A_1828 = vector.shape_cast %swap3A_1827 : vector<1x16xf32> to vector<16xf32>
    %swap3A_1829 = vector.shape_cast %add3A_1823 : vector<16xf32> to vector<1x16xf32>
    tpu.vector_store %arg9[%swap3A_1825, %swap3A_1826], %swap3A_1829 {strides = array<i32>} : memref<96x128xf32, #tpu.memory_space<vmem>>, vector<1x16xf32>,
    %get3A_1830 = arith.constant 49 : i32
    %get3A_1831 = arith.index_cast %get3A_1830 : i32 to index
    %get3A_1832 = arith.constant 0 : index
    %get3A_1833 = tpu.vector_load %arg9[%get3A_1831, %get3A_1832] {strides = array<i32>} : memref<96x128xf32, #tpu.memory_space<vmem>>, vector<1x16xf32>,
    %get3A_1834 = vector.shape_cast %get3A_1833 : vector<1x16xf32> to vector<16xf32>
    %get3A_1835 = arith.constant 49 : i32
    %get3A_1836 = arith.index_cast %get3A_1835 : i32 to index
    %get3A_1837 = arith.constant 0 : index
    %get3A_1838 = tpu.vector_load %arg10[%get3A_1836, %get3A_1837] {strides = array<i32>} : memref<96x128xf32, #tpu.memory_space<vmem>>, vector<1x16xf32>,
    %get3A_1839 = vector.shape_cast %get3A_1838 : vector<1x16xf32> to vector<16xf32>
    %add3A_1840 = arith.addf %get3A_1834, %get3A_1839 : vector<16xf32>
    %swap3A_1841 = arith.constant 49 : i32
    %swap3A_1842 = arith.index_cast %swap3A_1841 : i32 to index
    %swap3A_1843 = arith.constant 0 : index
    %swap3A_1844 = tpu.vector_load %arg9[%swap3A_1842, %swap3A_1843] {strides = array<i32>} : memref<96x128xf32, #tpu.memory_space<vmem>>, vector<1x16xf32>,
    %swap3A_1845 = vector.shape_cast %swap3A_1844 : vector<1x16xf32> to vector<16xf32>
    %swap3A_1846 = vector.shape_cast %add3A_1840 : vector<16xf32> to vector<1x16xf32>
    tpu.vector_store %arg9[%swap3A_1842, %swap3A_1843], %swap3A_1846 {strides = array<i32>} : memref<96x128xf32, #tpu.memory_space<vmem>>, vector<1x16xf32>,
    %get3A_1847 = arith.constant 49 : i32
    %get3A_1848 = arith.index_cast %get3A_1847 : i32 to index
    %get3A_1849 = arith.constant 16 : index
    %get3A_1850 = tpu.vector_load %arg9[%get3A_1848, %get3A_1849] {strides = array<i32>} : memref<96x128xf32, #tpu.memory_space<vmem>>, vector<1x16xf32>,
    %get3A_1851 = vector.shape_cast %get3A_1850 : vector<1x16xf32> to vector<16xf32>
    %get3A_1852 = arith.constant 49 : i32
    %get3A_1853 = arith.index_cast %get3A_1852 : i32 to index
    %get3A_1854 = arith.constant 16 : index
    %get3A_1855 = tpu.vector_load %arg10[%get3A_1853, %get3A_1854] {strides = array<i32>} : memref<96x128xf32, #tpu.memory_space<vmem>>, vector<1x16xf32>,
    %get3A_1856 = vector.shape_cast %get3A_1855 : vector<1x16xf32> to vector<16xf32>
    %add3A_1857 = arith.addf %get3A_1851, %get3A_1856 : vector<16xf32>
    %swap3A_1858 = arith.constant 49 : i32
    %swap3A_1859 = arith.index_cast %swap3A_1858 : i32 to index
    %swap3A_1860 = arith.constant 16 : index
    %swap3A_1861 = tpu.vector_load %arg9[%swap3A_1859, %swap3A_1860] {strides = array<i32>} : memref<96x128xf32, #tpu.memory_space<vmem>>, vector<1x16xf32>,
    %swap3A_1862 = vector.shape_cast %swap3A_1861 : vector<1x16xf32> to vector<16xf32>
    %swap3A_1863 = vector.shape_cast %add3A_1857 : vector<16xf32> to vector<1x16xf32>
    tpu.vector_store %arg9[%swap3A_1859, %swap3A_1860], %swap3A_1863 {strides = array<i32>} : memref<96x128xf32, #tpu.memory_space<vmem>>, vector<1x16xf32>,
    %get3A_1864 = arith.constant 50 : i32
    %get3A_1865 = arith.index_cast %get3A_1864 : i32 to index
    %get3A_1866 = arith.constant 0 : index
    %get3A_1867 = tpu.vector_load %arg9[%get3A_1865, %get3A_1866] {strides = array<i32>} : memref<96x128xf32, #tpu.memory_space<vmem>>, vector<1x16xf32>,
    %get3A_1868 = vector.shape_cast %get3A_1867 : vector<1x16xf32> to vector<16xf32>
    %get3A_1869 = arith.constant 50 : i32
    %get3A_1870 = arith.index_cast %get3A_1869 : i32 to index
    %get3A_1871 = arith.constant 0 : index
    %get3A_1872 = tpu.vector_load %arg10[%get3A_1870, %get3A_1871] {strides = array<i32>} : memref<96x128xf32, #tpu.memory_space<vmem>>, vector<1x16xf32>,
    %get3A_1873 = vector.shape_cast %get3A_1872 : vector<1x16xf32> to vector<16xf32>
    %add3A_1874 = arith.addf %get3A_1868, %get3A_1873 : vector<16xf32>
    %swap3A_1875 = arith.constant 50 : i32
    %swap3A_1876 = arith.index_cast %swap3A_1875 : i32 to index
    %swap3A_1877 = arith.constant 0 : index
    %swap3A_1878 = tpu.vector_load %arg9[%swap3A_1876, %swap3A_1877] {strides = array<i32>} : memref<96x128xf32, #tpu.memory_space<vmem>>, vector<1x16xf32>,
    %swap3A_1879 = vector.shape_cast %swap3A_1878 : vector<1x16xf32> to vector<16xf32>
    %swap3A_1880 = vector.shape_cast %add3A_1874 : vector<16xf32> to vector<1x16xf32>
    tpu.vector_store %arg9[%swap3A_1876, %swap3A_1877], %swap3A_1880 {strides = array<i32>} : memref<96x128xf32, #tpu.memory_space<vmem>>, vector<1x16xf32>,
    %get3A_1881 = arith.constant 50 : i32
    %get3A_1882 = arith.index_cast %get3A_1881 : i32 to index
    %get3A_1883 = arith.constant 16 : index
    %get3A_1884 = tpu.vector_load %arg9[%get3A_1882, %get3A_1883] {strides = array<i32>} : memref<96x128xf32, #tpu.memory_space<vmem>>, vector<1x16xf32>,
    %get3A_1885 = vector.shape_cast %get3A_1884 : vector<1x16xf32> to vector<16xf32>
    %get3A_1886 = arith.constant 50 : i32
    %get3A_1887 = arith.index_cast %get3A_1886 : i32 to index
    %get3A_1888 = arith.constant 16 : index
    %get3A_1889 = tpu.vector_load %arg10[%get3A_1887, %get3A_1888] {strides = array<i32>} : memref<96x128xf32, #tpu.memory_space<vmem>>, vector<1x16xf32>,
    %get3A_1890 = vector.shape_cast %get3A_1889 : vector<1x16xf32> to vector<16xf32>
    %add3A_1891 = arith.addf %get3A_1885, %get3A_1890 : vector<16xf32>
    %swap3A_1892 = arith.constant 50 : i32
    %swap3A_1893 = arith.index_cast %swap3A_1892 : i32 to index
    %swap3A_1894 = arith.constant 16 : index
    %swap3A_1895 = tpu.vector_load %arg9[%swap3A_1893, %swap3A_1894] {strides = array<i32>} : memref<96x128xf32, #tpu.memory_space<vmem>>, vector<1x16xf32>,
    %swap3A_1896 = vector.shape_cast %swap3A_1895 : vector<1x16xf32> to vector<16xf32>
    %swap3A_1897 = vector.shape_cast %add3A_1891 : vector<16xf32> to vector<1x16xf32>
    tpu.vector_store %arg9[%swap3A_1893, %swap3A_1894], %swap3A_1897 {strides = array<i32>} : memref<96x128xf32, #tpu.memory_space<vmem>>, vector<1x16xf32>,
    %get3A_1898 = arith.constant 51 : i32
    %get3A_1899 = arith.index_cast %get3A_1898 : i32 to index
    %get3A_1900 = arith.constant 0 : index
    %get3A_1901 = tpu.vector_load %arg9[%get3A_1899, %get3A_1900] {strides = array<i32>} : memref<96x128xf32, #tpu.memory_space<vmem>>, vector<1x16xf32>,
    %get3A_1902 = vector.shape_cast %get3A_1901 : vector<1x16xf32> to vector<16xf32>
    %get3A_1903 = arith.constant 51 : i32
    %get3A_1904 = arith.index_cast %get3A_1903 : i32 to index
    %get3A_1905 = arith.constant 0 : index
    %get3A_1906 = tpu.vector_load %arg10[%get3A_1904, %get3A_1905] {strides = array<i32>} : memref<96x128xf32, #tpu.memory_space<vmem>>, vector<1x16xf32>,
    %get3A_1907 = vector.shape_cast %get3A_1906 : vector<1x16xf32> to vector<16xf32>
    %add3A_1908 = arith.addf %get3A_1902, %get3A_1907 : vector<16xf32>
    %swap3A_1909 = arith.constant 51 : i32
    %swap3A_1910 = arith.index_cast %swap3A_1909 : i32 to index
    %swap3A_1911 = arith.constant 0 : index
    %swap3A_1912 = tpu.vector_load %arg9[%swap3A_1910, %swap3A_1911] {strides = array<i32>} : memref<96x128xf32, #tpu.memory_space<vmem>>, vector<1x16xf32>,
    %swap3A_1913 = vector.shape_cast %swap3A_1912 : vector<1x16xf32> to vector<16xf32>
    %swap3A_1914 = vector.shape_cast %add3A_1908 : vector<16xf32> to vector<1x16xf32>
    tpu.vector_store %arg9[%swap3A_1910, %swap3A_1911], %swap3A_1914 {strides = array<i32>} : memref<96x128xf32, #tpu.memory_space<vmem>>, vector<1x16xf32>,
    %get3A_1915 = arith.constant 51 : i32
    %get3A_1916 = arith.index_cast %get3A_1915 : i32 to index
    %get3A_1917 = arith.constant 16 : index
    %get3A_1918 = tpu.vector_load %arg9[%get3A_1916, %get3A_1917] {strides = array<i32>} : memref<96x128xf32, #tpu.memory_space<vmem>>, vector<1x16xf32>,
    %get3A_1919 = vector.shape_cast %get3A_1918 : vector<1x16xf32> to vector<16xf32>
    %get3A_1920 = arith.constant 51 : i32
    %get3A_1921 = arith.index_cast %get3A_1920 : i32 to index
    %get3A_1922 = arith.constant 16 : index
    %get3A_1923 = tpu.vector_load %arg10[%get3A_1921, %get3A_1922] {strides = array<i32>} : memref<96x128xf32, #tpu.memory_space<vmem>>, vector<1x16xf32>,
    %get3A_1924 = vector.shape_cast %get3A_1923 : vector<1x16xf32> to vector<16xf32>
    %add3A_1925 = arith.addf %get3A_1919, %get3A_1924 : vector<16xf32>
    %swap3A_1926 = arith.constant 51 : i32
    %swap3A_1927 = arith.index_cast %swap3A_1926 : i32 to index
    %swap3A_1928 = arith.constant 16 : index
    %swap3A_1929 = tpu.vector_load %arg9[%swap3A_1927, %swap3A_1928] {strides = array<i32>} : memref<96x128xf32, #tpu.memory_space<vmem>>, vector<1x16xf32>,
    %swap3A_1930 = vector.shape_cast %swap3A_1929 : vector<1x16xf32> to vector<16xf32>
    %swap3A_1931 = vector.shape_cast %add3A_1925 : vector<16xf32> to vector<1x16xf32>
    tpu.vector_store %arg9[%swap3A_1927, %swap3A_1928], %swap3A_1931 {strides = array<i32>} : memref<96x128xf32, #tpu.memory_space<vmem>>, vector<1x16xf32>,
    %get3A_1932 = arith.constant 52 : i32
    %get3A_1933 = arith.index_cast %get3A_1932 : i32 to index
    %get3A_1934 = arith.constant 0 : index
    %get3A_1935 = tpu.vector_load %arg9[%get3A_1933, %get3A_1934] {strides = array<i32>} : memref<96x128xf32, #tpu.memory_space<vmem>>, vector<1x16xf32>,
    %get3A_1936 = vector.shape_cast %get3A_1935 : vector<1x16xf32> to vector<16xf32>
    %get3A_1937 = arith.constant 52 : i32
    %get3A_1938 = arith.index_cast %get3A_1937 : i32 to index
    %get3A_1939 = arith.constant 0 : index
    %get3A_1940 = tpu.vector_load %arg10[%get3A_1938, %get3A_1939] {strides = array<i32>} : memref<96x128xf32, #tpu.memory_space<vmem>>, vector<1x16xf32>,
    %get3A_1941 = vector.shape_cast %get3A_1940 : vector<1x16xf32> to vector<16xf32>
    %add3A_1942 = arith.addf %get3A_1936, %get3A_1941 : vector<16xf32>
    %swap3A_1943 = arith.constant 52 : i32
    %swap3A_1944 = arith.index_cast %swap3A_1943 : i32 to index
    %swap3A_1945 = arith.constant 0 : index
    %swap3A_1946 = tpu.vector_load %arg9[%swap3A_1944, %swap3A_1945] {strides = array<i32>} : memref<96x128xf32, #tpu.memory_space<vmem>>, vector<1x16xf32>,
    %swap3A_1947 = vector.shape_cast %swap3A_1946 : vector<1x16xf32> to vector<16xf32>
    %swap3A_1948 = vector.shape_cast %add3A_1942 : vector<16xf32> to vector<1x16xf32>
    tpu.vector_store %arg9[%swap3A_1944, %swap3A_1945], %swap3A_1948 {strides = array<i32>} : memref<96x128xf32, #tpu.memory_space<vmem>>, vector<1x16xf32>,
    %get3A_1949 = arith.constant 52 : i32
    %get3A_1950 = arith.index_cast %get3A_1949 : i32 to index
    %get3A_1951 = arith.constant 16 : index
    %get3A_1952 = tpu.vector_load %arg9[%get3A_1950, %get3A_1951] {strides = array<i32>} : memref<96x128xf32, #tpu.memory_space<vmem>>, vector<1x16xf32>,
    %get3A_1953 = vector.shape_cast %get3A_1952 : vector<1x16xf32> to vector<16xf32>
    %get3A_1954 = arith.constant 52 : i32
    %get3A_1955 = arith.index_cast %get3A_1954 : i32 to index
    %get3A_1956 = arith.constant 16 : index
    %get3A_1957 = tpu.vector_load %arg10[%get3A_1955, %get3A_1956] {strides = array<i32>} : memref<96x128xf32, #tpu.memory_space<vmem>>, vector<1x16xf32>,
    %get3A_1958 = vector.shape_cast %get3A_1957 : vector<1x16xf32> to vector<16xf32>
    %add3A_1959 = arith.addf %get3A_1953, %get3A_1958 : vector<16xf32>
    %swap3A_1960 = arith.constant 52 : i32
    %swap3A_1961 = arith.index_cast %swap3A_1960 : i32 to index
    %swap3A_1962 = arith.constant 16 : index
    %swap3A_1963 = tpu.vector_load %arg9[%swap3A_1961, %swap3A_1962] {strides = array<i32>} : memref<96x128xf32, #tpu.memory_space<vmem>>, vector<1x16xf32>,
    %swap3A_1964 = vector.shape_cast %swap3A_1963 : vector<1x16xf32> to vector<16xf32>
    %swap3A_1965 = vector.shape_cast %add3A_1959 : vector<16xf32> to vector<1x16xf32>
    tpu.vector_store %arg9[%swap3A_1961, %swap3A_1962], %swap3A_1965 {strides = array<i32>} : memref<96x128xf32, #tpu.memory_space<vmem>>, vector<1x16xf32>,
    %get3A_1966 = arith.constant 53 : i32
    %get3A_1967 = arith.index_cast %get3A_1966 : i32 to index
    %get3A_1968 = arith.constant 0 : index
    %get3A_1969 = tpu.vector_load %arg9[%get3A_1967, %get3A_1968] {strides = array<i32>} : memref<96x128xf32, #tpu.memory_space<vmem>>, vector<1x16xf32>,
    %get3A_1970 = vector.shape_cast %get3A_1969 : vector<1x16xf32> to vector<16xf32>
    %get3A_1971 = arith.constant 53 : i32
    %get3A_1972 = arith.index_cast %get3A_1971 : i32 to index
    %get3A_1973 = arith.constant 0 : index
    %get3A_1974 = tpu.vector_load %arg10[%get3A_1972, %get3A_1973] {strides = array<i32>} : memref<96x128xf32, #tpu.memory_space<vmem>>, vector<1x16xf32>,
    %get3A_1975 = vector.shape_cast %get3A_1974 : vector<1x16xf32> to vector<16xf32>
    %add3A_1976 = arith.addf %get3A_1970, %get3A_1975 : vector<16xf32>
    %swap3A_1977 = arith.constant 53 : i32
    %swap3A_1978 = arith.index_cast %swap3A_1977 : i32 to index
    %swap3A_1979 = arith.constant 0 : index
    %swap3A_1980 = tpu.vector_load %arg9[%swap3A_1978, %swap3A_1979] {strides = array<i32>} : memref<96x128xf32, #tpu.memory_space<vmem>>, vector<1x16xf32>,
    %swap3A_1981 = vector.shape_cast %swap3A_1980 : vector<1x16xf32> to vector<16xf32>
    %swap3A_1982 = vector.shape_cast %add3A_1976 : vector<16xf32> to vector<1x16xf32>
    tpu.vector_store %arg9[%swap3A_1978, %swap3A_1979], %swap3A_1982 {strides = array<i32>} : memref<96x128xf32, #tpu.memory_space<vmem>>, vector<1x16xf32>,
    %get3A_1983 = arith.constant 53 : i32
    %get3A_1984 = arith.index_cast %get3A_1983 : i32 to index
    %get3A_1985 = arith.constant 16 : index
    %get3A_1986 = tpu.vector_load %arg9[%get3A_1984, %get3A_1985] {strides = array<i32>} : memref<96x128xf32, #tpu.memory_space<vmem>>, vector<1x16xf32>,
    %get3A_1987 = vector.shape_cast %get3A_1986 : vector<1x16xf32> to vector<16xf32>
    %get3A_1988 = arith.constant 53 : i32
    %get3A_1989 = arith.index_cast %get3A_1988 : i32 to index
    %get3A_1990 = arith.constant 16 : index
    %get3A_1991 = tpu.vector_load %arg10[%get3A_1989, %get3A_1990] {strides = array<i32>} : memref<96x128xf32, #tpu.memory_space<vmem>>, vector<1x16xf32>,
    %get3A_1992 = vector.shape_cast %get3A_1991 : vector<1x16xf32> to vector<16xf32>
    %add3A_1993 = arith.addf %get3A_1987, %get3A_1992 : vector<16xf32>
    %swap3A_1994 = arith.constant 53 : i32
    %swap3A_1995 = arith.index_cast %swap3A_1994 : i32 to index
    %swap3A_1996 = arith.constant 16 : index
    %swap3A_1997 = tpu.vector_load %arg9[%swap3A_1995, %swap3A_1996] {strides = array<i32>} : memref<96x128xf32, #tpu.memory_space<vmem>>, vector<1x16xf32>,
    %swap3A_1998 = vector.shape_cast %swap3A_1997 : vector<1x16xf32> to vector<16xf32>
    %swap3A_1999 = vector.shape_cast %add3A_1993 : vector<16xf32> to vector<1x16xf32>
    tpu.vector_store %arg9[%swap3A_1995, %swap3A_1996], %swap3A_1999 {strides = array<i32>} : memref<96x128xf32, #tpu.memory_space<vmem>>, vector<1x16xf32>,
    %get3A_2000 = arith.constant 54 : i32
    %get3A_2001 = arith.index_cast %get3A_2000 : i32 to index
    %get3A_2002 = arith.constant 0 : index
    %get3A_2003 = tpu.vector_load %arg9[%get3A_2001, %get3A_2002] {strides = array<i32>} : memref<96x128xf32, #tpu.memory_space<vmem>>, vector<1x16xf32>,
    %get3A_2004 = vector.shape_cast %get3A_2003 : vector<1x16xf32> to vector<16xf32>
    %get3A_2005 = arith.constant 54 : i32
    %get3A_2006 = arith.index_cast %get3A_2005 : i32 to index
    %get3A_2007 = arith.constant 0 : index
    %get3A_2008 = tpu.vector_load %arg10[%get3A_2006, %get3A_2007] {strides = array<i32>} : memref<96x128xf32, #tpu.memory_space<vmem>>, vector<1x16xf32>,
    %get3A_2009 = vector.shape_cast %get3A_2008 : vector<1x16xf32> to vector<16xf32>
    %add3A_2010 = arith.addf %get3A_2004, %get3A_2009 : vector<16xf32>
    %swap3A_2011 = arith.constant 54 : i32
    %swap3A_2012 = arith.index_cast %swap3A_2011 : i32 to index
    %swap3A_2013 = arith.constant 0 : index
    %swap3A_2014 = tpu.vector_load %arg9[%swap3A_2012, %swap3A_2013] {strides = array<i32>} : memref<96x128xf32, #tpu.memory_space<vmem>>, vector<1x16xf32>,
    %swap3A_2015 = vector.shape_cast %swap3A_2014 : vector<1x16xf32> to vector<16xf32>
    %swap3A_2016 = vector.shape_cast %add3A_2010 : vector<16xf32> to vector<1x16xf32>
    tpu.vector_store %arg9[%swap3A_2012, %swap3A_2013], %swap3A_2016 {strides = array<i32>} : memref<96x128xf32, #tpu.memory_space<vmem>>, vector<1x16xf32>,
    %get3A_2017 = arith.constant 54 : i32
    %get3A_2018 = arith.index_cast %get3A_2017 : i32 to index
    %get3A_2019 = arith.constant 16 : index
    %get3A_2020 = tpu.vector_load %arg9[%get3A_2018, %get3A_2019] {strides = array<i32>} : memref<96x128xf32, #tpu.memory_space<vmem>>, vector<1x16xf32>,
    %get3A_2021 = vector.shape_cast %get3A_2020 : vector<1x16xf32> to vector<16xf32>
    %get3A_2022 = arith.constant 54 : i32
    %get3A_2023 = arith.index_cast %get3A_2022 : i32 to index
    %get3A_2024 = arith.constant 16 : index
    %get3A_2025 = tpu.vector_load %arg10[%get3A_2023, %get3A_2024] {strides = array<i32>} : memref<96x128xf32, #tpu.memory_space<vmem>>, vector<1x16xf32>,
    %get3A_2026 = vector.shape_cast %get3A_2025 : vector<1x16xf32> to vector<16xf32>
    %add3A_2027 = arith.addf %get3A_2021, %get3A_2026 : vector<16xf32>
    %swap3A_2028 = arith.constant 54 : i32
    %swap3A_2029 = arith.index_cast %swap3A_2028 : i32 to index
    %swap3A_2030 = arith.constant 16 : index
    %swap3A_2031 = tpu.vector_load %arg9[%swap3A_2029, %swap3A_2030] {strides = array<i32>} : memref<96x128xf32, #tpu.memory_space<vmem>>, vector<1x16xf32>,
    %swap3A_2032 = vector.shape_cast %swap3A_2031 : vector<1x16xf32> to vector<16xf32>
    %swap3A_2033 = vector.shape_cast %add3A_2027 : vector<16xf32> to vector<1x16xf32>
    tpu.vector_store %arg9[%swap3A_2029, %swap3A_2030], %swap3A_2033 {strides = array<i32>} : memref<96x128xf32, #tpu.memory_space<vmem>>, vector<1x16xf32>,
    %get3A_2034 = arith.constant 55 : i32
    %get3A_2035 = arith.index_cast %get3A_2034 : i32 to index
    %get3A_2036 = arith.constant 0 : index
    %get3A_2037 = tpu.vector_load %arg9[%get3A_2035, %get3A_2036] {strides = array<i32>} : memref<96x128xf32, #tpu.memory_space<vmem>>, vector<1x16xf32>,
    %get3A_2038 = vector.shape_cast %get3A_2037 : vector<1x16xf32> to vector<16xf32>
    %get3A_2039 = arith.constant 55 : i32
    %get3A_2040 = arith.index_cast %get3A_2039 : i32 to index
    %get3A_2041 = arith.constant 0 : index
    %get3A_2042 = tpu.vector_load %arg10[%get3A_2040, %get3A_2041] {strides = array<i32>} : memref<96x128xf32, #tpu.memory_space<vmem>>, vector<1x16xf32>,
    %get3A_2043 = vector.shape_cast %get3A_2042 : vector<1x16xf32> to vector<16xf32>
    %add3A_2044 = arith.addf %get3A_2038, %get3A_2043 : vector<16xf32>
    %swap3A_2045 = arith.constant 55 : i32
    %swap3A_2046 = arith.index_cast %swap3A_2045 : i32 to index
    %swap3A_2047 = arith.constant 0 : index
    %swap3A_2048 = tpu.vector_load %arg9[%swap3A_2046, %swap3A_2047] {strides = array<i32>} : memref<96x128xf32, #tpu.memory_space<vmem>>, vector<1x16xf32>,
    %swap3A_2049 = vector.shape_cast %swap3A_2048 : vector<1x16xf32> to vector<16xf32>
    %swap3A_2050 = vector.shape_cast %add3A_2044 : vector<16xf32> to vector<1x16xf32>
    tpu.vector_store %arg9[%swap3A_2046, %swap3A_2047], %swap3A_2050 {strides = array<i32>} : memref<96x128xf32, #tpu.memory_space<vmem>>, vector<1x16xf32>,
    %get3A_2051 = arith.constant 55 : i32
    %get3A_2052 = arith.index_cast %get3A_2051 : i32 to index
    %get3A_2053 = arith.constant 16 : index
    %get3A_2054 = tpu.vector_load %arg9[%get3A_2052, %get3A_2053] {strides = array<i32>} : memref<96x128xf32, #tpu.memory_space<vmem>>, vector<1x16xf32>,
    %get3A_2055 = vector.shape_cast %get3A_2054 : vector<1x16xf32> to vector<16xf32>
    %get3A_2056 = arith.constant 55 : i32
    %get3A_2057 = arith.index_cast %get3A_2056 : i32 to index
    %get3A_2058 = arith.constant 16 : index
    %get3A_2059 = tpu.vector_load %arg10[%get3A_2057, %get3A_2058] {strides = array<i32>} : memref<96x128xf32, #tpu.memory_space<vmem>>, vector<1x16xf32>,
    %get3A_2060 = vector.shape_cast %get3A_2059 : vector<1x16xf32> to vector<16xf32>
    %add3A_2061 = arith.addf %get3A_2055, %get3A_2060 : vector<16xf32>
    %swap3A_2062 = arith.constant 55 : i32
    %swap3A_2063 = arith.index_cast %swap3A_2062 : i32 to index
    %swap3A_2064 = arith.constant 16 : index
    %swap3A_2065 = tpu.vector_load %arg9[%swap3A_2063, %swap3A_2064] {strides = array<i32>} : memref<96x128xf32, #tpu.memory_space<vmem>>, vector<1x16xf32>,
    %swap3A_2066 = vector.shape_cast %swap3A_2065 : vector<1x16xf32> to vector<16xf32>
    %swap3A_2067 = vector.shape_cast %add3A_2061 : vector<16xf32> to vector<1x16xf32>
    tpu.vector_store %arg9[%swap3A_2063, %swap3A_2064], %swap3A_2067 {strides = array<i32>} : memref<96x128xf32, #tpu.memory_space<vmem>>, vector<1x16xf32>,
    %get3A_2068 = arith.constant 56 : i32
    %get3A_2069 = arith.index_cast %get3A_2068 : i32 to index
    %get3A_2070 = arith.constant 0 : index
    %get3A_2071 = tpu.vector_load %arg9[%get3A_2069, %get3A_2070] {strides = array<i32>} : memref<96x128xf32, #tpu.memory_space<vmem>>, vector<1x16xf32>,
    %get3A_2072 = vector.shape_cast %get3A_2071 : vector<1x16xf32> to vector<16xf32>
    %get3A_2073 = arith.constant 56 : i32
    %get3A_2074 = arith.index_cast %get3A_2073 : i32 to index
    %get3A_2075 = arith.constant 0 : index
    %get3A_2076 = tpu.vector_load %arg10[%get3A_2074, %get3A_2075] {strides = array<i32>} : memref<96x128xf32, #tpu.memory_space<vmem>>, vector<1x16xf32>,
    %get3A_2077 = vector.shape_cast %get3A_2076 : vector<1x16xf32> to vector<16xf32>
    %add3A_2078 = arith.addf %get3A_2072, %get3A_2077 : vector<16xf32>
    %swap3A_2079 = arith.constant 56 : i32
    %swap3A_2080 = arith.index_cast %swap3A_2079 : i32 to index
    %swap3A_2081 = arith.constant 0 : index
    %swap3A_2082 = tpu.vector_load %arg9[%swap3A_2080, %swap3A_2081] {strides = array<i32>} : memref<96x128xf32, #tpu.memory_space<vmem>>, vector<1x16xf32>,
    %swap3A_2083 = vector.shape_cast %swap3A_2082 : vector<1x16xf32> to vector<16xf32>
    %swap3A_2084 = vector.shape_cast %add3A_2078 : vector<16xf32> to vector<1x16xf32>
    tpu.vector_store %arg9[%swap3A_2080, %swap3A_2081], %swap3A_2084 {strides = array<i32>} : memref<96x128xf32, #tpu.memory_space<vmem>>, vector<1x16xf32>,
    %get3A_2085 = arith.constant 56 : i32
    %get3A_2086 = arith.index_cast %get3A_2085 : i32 to index
    %get3A_2087 = arith.constant 16 : index
    %get3A_2088 = tpu.vector_load %arg9[%get3A_2086, %get3A_2087] {strides = array<i32>} : memref<96x128xf32, #tpu.memory_space<vmem>>, vector<1x16xf32>,
    %get3A_2089 = vector.shape_cast %get3A_2088 : vector<1x16xf32> to vector<16xf32>
    %get3A_2090 = arith.constant 56 : i32
    %get3A_2091 = arith.index_cast %get3A_2090 : i32 to index
    %get3A_2092 = arith.constant 16 : index
    %get3A_2093 = tpu.vector_load %arg10[%get3A_2091, %get3A_2092] {strides = array<i32>} : memref<96x128xf32, #tpu.memory_space<vmem>>, vector<1x16xf32>,
    %get3A_2094 = vector.shape_cast %get3A_2093 : vector<1x16xf32> to vector<16xf32>
    %add3A_2095 = arith.addf %get3A_2089, %get3A_2094 : vector<16xf32>
    %swap3A_2096 = arith.constant 56 : i32
    %swap3A_2097 = arith.index_cast %swap3A_2096 : i32 to index
    %swap3A_2098 = arith.constant 16 : index
    %swap3A_2099 = tpu.vector_load %arg9[%swap3A_2097, %swap3A_2098] {strides = array<i32>} : memref<96x128xf32, #tpu.memory_space<vmem>>, vector<1x16xf32>,
    %swap3A_2100 = vector.shape_cast %swap3A_2099 : vector<1x16xf32> to vector<16xf32>
    %swap3A_2101 = vector.shape_cast %add3A_2095 : vector<16xf32> to vector<1x16xf32>
    tpu.vector_store %arg9[%swap3A_2097, %swap3A_2098], %swap3A_2101 {strides = array<i32>} : memref<96x128xf32, #tpu.memory_space<vmem>>, vector<1x16xf32>,
    %get3A_2102 = arith.constant 57 : i32
    %get3A_2103 = arith.index_cast %get3A_2102 : i32 to index
    %get3A_2104 = arith.constant 0 : index
    %get3A_2105 = tpu.vector_load %arg9[%get3A_2103, %get3A_2104] {strides = array<i32>} : memref<96x128xf32, #tpu.memory_space<vmem>>, vector<1x16xf32>,
    %get3A_2106 = vector.shape_cast %get3A_2105 : vector<1x16xf32> to vector<16xf32>
    %get3A_2107 = arith.constant 57 : i32
    %get3A_2108 = arith.index_cast %get3A_2107 : i32 to index
    %get3A_2109 = arith.constant 0 : index
    %get3A_2110 = tpu.vector_load %arg10[%get3A_2108, %get3A_2109] {strides = array<i32>} : memref<96x128xf32, #tpu.memory_space<vmem>>, vector<1x16xf32>,
    %get3A_2111 = vector.shape_cast %get3A_2110 : vector<1x16xf32> to vector<16xf32>
    %add3A_2112 = arith.addf %get3A_2106, %get3A_2111 : vector<16xf32>
    %swap3A_2113 = arith.constant 57 : i32
    %swap3A_2114 = arith.index_cast %swap3A_2113 : i32 to index
    %swap3A_2115 = arith.constant 0 : index
    %swap3A_2116 = tpu.vector_load %arg9[%swap3A_2114, %swap3A_2115] {strides = array<i32>} : memref<96x128xf32, #tpu.memory_space<vmem>>, vector<1x16xf32>,
    %swap3A_2117 = vector.shape_cast %swap3A_2116 : vector<1x16xf32> to vector<16xf32>
    %swap3A_2118 = vector.shape_cast %add3A_2112 : vector<16xf32> to vector<1x16xf32>
    tpu.vector_store %arg9[%swap3A_2114, %swap3A_2115], %swap3A_2118 {strides = array<i32>} : memref<96x128xf32, #tpu.memory_space<vmem>>, vector<1x16xf32>,
    %get3A_2119 = arith.constant 57 : i32
    %get3A_2120 = arith.index_cast %get3A_2119 : i32 to index
    %get3A_2121 = arith.constant 16 : index
    %get3A_2122 = tpu.vector_load %arg9[%get3A_2120, %get3A_2121] {strides = array<i32>} : memref<96x128xf32, #tpu.memory_space<vmem>>, vector<1x16xf32>,
    %get3A_2123 = vector.shape_cast %get3A_2122 : vector<1x16xf32> to vector<16xf32>
    %get3A_2124 = arith.constant 57 : i32
    %get3A_2125 = arith.index_cast %get3A_2124 : i32 to index
    %get3A_2126 = arith.constant 16 : index
    %get3A_2127 = tpu.vector_load %arg10[%get3A_2125, %get3A_2126] {strides = array<i32>} : memref<96x128xf32, #tpu.memory_space<vmem>>, vector<1x16xf32>,
    %get3A_2128 = vector.shape_cast %get3A_2127 : vector<1x16xf32> to vector<16xf32>
    %add3A_2129 = arith.addf %get3A_2123, %get3A_2128 : vector<16xf32>
    %swap3A_2130 = arith.constant 57 : i32
    %swap3A_2131 = arith.index_cast %swap3A_2130 : i32 to index
    %swap3A_2132 = arith.constant 16 : index
    %swap3A_2133 = tpu.vector_load %arg9[%swap3A_2131, %swap3A_2132] {strides = array<i32>} : memref<96x128xf32, #tpu.memory_space<vmem>>, vector<1x16xf32>,
    %swap3A_2134 = vector.shape_cast %swap3A_2133 : vector<1x16xf32> to vector<16xf32>
    %swap3A_2135 = vector.shape_cast %add3A_2129 : vector<16xf32> to vector<1x16xf32>
    tpu.vector_store %arg9[%swap3A_2131, %swap3A_2132], %swap3A_2135 {strides = array<i32>} : memref<96x128xf32, #tpu.memory_space<vmem>>, vector<1x16xf32>,
    %get3A_2136 = arith.constant 58 : i32
    %get3A_2137 = arith.index_cast %get3A_2136 : i32 to index
    %get3A_2138 = arith.constant 0 : index
    %get3A_2139 = tpu.vector_load %arg9[%get3A_2137, %get3A_2138] {strides = array<i32>} : memref<96x128xf32, #tpu.memory_space<vmem>>, vector<1x16xf32>,
    %get3A_2140 = vector.shape_cast %get3A_2139 : vector<1x16xf32> to vector<16xf32>
    %get3A_2141 = arith.constant 58 : i32
    %get3A_2142 = arith.index_cast %get3A_2141 : i32 to index
    %get3A_2143 = arith.constant 0 : index
    %get3A_2144 = tpu.vector_load %arg10[%get3A_2142, %get3A_2143] {strides = array<i32>} : memref<96x128xf32, #tpu.memory_space<vmem>>, vector<1x16xf32>,
    %get3A_2145 = vector.shape_cast %get3A_2144 : vector<1x16xf32> to vector<16xf32>
    %add3A_2146 = arith.addf %get3A_2140, %get3A_2145 : vector<16xf32>
    %swap3A_2147 = arith.constant 58 : i32
    %swap3A_2148 = arith.index_cast %swap3A_2147 : i32 to index
    %swap3A_2149 = arith.constant 0 : index
    %swap3A_2150 = tpu.vector_load %arg9[%swap3A_2148, %swap3A_2149] {strides = array<i32>} : memref<96x128xf32, #tpu.memory_space<vmem>>, vector<1x16xf32>,
    %swap3A_2151 = vector.shape_cast %swap3A_2150 : vector<1x16xf32> to vector<16xf32>
    %swap3A_2152 = vector.shape_cast %add3A_2146 : vector<16xf32> to vector<1x16xf32>
    tpu.vector_store %arg9[%swap3A_2148, %swap3A_2149], %swap3A_2152 {strides = array<i32>} : memref<96x128xf32, #tpu.memory_space<vmem>>, vector<1x16xf32>,
    %get3A_2153 = arith.constant 58 : i32
    %get3A_2154 = arith.index_cast %get3A_2153 : i32 to index
    %get3A_2155 = arith.constant 16 : index
    %get3A_2156 = tpu.vector_load %arg9[%get3A_2154, %get3A_2155] {strides = array<i32>} : memref<96x128xf32, #tpu.memory_space<vmem>>, vector<1x16xf32>,
    %get3A_2157 = vector.shape_cast %get3A_2156 : vector<1x16xf32> to vector<16xf32>
    %get3A_2158 = arith.constant 58 : i32
    %get3A_2159 = arith.index_cast %get3A_2158 : i32 to index
    %get3A_2160 = arith.constant 16 : index
    %get3A_2161 = tpu.vector_load %arg10[%get3A_2159, %get3A_2160] {strides = array<i32>} : memref<96x128xf32, #tpu.memory_space<vmem>>, vector<1x16xf32>,
    %get3A_2162 = vector.shape_cast %get3A_2161 : vector<1x16xf32> to vector<16xf32>
    %add3A_2163 = arith.addf %get3A_2157, %get3A_2162 : vector<16xf32>
    %swap3A_2164 = arith.constant 58 : i32
    %swap3A_2165 = arith.index_cast %swap3A_2164 : i32 to index
    %swap3A_2166 = arith.constant 16 : index
    %swap3A_2167 = tpu.vector_load %arg9[%swap3A_2165, %swap3A_2166] {strides = array<i32>} : memref<96x128xf32, #tpu.memory_space<vmem>>, vector<1x16xf32>,
    %swap3A_2168 = vector.shape_cast %swap3A_2167 : vector<1x16xf32> to vector<16xf32>
    %swap3A_2169 = vector.shape_cast %add3A_2163 : vector<16xf32> to vector<1x16xf32>
    tpu.vector_store %arg9[%swap3A_2165, %swap3A_2166], %swap3A_2169 {strides = array<i32>} : memref<96x128xf32, #tpu.memory_space<vmem>>, vector<1x16xf32>,
    %get3A_2170 = arith.constant 59 : i32
    %get3A_2171 = arith.index_cast %get3A_2170 : i32 to index
    %get3A_2172 = arith.constant 0 : index
    %get3A_2173 = tpu.vector_load %arg9[%get3A_2171, %get3A_2172] {strides = array<i32>} : memref<96x128xf32, #tpu.memory_space<vmem>>, vector<1x16xf32>,
    %get3A_2174 = vector.shape_cast %get3A_2173 : vector<1x16xf32> to vector<16xf32>
    %get3A_2175 = arith.constant 59 : i32
    %get3A_2176 = arith.index_cast %get3A_2175 : i32 to index
    %get3A_2177 = arith.constant 0 : index
    %get3A_2178 = tpu.vector_load %arg10[%get3A_2176, %get3A_2177] {strides = array<i32>} : memref<96x128xf32, #tpu.memory_space<vmem>>, vector<1x16xf32>,
    %get3A_2179 = vector.shape_cast %get3A_2178 : vector<1x16xf32> to vector<16xf32>
    %add3A_2180 = arith.addf %get3A_2174, %get3A_2179 : vector<16xf32>
    %swap3A_2181 = arith.constant 59 : i32
    %swap3A_2182 = arith.index_cast %swap3A_2181 : i32 to index
    %swap3A_2183 = arith.constant 0 : index
    %swap3A_2184 = tpu.vector_load %arg9[%swap3A_2182, %swap3A_2183] {strides = array<i32>} : memref<96x128xf32, #tpu.memory_space<vmem>>, vector<1x16xf32>,
    %swap3A_2185 = vector.shape_cast %swap3A_2184 : vector<1x16xf32> to vector<16xf32>
    %swap3A_2186 = vector.shape_cast %add3A_2180 : vector<16xf32> to vector<1x16xf32>
    tpu.vector_store %arg9[%swap3A_2182, %swap3A_2183], %swap3A_2186 {strides = array<i32>} : memref<96x128xf32, #tpu.memory_space<vmem>>, vector<1x16xf32>,
    %get3A_2187 = arith.constant 59 : i32
    %get3A_2188 = arith.index_cast %get3A_2187 : i32 to index
    %get3A_2189 = arith.constant 16 : index
    %get3A_2190 = tpu.vector_load %arg9[%get3A_2188, %get3A_2189] {strides = array<i32>} : memref<96x128xf32, #tpu.memory_space<vmem>>, vector<1x16xf32>,
    %get3A_2191 = vector.shape_cast %get3A_2190 : vector<1x16xf32> to vector<16xf32>
    %get3A_2192 = arith.constant 59 : i32
    %get3A_2193 = arith.index_cast %get3A_2192 : i32 to index
    %get3A_2194 = arith.constant 16 : index
    %get3A_2195 = tpu.vector_load %arg10[%get3A_2193, %get3A_2194] {strides = array<i32>} : memref<96x128xf32, #tpu.memory_space<vmem>>, vector<1x16xf32>,
    %get3A_2196 = vector.shape_cast %get3A_2195 : vector<1x16xf32> to vector<16xf32>
    %add3A_2197 = arith.addf %get3A_2191, %get3A_2196 : vector<16xf32>
    %swap3A_2198 = arith.constant 59 : i32
    %swap3A_2199 = arith.index_cast %swap3A_2198 : i32 to index
    %swap3A_2200 = arith.constant 16 : index
    %swap3A_2201 = tpu.vector_load %arg9[%swap3A_2199, %swap3A_2200] {strides = array<i32>} : memref<96x128xf32, #tpu.memory_space<vmem>>, vector<1x16xf32>,
    %swap3A_2202 = vector.shape_cast %swap3A_2201 : vector<1x16xf32> to vector<16xf32>
    %swap3A_2203 = vector.shape_cast %add3A_2197 : vector<16xf32> to vector<1x16xf32>
    tpu.vector_store %arg9[%swap3A_2199, %swap3A_2200], %swap3A_2203 {strides = array<i32>} : memref<96x128xf32, #tpu.memory_space<vmem>>, vector<1x16xf32>,
    %get3A_2204 = arith.constant 60 : i32
    %get3A_2205 = arith.index_cast %get3A_2204 : i32 to index
    %get3A_2206 = arith.constant 0 : index
    %get3A_2207 = tpu.vector_load %arg9[%get3A_2205, %get3A_2206] {strides = array<i32>} : memref<96x128xf32, #tpu.memory_space<vmem>>, vector<1x16xf32>,
    %get3A_2208 = vector.shape_cast %get3A_2207 : vector<1x16xf32> to vector<16xf32>
    %get3A_2209 = arith.constant 60 : i32
    %get3A_2210 = arith.index_cast %get3A_2209 : i32 to index
    %get3A_2211 = arith.constant 0 : index
    %get3A_2212 = tpu.vector_load %arg10[%get3A_2210, %get3A_2211] {strides = array<i32>} : memref<96x128xf32, #tpu.memory_space<vmem>>, vector<1x16xf32>,
    %get3A_2213 = vector.shape_cast %get3A_2212 : vector<1x16xf32> to vector<16xf32>
    %add3A_2214 = arith.addf %get3A_2208, %get3A_2213 : vector<16xf32>
    %swap3A_2215 = arith.constant 60 : i32
    %swap3A_2216 = arith.index_cast %swap3A_2215 : i32 to index
    %swap3A_2217 = arith.constant 0 : index
    %swap3A_2218 = tpu.vector_load %arg9[%swap3A_2216, %swap3A_2217] {strides = array<i32>} : memref<96x128xf32, #tpu.memory_space<vmem>>, vector<1x16xf32>,
    %swap3A_2219 = vector.shape_cast %swap3A_2218 : vector<1x16xf32> to vector<16xf32>
    %swap3A_2220 = vector.shape_cast %add3A_2214 : vector<16xf32> to vector<1x16xf32>
    tpu.vector_store %arg9[%swap3A_2216, %swap3A_2217], %swap3A_2220 {strides = array<i32>} : memref<96x128xf32, #tpu.memory_space<vmem>>, vector<1x16xf32>,
    %get3A_2221 = arith.constant 60 : i32
    %get3A_2222 = arith.index_cast %get3A_2221 : i32 to index
    %get3A_2223 = arith.constant 16 : index
    %get3A_2224 = tpu.vector_load %arg9[%get3A_2222, %get3A_2223] {strides = array<i32>} : memref<96x128xf32, #tpu.memory_space<vmem>>, vector<1x16xf32>,
    %get3A_2225 = vector.shape_cast %get3A_2224 : vector<1x16xf32> to vector<16xf32>
    %get3A_2226 = arith.constant 60 : i32
    %get3A_2227 = arith.index_cast %get3A_2226 : i32 to index
    %get3A_2228 = arith.constant 16 : index
    %get3A_2229 = tpu.vector_load %arg10[%get3A_2227, %get3A_2228] {strides = array<i32>} : memref<96x128xf32, #tpu.memory_space<vmem>>, vector<1x16xf32>,
    %get3A_2230 = vector.shape_cast %get3A_2229 : vector<1x16xf32> to vector<16xf32>
    %add3A_2231 = arith.addf %get3A_2225, %get3A_2230 : vector<16xf32>
    %swap3A_2232 = arith.constant 60 : i32
    %swap3A_2233 = arith.index_cast %swap3A_2232 : i32 to index
    %swap3A_2234 = arith.constant 16 : index
    %swap3A_2235 = tpu.vector_load %arg9[%swap3A_2233, %swap3A_2234] {strides = array<i32>} : memref<96x128xf32, #tpu.memory_space<vmem>>, vector<1x16xf32>,
    %swap3A_2236 = vector.shape_cast %swap3A_2235 : vector<1x16xf32> to vector<16xf32>
    %swap3A_2237 = vector.shape_cast %add3A_2231 : vector<16xf32> to vector<1x16xf32>
    tpu.vector_store %arg9[%swap3A_2233, %swap3A_2234], %swap3A_2237 {strides = array<i32>} : memref<96x128xf32, #tpu.memory_space<vmem>>, vector<1x16xf32>,
    %get3A_2238 = arith.constant 61 : i32
    %get3A_2239 = arith.index_cast %get3A_2238 : i32 to index
    %get3A_2240 = arith.constant 0 : index
    %get3A_2241 = tpu.vector_load %arg9[%get3A_2239, %get3A_2240] {strides = array<i32>} : memref<96x128xf32, #tpu.memory_space<vmem>>, vector<1x16xf32>,
    %get3A_2242 = vector.shape_cast %get3A_2241 : vector<1x16xf32> to vector<16xf32>
    %get3A_2243 = arith.constant 61 : i32
    %get3A_2244 = arith.index_cast %get3A_2243 : i32 to index
    %get3A_2245 = arith.constant 0 : index
    %get3A_2246 = tpu.vector_load %arg10[%get3A_2244, %get3A_2245] {strides = array<i32>} : memref<96x128xf32, #tpu.memory_space<vmem>>, vector<1x16xf32>,
    %get3A_2247 = vector.shape_cast %get3A_2246 : vector<1x16xf32> to vector<16xf32>
    %add3A_2248 = arith.addf %get3A_2242, %get3A_2247 : vector<16xf32>
    %swap3A_2249 = arith.constant 61 : i32
    %swap3A_2250 = arith.index_cast %swap3A_2249 : i32 to index
    %swap3A_2251 = arith.constant 0 : index
    %swap3A_2252 = tpu.vector_load %arg9[%swap3A_2250, %swap3A_2251] {strides = array<i32>} : memref<96x128xf32, #tpu.memory_space<vmem>>, vector<1x16xf32>,
    %swap3A_2253 = vector.shape_cast %swap3A_2252 : vector<1x16xf32> to vector<16xf32>
    %swap3A_2254 = vector.shape_cast %add3A_2248 : vector<16xf32> to vector<1x16xf32>
    tpu.vector_store %arg9[%swap3A_2250, %swap3A_2251], %swap3A_2254 {strides = array<i32>} : memref<96x128xf32, #tpu.memory_space<vmem>>, vector<1x16xf32>,
    %get3A_2255 = arith.constant 61 : i32
    %get3A_2256 = arith.index_cast %get3A_2255 : i32 to index
    %get3A_2257 = arith.constant 16 : index
    %get3A_2258 = tpu.vector_load %arg9[%get3A_2256, %get3A_2257] {strides = array<i32>} : memref<96x128xf32, #tpu.memory_space<vmem>>, vector<1x16xf32>,
    %get3A_2259 = vector.shape_cast %get3A_2258 : vector<1x16xf32> to vector<16xf32>
    %get3A_2260 = arith.constant 61 : i32
    %get3A_2261 = arith.index_cast %get3A_2260 : i32 to index
    %get3A_2262 = arith.constant 16 : index
    %get3A_2263 = tpu.vector_load %arg10[%get3A_2261, %get3A_2262] {strides = array<i32>} : memref<96x128xf32, #tpu.memory_space<vmem>>, vector<1x16xf32>,
    %get3A_2264 = vector.shape_cast %get3A_2263 : vector<1x16xf32> to vector<16xf32>
    %add3A_2265 = arith.addf %get3A_2259, %get3A_2264 : vector<16xf32>
    %swap3A_2266 = arith.constant 61 : i32
    %swap3A_2267 = arith.index_cast %swap3A_2266 : i32 to index
    %swap3A_2268 = arith.constant 16 : index
    %swap3A_2269 = tpu.vector_load %arg9[%swap3A_2267, %swap3A_2268] {strides = array<i32>} : memref<96x128xf32, #tpu.memory_space<vmem>>, vector<1x16xf32>,
    %swap3A_2270 = vector.shape_cast %swap3A_2269 : vector<1x16xf32> to vector<16xf32>
    %swap3A_2271 = vector.shape_cast %add3A_2265 : vector<16xf32> to vector<1x16xf32>
    tpu.vector_store %arg9[%swap3A_2267, %swap3A_2268], %swap3A_2271 {strides = array<i32>} : memref<96x128xf32, #tpu.memory_space<vmem>>, vector<1x16xf32>,
    %get3A_2272 = arith.constant 62 : i32
    %get3A_2273 = arith.index_cast %get3A_2272 : i32 to index
    %get3A_2274 = arith.constant 0 : index
    %get3A_2275 = tpu.vector_load %arg9[%get3A_2273, %get3A_2274] {strides = array<i32>} : memref<96x128xf32, #tpu.memory_space<vmem>>, vector<1x16xf32>,
    %get3A_2276 = vector.shape_cast %get3A_2275 : vector<1x16xf32> to vector<16xf32>
    %get3A_2277 = arith.constant 62 : i32
    %get3A_2278 = arith.index_cast %get3A_2277 : i32 to index
    %get3A_2279 = arith.constant 0 : index
    %get3A_2280 = tpu.vector_load %arg10[%get3A_2278, %get3A_2279] {strides = array<i32>} : memref<96x128xf32, #tpu.memory_space<vmem>>, vector<1x16xf32>,
    %get3A_2281 = vector.shape_cast %get3A_2280 : vector<1x16xf32> to vector<16xf32>
    %add3A_2282 = arith.addf %get3A_2276, %get3A_2281 : vector<16xf32>
    %swap3A_2283 = arith.constant 62 : i32
    %swap3A_2284 = arith.index_cast %swap3A_2283 : i32 to index
    %swap3A_2285 = arith.constant 0 : index
    %swap3A_2286 = tpu.vector_load %arg9[%swap3A_2284, %swap3A_2285] {strides = array<i32>} : memref<96x128xf32, #tpu.memory_space<vmem>>, vector<1x16xf32>,
    %swap3A_2287 = vector.shape_cast %swap3A_2286 : vector<1x16xf32> to vector<16xf32>
    %swap3A_2288 = vector.shape_cast %add3A_2282 : vector<16xf32> to vector<1x16xf32>
    tpu.vector_store %arg9[%swap3A_2284, %swap3A_2285], %swap3A_2288 {strides = array<i32>} : memref<96x128xf32, #tpu.memory_space<vmem>>, vector<1x16xf32>,
    %get3A_2289 = arith.constant 62 : i32
    %get3A_2290 = arith.index_cast %get3A_2289 : i32 to index
    %get3A_2291 = arith.constant 16 : index
    %get3A_2292 = tpu.vector_load %arg9[%get3A_2290, %get3A_2291] {strides = array<i32>} : memref<96x128xf32, #tpu.memory_space<vmem>>, vector<1x16xf32>,
    %get3A_2293 = vector.shape_cast %get3A_2292 : vector<1x16xf32> to vector<16xf32>
    %get3A_2294 = arith.constant 62 : i32
    %get3A_2295 = arith.index_cast %get3A_2294 : i32 to index
    %get3A_2296 = arith.constant 16 : index
    %get3A_2297 = tpu.vector_load %arg10[%get3A_2295, %get3A_2296] {strides = array<i32>} : memref<96x128xf32, #tpu.memory_space<vmem>>, vector<1x16xf32>,
    %get3A_2298 = vector.shape_cast %get3A_2297 : vector<1x16xf32> to vector<16xf32>
    %add3A_2299 = arith.addf %get3A_2293, %get3A_2298 : vector<16xf32>
    %swap3A_2300 = arith.constant 62 : i32
    %swap3A_2301 = arith.index_cast %swap3A_2300 : i32 to index
    %swap3A_2302 = arith.constant 16 : index
    %swap3A_2303 = tpu.vector_load %arg9[%swap3A_2301, %swap3A_2302] {strides = array<i32>} : memref<96x128xf32, #tpu.memory_space<vmem>>, vector<1x16xf32>,
    %swap3A_2304 = vector.shape_cast %swap3A_2303 : vector<1x16xf32> to vector<16xf32>
    %swap3A_2305 = vector.shape_cast %add3A_2299 : vector<16xf32> to vector<1x16xf32>
    tpu.vector_store %arg9[%swap3A_2301, %swap3A_2302], %swap3A_2305 {strides = array<i32>} : memref<96x128xf32, #tpu.memory_space<vmem>>, vector<1x16xf32>,
    %get3A_2306 = arith.constant 63 : i32
    %get3A_2307 = arith.index_cast %get3A_2306 : i32 to index
    %get3A_2308 = arith.constant 0 : index
    %get3A_2309 = tpu.vector_load %arg9[%get3A_2307, %get3A_2308] {strides = array<i32>} : memref<96x128xf32, #tpu.memory_space<vmem>>, vector<1x16xf32>,
    %get3A_2310 = vector.shape_cast %get3A_2309 : vector<1x16xf32> to vector<16xf32>
    %get3A_2311 = arith.constant 63 : i32
    %get3A_2312 = arith.index_cast %get3A_2311 : i32 to index
    %get3A_2313 = arith.constant 0 : index
    %get3A_2314 = tpu.vector_load %arg10[%get3A_2312, %get3A_2313] {strides = array<i32>} : memref<96x128xf32, #tpu.memory_space<vmem>>, vector<1x16xf32>,
    %get3A_2315 = vector.shape_cast %get3A_2314 : vector<1x16xf32> to vector<16xf32>
    %add3A_2316 = arith.addf %get3A_2310, %get3A_2315 : vector<16xf32>
    %swap3A_2317 = arith.constant 63 : i32
    %swap3A_2318 = arith.index_cast %swap3A_2317 : i32 to index
    %swap3A_2319 = arith.constant 0 : index
    %swap3A_2320 = tpu.vector_load %arg9[%swap3A_2318, %swap3A_2319] {strides = array<i32>} : memref<96x128xf32, #tpu.memory_space<vmem>>, vector<1x16xf32>,
    %swap3A_2321 = vector.shape_cast %swap3A_2320 : vector<1x16xf32> to vector<16xf32>
    %swap3A_2322 = vector.shape_cast %add3A_2316 : vector<16xf32> to vector<1x16xf32>
    tpu.vector_store %arg9[%swap3A_2318, %swap3A_2319], %swap3A_2322 {strides = array<i32>} : memref<96x128xf32, #tpu.memory_space<vmem>>, vector<1x16xf32>,
    %get3A_2323 = arith.constant 63 : i32
    %get3A_2324 = arith.index_cast %get3A_2323 : i32 to index
    %get3A_2325 = arith.constant 16 : index
    %get3A_2326 = tpu.vector_load %arg9[%get3A_2324, %get3A_2325] {strides = array<i32>} : memref<96x128xf32, #tpu.memory_space<vmem>>, vector<1x16xf32>,
    %get3A_2327 = vector.shape_cast %get3A_2326 : vector<1x16xf32> to vector<16xf32>
    %get3A_2328 = arith.constant 63 : i32
    %get3A_2329 = arith.index_cast %get3A_2328 : i32 to index
    %get3A_2330 = arith.constant 16 : index
    %get3A_2331 = tpu.vector_load %arg10[%get3A_2329, %get3A_2330] {strides = array<i32>} : memref<96x128xf32, #tpu.memory_space<vmem>>, vector<1x16xf32>,
    %get3A_2332 = vector.shape_cast %get3A_2331 : vector<1x16xf32> to vector<16xf32>
    %add3A_2333 = arith.addf %get3A_2327, %get3A_2332 : vector<16xf32>
    %swap3A_2334 = arith.constant 63 : i32
    %swap3A_2335 = arith.index_cast %swap3A_2334 : i32 to index
    %swap3A_2336 = arith.constant 16 : index
    %swap3A_2337 = tpu.vector_load %arg9[%swap3A_2335, %swap3A_2336] {strides = array<i32>} : memref<96x128xf32, #tpu.memory_space<vmem>>, vector<1x16xf32>,
    %swap3A_2338 = vector.shape_cast %swap3A_2337 : vector<1x16xf32> to vector<16xf32>
    %swap3A_2339 = vector.shape_cast %add3A_2333 : vector<16xf32> to vector<1x16xf32>
    tpu.vector_store %arg9[%swap3A_2335, %swap3A_2336], %swap3A_2339 {strides = array<i32>} : memref<96x128xf32, #tpu.memory_space<vmem>>, vector<1x16xf32>,
    %get3A_2340 = arith.constant 64 : i32
    %get3A_2341 = arith.index_cast %get3A_2340 : i32 to index
    %get3A_2342 = arith.constant 0 : index
    %get3A_2343 = tpu.vector_load %arg9[%get3A_2341, %get3A_2342] {strides = array<i32>} : memref<96x128xf32, #tpu.memory_space<vmem>>, vector<1x16xf32>,
    %get3A_2344 = vector.shape_cast %get3A_2343 : vector<1x16xf32> to vector<16xf32>
    %get3A_2345 = arith.constant 64 : i32
    %get3A_2346 = arith.index_cast %get3A_2345 : i32 to index
    %get3A_2347 = arith.constant 0 : index
    %get3A_2348 = tpu.vector_load %arg10[%get3A_2346, %get3A_2347] {strides = array<i32>} : memref<96x128xf32, #tpu.memory_space<vmem>>, vector<1x16xf32>,
    %get3A_2349 = vector.shape_cast %get3A_2348 : vector<1x16xf32> to vector<16xf32>
    %add3A_2350 = arith.addf %get3A_2344, %get3A_2349 : vector<16xf32>
    %swap3A_2351 = arith.constant 64 : i32
    %swap3A_2352 = arith.index_cast %swap3A_2351 : i32 to index
    %swap3A_2353 = arith.constant 0 : index
    %swap3A_2354 = tpu.vector_load %arg9[%swap3A_2352, %swap3A_2353] {strides = array<i32>} : memref<96x128xf32, #tpu.memory_space<vmem>>, vector<1x16xf32>,
    %swap3A_2355 = vector.shape_cast %swap3A_2354 : vector<1x16xf32> to vector<16xf32>
    %swap3A_2356 = vector.shape_cast %add3A_2350 : vector<16xf32> to vector<1x16xf32>
    tpu.vector_store %arg9[%swap3A_2352, %swap3A_2353], %swap3A_2356 {strides = array<i32>} : memref<96x128xf32, #tpu.memory_space<vmem>>, vector<1x16xf32>,
    %get3A_2357 = arith.constant 64 : i32
    %get3A_2358 = arith.index_cast %get3A_2357 : i32 to index
    %get3A_2359 = arith.constant 16 : index
    %get3A_2360 = tpu.vector_load %arg9[%get3A_2358, %get3A_2359] {strides = array<i32>} : memref<96x128xf32, #tpu.memory_space<vmem>>, vector<1x16xf32>,
    %get3A_2361 = vector.shape_cast %get3A_2360 : vector<1x16xf32> to vector<16xf32>
    %get3A_2362 = arith.constant 64 : i32
    %get3A_2363 = arith.index_cast %get3A_2362 : i32 to index
    %get3A_2364 = arith.constant 16 : index
    %get3A_2365 = tpu.vector_load %arg10[%get3A_2363, %get3A_2364] {strides = array<i32>} : memref<96x128xf32, #tpu.memory_space<vmem>>, vector<1x16xf32>,
    %get3A_2366 = vector.shape_cast %get3A_2365 : vector<1x16xf32> to vector<16xf32>
    %add3A_2367 = arith.addf %get3A_2361, %get3A_2366 : vector<16xf32>
    %swap3A_2368 = arith.constant 64 : i32
    %swap3A_2369 = arith.index_cast %swap3A_2368 : i32 to index
    %swap3A_2370 = arith.constant 16 : index
    %swap3A_2371 = tpu.vector_load %arg9[%swap3A_2369, %swap3A_2370] {strides = array<i32>} : memref<96x128xf32, #tpu.memory_space<vmem>>, vector<1x16xf32>,
    %swap3A_2372 = vector.shape_cast %swap3A_2371 : vector<1x16xf32> to vector<16xf32>
    %swap3A_2373 = vector.shape_cast %add3A_2367 : vector<16xf32> to vector<1x16xf32>
    tpu.vector_store %arg9[%swap3A_2369, %swap3A_2370], %swap3A_2373 {strides = array<i32>} : memref<96x128xf32, #tpu.memory_space<vmem>>, vector<1x16xf32>,
    %get3A_2374 = arith.constant 65 : i32
    %get3A_2375 = arith.index_cast %get3A_2374 : i32 to index
    %get3A_2376 = arith.constant 0 : index
    %get3A_2377 = tpu.vector_load %arg9[%get3A_2375, %get3A_2376] {strides = array<i32>} : memref<96x128xf32, #tpu.memory_space<vmem>>, vector<1x16xf32>,
    %get3A_2378 = vector.shape_cast %get3A_2377 : vector<1x16xf32> to vector<16xf32>
    %get3A_2379 = arith.constant 65 : i32
    %get3A_2380 = arith.index_cast %get3A_2379 : i32 to index
    %get3A_2381 = arith.constant 0 : index
    %get3A_2382 = tpu.vector_load %arg10[%get3A_2380, %get3A_2381] {strides = array<i32>} : memref<96x128xf32, #tpu.memory_space<vmem>>, vector<1x16xf32>,
    %get3A_2383 = vector.shape_cast %get3A_2382 : vector<1x16xf32> to vector<16xf32>
    %add3A_2384 = arith.addf %get3A_2378, %get3A_2383 : vector<16xf32>
    %swap3A_2385 = arith.constant 65 : i32
    %swap3A_2386 = arith.index_cast %swap3A_2385 : i32 to index
    %swap3A_2387 = arith.constant 0 : index
    %swap3A_2388 = tpu.vector_load %arg9[%swap3A_2386, %swap3A_2387] {strides = array<i32>} : memref<96x128xf32, #tpu.memory_space<vmem>>, vector<1x16xf32>,
    %swap3A_2389 = vector.shape_cast %swap3A_2388 : vector<1x16xf32> to vector<16xf32>
    %swap3A_2390 = vector.shape_cast %add3A_2384 : vector<16xf32> to vector<1x16xf32>
    tpu.vector_store %arg9[%swap3A_2386, %swap3A_2387], %swap3A_2390 {strides = array<i32>} : memref<96x128xf32, #tpu.memory_space<vmem>>, vector<1x16xf32>,
    %get3A_2391 = arith.constant 65 : i32
    %get3A_2392 = arith.index_cast %get3A_2391 : i32 to index
    %get3A_2393 = arith.constant 16 : index
    %get3A_2394 = tpu.vector_load %arg9[%get3A_2392, %get3A_2393] {strides = array<i32>} : memref<96x128xf32, #tpu.memory_space<vmem>>, vector<1x16xf32>,
    %get3A_2395 = vector.shape_cast %get3A_2394 : vector<1x16xf32> to vector<16xf32>
    %get3A_2396 = arith.constant 65 : i32
    %get3A_2397 = arith.index_cast %get3A_2396 : i32 to index
    %get3A_2398 = arith.constant 16 : index
    %get3A_2399 = tpu.vector_load %arg10[%get3A_2397, %get3A_2398] {strides = array<i32>} : memref<96x128xf32, #tpu.memory_space<vmem>>, vector<1x16xf32>,
    %get3A_2400 = vector.shape_cast %get3A_2399 : vector<1x16xf32> to vector<16xf32>
    %add3A_2401 = arith.addf %get3A_2395, %get3A_2400 : vector<16xf32>
    %swap3A_2402 = arith.constant 65 : i32
    %swap3A_2403 = arith.index_cast %swap3A_2402 : i32 to index
    %swap3A_2404 = arith.constant 16 : index
    %swap3A_2405 = tpu.vector_load %arg9[%swap3A_2403, %swap3A_2404] {strides = array<i32>} : memref<96x128xf32, #tpu.memory_space<vmem>>, vector<1x16xf32>,
    %swap3A_2406 = vector.shape_cast %swap3A_2405 : vector<1x16xf32> to vector<16xf32>
    %swap3A_2407 = vector.shape_cast %add3A_2401 : vector<16xf32> to vector<1x16xf32>
    tpu.vector_store %arg9[%swap3A_2403, %swap3A_2404], %swap3A_2407 {strides = array<i32>} : memref<96x128xf32, #tpu.memory_space<vmem>>, vector<1x16xf32>,
    %get3A_2408 = arith.constant 66 : i32
    %get3A_2409 = arith.index_cast %get3A_2408 : i32 to index
    %get3A_2410 = arith.constant 0 : index
    %get3A_2411 = tpu.vector_load %arg9[%get3A_2409, %get3A_2410] {strides = array<i32>} : memref<96x128xf32, #tpu.memory_space<vmem>>, vector<1x16xf32>,
    %get3A_2412 = vector.shape_cast %get3A_2411 : vector<1x16xf32> to vector<16xf32>
    %get3A_2413 = arith.constant 66 : i32
    %get3A_2414 = arith.index_cast %get3A_2413 : i32 to index
    %get3A_2415 = arith.constant 0 : index
    %get3A_2416 = tpu.vector_load %arg10[%get3A_2414, %get3A_2415] {strides = array<i32>} : memref<96x128xf32, #tpu.memory_space<vmem>>, vector<1x16xf32>,
    %get3A_2417 = vector.shape_cast %get3A_2416 : vector<1x16xf32> to vector<16xf32>
    %add3A_2418 = arith.addf %get3A_2412, %get3A_2417 : vector<16xf32>
    %swap3A_2419 = arith.constant 66 : i32
    %swap3A_2420 = arith.index_cast %swap3A_2419 : i32 to index
    %swap3A_2421 = arith.constant 0 : index
    %swap3A_2422 = tpu.vector_load %arg9[%swap3A_2420, %swap3A_2421] {strides = array<i32>} : memref<96x128xf32, #tpu.memory_space<vmem>>, vector<1x16xf32>,
    %swap3A_2423 = vector.shape_cast %swap3A_2422 : vector<1x16xf32> to vector<16xf32>
    %swap3A_2424 = vector.shape_cast %add3A_2418 : vector<16xf32> to vector<1x16xf32>
    tpu.vector_store %arg9[%swap3A_2420, %swap3A_2421], %swap3A_2424 {strides = array<i32>} : memref<96x128xf32, #tpu.memory_space<vmem>>, vector<1x16xf32>,
    %get3A_2425 = arith.constant 66 : i32
    %get3A_2426 = arith.index_cast %get3A_2425 : i32 to index
    %get3A_2427 = arith.constant 16 : index
    %get3A_2428 = tpu.vector_load %arg9[%get3A_2426, %get3A_2427] {strides = array<i32>} : memref<96x128xf32, #tpu.memory_space<vmem>>, vector<1x16xf32>,
    %get3A_2429 = vector.shape_cast %get3A_2428 : vector<1x16xf32> to vector<16xf32>
    %get3A_2430 = arith.constant 66 : i32
    %get3A_2431 = arith.index_cast %get3A_2430 : i32 to index
    %get3A_2432 = arith.constant 16 : index
    %get3A_2433 = tpu.vector_load %arg10[%get3A_2431, %get3A_2432] {strides = array<i32>} : memref<96x128xf32, #tpu.memory_space<vmem>>, vector<1x16xf32>,
    %get3A_2434 = vector.shape_cast %get3A_2433 : vector<1x16xf32> to vector<16xf32>
    %add3A_2435 = arith.addf %get3A_2429, %get3A_2434 : vector<16xf32>
    %swap3A_2436 = arith.constant 66 : i32
    %swap3A_2437 = arith.index_cast %swap3A_2436 : i32 to index
    %swap3A_2438 = arith.constant 16 : index
    %swap3A_2439 = tpu.vector_load %arg9[%swap3A_2437, %swap3A_2438] {strides = array<i32>} : memref<96x128xf32, #tpu.memory_space<vmem>>, vector<1x16xf32>,
    %swap3A_2440 = vector.shape_cast %swap3A_2439 : vector<1x16xf32> to vector<16xf32>
    %swap3A_2441 = vector.shape_cast %add3A_2435 : vector<16xf32> to vector<1x16xf32>
    tpu.vector_store %arg9[%swap3A_2437, %swap3A_2438], %swap3A_2441 {strides = array<i32>} : memref<96x128xf32, #tpu.memory_space<vmem>>, vector<1x16xf32>,
    %get3A_2442 = arith.constant 67 : i32
    %get3A_2443 = arith.index_cast %get3A_2442 : i32 to index
    %get3A_2444 = arith.constant 0 : index
    %get3A_2445 = tpu.vector_load %arg9[%get3A_2443, %get3A_2444] {strides = array<i32>} : memref<96x128xf32, #tpu.memory_space<vmem>>, vector<1x16xf32>,
    %get3A_2446 = vector.shape_cast %get3A_2445 : vector<1x16xf32> to vector<16xf32>
    %get3A_2447 = arith.constant 67 : i32
    %get3A_2448 = arith.index_cast %get3A_2447 : i32 to index
    %get3A_2449 = arith.constant 0 : index
    %get3A_2450 = tpu.vector_load %arg10[%get3A_2448, %get3A_2449] {strides = array<i32>} : memref<96x128xf32, #tpu.memory_space<vmem>>, vector<1x16xf32>,
    %get3A_2451 = vector.shape_cast %get3A_2450 : vector<1x16xf32> to vector<16xf32>
    %add3A_2452 = arith.addf %get3A_2446, %get3A_2451 : vector<16xf32>
    %swap3A_2453 = arith.constant 67 : i32
    %swap3A_2454 = arith.index_cast %swap3A_2453 : i32 to index
    %swap3A_2455 = arith.constant 0 : index
    %swap3A_2456 = tpu.vector_load %arg9[%swap3A_2454, %swap3A_2455] {strides = array<i32>} : memref<96x128xf32, #tpu.memory_space<vmem>>, vector<1x16xf32>,
    %swap3A_2457 = vector.shape_cast %swap3A_2456 : vector<1x16xf32> to vector<16xf32>
    %swap3A_2458 = vector.shape_cast %add3A_2452 : vector<16xf32> to vector<1x16xf32>
    tpu.vector_store %arg9[%swap3A_2454, %swap3A_2455], %swap3A_2458 {strides = array<i32>} : memref<96x128xf32, #tpu.memory_space<vmem>>, vector<1x16xf32>,
    %get3A_2459 = arith.constant 67 : i32
    %get3A_2460 = arith.index_cast %get3A_2459 : i32 to index
    %get3A_2461 = arith.constant 16 : index
    %get3A_2462 = tpu.vector_load %arg9[%get3A_2460, %get3A_2461] {strides = array<i32>} : memref<96x128xf32, #tpu.memory_space<vmem>>, vector<1x16xf32>,
    %get3A_2463 = vector.shape_cast %get3A_2462 : vector<1x16xf32> to vector<16xf32>
    %get3A_2464 = arith.constant 67 : i32
    %get3A_2465 = arith.index_cast %get3A_2464 : i32 to index
    %get3A_2466 = arith.constant 16 : index
    %get3A_2467 = tpu.vector_load %arg10[%get3A_2465, %get3A_2466] {strides = array<i32>} : memref<96x128xf32, #tpu.memory_space<vmem>>, vector<1x16xf32>,
    %get3A_2468 = vector.shape_cast %get3A_2467 : vector<1x16xf32> to vector<16xf32>
    %add3A_2469 = arith.addf %get3A_2463, %get3A_2468 : vector<16xf32>
    %swap3A_2470 = arith.constant 67 : i32
    %swap3A_2471 = arith.index_cast %swap3A_2470 : i32 to index
    %swap3A_2472 = arith.constant 16 : index
    %swap3A_2473 = tpu.vector_load %arg9[%swap3A_2471, %swap3A_2472] {strides = array<i32>} : memref<96x128xf32, #tpu.memory_space<vmem>>, vector<1x16xf32>,
    %swap3A_2474 = vector.shape_cast %swap3A_2473 : vector<1x16xf32> to vector<16xf32>
    %swap3A_2475 = vector.shape_cast %add3A_2469 : vector<16xf32> to vector<1x16xf32>
    tpu.vector_store %arg9[%swap3A_2471, %swap3A_2472], %swap3A_2475 {strides = array<i32>} : memref<96x128xf32, #tpu.memory_space<vmem>>, vector<1x16xf32>,
    %get3A_2476 = arith.constant 68 : i32
    %get3A_2477 = arith.index_cast %get3A_2476 : i32 to index
    %get3A_2478 = arith.constant 0 : index
    %get3A_2479 = tpu.vector_load %arg9[%get3A_2477, %get3A_2478] {strides = array<i32>} : memref<96x128xf32, #tpu.memory_space<vmem>>, vector<1x16xf32>,
    %get3A_2480 = vector.shape_cast %get3A_2479 : vector<1x16xf32> to vector<16xf32>
    %get3A_2481 = arith.constant 68 : i32
    %get3A_2482 = arith.index_cast %get3A_2481 : i32 to index
    %get3A_2483 = arith.constant 0 : index
    %get3A_2484 = tpu.vector_load %arg10[%get3A_2482, %get3A_2483] {strides = array<i32>} : memref<96x128xf32, #tpu.memory_space<vmem>>, vector<1x16xf32>,
    %get3A_2485 = vector.shape_cast %get3A_2484 : vector<1x16xf32> to vector<16xf32>
    %add3A_2486 = arith.addf %get3A_2480, %get3A_2485 : vector<16xf32>
    %swap3A_2487 = arith.constant 68 : i32
    %swap3A_2488 = arith.index_cast %swap3A_2487 : i32 to index
    %swap3A_2489 = arith.constant 0 : index
    %swap3A_2490 = tpu.vector_load %arg9[%swap3A_2488, %swap3A_2489] {strides = array<i32>} : memref<96x128xf32, #tpu.memory_space<vmem>>, vector<1x16xf32>,
    %swap3A_2491 = vector.shape_cast %swap3A_2490 : vector<1x16xf32> to vector<16xf32>
    %swap3A_2492 = vector.shape_cast %add3A_2486 : vector<16xf32> to vector<1x16xf32>
    tpu.vector_store %arg9[%swap3A_2488, %swap3A_2489], %swap3A_2492 {strides = array<i32>} : memref<96x128xf32, #tpu.memory_space<vmem>>, vector<1x16xf32>,
    %get3A_2493 = arith.constant 68 : i32
    %get3A_2494 = arith.index_cast %get3A_2493 : i32 to index
    %get3A_2495 = arith.constant 16 : index
    %get3A_2496 = tpu.vector_load %arg9[%get3A_2494, %get3A_2495] {strides = array<i32>} : memref<96x128xf32, #tpu.memory_space<vmem>>, vector<1x16xf32>,
    %get3A_2497 = vector.shape_cast %get3A_2496 : vector<1x16xf32> to vector<16xf32>
    %get3A_2498 = arith.constant 68 : i32
    %get3A_2499 = arith.index_cast %get3A_2498 : i32 to index
    %get3A_2500 = arith.constant 16 : index
    %get3A_2501 = tpu.vector_load %arg10[%get3A_2499, %get3A_2500] {strides = array<i32>} : memref<96x128xf32, #tpu.memory_space<vmem>>, vector<1x16xf32>,
    %get3A_2502 = vector.shape_cast %get3A_2501 : vector<1x16xf32> to vector<16xf32>
    %add3A_2503 = arith.addf %get3A_2497, %get3A_2502 : vector<16xf32>
    %swap3A_2504 = arith.constant 68 : i32
    %swap3A_2505 = arith.index_cast %swap3A_2504 : i32 to index
    %swap3A_2506 = arith.constant 16 : index
    %swap3A_2507 = tpu.vector_load %arg9[%swap3A_2505, %swap3A_2506] {strides = array<i32>} : memref<96x128xf32, #tpu.memory_space<vmem>>, vector<1x16xf32>,
    %swap3A_2508 = vector.shape_cast %swap3A_2507 : vector<1x16xf32> to vector<16xf32>
    %swap3A_2509 = vector.shape_cast %add3A_2503 : vector<16xf32> to vector<1x16xf32>
    tpu.vector_store %arg9[%swap3A_2505, %swap3A_2506], %swap3A_2509 {strides = array<i32>} : memref<96x128xf32, #tpu.memory_space<vmem>>, vector<1x16xf32>,
    %get3A_2510 = arith.constant 69 : i32
    %get3A_2511 = arith.index_cast %get3A_2510 : i32 to index
    %get3A_2512 = arith.constant 0 : index
    %get3A_2513 = tpu.vector_load %arg9[%get3A_2511, %get3A_2512] {strides = array<i32>} : memref<96x128xf32, #tpu.memory_space<vmem>>, vector<1x16xf32>,
    %get3A_2514 = vector.shape_cast %get3A_2513 : vector<1x16xf32> to vector<16xf32>
    %get3A_2515 = arith.constant 69 : i32
    %get3A_2516 = arith.index_cast %get3A_2515 : i32 to index
    %get3A_2517 = arith.constant 0 : index
    %get3A_2518 = tpu.vector_load %arg10[%get3A_2516, %get3A_2517] {strides = array<i32>} : memref<96x128xf32, #tpu.memory_space<vmem>>, vector<1x16xf32>,
    %get3A_2519 = vector.shape_cast %get3A_2518 : vector<1x16xf32> to vector<16xf32>
    %add3A_2520 = arith.addf %get3A_2514, %get3A_2519 : vector<16xf32>
    %swap3A_2521 = arith.constant 69 : i32
    %swap3A_2522 = arith.index_cast %swap3A_2521 : i32 to index
    %swap3A_2523 = arith.constant 0 : index
    %swap3A_2524 = tpu.vector_load %arg9[%swap3A_2522, %swap3A_2523] {strides = array<i32>} : memref<96x128xf32, #tpu.memory_space<vmem>>, vector<1x16xf32>,
    %swap3A_2525 = vector.shape_cast %swap3A_2524 : vector<1x16xf32> to vector<16xf32>
    %swap3A_2526 = vector.shape_cast %add3A_2520 : vector<16xf32> to vector<1x16xf32>
    tpu.vector_store %arg9[%swap3A_2522, %swap3A_2523], %swap3A_2526 {strides = array<i32>} : memref<96x128xf32, #tpu.memory_space<vmem>>, vector<1x16xf32>,
    %get3A_2527 = arith.constant 69 : i32
    %get3A_2528 = arith.index_cast %get3A_2527 : i32 to index
    %get3A_2529 = arith.constant 16 : index
    %get3A_2530 = tpu.vector_load %arg9[%get3A_2528, %get3A_2529] {strides = array<i32>} : memref<96x128xf32, #tpu.memory_space<vmem>>, vector<1x16xf32>,
    %get3A_2531 = vector.shape_cast %get3A_2530 : vector<1x16xf32> to vector<16xf32>
    %get3A_2532 = arith.constant 69 : i32
    %get3A_2533 = arith.index_cast %get3A_2532 : i32 to index
    %get3A_2534 = arith.constant 16 : index
    %get3A_2535 = tpu.vector_load %arg10[%get3A_2533, %get3A_2534] {strides = array<i32>} : memref<96x128xf32, #tpu.memory_space<vmem>>, vector<1x16xf32>,
    %get3A_2536 = vector.shape_cast %get3A_2535 : vector<1x16xf32> to vector<16xf32>
    %add3A_2537 = arith.addf %get3A_2531, %get3A_2536 : vector<16xf32>
    %swap3A_2538 = arith.constant 69 : i32
    %swap3A_2539 = arith.index_cast %swap3A_2538 : i32 to index
    %swap3A_2540 = arith.constant 16 : index
    %swap3A_2541 = tpu.vector_load %arg9[%swap3A_2539, %swap3A_2540] {strides = array<i32>} : memref<96x128xf32, #tpu.memory_space<vmem>>, vector<1x16xf32>,
    %swap3A_2542 = vector.shape_cast %swap3A_2541 : vector<1x16xf32> to vector<16xf32>
    %swap3A_2543 = vector.shape_cast %add3A_2537 : vector<16xf32> to vector<1x16xf32>
    tpu.vector_store %arg9[%swap3A_2539, %swap3A_2540], %swap3A_2543 {strides = array<i32>} : memref<96x128xf32, #tpu.memory_space<vmem>>, vector<1x16xf32>,
    %get3A_2544 = arith.constant 70 : i32
    %get3A_2545 = arith.index_cast %get3A_2544 : i32 to index
    %get3A_2546 = arith.constant 0 : index
    %get3A_2547 = tpu.vector_load %arg9[%get3A_2545, %get3A_2546] {strides = array<i32>} : memref<96x128xf32, #tpu.memory_space<vmem>>, vector<1x16xf32>,
    %get3A_2548 = vector.shape_cast %get3A_2547 : vector<1x16xf32> to vector<16xf32>
    %get3A_2549 = arith.constant 70 : i32
    %get3A_2550 = arith.index_cast %get3A_2549 : i32 to index
    %get3A_2551 = arith.constant 0 : index
    %get3A_2552 = tpu.vector_load %arg10[%get3A_2550, %get3A_2551] {strides = array<i32>} : memref<96x128xf32, #tpu.memory_space<vmem>>, vector<1x16xf32>,
    %get3A_2553 = vector.shape_cast %get3A_2552 : vector<1x16xf32> to vector<16xf32>
    %add3A_2554 = arith.addf %get3A_2548, %get3A_2553 : vector<16xf32>
    %swap3A_2555 = arith.constant 70 : i32
    %swap3A_2556 = arith.index_cast %swap3A_2555 : i32 to index
    %swap3A_2557 = arith.constant 0 : index
    %swap3A_2558 = tpu.vector_load %arg9[%swap3A_2556, %swap3A_2557] {strides = array<i32>} : memref<96x128xf32, #tpu.memory_space<vmem>>, vector<1x16xf32>,
    %swap3A_2559 = vector.shape_cast %swap3A_2558 : vector<1x16xf32> to vector<16xf32>
    %swap3A_2560 = vector.shape_cast %add3A_2554 : vector<16xf32> to vector<1x16xf32>
    tpu.vector_store %arg9[%swap3A_2556, %swap3A_2557], %swap3A_2560 {strides = array<i32>} : memref<96x128xf32, #tpu.memory_space<vmem>>, vector<1x16xf32>,
    %get3A_2561 = arith.constant 70 : i32
    %get3A_2562 = arith.index_cast %get3A_2561 : i32 to index
    %get3A_2563 = arith.constant 16 : index
    %get3A_2564 = tpu.vector_load %arg9[%get3A_2562, %get3A_2563] {strides = array<i32>} : memref<96x128xf32, #tpu.memory_space<vmem>>, vector<1x16xf32>,
    %get3A_2565 = vector.shape_cast %get3A_2564 : vector<1x16xf32> to vector<16xf32>
    %get3A_2566 = arith.constant 70 : i32
    %get3A_2567 = arith.index_cast %get3A_2566 : i32 to index
    %get3A_2568 = arith.constant 16 : index
    %get3A_2569 = tpu.vector_load %arg10[%get3A_2567, %get3A_2568] {strides = array<i32>} : memref<96x128xf32, #tpu.memory_space<vmem>>, vector<1x16xf32>,
    %get3A_2570 = vector.shape_cast %get3A_2569 : vector<1x16xf32> to vector<16xf32>
    %add3A_2571 = arith.addf %get3A_2565, %get3A_2570 : vector<16xf32>
    %swap3A_2572 = arith.constant 70 : i32
    %swap3A_2573 = arith.index_cast %swap3A_2572 : i32 to index
    %swap3A_2574 = arith.constant 16 : index
    %swap3A_2575 = tpu.vector_load %arg9[%swap3A_2573, %swap3A_2574] {strides = array<i32>} : memref<96x128xf32, #tpu.memory_space<vmem>>, vector<1x16xf32>,
    %swap3A_2576 = vector.shape_cast %swap3A_2575 : vector<1x16xf32> to vector<16xf32>
    %swap3A_2577 = vector.shape_cast %add3A_2571 : vector<16xf32> to vector<1x16xf32>
    tpu.vector_store %arg9[%swap3A_2573, %swap3A_2574], %swap3A_2577 {strides = array<i32>} : memref<96x128xf32, #tpu.memory_space<vmem>>, vector<1x16xf32>,
    %get3A_2578 = arith.constant 71 : i32
    %get3A_2579 = arith.index_cast %get3A_2578 : i32 to index
    %get3A_2580 = arith.constant 0 : index
    %get3A_2581 = tpu.vector_load %arg9[%get3A_2579, %get3A_2580] {strides = array<i32>} : memref<96x128xf32, #tpu.memory_space<vmem>>, vector<1x16xf32>,
    %get3A_2582 = vector.shape_cast %get3A_2581 : vector<1x16xf32> to vector<16xf32>
    %get3A_2583 = arith.constant 71 : i32
    %get3A_2584 = arith.index_cast %get3A_2583 : i32 to index
    %get3A_2585 = arith.constant 0 : index
    %get3A_2586 = tpu.vector_load %arg10[%get3A_2584, %get3A_2585] {strides = array<i32>} : memref<96x128xf32, #tpu.memory_space<vmem>>, vector<1x16xf32>,
    %get3A_2587 = vector.shape_cast %get3A_2586 : vector<1x16xf32> to vector<16xf32>
    %add3A_2588 = arith.addf %get3A_2582, %get3A_2587 : vector<16xf32>
    %swap3A_2589 = arith.constant 71 : i32
    %swap3A_2590 = arith.index_cast %swap3A_2589 : i32 to index
    %swap3A_2591 = arith.constant 0 : index
    %swap3A_2592 = tpu.vector_load %arg9[%swap3A_2590, %swap3A_2591] {strides = array<i32>} : memref<96x128xf32, #tpu.memory_space<vmem>>, vector<1x16xf32>,
    %swap3A_2593 = vector.shape_cast %swap3A_2592 : vector<1x16xf32> to vector<16xf32>
    %swap3A_2594 = vector.shape_cast %add3A_2588 : vector<16xf32> to vector<1x16xf32>
    tpu.vector_store %arg9[%swap3A_2590, %swap3A_2591], %swap3A_2594 {strides = array<i32>} : memref<96x128xf32, #tpu.memory_space<vmem>>, vector<1x16xf32>,
    %get3A_2595 = arith.constant 71 : i32
    %get3A_2596 = arith.index_cast %get3A_2595 : i32 to index
    %get3A_2597 = arith.constant 16 : index
    %get3A_2598 = tpu.vector_load %arg9[%get3A_2596, %get3A_2597] {strides = array<i32>} : memref<96x128xf32, #tpu.memory_space<vmem>>, vector<1x16xf32>,
    %get3A_2599 = vector.shape_cast %get3A_2598 : vector<1x16xf32> to vector<16xf32>
    %get3A_2600 = arith.constant 71 : i32
    %get3A_2601 = arith.index_cast %get3A_2600 : i32 to index
    %get3A_2602 = arith.constant 16 : index
    %get3A_2603 = tpu.vector_load %arg10[%get3A_2601, %get3A_2602] {strides = array<i32>} : memref<96x128xf32, #tpu.memory_space<vmem>>, vector<1x16xf32>,
    %get3A_2604 = vector.shape_cast %get3A_2603 : vector<1x16xf32> to vector<16xf32>
    %add3A_2605 = arith.addf %get3A_2599, %get3A_2604 : vector<16xf32>
    %swap3A_2606 = arith.constant 71 : i32
    %swap3A_2607 = arith.index_cast %swap3A_2606 : i32 to index
    %swap3A_2608 = arith.constant 16 : index
    %swap3A_2609 = tpu.vector_load %arg9[%swap3A_2607, %swap3A_2608] {strides = array<i32>} : memref<96x128xf32, #tpu.memory_space<vmem>>, vector<1x16xf32>,
    %swap3A_2610 = vector.shape_cast %swap3A_2609 : vector<1x16xf32> to vector<16xf32>
    %swap3A_2611 = vector.shape_cast %add3A_2605 : vector<16xf32> to vector<1x16xf32>
    tpu.vector_store %arg9[%swap3A_2607, %swap3A_2608], %swap3A_2611 {strides = array<i32>} : memref<96x128xf32, #tpu.memory_space<vmem>>, vector<1x16xf32>,
    %get3A_2612 = arith.constant 72 : i32
    %get3A_2613 = arith.index_cast %get3A_2612 : i32 to index
    %get3A_2614 = arith.constant 0 : index
    %get3A_2615 = tpu.vector_load %arg9[%get3A_2613, %get3A_2614] {strides = array<i32>} : memref<96x128xf32, #tpu.memory_space<vmem>>, vector<1x16xf32>,
    %get3A_2616 = vector.shape_cast %get3A_2615 : vector<1x16xf32> to vector<16xf32>
    %get3A_2617 = arith.constant 72 : i32
    %get3A_2618 = arith.index_cast %get3A_2617 : i32 to index
    %get3A_2619 = arith.constant 0 : index
    %get3A_2620 = tpu.vector_load %arg10[%get3A_2618, %get3A_2619] {strides = array<i32>} : memref<96x128xf32, #tpu.memory_space<vmem>>, vector<1x16xf32>,
    %get3A_2621 = vector.shape_cast %get3A_2620 : vector<1x16xf32> to vector<16xf32>
    %add3A_2622 = arith.addf %get3A_2616, %get3A_2621 : vector<16xf32>
    %swap3A_2623 = arith.constant 72 : i32
    %swap3A_2624 = arith.index_cast %swap3A_2623 : i32 to index
    %swap3A_2625 = arith.constant 0 : index
    %swap3A_2626 = tpu.vector_load %arg9[%swap3A_2624, %swap3A_2625] {strides = array<i32>} : memref<96x128xf32, #tpu.memory_space<vmem>>, vector<1x16xf32>,
    %swap3A_2627 = vector.shape_cast %swap3A_2626 : vector<1x16xf32> to vector<16xf32>
    %swap3A_2628 = vector.shape_cast %add3A_2622 : vector<16xf32> to vector<1x16xf32>
    tpu.vector_store %arg9[%swap3A_2624, %swap3A_2625], %swap3A_2628 {strides = array<i32>} : memref<96x128xf32, #tpu.memory_space<vmem>>, vector<1x16xf32>,
    %get3A_2629 = arith.constant 72 : i32
    %get3A_2630 = arith.index_cast %get3A_2629 : i32 to index
    %get3A_2631 = arith.constant 16 : index
    %get3A_2632 = tpu.vector_load %arg9[%get3A_2630, %get3A_2631] {strides = array<i32>} : memref<96x128xf32, #tpu.memory_space<vmem>>, vector<1x16xf32>,
    %get3A_2633 = vector.shape_cast %get3A_2632 : vector<1x16xf32> to vector<16xf32>
    %get3A_2634 = arith.constant 72 : i32
    %get3A_2635 = arith.index_cast %get3A_2634 : i32 to index
    %get3A_2636 = arith.constant 16 : index
    %get3A_2637 = tpu.vector_load %arg10[%get3A_2635, %get3A_2636] {strides = array<i32>} : memref<96x128xf32, #tpu.memory_space<vmem>>, vector<1x16xf32>,
    %get3A_2638 = vector.shape_cast %get3A_2637 : vector<1x16xf32> to vector<16xf32>
    %add3A_2639 = arith.addf %get3A_2633, %get3A_2638 : vector<16xf32>
    %swap3A_2640 = arith.constant 72 : i32
    %swap3A_2641 = arith.index_cast %swap3A_2640 : i32 to index
    %swap3A_2642 = arith.constant 16 : index
    %swap3A_2643 = tpu.vector_load %arg9[%swap3A_2641, %swap3A_2642] {strides = array<i32>} : memref<96x128xf32, #tpu.memory_space<vmem>>, vector<1x16xf32>,
    %swap3A_2644 = vector.shape_cast %swap3A_2643 : vector<1x16xf32> to vector<16xf32>
    %swap3A_2645 = vector.shape_cast %add3A_2639 : vector<16xf32> to vector<1x16xf32>
    tpu.vector_store %arg9[%swap3A_2641, %swap3A_2642], %swap3A_2645 {strides = array<i32>} : memref<96x128xf32, #tpu.memory_space<vmem>>, vector<1x16xf32>,
    %get3A_2646 = arith.constant 73 : i32
    %get3A_2647 = arith.index_cast %get3A_2646 : i32 to index
    %get3A_2648 = arith.constant 0 : index
    %get3A_2649 = tpu.vector_load %arg9[%get3A_2647, %get3A_2648] {strides = array<i32>} : memref<96x128xf32, #tpu.memory_space<vmem>>, vector<1x16xf32>,
    %get3A_2650 = vector.shape_cast %get3A_2649 : vector<1x16xf32> to vector<16xf32>
    %get3A_2651 = arith.constant 73 : i32
    %get3A_2652 = arith.index_cast %get3A_2651 : i32 to index
    %get3A_2653 = arith.constant 0 : index
    %get3A_2654 = tpu.vector_load %arg10[%get3A_2652, %get3A_2653] {strides = array<i32>} : memref<96x128xf32, #tpu.memory_space<vmem>>, vector<1x16xf32>,
    %get3A_2655 = vector.shape_cast %get3A_2654 : vector<1x16xf32> to vector<16xf32>
    %add3A_2656 = arith.addf %get3A_2650, %get3A_2655 : vector<16xf32>
    %swap3A_2657 = arith.constant 73 : i32
    %swap3A_2658 = arith.index_cast %swap3A_2657 : i32 to index
    %swap3A_2659 = arith.constant 0 : index
    %swap3A_2660 = tpu.vector_load %arg9[%swap3A_2658, %swap3A_2659] {strides = array<i32>} : memref<96x128xf32, #tpu.memory_space<vmem>>, vector<1x16xf32>,
    %swap3A_2661 = vector.shape_cast %swap3A_2660 : vector<1x16xf32> to vector<16xf32>
    %swap3A_2662 = vector.shape_cast %add3A_2656 : vector<16xf32> to vector<1x16xf32>
    tpu.vector_store %arg9[%swap3A_2658, %swap3A_2659], %swap3A_2662 {strides = array<i32>} : memref<96x128xf32, #tpu.memory_space<vmem>>, vector<1x16xf32>,
    %get3A_2663 = arith.constant 73 : i32
    %get3A_2664 = arith.index_cast %get3A_2663 : i32 to index
    %get3A_2665 = arith.constant 16 : index
    %get3A_2666 = tpu.vector_load %arg9[%get3A_2664, %get3A_2665] {strides = array<i32>} : memref<96x128xf32, #tpu.memory_space<vmem>>, vector<1x16xf32>,
    %get3A_2667 = vector.shape_cast %get3A_2666 : vector<1x16xf32> to vector<16xf32>
    %get3A_2668 = arith.constant 73 : i32
    %get3A_2669 = arith.index_cast %get3A_2668 : i32 to index
    %get3A_2670 = arith.constant 16 : index
    %get3A_2671 = tpu.vector_load %arg10[%get3A_2669, %get3A_2670] {strides = array<i32>} : memref<96x128xf32, #tpu.memory_space<vmem>>, vector<1x16xf32>,
    %get3A_2672 = vector.shape_cast %get3A_2671 : vector<1x16xf32> to vector<16xf32>
    %add3A_2673 = arith.addf %get3A_2667, %get3A_2672 : vector<16xf32>
    %swap3A_2674 = arith.constant 73 : i32
    %swap3A_2675 = arith.index_cast %swap3A_2674 : i32 to index
    %swap3A_2676 = arith.constant 16 : index
    %swap3A_2677 = tpu.vector_load %arg9[%swap3A_2675, %swap3A_2676] {strides = array<i32>} : memref<96x128xf32, #tpu.memory_space<vmem>>, vector<1x16xf32>,
    %swap3A_2678 = vector.shape_cast %swap3A_2677 : vector<1x16xf32> to vector<16xf32>
    %swap3A_2679 = vector.shape_cast %add3A_2673 : vector<16xf32> to vector<1x16xf32>
    tpu.vector_store %arg9[%swap3A_2675, %swap3A_2676], %swap3A_2679 {strides = array<i32>} : memref<96x128xf32, #tpu.memory_space<vmem>>, vector<1x16xf32>,
    %get3A_2680 = arith.constant 74 : i32
    %get3A_2681 = arith.index_cast %get3A_2680 : i32 to index
    %get3A_2682 = arith.constant 0 : index
    %get3A_2683 = tpu.vector_load %arg9[%get3A_2681, %get3A_2682] {strides = array<i32>} : memref<96x128xf32, #tpu.memory_space<vmem>>, vector<1x16xf32>,
    %get3A_2684 = vector.shape_cast %get3A_2683 : vector<1x16xf32> to vector<16xf32>
    %get3A_2685 = arith.constant 74 : i32
    %get3A_2686 = arith.index_cast %get3A_2685 : i32 to index
    %get3A_2687 = arith.constant 0 : index
    %get3A_2688 = tpu.vector_load %arg10[%get3A_2686, %get3A_2687] {strides = array<i32>} : memref<96x128xf32, #tpu.memory_space<vmem>>, vector<1x16xf32>,
    %get3A_2689 = vector.shape_cast %get3A_2688 : vector<1x16xf32> to vector<16xf32>
    %add3A_2690 = arith.addf %get3A_2684, %get3A_2689 : vector<16xf32>
    %swap3A_2691 = arith.constant 74 : i32
    %swap3A_2692 = arith.index_cast %swap3A_2691 : i32 to index
    %swap3A_2693 = arith.constant 0 : index
    %swap3A_2694 = tpu.vector_load %arg9[%swap3A_2692, %swap3A_2693] {strides = array<i32>} : memref<96x128xf32, #tpu.memory_space<vmem>>, vector<1x16xf32>,
    %swap3A_2695 = vector.shape_cast %swap3A_2694 : vector<1x16xf32> to vector<16xf32>
    %swap3A_2696 = vector.shape_cast %add3A_2690 : vector<16xf32> to vector<1x16xf32>
    tpu.vector_store %arg9[%swap3A_2692, %swap3A_2693], %swap3A_2696 {strides = array<i32>} : memref<96x128xf32, #tpu.memory_space<vmem>>, vector<1x16xf32>,
    %get3A_2697 = arith.constant 74 : i32
    %get3A_2698 = arith.index_cast %get3A_2697 : i32 to index
    %get3A_2699 = arith.constant 16 : index
    %get3A_2700 = tpu.vector_load %arg9[%get3A_2698, %get3A_2699] {strides = array<i32>} : memref<96x128xf32, #tpu.memory_space<vmem>>, vector<1x16xf32>,
    %get3A_2701 = vector.shape_cast %get3A_2700 : vector<1x16xf32> to vector<16xf32>
    %get3A_2702 = arith.constant 74 : i32
    %get3A_2703 = arith.index_cast %get3A_2702 : i32 to index
    %get3A_2704 = arith.constant 16 : index
    %get3A_2705 = tpu.vector_load %arg10[%get3A_2703, %get3A_2704] {strides = array<i32>} : memref<96x128xf32, #tpu.memory_space<vmem>>, vector<1x16xf32>,
    %get3A_2706 = vector.shape_cast %get3A_2705 : vector<1x16xf32> to vector<16xf32>
    %add3A_2707 = arith.addf %get3A_2701, %get3A_2706 : vector<16xf32>
    %swap3A_2708 = arith.constant 74 : i32
    %swap3A_2709 = arith.index_cast %swap3A_2708 : i32 to index
    %swap3A_2710 = arith.constant 16 : index
    %swap3A_2711 = tpu.vector_load %arg9[%swap3A_2709, %swap3A_2710] {strides = array<i32>} : memref<96x128xf32, #tpu.memory_space<vmem>>, vector<1x16xf32>,
    %swap3A_2712 = vector.shape_cast %swap3A_2711 : vector<1x16xf32> to vector<16xf32>
    %swap3A_2713 = vector.shape_cast %add3A_2707 : vector<16xf32> to vector<1x16xf32>
    tpu.vector_store %arg9[%swap3A_2709, %swap3A_2710], %swap3A_2713 {strides = array<i32>} : memref<96x128xf32, #tpu.memory_space<vmem>>, vector<1x16xf32>,
    %get3A_2714 = arith.constant 75 : i32
    %get3A_2715 = arith.index_cast %get3A_2714 : i32 to index
    %get3A_2716 = arith.constant 0 : index
    %get3A_2717 = tpu.vector_load %arg9[%get3A_2715, %get3A_2716] {strides = array<i32>} : memref<96x128xf32, #tpu.memory_space<vmem>>, vector<1x16xf32>,
    %get3A_2718 = vector.shape_cast %get3A_2717 : vector<1x16xf32> to vector<16xf32>
    %get3A_2719 = arith.constant 75 : i32
    %get3A_2720 = arith.index_cast %get3A_2719 : i32 to index
    %get3A_2721 = arith.constant 0 : index
    %get3A_2722 = tpu.vector_load %arg10[%get3A_2720, %get3A_2721] {strides = array<i32>} : memref<96x128xf32, #tpu.memory_space<vmem>>, vector<1x16xf32>,
    %get3A_2723 = vector.shape_cast %get3A_2722 : vector<1x16xf32> to vector<16xf32>
    %add3A_2724 = arith.addf %get3A_2718, %get3A_2723 : vector<16xf32>
    %swap3A_2725 = arith.constant 75 : i32
    %swap3A_2726 = arith.index_cast %swap3A_2725 : i32 to index
    %swap3A_2727 = arith.constant 0 : index
    %swap3A_2728 = tpu.vector_load %arg9[%swap3A_2726, %swap3A_2727] {strides = array<i32>} : memref<96x128xf32, #tpu.memory_space<vmem>>, vector<1x16xf32>,
    %swap3A_2729 = vector.shape_cast %swap3A_2728 : vector<1x16xf32> to vector<16xf32>
    %swap3A_2730 = vector.shape_cast %add3A_2724 : vector<16xf32> to vector<1x16xf32>
    tpu.vector_store %arg9[%swap3A_2726, %swap3A_2727], %swap3A_2730 {strides = array<i32>} : memref<96x128xf32, #tpu.memory_space<vmem>>, vector<1x16xf32>,
    %get3A_2731 = arith.constant 75 : i32
    %get3A_2732 = arith.index_cast %get3A_2731 : i32 to index
    %get3A_2733 = arith.constant 16 : index
    %get3A_2734 = tpu.vector_load %arg9[%get3A_2732, %get3A_2733] {strides = array<i32>} : memref<96x128xf32, #tpu.memory_space<vmem>>, vector<1x16xf32>,
    %get3A_2735 = vector.shape_cast %get3A_2734 : vector<1x16xf32> to vector<16xf32>
    %get3A_2736 = arith.constant 75 : i32
    %get3A_2737 = arith.index_cast %get3A_2736 : i32 to index
    %get3A_2738 = arith.constant 16 : index
    %get3A_2739 = tpu.vector_load %arg10[%get3A_2737, %get3A_2738] {strides = array<i32>} : memref<96x128xf32, #tpu.memory_space<vmem>>, vector<1x16xf32>,
    %get3A_2740 = vector.shape_cast %get3A_2739 : vector<1x16xf32> to vector<16xf32>
    %add3A_2741 = arith.addf %get3A_2735, %get3A_2740 : vector<16xf32>
    %swap3A_2742 = arith.constant 75 : i32
    %swap3A_2743 = arith.index_cast %swap3A_2742 : i32 to index
    %swap3A_2744 = arith.constant 16 : index
    %swap3A_2745 = tpu.vector_load %arg9[%swap3A_2743, %swap3A_2744] {strides = array<i32>} : memref<96x128xf32, #tpu.memory_space<vmem>>, vector<1x16xf32>,
    %swap3A_2746 = vector.shape_cast %swap3A_2745 : vector<1x16xf32> to vector<16xf32>
    %swap3A_2747 = vector.shape_cast %add3A_2741 : vector<16xf32> to vector<1x16xf32>
    tpu.vector_store %arg9[%swap3A_2743, %swap3A_2744], %swap3A_2747 {strides = array<i32>} : memref<96x128xf32, #tpu.memory_space<vmem>>, vector<1x16xf32>,
    %get3A_2748 = arith.constant 76 : i32
    %get3A_2749 = arith.index_cast %get3A_2748 : i32 to index
    %get3A_2750 = arith.constant 0 : index
    %get3A_2751 = tpu.vector_load %arg9[%get3A_2749, %get3A_2750] {strides = array<i32>} : memref<96x128xf32, #tpu.memory_space<vmem>>, vector<1x16xf32>,
    %get3A_2752 = vector.shape_cast %get3A_2751 : vector<1x16xf32> to vector<16xf32>
    %get3A_2753 = arith.constant 76 : i32
    %get3A_2754 = arith.index_cast %get3A_2753 : i32 to index
    %get3A_2755 = arith.constant 0 : index
    %get3A_2756 = tpu.vector_load %arg10[%get3A_2754, %get3A_2755] {strides = array<i32>} : memref<96x128xf32, #tpu.memory_space<vmem>>, vector<1x16xf32>,
    %get3A_2757 = vector.shape_cast %get3A_2756 : vector<1x16xf32> to vector<16xf32>
    %add3A_2758 = arith.addf %get3A_2752, %get3A_2757 : vector<16xf32>
    %swap3A_2759 = arith.constant 76 : i32
    %swap3A_2760 = arith.index_cast %swap3A_2759 : i32 to index
    %swap3A_2761 = arith.constant 0 : index
    %swap3A_2762 = tpu.vector_load %arg9[%swap3A_2760, %swap3A_2761] {strides = array<i32>} : memref<96x128xf32, #tpu.memory_space<vmem>>, vector<1x16xf32>,
    %swap3A_2763 = vector.shape_cast %swap3A_2762 : vector<1x16xf32> to vector<16xf32>
    %swap3A_2764 = vector.shape_cast %add3A_2758 : vector<16xf32> to vector<1x16xf32>
    tpu.vector_store %arg9[%swap3A_2760, %swap3A_2761], %swap3A_2764 {strides = array<i32>} : memref<96x128xf32, #tpu.memory_space<vmem>>, vector<1x16xf32>,
    %get3A_2765 = arith.constant 76 : i32
    %get3A_2766 = arith.index_cast %get3A_2765 : i32 to index
    %get3A_2767 = arith.constant 16 : index
    %get3A_2768 = tpu.vector_load %arg9[%get3A_2766, %get3A_2767] {strides = array<i32>} : memref<96x128xf32, #tpu.memory_space<vmem>>, vector<1x16xf32>,
    %get3A_2769 = vector.shape_cast %get3A_2768 : vector<1x16xf32> to vector<16xf32>
    %get3A_2770 = arith.constant 76 : i32
    %get3A_2771 = arith.index_cast %get3A_2770 : i32 to index
    %get3A_2772 = arith.constant 16 : index
    %get3A_2773 = tpu.vector_load %arg10[%get3A_2771, %get3A_2772] {strides = array<i32>} : memref<96x128xf32, #tpu.memory_space<vmem>>, vector<1x16xf32>,
    %get3A_2774 = vector.shape_cast %get3A_2773 : vector<1x16xf32> to vector<16xf32>
    %add3A_2775 = arith.addf %get3A_2769, %get3A_2774 : vector<16xf32>
    %swap3A_2776 = arith.constant 76 : i32
    %swap3A_2777 = arith.index_cast %swap3A_2776 : i32 to index
    %swap3A_2778 = arith.constant 16 : index
    %swap3A_2779 = tpu.vector_load %arg9[%swap3A_2777, %swap3A_2778] {strides = array<i32>} : memref<96x128xf32, #tpu.memory_space<vmem>>, vector<1x16xf32>,
    %swap3A_2780 = vector.shape_cast %swap3A_2779 : vector<1x16xf32> to vector<16xf32>
    %swap3A_2781 = vector.shape_cast %add3A_2775 : vector<16xf32> to vector<1x16xf32>
    tpu.vector_store %arg9[%swap3A_2777, %swap3A_2778], %swap3A_2781 {strides = array<i32>} : memref<96x128xf32, #tpu.memory_space<vmem>>, vector<1x16xf32>,
    %get3A_2782 = arith.constant 77 : i32
    %get3A_2783 = arith.index_cast %get3A_2782 : i32 to index
    %get3A_2784 = arith.constant 0 : index
    %get3A_2785 = tpu.vector_load %arg9[%get3A_2783, %get3A_2784] {strides = array<i32>} : memref<96x128xf32, #tpu.memory_space<vmem>>, vector<1x16xf32>,
    %get3A_2786 = vector.shape_cast %get3A_2785 : vector<1x16xf32> to vector<16xf32>
    %get3A_2787 = arith.constant 77 : i32
    %get3A_2788 = arith.index_cast %get3A_2787 : i32 to index
    %get3A_2789 = arith.constant 0 : index
    %get3A_2790 = tpu.vector_load %arg10[%get3A_2788, %get3A_2789] {strides = array<i32>} : memref<96x128xf32, #tpu.memory_space<vmem>>, vector<1x16xf32>,
    %get3A_2791 = vector.shape_cast %get3A_2790 : vector<1x16xf32> to vector<16xf32>
    %add3A_2792 = arith.addf %get3A_2786, %get3A_2791 : vector<16xf32>
    %swap3A_2793 = arith.constant 77 : i32
    %swap3A_2794 = arith.index_cast %swap3A_2793 : i32 to index
    %swap3A_2795 = arith.constant 0 : index
    %swap3A_2796 = tpu.vector_load %arg9[%swap3A_2794, %swap3A_2795] {strides = array<i32>} : memref<96x128xf32, #tpu.memory_space<vmem>>, vector<1x16xf32>,
    %swap3A_2797 = vector.shape_cast %swap3A_2796 : vector<1x16xf32> to vector<16xf32>
    %swap3A_2798 = vector.shape_cast %add3A_2792 : vector<16xf32> to vector<1x16xf32>
    tpu.vector_store %arg9[%swap3A_2794, %swap3A_2795], %swap3A_2798 {strides = array<i32>} : memref<96x128xf32, #tpu.memory_space<vmem>>, vector<1x16xf32>,
    %get3A_2799 = arith.constant 77 : i32
    %get3A_2800 = arith.index_cast %get3A_2799 : i32 to index
    %get3A_2801 = arith.constant 16 : index
    %get3A_2802 = tpu.vector_load %arg9[%get3A_2800, %get3A_2801] {strides = array<i32>} : memref<96x128xf32, #tpu.memory_space<vmem>>, vector<1x16xf32>,
    %get3A_2803 = vector.shape_cast %get3A_2802 : vector<1x16xf32> to vector<16xf32>
    %get3A_2804 = arith.constant 77 : i32
    %get3A_2805 = arith.index_cast %get3A_2804 : i32 to index
    %get3A_2806 = arith.constant 16 : index
    %get3A_2807 = tpu.vector_load %arg10[%get3A_2805, %get3A_2806] {strides = array<i32>} : memref<96x128xf32, #tpu.memory_space<vmem>>, vector<1x16xf32>,
    %get3A_2808 = vector.shape_cast %get3A_2807 : vector<1x16xf32> to vector<16xf32>
    %add3A_2809 = arith.addf %get3A_2803, %get3A_2808 : vector<16xf32>
    %swap3A_2810 = arith.constant 77 : i32
    %swap3A_2811 = arith.index_cast %swap3A_2810 : i32 to index
    %swap3A_2812 = arith.constant 16 : index
    %swap3A_2813 = tpu.vector_load %arg9[%swap3A_2811, %swap3A_2812] {strides = array<i32>} : memref<96x128xf32, #tpu.memory_space<vmem>>, vector<1x16xf32>,
    %swap3A_2814 = vector.shape_cast %swap3A_2813 : vector<1x16xf32> to vector<16xf32>
    %swap3A_2815 = vector.shape_cast %add3A_2809 : vector<16xf32> to vector<1x16xf32>
    tpu.vector_store %arg9[%swap3A_2811, %swap3A_2812], %swap3A_2815 {strides = array<i32>} : memref<96x128xf32, #tpu.memory_space<vmem>>, vector<1x16xf32>,
    %get3A_2816 = arith.constant 78 : i32
    %get3A_2817 = arith.index_cast %get3A_2816 : i32 to index
    %get3A_2818 = arith.constant 0 : index
    %get3A_2819 = tpu.vector_load %arg9[%get3A_2817, %get3A_2818] {strides = array<i32>} : memref<96x128xf32, #tpu.memory_space<vmem>>, vector<1x16xf32>,
    %get3A_2820 = vector.shape_cast %get3A_2819 : vector<1x16xf32> to vector<16xf32>
    %get3A_2821 = arith.constant 78 : i32
    %get3A_2822 = arith.index_cast %get3A_2821 : i32 to index
    %get3A_2823 = arith.constant 0 : index
    %get3A_2824 = tpu.vector_load %arg10[%get3A_2822, %get3A_2823] {strides = array<i32>} : memref<96x128xf32, #tpu.memory_space<vmem>>, vector<1x16xf32>,
    %get3A_2825 = vector.shape_cast %get3A_2824 : vector<1x16xf32> to vector<16xf32>
    %add3A_2826 = arith.addf %get3A_2820, %get3A_2825 : vector<16xf32>
    %swap3A_2827 = arith.constant 78 : i32
    %swap3A_2828 = arith.index_cast %swap3A_2827 : i32 to index
    %swap3A_2829 = arith.constant 0 : index
    %swap3A_2830 = tpu.vector_load %arg9[%swap3A_2828, %swap3A_2829] {strides = array<i32>} : memref<96x128xf32, #tpu.memory_space<vmem>>, vector<1x16xf32>,
    %swap3A_2831 = vector.shape_cast %swap3A_2830 : vector<1x16xf32> to vector<16xf32>
    %swap3A_2832 = vector.shape_cast %add3A_2826 : vector<16xf32> to vector<1x16xf32>
    tpu.vector_store %arg9[%swap3A_2828, %swap3A_2829], %swap3A_2832 {strides = array<i32>} : memref<96x128xf32, #tpu.memory_space<vmem>>, vector<1x16xf32>,
    %get3A_2833 = arith.constant 78 : i32
    %get3A_2834 = arith.index_cast %get3A_2833 : i32 to index
    %get3A_2835 = arith.constant 16 : index
    %get3A_2836 = tpu.vector_load %arg9[%get3A_2834, %get3A_2835] {strides = array<i32>} : memref<96x128xf32, #tpu.memory_space<vmem>>, vector<1x16xf32>,
    %get3A_2837 = vector.shape_cast %get3A_2836 : vector<1x16xf32> to vector<16xf32>
    %get3A_2838 = arith.constant 78 : i32
    %get3A_2839 = arith.index_cast %get3A_2838 : i32 to index
    %get3A_2840 = arith.constant 16 : index
    %get3A_2841 = tpu.vector_load %arg10[%get3A_2839, %get3A_2840] {strides = array<i32>} : memref<96x128xf32, #tpu.memory_space<vmem>>, vector<1x16xf32>,
    %get3A_2842 = vector.shape_cast %get3A_2841 : vector<1x16xf32> to vector<16xf32>
    %add3A_2843 = arith.addf %get3A_2837, %get3A_2842 : vector<16xf32>
    %swap3A_2844 = arith.constant 78 : i32
    %swap3A_2845 = arith.index_cast %swap3A_2844 : i32 to index
    %swap3A_2846 = arith.constant 16 : index
    %swap3A_2847 = tpu.vector_load %arg9[%swap3A_2845, %swap3A_2846] {strides = array<i32>} : memref<96x128xf32, #tpu.memory_space<vmem>>, vector<1x16xf32>,
    %swap3A_2848 = vector.shape_cast %swap3A_2847 : vector<1x16xf32> to vector<16xf32>
    %swap3A_2849 = vector.shape_cast %add3A_2843 : vector<16xf32> to vector<1x16xf32>
    tpu.vector_store %arg9[%swap3A_2845, %swap3A_2846], %swap3A_2849 {strides = array<i32>} : memref<96x128xf32, #tpu.memory_space<vmem>>, vector<1x16xf32>,
    %get3A_2850 = arith.constant 79 : i32
    %get3A_2851 = arith.index_cast %get3A_2850 : i32 to index
    %get3A_2852 = arith.constant 0 : index
    %get3A_2853 = tpu.vector_load %arg9[%get3A_2851, %get3A_2852] {strides = array<i32>} : memref<96x128xf32, #tpu.memory_space<vmem>>, vector<1x16xf32>,
    %get3A_2854 = vector.shape_cast %get3A_2853 : vector<1x16xf32> to vector<16xf32>
    %get3A_2855 = arith.constant 79 : i32
    %get3A_2856 = arith.index_cast %get3A_2855 : i32 to index
    %get3A_2857 = arith.constant 0 : index
    %get3A_2858 = tpu.vector_load %arg10[%get3A_2856, %get3A_2857] {strides = array<i32>} : memref<96x128xf32, #tpu.memory_space<vmem>>, vector<1x16xf32>,
    %get3A_2859 = vector.shape_cast %get3A_2858 : vector<1x16xf32> to vector<16xf32>
    %add3A_2860 = arith.addf %get3A_2854, %get3A_2859 : vector<16xf32>
    %swap3A_2861 = arith.constant 79 : i32
    %swap3A_2862 = arith.index_cast %swap3A_2861 : i32 to index
    %swap3A_2863 = arith.constant 0 : index
    %swap3A_2864 = tpu.vector_load %arg9[%swap3A_2862, %swap3A_2863] {strides = array<i32>} : memref<96x128xf32, #tpu.memory_space<vmem>>, vector<1x16xf32>,
    %swap3A_2865 = vector.shape_cast %swap3A_2864 : vector<1x16xf32> to vector<16xf32>
    %swap3A_2866 = vector.shape_cast %add3A_2860 : vector<16xf32> to vector<1x16xf32>
    tpu.vector_store %arg9[%swap3A_2862, %swap3A_2863], %swap3A_2866 {strides = array<i32>} : memref<96x128xf32, #tpu.memory_space<vmem>>, vector<1x16xf32>,
    %get3A_2867 = arith.constant 79 : i32
    %get3A_2868 = arith.index_cast %get3A_2867 : i32 to index
    %get3A_2869 = arith.constant 16 : index
    %get3A_2870 = tpu.vector_load %arg9[%get3A_2868, %get3A_2869] {strides = array<i32>} : memref<96x128xf32, #tpu.memory_space<vmem>>, vector<1x16xf32>,
    %get3A_2871 = vector.shape_cast %get3A_2870 : vector<1x16xf32> to vector<16xf32>
    %get3A_2872 = arith.constant 79 : i32
    %get3A_2873 = arith.index_cast %get3A_2872 : i32 to index
    %get3A_2874 = arith.constant 16 : index
    %get3A_2875 = tpu.vector_load %arg10[%get3A_2873, %get3A_2874] {strides = array<i32>} : memref<96x128xf32, #tpu.memory_space<vmem>>, vector<1x16xf32>,
    %get3A_2876 = vector.shape_cast %get3A_2875 : vector<1x16xf32> to vector<16xf32>
    %add3A_2877 = arith.addf %get3A_2871, %get3A_2876 : vector<16xf32>
    %swap3A_2878 = arith.constant 79 : i32
    %swap3A_2879 = arith.index_cast %swap3A_2878 : i32 to index
    %swap3A_2880 = arith.constant 16 : index
    %swap3A_2881 = tpu.vector_load %arg9[%swap3A_2879, %swap3A_2880] {strides = array<i32>} : memref<96x128xf32, #tpu.memory_space<vmem>>, vector<1x16xf32>,
    %swap3A_2882 = vector.shape_cast %swap3A_2881 : vector<1x16xf32> to vector<16xf32>
    %swap3A_2883 = vector.shape_cast %add3A_2877 : vector<16xf32> to vector<1x16xf32>
    tpu.vector_store %arg9[%swap3A_2879, %swap3A_2880], %swap3A_2883 {strides = array<i32>} : memref<96x128xf32, #tpu.memory_space<vmem>>, vector<1x16xf32>,
    %get3A_2884 = arith.constant 80 : i32
    %get3A_2885 = arith.index_cast %get3A_2884 : i32 to index
    %get3A_2886 = arith.constant 0 : index
    %get3A_2887 = tpu.vector_load %arg9[%get3A_2885, %get3A_2886] {strides = array<i32>} : memref<96x128xf32, #tpu.memory_space<vmem>>, vector<1x16xf32>,
    %get3A_2888 = vector.shape_cast %get3A_2887 : vector<1x16xf32> to vector<16xf32>
    %get3A_2889 = arith.constant 80 : i32
    %get3A_2890 = arith.index_cast %get3A_2889 : i32 to index
    %get3A_2891 = arith.constant 0 : index
    %get3A_2892 = tpu.vector_load %arg10[%get3A_2890, %get3A_2891] {strides = array<i32>} : memref<96x128xf32, #tpu.memory_space<vmem>>, vector<1x16xf32>,
    %get3A_2893 = vector.shape_cast %get3A_2892 : vector<1x16xf32> to vector<16xf32>
    %add3A_2894 = arith.addf %get3A_2888, %get3A_2893 : vector<16xf32>
    %swap3A_2895 = arith.constant 80 : i32
    %swap3A_2896 = arith.index_cast %swap3A_2895 : i32 to index
    %swap3A_2897 = arith.constant 0 : index
    %swap3A_2898 = tpu.vector_load %arg9[%swap3A_2896, %swap3A_2897] {strides = array<i32>} : memref<96x128xf32, #tpu.memory_space<vmem>>, vector<1x16xf32>,
    %swap3A_2899 = vector.shape_cast %swap3A_2898 : vector<1x16xf32> to vector<16xf32>
    %swap3A_2900 = vector.shape_cast %add3A_2894 : vector<16xf32> to vector<1x16xf32>
    tpu.vector_store %arg9[%swap3A_2896, %swap3A_2897], %swap3A_2900 {strides = array<i32>} : memref<96x128xf32, #tpu.memory_space<vmem>>, vector<1x16xf32>,
    %get3A_2901 = arith.constant 80 : i32
    %get3A_2902 = arith.index_cast %get3A_2901 : i32 to index
    %get3A_2903 = arith.constant 16 : index
    %get3A_2904 = tpu.vector_load %arg9[%get3A_2902, %get3A_2903] {strides = array<i32>} : memref<96x128xf32, #tpu.memory_space<vmem>>, vector<1x16xf32>,
    %get3A_2905 = vector.shape_cast %get3A_2904 : vector<1x16xf32> to vector<16xf32>
    %get3A_2906 = arith.constant 80 : i32
    %get3A_2907 = arith.index_cast %get3A_2906 : i32 to index
    %get3A_2908 = arith.constant 16 : index
    %get3A_2909 = tpu.vector_load %arg10[%get3A_2907, %get3A_2908] {strides = array<i32>} : memref<96x128xf32, #tpu.memory_space<vmem>>, vector<1x16xf32>,
    %get3A_2910 = vector.shape_cast %get3A_2909 : vector<1x16xf32> to vector<16xf32>
    %add3A_2911 = arith.addf %get3A_2905, %get3A_2910 : vector<16xf32>
    %swap3A_2912 = arith.constant 80 : i32
    %swap3A_2913 = arith.index_cast %swap3A_2912 : i32 to index
    %swap3A_2914 = arith.constant 16 : index
    %swap3A_2915 = tpu.vector_load %arg9[%swap3A_2913, %swap3A_2914] {strides = array<i32>} : memref<96x128xf32, #tpu.memory_space<vmem>>, vector<1x16xf32>,
    %swap3A_2916 = vector.shape_cast %swap3A_2915 : vector<1x16xf32> to vector<16xf32>
    %swap3A_2917 = vector.shape_cast %add3A_2911 : vector<16xf32> to vector<1x16xf32>
    tpu.vector_store %arg9[%swap3A_2913, %swap3A_2914], %swap3A_2917 {strides = array<i32>} : memref<96x128xf32, #tpu.memory_space<vmem>>, vector<1x16xf32>,
    %get3A_2918 = arith.constant 81 : i32
    %get3A_2919 = arith.index_cast %get3A_2918 : i32 to index
    %get3A_2920 = arith.constant 0 : index
    %get3A_2921 = tpu.vector_load %arg9[%get3A_2919, %get3A_2920] {strides = array<i32>} : memref<96x128xf32, #tpu.memory_space<vmem>>, vector<1x16xf32>,
    %get3A_2922 = vector.shape_cast %get3A_2921 : vector<1x16xf32> to vector<16xf32>
    %get3A_2923 = arith.constant 81 : i32
    %get3A_2924 = arith.index_cast %get3A_2923 : i32 to index
    %get3A_2925 = arith.constant 0 : index
    %get3A_2926 = tpu.vector_load %arg10[%get3A_2924, %get3A_2925] {strides = array<i32>} : memref<96x128xf32, #tpu.memory_space<vmem>>, vector<1x16xf32>,
    %get3A_2927 = vector.shape_cast %get3A_2926 : vector<1x16xf32> to vector<16xf32>
    %add3A_2928 = arith.addf %get3A_2922, %get3A_2927 : vector<16xf32>
    %swap3A_2929 = arith.constant 81 : i32
    %swap3A_2930 = arith.index_cast %swap3A_2929 : i32 to index
    %swap3A_2931 = arith.constant 0 : index
    %swap3A_2932 = tpu.vector_load %arg9[%swap3A_2930, %swap3A_2931] {strides = array<i32>} : memref<96x128xf32, #tpu.memory_space<vmem>>, vector<1x16xf32>,
    %swap3A_2933 = vector.shape_cast %swap3A_2932 : vector<1x16xf32> to vector<16xf32>
    %swap3A_2934 = vector.shape_cast %add3A_2928 : vector<16xf32> to vector<1x16xf32>
    tpu.vector_store %arg9[%swap3A_2930, %swap3A_2931], %swap3A_2934 {strides = array<i32>} : memref<96x128xf32, #tpu.memory_space<vmem>>, vector<1x16xf32>,
    %get3A_2935 = arith.constant 81 : i32
    %get3A_2936 = arith.index_cast %get3A_2935 : i32 to index
    %get3A_2937 = arith.constant 16 : index
    %get3A_2938 = tpu.vector_load %arg9[%get3A_2936, %get3A_2937] {strides = array<i32>} : memref<96x128xf32, #tpu.memory_space<vmem>>, vector<1x16xf32>,
    %get3A_2939 = vector.shape_cast %get3A_2938 : vector<1x16xf32> to vector<16xf32>
    %get3A_2940 = arith.constant 81 : i32
    %get3A_2941 = arith.index_cast %get3A_2940 : i32 to index
    %get3A_2942 = arith.constant 16 : index
    %get3A_2943 = tpu.vector_load %arg10[%get3A_2941, %get3A_2942] {strides = array<i32>} : memref<96x128xf32, #tpu.memory_space<vmem>>, vector<1x16xf32>,
    %get3A_2944 = vector.shape_cast %get3A_2943 : vector<1x16xf32> to vector<16xf32>
    %add3A_2945 = arith.addf %get3A_2939, %get3A_2944 : vector<16xf32>
    %swap3A_2946 = arith.constant 81 : i32
    %swap3A_2947 = arith.index_cast %swap3A_2946 : i32 to index
    %swap3A_2948 = arith.constant 16 : index
    %swap3A_2949 = tpu.vector_load %arg9[%swap3A_2947, %swap3A_2948] {strides = array<i32>} : memref<96x128xf32, #tpu.memory_space<vmem>>, vector<1x16xf32>,
    %swap3A_2950 = vector.shape_cast %swap3A_2949 : vector<1x16xf32> to vector<16xf32>
    %swap3A_2951 = vector.shape_cast %add3A_2945 : vector<16xf32> to vector<1x16xf32>
    tpu.vector_store %arg9[%swap3A_2947, %swap3A_2948], %swap3A_2951 {strides = array<i32>} : memref<96x128xf32, #tpu.memory_space<vmem>>, vector<1x16xf32>,
    %get3A_2952 = arith.constant 82 : i32
    %get3A_2953 = arith.index_cast %get3A_2952 : i32 to index
    %get3A_2954 = arith.constant 0 : index
    %get3A_2955 = tpu.vector_load %arg9[%get3A_2953, %get3A_2954] {strides = array<i32>} : memref<96x128xf32, #tpu.memory_space<vmem>>, vector<1x16xf32>,
    %get3A_2956 = vector.shape_cast %get3A_2955 : vector<1x16xf32> to vector<16xf32>
    %get3A_2957 = arith.constant 82 : i32
    %get3A_2958 = arith.index_cast %get3A_2957 : i32 to index
    %get3A_2959 = arith.constant 0 : index
    %get3A_2960 = tpu.vector_load %arg10[%get3A_2958, %get3A_2959] {strides = array<i32>} : memref<96x128xf32, #tpu.memory_space<vmem>>, vector<1x16xf32>,
    %get3A_2961 = vector.shape_cast %get3A_2960 : vector<1x16xf32> to vector<16xf32>
    %add3A_2962 = arith.addf %get3A_2956, %get3A_2961 : vector<16xf32>
    %swap3A_2963 = arith.constant 82 : i32
    %swap3A_2964 = arith.index_cast %swap3A_2963 : i32 to index
    %swap3A_2965 = arith.constant 0 : index
    %swap3A_2966 = tpu.vector_load %arg9[%swap3A_2964, %swap3A_2965] {strides = array<i32>} : memref<96x128xf32, #tpu.memory_space<vmem>>, vector<1x16xf32>,
    %swap3A_2967 = vector.shape_cast %swap3A_2966 : vector<1x16xf32> to vector<16xf32>
    %swap3A_2968 = vector.shape_cast %add3A_2962 : vector<16xf32> to vector<1x16xf32>
    tpu.vector_store %arg9[%swap3A_2964, %swap3A_2965], %swap3A_2968 {strides = array<i32>} : memref<96x128xf32, #tpu.memory_space<vmem>>, vector<1x16xf32>,
    %get3A_2969 = arith.constant 82 : i32
    %get3A_2970 = arith.index_cast %get3A_2969 : i32 to index
    %get3A_2971 = arith.constant 16 : index
    %get3A_2972 = tpu.vector_load %arg9[%get3A_2970, %get3A_2971] {strides = array<i32>} : memref<96x128xf32, #tpu.memory_space<vmem>>, vector<1x16xf32>,
    %get3A_2973 = vector.shape_cast %get3A_2972 : vector<1x16xf32> to vector<16xf32>
    %get3A_2974 = arith.constant 82 : i32
    %get3A_2975 = arith.index_cast %get3A_2974 : i32 to index
    %get3A_2976 = arith.constant 16 : index
    %get3A_2977 = tpu.vector_load %arg10[%get3A_2975, %get3A_2976] {strides = array<i32>} : memref<96x128xf32, #tpu.memory_space<vmem>>, vector<1x16xf32>,
    %get3A_2978 = vector.shape_cast %get3A_2977 : vector<1x16xf32> to vector<16xf32>
    %add3A_2979 = arith.addf %get3A_2973, %get3A_2978 : vector<16xf32>
    %swap3A_2980 = arith.constant 82 : i32
    %swap3A_2981 = arith.index_cast %swap3A_2980 : i32 to index
    %swap3A_2982 = arith.constant 16 : index
    %swap3A_2983 = tpu.vector_load %arg9[%swap3A_2981, %swap3A_2982] {strides = array<i32>} : memref<96x128xf32, #tpu.memory_space<vmem>>, vector<1x16xf32>,
    %swap3A_2984 = vector.shape_cast %swap3A_2983 : vector<1x16xf32> to vector<16xf32>
    %swap3A_2985 = vector.shape_cast %add3A_2979 : vector<16xf32> to vector<1x16xf32>
    tpu.vector_store %arg9[%swap3A_2981, %swap3A_2982], %swap3A_2985 {strides = array<i32>} : memref<96x128xf32, #tpu.memory_space<vmem>>, vector<1x16xf32>,
    %get3A_2986 = arith.constant 83 : i32
    %get3A_2987 = arith.index_cast %get3A_2986 : i32 to index
    %get3A_2988 = arith.constant 0 : index
    %get3A_2989 = tpu.vector_load %arg9[%get3A_2987, %get3A_2988] {strides = array<i32>} : memref<96x128xf32, #tpu.memory_space<vmem>>, vector<1x16xf32>,
    %get3A_2990 = vector.shape_cast %get3A_2989 : vector<1x16xf32> to vector<16xf32>
    %get3A_2991 = arith.constant 83 : i32
    %get3A_2992 = arith.index_cast %get3A_2991 : i32 to index
    %get3A_2993 = arith.constant 0 : index
    %get3A_2994 = tpu.vector_load %arg10[%get3A_2992, %get3A_2993] {strides = array<i32>} : memref<96x128xf32, #tpu.memory_space<vmem>>, vector<1x16xf32>,
    %get3A_2995 = vector.shape_cast %get3A_2994 : vector<1x16xf32> to vector<16xf32>
    %add3A_2996 = arith.addf %get3A_2990, %get3A_2995 : vector<16xf32>
    %swap3A_2997 = arith.constant 83 : i32
    %swap3A_2998 = arith.index_cast %swap3A_2997 : i32 to index
    %swap3A_2999 = arith.constant 0 : index
    %swap3A_3000 = tpu.vector_load %arg9[%swap3A_2998, %swap3A_2999] {strides = array<i32>} : memref<96x128xf32, #tpu.memory_space<vmem>>, vector<1x16xf32>,
    %swap3A_3001 = vector.shape_cast %swap3A_3000 : vector<1x16xf32> to vector<16xf32>
    %swap3A_3002 = vector.shape_cast %add3A_2996 : vector<16xf32> to vector<1x16xf32>
    tpu.vector_store %arg9[%swap3A_2998, %swap3A_2999], %swap3A_3002 {strides = array<i32>} : memref<96x128xf32, #tpu.memory_space<vmem>>, vector<1x16xf32>,
    %get3A_3003 = arith.constant 83 : i32
    %get3A_3004 = arith.index_cast %get3A_3003 : i32 to index
    %get3A_3005 = arith.constant 16 : index
    %get3A_3006 = tpu.vector_load %arg9[%get3A_3004, %get3A_3005] {strides = array<i32>} : memref<96x128xf32, #tpu.memory_space<vmem>>, vector<1x16xf32>,
    %get3A_3007 = vector.shape_cast %get3A_3006 : vector<1x16xf32> to vector<16xf32>
    %get3A_3008 = arith.constant 83 : i32
    %get3A_3009 = arith.index_cast %get3A_3008 : i32 to index
    %get3A_3010 = arith.constant 16 : index
    %get3A_3011 = tpu.vector_load %arg10[%get3A_3009, %get3A_3010] {strides = array<i32>} : memref<96x128xf32, #tpu.memory_space<vmem>>, vector<1x16xf32>,
    %get3A_3012 = vector.shape_cast %get3A_3011 : vector<1x16xf32> to vector<16xf32>
    %add3A_3013 = arith.addf %get3A_3007, %get3A_3012 : vector<16xf32>
    %swap3A_3014 = arith.constant 83 : i32
    %swap3A_3015 = arith.index_cast %swap3A_3014 : i32 to index
    %swap3A_3016 = arith.constant 16 : index
    %swap3A_3017 = tpu.vector_load %arg9[%swap3A_3015, %swap3A_3016] {strides = array<i32>} : memref<96x128xf32, #tpu.memory_space<vmem>>, vector<1x16xf32>,
    %swap3A_3018 = vector.shape_cast %swap3A_3017 : vector<1x16xf32> to vector<16xf32>
    %swap3A_3019 = vector.shape_cast %add3A_3013 : vector<16xf32> to vector<1x16xf32>
    tpu.vector_store %arg9[%swap3A_3015, %swap3A_3016], %swap3A_3019 {strides = array<i32>} : memref<96x128xf32, #tpu.memory_space<vmem>>, vector<1x16xf32>,
    %get3A_3020 = arith.constant 84 : i32
    %get3A_3021 = arith.index_cast %get3A_3020 : i32 to index
    %get3A_3022 = arith.constant 0 : index
    %get3A_3023 = tpu.vector_load %arg9[%get3A_3021, %get3A_3022] {strides = array<i32>} : memref<96x128xf32, #tpu.memory_space<vmem>>, vector<1x16xf32>,
    %get3A_3024 = vector.shape_cast %get3A_3023 : vector<1x16xf32> to vector<16xf32>
    %get3A_3025 = arith.constant 84 : i32
    %get3A_3026 = arith.index_cast %get3A_3025 : i32 to index
    %get3A_3027 = arith.constant 0 : index
    %get3A_3028 = tpu.vector_load %arg10[%get3A_3026, %get3A_3027] {strides = array<i32>} : memref<96x128xf32, #tpu.memory_space<vmem>>, vector<1x16xf32>,
    %get3A_3029 = vector.shape_cast %get3A_3028 : vector<1x16xf32> to vector<16xf32>
    %add3A_3030 = arith.addf %get3A_3024, %get3A_3029 : vector<16xf32>
    %swap3A_3031 = arith.constant 84 : i32
    %swap3A_3032 = arith.index_cast %swap3A_3031 : i32 to index
    %swap3A_3033 = arith.constant 0 : index
    %swap3A_3034 = tpu.vector_load %arg9[%swap3A_3032, %swap3A_3033] {strides = array<i32>} : memref<96x128xf32, #tpu.memory_space<vmem>>, vector<1x16xf32>,
    %swap3A_3035 = vector.shape_cast %swap3A_3034 : vector<1x16xf32> to vector<16xf32>
    %swap3A_3036 = vector.shape_cast %add3A_3030 : vector<16xf32> to vector<1x16xf32>
    tpu.vector_store %arg9[%swap3A_3032, %swap3A_3033], %swap3A_3036 {strides = array<i32>} : memref<96x128xf32, #tpu.memory_space<vmem>>, vector<1x16xf32>,
    %get3A_3037 = arith.constant 84 : i32
    %get3A_3038 = arith.index_cast %get3A_3037 : i32 to index
    %get3A_3039 = arith.constant 16 : index
    %get3A_3040 = tpu.vector_load %arg9[%get3A_3038, %get3A_3039] {strides = array<i32>} : memref<96x128xf32, #tpu.memory_space<vmem>>, vector<1x16xf32>,
    %get3A_3041 = vector.shape_cast %get3A_3040 : vector<1x16xf32> to vector<16xf32>
    %get3A_3042 = arith.constant 84 : i32
    %get3A_3043 = arith.index_cast %get3A_3042 : i32 to index
    %get3A_3044 = arith.constant 16 : index
    %get3A_3045 = tpu.vector_load %arg10[%get3A_3043, %get3A_3044] {strides = array<i32>} : memref<96x128xf32, #tpu.memory_space<vmem>>, vector<1x16xf32>,
    %get3A_3046 = vector.shape_cast %get3A_3045 : vector<1x16xf32> to vector<16xf32>
    %add3A_3047 = arith.addf %get3A_3041, %get3A_3046 : vector<16xf32>
    %swap3A_3048 = arith.constant 84 : i32
    %swap3A_3049 = arith.index_cast %swap3A_3048 : i32 to index
    %swap3A_3050 = arith.constant 16 : index
    %swap3A_3051 = tpu.vector_load %arg9[%swap3A_3049, %swap3A_3050] {strides = array<i32>} : memref<96x128xf32, #tpu.memory_space<vmem>>, vector<1x16xf32>,
    %swap3A_3052 = vector.shape_cast %swap3A_3051 : vector<1x16xf32> to vector<16xf32>
    %swap3A_3053 = vector.shape_cast %add3A_3047 : vector<16xf32> to vector<1x16xf32>
    tpu.vector_store %arg9[%swap3A_3049, %swap3A_3050], %swap3A_3053 {strides = array<i32>} : memref<96x128xf32, #tpu.memory_space<vmem>>, vector<1x16xf32>,
    %get3A_3054 = arith.constant 85 : i32
    %get3A_3055 = arith.index_cast %get3A_3054 : i32 to index
    %get3A_3056 = arith.constant 0 : index
    %get3A_3057 = tpu.vector_load %arg9[%get3A_3055, %get3A_3056] {strides = array<i32>} : memref<96x128xf32, #tpu.memory_space<vmem>>, vector<1x16xf32>,
    %get3A_3058 = vector.shape_cast %get3A_3057 : vector<1x16xf32> to vector<16xf32>
    %get3A_3059 = arith.constant 85 : i32
    %get3A_3060 = arith.index_cast %get3A_3059 : i32 to index
    %get3A_3061 = arith.constant 0 : index
    %get3A_3062 = tpu.vector_load %arg10[%get3A_3060, %get3A_3061] {strides = array<i32>} : memref<96x128xf32, #tpu.memory_space<vmem>>, vector<1x16xf32>,
    %get3A_3063 = vector.shape_cast %get3A_3062 : vector<1x16xf32> to vector<16xf32>
    %add3A_3064 = arith.addf %get3A_3058, %get3A_3063 : vector<16xf32>
    %swap3A_3065 = arith.constant 85 : i32
    %swap3A_3066 = arith.index_cast %swap3A_3065 : i32 to index
    %swap3A_3067 = arith.constant 0 : index
    %swap3A_3068 = tpu.vector_load %arg9[%swap3A_3066, %swap3A_3067] {strides = array<i32>} : memref<96x128xf32, #tpu.memory_space<vmem>>, vector<1x16xf32>,
    %swap3A_3069 = vector.shape_cast %swap3A_3068 : vector<1x16xf32> to vector<16xf32>
    %swap3A_3070 = vector.shape_cast %add3A_3064 : vector<16xf32> to vector<1x16xf32>
    tpu.vector_store %arg9[%swap3A_3066, %swap3A_3067], %swap3A_3070 {strides = array<i32>} : memref<96x128xf32, #tpu.memory_space<vmem>>, vector<1x16xf32>,
    %get3A_3071 = arith.constant 85 : i32
    %get3A_3072 = arith.index_cast %get3A_3071 : i32 to index
    %get3A_3073 = arith.constant 16 : index
    %get3A_3074 = tpu.vector_load %arg9[%get3A_3072, %get3A_3073] {strides = array<i32>} : memref<96x128xf32, #tpu.memory_space<vmem>>, vector<1x16xf32>,
    %get3A_3075 = vector.shape_cast %get3A_3074 : vector<1x16xf32> to vector<16xf32>
    %get3A_3076 = arith.constant 85 : i32
    %get3A_3077 = arith.index_cast %get3A_3076 : i32 to index
    %get3A_3078 = arith.constant 16 : index
    %get3A_3079 = tpu.vector_load %arg10[%get3A_3077, %get3A_3078] {strides = array<i32>} : memref<96x128xf32, #tpu.memory_space<vmem>>, vector<1x16xf32>,
    %get3A_3080 = vector.shape_cast %get3A_3079 : vector<1x16xf32> to vector<16xf32>
    %add3A_3081 = arith.addf %get3A_3075, %get3A_3080 : vector<16xf32>
    %swap3A_3082 = arith.constant 85 : i32
    %swap3A_3083 = arith.index_cast %swap3A_3082 : i32 to index
    %swap3A_3084 = arith.constant 16 : index
    %swap3A_3085 = tpu.vector_load %arg9[%swap3A_3083, %swap3A_3084] {strides = array<i32>} : memref<96x128xf32, #tpu.memory_space<vmem>>, vector<1x16xf32>,
    %swap3A_3086 = vector.shape_cast %swap3A_3085 : vector<1x16xf32> to vector<16xf32>
    %swap3A_3087 = vector.shape_cast %add3A_3081 : vector<16xf32> to vector<1x16xf32>
    tpu.vector_store %arg9[%swap3A_3083, %swap3A_3084], %swap3A_3087 {strides = array<i32>} : memref<96x128xf32, #tpu.memory_space<vmem>>, vector<1x16xf32>,
    %get3A_3088 = arith.constant 86 : i32
    %get3A_3089 = arith.index_cast %get3A_3088 : i32 to index
    %get3A_3090 = arith.constant 0 : index
    %get3A_3091 = tpu.vector_load %arg9[%get3A_3089, %get3A_3090] {strides = array<i32>} : memref<96x128xf32, #tpu.memory_space<vmem>>, vector<1x16xf32>,
    %get3A_3092 = vector.shape_cast %get3A_3091 : vector<1x16xf32> to vector<16xf32>
    %get3A_3093 = arith.constant 86 : i32
    %get3A_3094 = arith.index_cast %get3A_3093 : i32 to index
    %get3A_3095 = arith.constant 0 : index
    %get3A_3096 = tpu.vector_load %arg10[%get3A_3094, %get3A_3095] {strides = array<i32>} : memref<96x128xf32, #tpu.memory_space<vmem>>, vector<1x16xf32>,
    %get3A_3097 = vector.shape_cast %get3A_3096 : vector<1x16xf32> to vector<16xf32>
    %add3A_3098 = arith.addf %get3A_3092, %get3A_3097 : vector<16xf32>
    %swap3A_3099 = arith.constant 86 : i32
    %swap3A_3100 = arith.index_cast %swap3A_3099 : i32 to index
    %swap3A_3101 = arith.constant 0 : index
    %swap3A_3102 = tpu.vector_load %arg9[%swap3A_3100, %swap3A_3101] {strides = array<i32>} : memref<96x128xf32, #tpu.memory_space<vmem>>, vector<1x16xf32>,
    %swap3A_3103 = vector.shape_cast %swap3A_3102 : vector<1x16xf32> to vector<16xf32>
    %swap3A_3104 = vector.shape_cast %add3A_3098 : vector<16xf32> to vector<1x16xf32>
    tpu.vector_store %arg9[%swap3A_3100, %swap3A_3101], %swap3A_3104 {strides = array<i32>} : memref<96x128xf32, #tpu.memory_space<vmem>>, vector<1x16xf32>,
    %get3A_3105 = arith.constant 86 : i32
    %get3A_3106 = arith.index_cast %get3A_3105 : i32 to index
    %get3A_3107 = arith.constant 16 : index
    %get3A_3108 = tpu.vector_load %arg9[%get3A_3106, %get3A_3107] {strides = array<i32>} : memref<96x128xf32, #tpu.memory_space<vmem>>, vector<1x16xf32>,
    %get3A_3109 = vector.shape_cast %get3A_3108 : vector<1x16xf32> to vector<16xf32>
    %get3A_3110 = arith.constant 86 : i32
    %get3A_3111 = arith.index_cast %get3A_3110 : i32 to index
    %get3A_3112 = arith.constant 16 : index
    %get3A_3113 = tpu.vector_load %arg10[%get3A_3111, %get3A_3112] {strides = array<i32>} : memref<96x128xf32, #tpu.memory_space<vmem>>, vector<1x16xf32>,
    %get3A_3114 = vector.shape_cast %get3A_3113 : vector<1x16xf32> to vector<16xf32>
    %add3A_3115 = arith.addf %get3A_3109, %get3A_3114 : vector<16xf32>
    %swap3A_3116 = arith.constant 86 : i32
    %swap3A_3117 = arith.index_cast %swap3A_3116 : i32 to index
    %swap3A_3118 = arith.constant 16 : index
    %swap3A_3119 = tpu.vector_load %arg9[%swap3A_3117, %swap3A_3118] {strides = array<i32>} : memref<96x128xf32, #tpu.memory_space<vmem>>, vector<1x16xf32>,
    %swap3A_3120 = vector.shape_cast %swap3A_3119 : vector<1x16xf32> to vector<16xf32>
    %swap3A_3121 = vector.shape_cast %add3A_3115 : vector<16xf32> to vector<1x16xf32>
    tpu.vector_store %arg9[%swap3A_3117, %swap3A_3118], %swap3A_3121 {strides = array<i32>} : memref<96x128xf32, #tpu.memory_space<vmem>>, vector<1x16xf32>,
    %get3A_3122 = arith.constant 87 : i32
    %get3A_3123 = arith.index_cast %get3A_3122 : i32 to index
    %get3A_3124 = arith.constant 0 : index
    %get3A_3125 = tpu.vector_load %arg9[%get3A_3123, %get3A_3124] {strides = array<i32>} : memref<96x128xf32, #tpu.memory_space<vmem>>, vector<1x16xf32>,
    %get3A_3126 = vector.shape_cast %get3A_3125 : vector<1x16xf32> to vector<16xf32>
    %get3A_3127 = arith.constant 87 : i32
    %get3A_3128 = arith.index_cast %get3A_3127 : i32 to index
    %get3A_3129 = arith.constant 0 : index
    %get3A_3130 = tpu.vector_load %arg10[%get3A_3128, %get3A_3129] {strides = array<i32>} : memref<96x128xf32, #tpu.memory_space<vmem>>, vector<1x16xf32>,
    %get3A_3131 = vector.shape_cast %get3A_3130 : vector<1x16xf32> to vector<16xf32>
    %add3A_3132 = arith.addf %get3A_3126, %get3A_3131 : vector<16xf32>
    %swap3A_3133 = arith.constant 87 : i32
    %swap3A_3134 = arith.index_cast %swap3A_3133 : i32 to index
    %swap3A_3135 = arith.constant 0 : index
    %swap3A_3136 = tpu.vector_load %arg9[%swap3A_3134, %swap3A_3135] {strides = array<i32>} : memref<96x128xf32, #tpu.memory_space<vmem>>, vector<1x16xf32>,
    %swap3A_3137 = vector.shape_cast %swap3A_3136 : vector<1x16xf32> to vector<16xf32>
    %swap3A_3138 = vector.shape_cast %add3A_3132 : vector<16xf32> to vector<1x16xf32>
    tpu.vector_store %arg9[%swap3A_3134, %swap3A_3135], %swap3A_3138 {strides = array<i32>} : memref<96x128xf32, #tpu.memory_space<vmem>>, vector<1x16xf32>,
    %get3A_3139 = arith.constant 87 : i32
    %get3A_3140 = arith.index_cast %get3A_3139 : i32 to index
    %get3A_3141 = arith.constant 16 : index
    %get3A_3142 = tpu.vector_load %arg9[%get3A_3140, %get3A_3141] {strides = array<i32>} : memref<96x128xf32, #tpu.memory_space<vmem>>, vector<1x16xf32>,
    %get3A_3143 = vector.shape_cast %get3A_3142 : vector<1x16xf32> to vector<16xf32>
    %get3A_3144 = arith.constant 87 : i32
    %get3A_3145 = arith.index_cast %get3A_3144 : i32 to index
    %get3A_3146 = arith.constant 16 : index
    %get3A_3147 = tpu.vector_load %arg10[%get3A_3145, %get3A_3146] {strides = array<i32>} : memref<96x128xf32, #tpu.memory_space<vmem>>, vector<1x16xf32>,
    %get3A_3148 = vector.shape_cast %get3A_3147 : vector<1x16xf32> to vector<16xf32>
    %add3A_3149 = arith.addf %get3A_3143, %get3A_3148 : vector<16xf32>
    %swap3A_3150 = arith.constant 87 : i32
    %swap3A_3151 = arith.index_cast %swap3A_3150 : i32 to index
    %swap3A_3152 = arith.constant 16 : index
    %swap3A_3153 = tpu.vector_load %arg9[%swap3A_3151, %swap3A_3152] {strides = array<i32>} : memref<96x128xf32, #tpu.memory_space<vmem>>, vector<1x16xf32>,
    %swap3A_3154 = vector.shape_cast %swap3A_3153 : vector<1x16xf32> to vector<16xf32>
    %swap3A_3155 = vector.shape_cast %add3A_3149 : vector<16xf32> to vector<1x16xf32>
    tpu.vector_store %arg9[%swap3A_3151, %swap3A_3152], %swap3A_3155 {strides = array<i32>} : memref<96x128xf32, #tpu.memory_space<vmem>>, vector<1x16xf32>,
    %get3A_3156 = arith.constant 88 : i32
    %get3A_3157 = arith.index_cast %get3A_3156 : i32 to index
    %get3A_3158 = arith.constant 0 : index
    %get3A_3159 = tpu.vector_load %arg9[%get3A_3157, %get3A_3158] {strides = array<i32>} : memref<96x128xf32, #tpu.memory_space<vmem>>, vector<1x16xf32>,
    %get3A_3160 = vector.shape_cast %get3A_3159 : vector<1x16xf32> to vector<16xf32>
    %get3A_3161 = arith.constant 88 : i32
    %get3A_3162 = arith.index_cast %get3A_3161 : i32 to index
    %get3A_3163 = arith.constant 0 : index
    %get3A_3164 = tpu.vector_load %arg10[%get3A_3162, %get3A_3163] {strides = array<i32>} : memref<96x128xf32, #tpu.memory_space<vmem>>, vector<1x16xf32>,
    %get3A_3165 = vector.shape_cast %get3A_3164 : vector<1x16xf32> to vector<16xf32>
    %add3A_3166 = arith.addf %get3A_3160, %get3A_3165 : vector<16xf32>
    %swap3A_3167 = arith.constant 88 : i32
    %swap3A_3168 = arith.index_cast %swap3A_3167 : i32 to index
    %swap3A_3169 = arith.constant 0 : index
    %swap3A_3170 = tpu.vector_load %arg9[%swap3A_3168, %swap3A_3169] {strides = array<i32>} : memref<96x128xf32, #tpu.memory_space<vmem>>, vector<1x16xf32>,
    %swap3A_3171 = vector.shape_cast %swap3A_3170 : vector<1x16xf32> to vector<16xf32>
    %swap3A_3172 = vector.shape_cast %add3A_3166 : vector<16xf32> to vector<1x16xf32>
    tpu.vector_store %arg9[%swap3A_3168, %swap3A_3169], %swap3A_3172 {strides = array<i32>} : memref<96x128xf32, #tpu.memory_space<vmem>>, vector<1x16xf32>,
    %get3A_3173 = arith.constant 88 : i32
    %get3A_3174 = arith.index_cast %get3A_3173 : i32 to index
    %get3A_3175 = arith.constant 16 : index
    %get3A_3176 = tpu.vector_load %arg9[%get3A_3174, %get3A_3175] {strides = array<i32>} : memref<96x128xf32, #tpu.memory_space<vmem>>, vector<1x16xf32>,
    %get3A_3177 = vector.shape_cast %get3A_3176 : vector<1x16xf32> to vector<16xf32>
    %get3A_3178 = arith.constant 88 : i32
    %get3A_3179 = arith.index_cast %get3A_3178 : i32 to index
    %get3A_3180 = arith.constant 16 : index
    %get3A_3181 = tpu.vector_load %arg10[%get3A_3179, %get3A_3180] {strides = array<i32>} : memref<96x128xf32, #tpu.memory_space<vmem>>, vector<1x16xf32>,
    %get3A_3182 = vector.shape_cast %get3A_3181 : vector<1x16xf32> to vector<16xf32>
    %add3A_3183 = arith.addf %get3A_3177, %get3A_3182 : vector<16xf32>
    %swap3A_3184 = arith.constant 88 : i32
    %swap3A_3185 = arith.index_cast %swap3A_3184 : i32 to index
    %swap3A_3186 = arith.constant 16 : index
    %swap3A_3187 = tpu.vector_load %arg9[%swap3A_3185, %swap3A_3186] {strides = array<i32>} : memref<96x128xf32, #tpu.memory_space<vmem>>, vector<1x16xf32>,
    %swap3A_3188 = vector.shape_cast %swap3A_3187 : vector<1x16xf32> to vector<16xf32>
    %swap3A_3189 = vector.shape_cast %add3A_3183 : vector<16xf32> to vector<1x16xf32>
    tpu.vector_store %arg9[%swap3A_3185, %swap3A_3186], %swap3A_3189 {strides = array<i32>} : memref<96x128xf32, #tpu.memory_space<vmem>>, vector<1x16xf32>,
    %get3A_3190 = arith.constant 89 : i32
    %get3A_3191 = arith.index_cast %get3A_3190 : i32 to index
    %get3A_3192 = arith.constant 0 : index
    %get3A_3193 = tpu.vector_load %arg9[%get3A_3191, %get3A_3192] {strides = array<i32>} : memref<96x128xf32, #tpu.memory_space<vmem>>, vector<1x16xf32>,
    %get3A_3194 = vector.shape_cast %get3A_3193 : vector<1x16xf32> to vector<16xf32>
    %get3A_3195 = arith.constant 89 : i32
    %get3A_3196 = arith.index_cast %get3A_3195 : i32 to index
    %get3A_3197 = arith.constant 0 : index
    %get3A_3198 = tpu.vector_load %arg10[%get3A_3196, %get3A_3197] {strides = array<i32>} : memref<96x128xf32, #tpu.memory_space<vmem>>, vector<1x16xf32>,
    %get3A_3199 = vector.shape_cast %get3A_3198 : vector<1x16xf32> to vector<16xf32>
    %add3A_3200 = arith.addf %get3A_3194, %get3A_3199 : vector<16xf32>
    %swap3A_3201 = arith.constant 89 : i32
    %swap3A_3202 = arith.index_cast %swap3A_3201 : i32 to index
    %swap3A_3203 = arith.constant 0 : index
    %swap3A_3204 = tpu.vector_load %arg9[%swap3A_3202, %swap3A_3203] {strides = array<i32>} : memref<96x128xf32, #tpu.memory_space<vmem>>, vector<1x16xf32>,
    %swap3A_3205 = vector.shape_cast %swap3A_3204 : vector<1x16xf32> to vector<16xf32>
    %swap3A_3206 = vector.shape_cast %add3A_3200 : vector<16xf32> to vector<1x16xf32>
    tpu.vector_store %arg9[%swap3A_3202, %swap3A_3203], %swap3A_3206 {strides = array<i32>} : memref<96x128xf32, #tpu.memory_space<vmem>>, vector<1x16xf32>,
    %get3A_3207 = arith.constant 89 : i32
    %get3A_3208 = arith.index_cast %get3A_3207 : i32 to index
    %get3A_3209 = arith.constant 16 : index
    %get3A_3210 = tpu.vector_load %arg9[%get3A_3208, %get3A_3209] {strides = array<i32>} : memref<96x128xf32, #tpu.memory_space<vmem>>, vector<1x16xf32>,
    %get3A_3211 = vector.shape_cast %get3A_3210 : vector<1x16xf32> to vector<16xf32>
    %get3A_3212 = arith.constant 89 : i32
    %get3A_3213 = arith.index_cast %get3A_3212 : i32 to index
    %get3A_3214 = arith.constant 16 : index
    %get3A_3215 = tpu.vector_load %arg10[%get3A_3213, %get3A_3214] {strides = array<i32>} : memref<96x128xf32, #tpu.memory_space<vmem>>, vector<1x16xf32>,
    %get3A_3216 = vector.shape_cast %get3A_3215 : vector<1x16xf32> to vector<16xf32>
    %add3A_3217 = arith.addf %get3A_3211, %get3A_3216 : vector<16xf32>
    %swap3A_3218 = arith.constant 89 : i32
    %swap3A_3219 = arith.index_cast %swap3A_3218 : i32 to index
    %swap3A_3220 = arith.constant 16 : index
    %swap3A_3221 = tpu.vector_load %arg9[%swap3A_3219, %swap3A_3220] {strides = array<i32>} : memref<96x128xf32, #tpu.memory_space<vmem>>, vector<1x16xf32>,
    %swap3A_3222 = vector.shape_cast %swap3A_3221 : vector<1x16xf32> to vector<16xf32>
    %swap3A_3223 = vector.shape_cast %add3A_3217 : vector<16xf32> to vector<1x16xf32>
    tpu.vector_store %arg9[%swap3A_3219, %swap3A_3220], %swap3A_3223 {strides = array<i32>} : memref<96x128xf32, #tpu.memory_space<vmem>>, vector<1x16xf32>,
    %get3A_3224 = arith.constant 90 : i32
    %get3A_3225 = arith.index_cast %get3A_3224 : i32 to index
    %get3A_3226 = arith.constant 0 : index
    %get3A_3227 = tpu.vector_load %arg9[%get3A_3225, %get3A_3226] {strides = array<i32>} : memref<96x128xf32, #tpu.memory_space<vmem>>, vector<1x16xf32>,
    %get3A_3228 = vector.shape_cast %get3A_3227 : vector<1x16xf32> to vector<16xf32>
    %get3A_3229 = arith.constant 90 : i32
    %get3A_3230 = arith.index_cast %get3A_3229 : i32 to index
    %get3A_3231 = arith.constant 0 : index
    %get3A_3232 = tpu.vector_load %arg10[%get3A_3230, %get3A_3231] {strides = array<i32>} : memref<96x128xf32, #tpu.memory_space<vmem>>, vector<1x16xf32>,
    %get3A_3233 = vector.shape_cast %get3A_3232 : vector<1x16xf32> to vector<16xf32>
    %add3A_3234 = arith.addf %get3A_3228, %get3A_3233 : vector<16xf32>
    %swap3A_3235 = arith.constant 90 : i32
    %swap3A_3236 = arith.index_cast %swap3A_3235 : i32 to index
    %swap3A_3237 = arith.constant 0 : index
    %swap3A_3238 = tpu.vector_load %arg9[%swap3A_3236, %swap3A_3237] {strides = array<i32>} : memref<96x128xf32, #tpu.memory_space<vmem>>, vector<1x16xf32>,
    %swap3A_3239 = vector.shape_cast %swap3A_3238 : vector<1x16xf32> to vector<16xf32>
    %swap3A_3240 = vector.shape_cast %add3A_3234 : vector<16xf32> to vector<1x16xf32>
    tpu.vector_store %arg9[%swap3A_3236, %swap3A_3237], %swap3A_3240 {strides = array<i32>} : memref<96x128xf32, #tpu.memory_space<vmem>>, vector<1x16xf32>,
    %get3A_3241 = arith.constant 90 : i32
    %get3A_3242 = arith.index_cast %get3A_3241 : i32 to index
    %get3A_3243 = arith.constant 16 : index
    %get3A_3244 = tpu.vector_load %arg9[%get3A_3242, %get3A_3243] {strides = array<i32>} : memref<96x128xf32, #tpu.memory_space<vmem>>, vector<1x16xf32>,
    %get3A_3245 = vector.shape_cast %get3A_3244 : vector<1x16xf32> to vector<16xf32>
    %get3A_3246 = arith.constant 90 : i32
    %get3A_3247 = arith.index_cast %get3A_3246 : i32 to index
    %get3A_3248 = arith.constant 16 : index
    %get3A_3249 = tpu.vector_load %arg10[%get3A_3247, %get3A_3248] {strides = array<i32>} : memref<96x128xf32, #tpu.memory_space<vmem>>, vector<1x16xf32>,
    %get3A_3250 = vector.shape_cast %get3A_3249 : vector<1x16xf32> to vector<16xf32>
    %add3A_3251 = arith.addf %get3A_3245, %get3A_3250 : vector<16xf32>
    %swap3A_3252 = arith.constant 90 : i32
    %swap3A_3253 = arith.index_cast %swap3A_3252 : i32 to index
    %swap3A_3254 = arith.constant 16 : index
    %swap3A_3255 = tpu.vector_load %arg9[%swap3A_3253, %swap3A_3254] {strides = array<i32>} : memref<96x128xf32, #tpu.memory_space<vmem>>, vector<1x16xf32>,
    %swap3A_3256 = vector.shape_cast %swap3A_3255 : vector<1x16xf32> to vector<16xf32>
    %swap3A_3257 = vector.shape_cast %add3A_3251 : vector<16xf32> to vector<1x16xf32>
    tpu.vector_store %arg9[%swap3A_3253, %swap3A_3254], %swap3A_3257 {strides = array<i32>} : memref<96x128xf32, #tpu.memory_space<vmem>>, vector<1x16xf32>,
    %get3A_3258 = arith.constant 91 : i32
    %get3A_3259 = arith.index_cast %get3A_3258 : i32 to index
    %get3A_3260 = arith.constant 0 : index
    %get3A_3261 = tpu.vector_load %arg9[%get3A_3259, %get3A_3260] {strides = array<i32>} : memref<96x128xf32, #tpu.memory_space<vmem>>, vector<1x16xf32>,
    %get3A_3262 = vector.shape_cast %get3A_3261 : vector<1x16xf32> to vector<16xf32>
    %get3A_3263 = arith.constant 91 : i32
    %get3A_3264 = arith.index_cast %get3A_3263 : i32 to index
    %get3A_3265 = arith.constant 0 : index
    %get3A_3266 = tpu.vector_load %arg10[%get3A_3264, %get3A_3265] {strides = array<i32>} : memref<96x128xf32, #tpu.memory_space<vmem>>, vector<1x16xf32>,
    %get3A_3267 = vector.shape_cast %get3A_3266 : vector<1x16xf32> to vector<16xf32>
    %add3A_3268 = arith.addf %get3A_3262, %get3A_3267 : vector<16xf32>
    %swap3A_3269 = arith.constant 91 : i32
    %swap3A_3270 = arith.index_cast %swap3A_3269 : i32 to index
    %swap3A_3271 = arith.constant 0 : index
    %swap3A_3272 = tpu.vector_load %arg9[%swap3A_3270, %swap3A_3271] {strides = array<i32>} : memref<96x128xf32, #tpu.memory_space<vmem>>, vector<1x16xf32>,
    %swap3A_3273 = vector.shape_cast %swap3A_3272 : vector<1x16xf32> to vector<16xf32>
    %swap3A_3274 = vector.shape_cast %add3A_3268 : vector<16xf32> to vector<1x16xf32>
    tpu.vector_store %arg9[%swap3A_3270, %swap3A_3271], %swap3A_3274 {strides = array<i32>} : memref<96x128xf32, #tpu.memory_space<vmem>>, vector<1x16xf32>,
    %get3A_3275 = arith.constant 91 : i32
    %get3A_3276 = arith.index_cast %get3A_3275 : i32 to index
    %get3A_3277 = arith.constant 16 : index
    %get3A_3278 = tpu.vector_load %arg9[%get3A_3276, %get3A_3277] {strides = array<i32>} : memref<96x128xf32, #tpu.memory_space<vmem>>, vector<1x16xf32>,
    %get3A_3279 = vector.shape_cast %get3A_3278 : vector<1x16xf32> to vector<16xf32>
    %get3A_3280 = arith.constant 91 : i32
    %get3A_3281 = arith.index_cast %get3A_3280 : i32 to index
    %get3A_3282 = arith.constant 16 : index
    %get3A_3283 = tpu.vector_load %arg10[%get3A_3281, %get3A_3282] {strides = array<i32>} : memref<96x128xf32, #tpu.memory_space<vmem>>, vector<1x16xf32>,
    %get3A_3284 = vector.shape_cast %get3A_3283 : vector<1x16xf32> to vector<16xf32>
    %add3A_3285 = arith.addf %get3A_3279, %get3A_3284 : vector<16xf32>
    %swap3A_3286 = arith.constant 91 : i32
    %swap3A_3287 = arith.index_cast %swap3A_3286 : i32 to index
    %swap3A_3288 = arith.constant 16 : index
    %swap3A_3289 = tpu.vector_load %arg9[%swap3A_3287, %swap3A_3288] {strides = array<i32>} : memref<96x128xf32, #tpu.memory_space<vmem>>, vector<1x16xf32>,
    %swap3A_3290 = vector.shape_cast %swap3A_3289 : vector<1x16xf32> to vector<16xf32>
    %swap3A_3291 = vector.shape_cast %add3A_3285 : vector<16xf32> to vector<1x16xf32>
    tpu.vector_store %arg9[%swap3A_3287, %swap3A_3288], %swap3A_3291 {strides = array<i32>} : memref<96x128xf32, #tpu.memory_space<vmem>>, vector<1x16xf32>,
    %get3A_3292 = arith.constant 92 : i32
    %get3A_3293 = arith.index_cast %get3A_3292 : i32 to index
    %get3A_3294 = arith.constant 0 : index
    %get3A_3295 = tpu.vector_load %arg9[%get3A_3293, %get3A_3294] {strides = array<i32>} : memref<96x128xf32, #tpu.memory_space<vmem>>, vector<1x16xf32>,
    %get3A_3296 = vector.shape_cast %get3A_3295 : vector<1x16xf32> to vector<16xf32>
    %get3A_3297 = arith.constant 92 : i32
    %get3A_3298 = arith.index_cast %get3A_3297 : i32 to index
    %get3A_3299 = arith.constant 0 : index
    %get3A_3300 = tpu.vector_load %arg10[%get3A_3298, %get3A_3299] {strides = array<i32>} : memref<96x128xf32, #tpu.memory_space<vmem>>, vector<1x16xf32>,
    %get3A_3301 = vector.shape_cast %get3A_3300 : vector<1x16xf32> to vector<16xf32>
    %add3A_3302 = arith.addf %get3A_3296, %get3A_3301 : vector<16xf32>
    %swap3A_3303 = arith.constant 92 : i32
    %swap3A_3304 = arith.index_cast %swap3A_3303 : i32 to index
    %swap3A_3305 = arith.constant 0 : index
    %swap3A_3306 = tpu.vector_load %arg9[%swap3A_3304, %swap3A_3305] {strides = array<i32>} : memref<96x128xf32, #tpu.memory_space<vmem>>, vector<1x16xf32>,
    %swap3A_3307 = vector.shape_cast %swap3A_3306 : vector<1x16xf32> to vector<16xf32>
    %swap3A_3308 = vector.shape_cast %add3A_3302 : vector<16xf32> to vector<1x16xf32>
    tpu.vector_store %arg9[%swap3A_3304, %swap3A_3305], %swap3A_3308 {strides = array<i32>} : memref<96x128xf32, #tpu.memory_space<vmem>>, vector<1x16xf32>,
    %get3A_3309 = arith.constant 92 : i32
    %get3A_3310 = arith.index_cast %get3A_3309 : i32 to index
    %get3A_3311 = arith.constant 16 : index
    %get3A_3312 = tpu.vector_load %arg9[%get3A_3310, %get3A_3311] {strides = array<i32>} : memref<96x128xf32, #tpu.memory_space<vmem>>, vector<1x16xf32>,
    %get3A_3313 = vector.shape_cast %get3A_3312 : vector<1x16xf32> to vector<16xf32>
    %get3A_3314 = arith.constant 92 : i32
    %get3A_3315 = arith.index_cast %get3A_3314 : i32 to index
    %get3A_3316 = arith.constant 16 : index
    %get3A_3317 = tpu.vector_load %arg10[%get3A_3315, %get3A_3316] {strides = array<i32>} : memref<96x128xf32, #tpu.memory_space<vmem>>, vector<1x16xf32>,
    %get3A_3318 = vector.shape_cast %get3A_3317 : vector<1x16xf32> to vector<16xf32>
    %add3A_3319 = arith.addf %get3A_3313, %get3A_3318 : vector<16xf32>
    %swap3A_3320 = arith.constant 92 : i32
    %swap3A_3321 = arith.index_cast %swap3A_3320 : i32 to index
    %swap3A_3322 = arith.constant 16 : index
    %swap3A_3323 = tpu.vector_load %arg9[%swap3A_3321, %swap3A_3322] {strides = array<i32>} : memref<96x128xf32, #tpu.memory_space<vmem>>, vector<1x16xf32>,
    %swap3A_3324 = vector.shape_cast %swap3A_3323 : vector<1x16xf32> to vector<16xf32>
    %swap3A_3325 = vector.shape_cast %add3A_3319 : vector<16xf32> to vector<1x16xf32>
    tpu.vector_store %arg9[%swap3A_3321, %swap3A_3322], %swap3A_3325 {strides = array<i32>} : memref<96x128xf32, #tpu.memory_space<vmem>>, vector<1x16xf32>,
    %get3A_3326 = arith.constant 93 : i32
    %get3A_3327 = arith.index_cast %get3A_3326 : i32 to index
    %get3A_3328 = arith.constant 0 : index
    %get3A_3329 = tpu.vector_load %arg9[%get3A_3327, %get3A_3328] {strides = array<i32>} : memref<96x128xf32, #tpu.memory_space<vmem>>, vector<1x16xf32>,
    %get3A_3330 = vector.shape_cast %get3A_3329 : vector<1x16xf32> to vector<16xf32>
    %get3A_3331 = arith.constant 93 : i32
    %get3A_3332 = arith.index_cast %get3A_3331 : i32 to index
    %get3A_3333 = arith.constant 0 : index
    %get3A_3334 = tpu.vector_load %arg10[%get3A_3332, %get3A_3333] {strides = array<i32>} : memref<96x128xf32, #tpu.memory_space<vmem>>, vector<1x16xf32>,
    %get3A_3335 = vector.shape_cast %get3A_3334 : vector<1x16xf32> to vector<16xf32>
    %add3A_3336 = arith.addf %get3A_3330, %get3A_3335 : vector<16xf32>
    %swap3A_3337 = arith.constant 93 : i32
    %swap3A_3338 = arith.index_cast %swap3A_3337 : i32 to index
    %swap3A_3339 = arith.constant 0 : index
    %swap3A_3340 = tpu.vector_load %arg9[%swap3A_3338, %swap3A_3339] {strides = array<i32>} : memref<96x128xf32, #tpu.memory_space<vmem>>, vector<1x16xf32>,
    %swap3A_3341 = vector.shape_cast %swap3A_3340 : vector<1x16xf32> to vector<16xf32>
    %swap3A_3342 = vector.shape_cast %add3A_3336 : vector<16xf32> to vector<1x16xf32>
    tpu.vector_store %arg9[%swap3A_3338, %swap3A_3339], %swap3A_3342 {strides = array<i32>} : memref<96x128xf32, #tpu.memory_space<vmem>>, vector<1x16xf32>,
    %get3A_3343 = arith.constant 93 : i32
    %get3A_3344 = arith.index_cast %get3A_3343 : i32 to index
    %get3A_3345 = arith.constant 16 : index
    %get3A_3346 = tpu.vector_load %arg9[%get3A_3344, %get3A_3345] {strides = array<i32>} : memref<96x128xf32, #tpu.memory_space<vmem>>, vector<1x16xf32>,
    %get3A_3347 = vector.shape_cast %get3A_3346 : vector<1x16xf32> to vector<16xf32>
    %get3A_3348 = arith.constant 93 : i32
    %get3A_3349 = arith.index_cast %get3A_3348 : i32 to index
    %get3A_3350 = arith.constant 16 : index
    %get3A_3351 = tpu.vector_load %arg10[%get3A_3349, %get3A_3350] {strides = array<i32>} : memref<96x128xf32, #tpu.memory_space<vmem>>, vector<1x16xf32>,
    %get3A_3352 = vector.shape_cast %get3A_3351 : vector<1x16xf32> to vector<16xf32>
    %add3A_3353 = arith.addf %get3A_3347, %get3A_3352 : vector<16xf32>
    %swap3A_3354 = arith.constant 93 : i32
    %swap3A_3355 = arith.index_cast %swap3A_3354 : i32 to index
    %swap3A_3356 = arith.constant 16 : index
    %swap3A_3357 = tpu.vector_load %arg9[%swap3A_3355, %swap3A_3356] {strides = array<i32>} : memref<96x128xf32, #tpu.memory_space<vmem>>, vector<1x16xf32>,
    %swap3A_3358 = vector.shape_cast %swap3A_3357 : vector<1x16xf32> to vector<16xf32>
    %swap3A_3359 = vector.shape_cast %add3A_3353 : vector<16xf32> to vector<1x16xf32>
    tpu.vector_store %arg9[%swap3A_3355, %swap3A_3356], %swap3A_3359 {strides = array<i32>} : memref<96x128xf32, #tpu.memory_space<vmem>>, vector<1x16xf32>,
    %get3A_3360 = arith.constant 94 : i32
    %get3A_3361 = arith.index_cast %get3A_3360 : i32 to index
    %get3A_3362 = arith.constant 0 : index
    %get3A_3363 = tpu.vector_load %arg9[%get3A_3361, %get3A_3362] {strides = array<i32>} : memref<96x128xf32, #tpu.memory_space<vmem>>, vector<1x16xf32>,
    %get3A_3364 = vector.shape_cast %get3A_3363 : vector<1x16xf32> to vector<16xf32>
    %get3A_3365 = arith.constant 94 : i32
    %get3A_3366 = arith.index_cast %get3A_3365 : i32 to index
    %get3A_3367 = arith.constant 0 : index
    %get3A_3368 = tpu.vector_load %arg10[%get3A_3366, %get3A_3367] {strides = array<i32>} : memref<96x128xf32, #tpu.memory_space<vmem>>, vector<1x16xf32>,
    %get3A_3369 = vector.shape_cast %get3A_3368 : vector<1x16xf32> to vector<16xf32>
    %add3A_3370 = arith.addf %get3A_3364, %get3A_3369 : vector<16xf32>
    %swap3A_3371 = arith.constant 94 : i32
    %swap3A_3372 = arith.index_cast %swap3A_3371 : i32 to index
    %swap3A_3373 = arith.constant 0 : index
    %swap3A_3374 = tpu.vector_load %arg9[%swap3A_3372, %swap3A_3373] {strides = array<i32>} : memref<96x128xf32, #tpu.memory_space<vmem>>, vector<1x16xf32>,
    %swap3A_3375 = vector.shape_cast %swap3A_3374 : vector<1x16xf32> to vector<16xf32>
    %swap3A_3376 = vector.shape_cast %add3A_3370 : vector<16xf32> to vector<1x16xf32>
    tpu.vector_store %arg9[%swap3A_3372, %swap3A_3373], %swap3A_3376 {strides = array<i32>} : memref<96x128xf32, #tpu.memory_space<vmem>>, vector<1x16xf32>,
    %get3A_3377 = arith.constant 94 : i32
    %get3A_3378 = arith.index_cast %get3A_3377 : i32 to index
    %get3A_3379 = arith.constant 16 : index
    %get3A_3380 = tpu.vector_load %arg9[%get3A_3378, %get3A_3379] {strides = array<i32>} : memref<96x128xf32, #tpu.memory_space<vmem>>, vector<1x16xf32>,
    %get3A_3381 = vector.shape_cast %get3A_3380 : vector<1x16xf32> to vector<16xf32>
    %get3A_3382 = arith.constant 94 : i32
    %get3A_3383 = arith.index_cast %get3A_3382 : i32 to index
    %get3A_3384 = arith.constant 16 : index
    %get3A_3385 = tpu.vector_load %arg10[%get3A_3383, %get3A_3384] {strides = array<i32>} : memref<96x128xf32, #tpu.memory_space<vmem>>, vector<1x16xf32>,
    %get3A_3386 = vector.shape_cast %get3A_3385 : vector<1x16xf32> to vector<16xf32>
    %add3A_3387 = arith.addf %get3A_3381, %get3A_3386 : vector<16xf32>
    %swap3A_3388 = arith.constant 94 : i32
    %swap3A_3389 = arith.index_cast %swap3A_3388 : i32 to index
    %swap3A_3390 = arith.constant 16 : index
    %swap3A_3391 = tpu.vector_load %arg9[%swap3A_3389, %swap3A_3390] {strides = array<i32>} : memref<96x128xf32, #tpu.memory_space<vmem>>, vector<1x16xf32>,
    %swap3A_3392 = vector.shape_cast %swap3A_3391 : vector<1x16xf32> to vector<16xf32>
    %swap3A_3393 = vector.shape_cast %add3A_3387 : vector<16xf32> to vector<1x16xf32>
    tpu.vector_store %arg9[%swap3A_3389, %swap3A_3390], %swap3A_3393 {strides = array<i32>} : memref<96x128xf32, #tpu.memory_space<vmem>>, vector<1x16xf32>,
    %get3A_3394 = arith.constant 95 : i32
    %get3A_3395 = arith.index_cast %get3A_3394 : i32 to index
    %get3A_3396 = arith.constant 0 : index
    %get3A_3397 = tpu.vector_load %arg9[%get3A_3395, %get3A_3396] {strides = array<i32>} : memref<96x128xf32, #tpu.memory_space<vmem>>, vector<1x16xf32>,
    %get3A_3398 = vector.shape_cast %get3A_3397 : vector<1x16xf32> to vector<16xf32>
    %get3A_3399 = arith.constant 95 : i32
    %get3A_3400 = arith.index_cast %get3A_3399 : i32 to index
    %get3A_3401 = arith.constant 0 : index
    %get3A_3402 = tpu.vector_load %arg10[%get3A_3400, %get3A_3401] {strides = array<i32>} : memref<96x128xf32, #tpu.memory_space<vmem>>, vector<1x16xf32>,
    %get3A_3403 = vector.shape_cast %get3A_3402 : vector<1x16xf32> to vector<16xf32>
    %add3A_3404 = arith.addf %get3A_3398, %get3A_3403 : vector<16xf32>
    %swap3A_3405 = arith.constant 95 : i32
    %swap3A_3406 = arith.index_cast %swap3A_3405 : i32 to index
    %swap3A_3407 = arith.constant 0 : index
    %swap3A_3408 = tpu.vector_load %arg9[%swap3A_3406, %swap3A_3407] {strides = array<i32>} : memref<96x128xf32, #tpu.memory_space<vmem>>, vector<1x16xf32>,
    %swap3A_3409 = vector.shape_cast %swap3A_3408 : vector<1x16xf32> to vector<16xf32>
    %swap3A_3410 = vector.shape_cast %add3A_3404 : vector<16xf32> to vector<1x16xf32>
    tpu.vector_store %arg9[%swap3A_3406, %swap3A_3407], %swap3A_3410 {strides = array<i32>} : memref<96x128xf32, #tpu.memory_space<vmem>>, vector<1x16xf32>,
    %get3A_3411 = arith.constant 95 : i32
    %get3A_3412 = arith.index_cast %get3A_3411 : i32 to index
    %get3A_3413 = arith.constant 16 : index
    %get3A_3414 = tpu.vector_load %arg9[%get3A_3412, %get3A_3413] {strides = array<i32>} : memref<96x128xf32, #tpu.memory_space<vmem>>, vector<1x16xf32>,
    %get3A_3415 = vector.shape_cast %get3A_3414 : vector<1x16xf32> to vector<16xf32>
    %get3A_3416 = arith.constant 95 : i32
    %get3A_3417 = arith.index_cast %get3A_3416 : i32 to index
    %get3A_3418 = arith.constant 16 : index
    %get3A_3419 = tpu.vector_load %arg10[%get3A_3417, %get3A_3418] {strides = array<i32>} : memref<96x128xf32, #tpu.memory_space<vmem>>, vector<1x16xf32>,
    %get3A_3420 = vector.shape_cast %get3A_3419 : vector<1x16xf32> to vector<16xf32>
    %add3A_3421 = arith.addf %get3A_3415, %get3A_3420 : vector<16xf32>
    %swap3A_3422 = arith.constant 95 : i32
    %swap3A_3423 = arith.index_cast %swap3A_3422 : i32 to index
    %swap3A_3424 = arith.constant 16 : index
    %swap3A_3425 = tpu.vector_load %arg9[%swap3A_3423, %swap3A_3424] {strides = array<i32>} : memref<96x128xf32, #tpu.memory_space<vmem>>, vector<1x16xf32>,
    %swap3A_3426 = vector.shape_cast %swap3A_3425 : vector<1x16xf32> to vector<16xf32>
    %swap3A_3427 = vector.shape_cast %add3A_3421 : vector<16xf32> to vector<1x16xf32>
    tpu.vector_store %arg9[%swap3A_3423, %swap3A_3424], %swap3A_3427 {strides = array<i32>} : memref<96x128xf32, #tpu.memory_space<vmem>>, vector<1x16xf32>,
    "tpu.region"() ({
      %run_scoped3A = tpu.sem_alloc : memref<!tpu.dma_semaphore, #tpu.memory_space<semaphore_mem>>
      %dma_start3A_3428 = arith.constant 0 : i32
      %dma_start3A_3429 = tpu.memref_slice %arg6[%mul3A_2, %dma_start3A_3428] : memref<3072x128xf32, #tpu.memory_space<hbm>> -> memref<96x128xf32, #tpu.memory_space<hbm>>
      %dma_start3A_3430 = arith.constant 0 : i32
      %dma_start3A_3431 = tpu.memref_slice %arg6[%mul3A_2, %dma_start3A_3430] : memref<3072x128xf32, #tpu.memory_space<hbm>> -> memref<96x128xf32, #tpu.memory_space<hbm>>
      tpu.enqueue_dma source(%arg9 : memref<96x128xf32, #tpu.memory_space<vmem>>) target(%dma_start3A_3431 : memref<96x128xf32, #tpu.memory_space<hbm>>) target_semaphore(%run_scoped3A : memref<!tpu.dma_semaphore, #tpu.memory_space<semaphore_mem>>)
      %dma_wait3A_3432 = arith.constant 0 : i32
      %dma_wait3A_3433 = tpu.memref_slice %arg6[%mul3A_2, %dma_wait3A_3432] : memref<3072x128xf32, #tpu.memory_space<hbm>> -> memref<96x128xf32, #tpu.memory_space<hbm>>
      %dma_wait3A_3434 = arith.constant 0 : i32
      %dma_wait3A_3435 = tpu.memref_slice %arg6[%mul3A_2, %dma_wait3A_3434] : memref<3072x128xf32, #tpu.memory_space<hbm>> -> memref<96x128xf32, #tpu.memory_space<hbm>>
      tpu.wait_dma2 semaphore(%run_scoped3A : memref<!tpu.dma_semaphore, #tpu.memory_space<semaphore_mem>>) src(%arg9 : memref<96x128xf32, #tpu.memory_space<vmem>>) dst(%dma_wait3A_3435 : memref<96x128xf32, #tpu.memory_space<hbm>>)
      tpu.yield
    }) : () -> ()
    return
  }
}

module attributes {stable_mosaic.version = 14 : i64} {
  func.func @_tc_body(%arg0: i32, %arg1: memref<1x256x128xf32, #tpu.memory_space<vmem>>, %arg2: memref<8160x1xf32, #tpu.memory_space<vmem>>, %arg3: memref<8160x32xf32, #tpu.memory_space<vmem>>, %arg4: memref<1x8160x256xf32, #tpu.memory_space<vmem>>) attributes {dimension_semantics = [#tpu.dimension_semantics<arbitrary>], iteration_bounds = array<i64: 12>, scalar_prefetch = 0 : i64, scratch_operands = 0 : i64, tpu.core_type = #tpu.core_type<tc>, window_params = [{transform_indices = @transform_0, window_bounds = array<i64: 1, 256, 128>}, {pipeline_mode = #tpu.pipeline_mode<synchronous>, transform_indices = @transform_1, window_bounds = array<i64: 8160, 1>}, {pipeline_mode = #tpu.pipeline_mode<synchronous>, transform_indices = @transform_2, window_bounds = array<i64: 8160, 32>}, {transform_indices = @transform_3, window_bounds = array<i64: 1, 8160, 256>}]} {
    %get3A = arith.constant 0 : index
    %get3A_0 = arith.constant 0 : index
    %get3A_1 = arith.constant 0 : index
    %get3A_2 = vector.load %arg1[%get3A, %get3A_0, %get3A_1] : memref<1x256x128xf32, #tpu.memory_space<vmem>>, vector<1x256x32xf32>
    %get3A_3 = vector.shape_cast %get3A_2 : vector<1x256x32xf32> to vector<256x32xf32>
    %get3A_4 = arith.constant 0 : index
    %get3A_5 = arith.constant 0 : index
    %get3A_6 = vector.load %arg3[%get3A_4, %get3A_5] : memref<8160x32xf32, #tpu.memory_space<vmem>>, vector<8160x32xf32>
    %dot_general3A = arith.constant dense<0.000000e+00> : vector<8160x256xf32>
    %dot_general3A_7 = tpu.matmul %get3A_6, %get3A_3, %dot_general3A {dimension_numbers = #tpu.dot_dimension_numbers<[1], [1], [0], [0], [0, 0, 1, 0], [], []>, transpose_lhs_hint = false} : vector<8160x32xf32>, vector<256x32xf32>, vector<8160x256xf32> -> vector<8160x256xf32>
    %get3A_8 = arith.constant 0 : index
    %get3A_9 = arith.constant 0 : index
    %get3A_10 = vector.load %arg2[%get3A_8, %get3A_9] : memref<8160x1xf32, #tpu.memory_space<vmem>>, vector<8160x1xf32>
    %add3A = vector.broadcast %get3A_10 : vector<8160x1xf32> to vector<8160x256xf32>
    %add3A_11 = arith.addf %dot_general3A_7, %add3A : vector<8160x256xf32>
    %swap3A = arith.constant 0 : index
    %swap3A_12 = arith.constant 0 : index
    %swap3A_13 = arith.constant 0 : index
    %swap3A_14 = vector.load %arg4[%swap3A, %swap3A_12, %swap3A_13] : memref<1x8160x256xf32, #tpu.memory_space<vmem>>, vector<1x8160x256xf32>
    %swap3A_15 = vector.shape_cast %swap3A_14 : vector<1x8160x256xf32> to vector<8160x256xf32>
    %swap3A_16 = vector.shape_cast %add3A_11 : vector<8160x256xf32> to vector<1x8160x256xf32>
    tpu.vector_store %arg4[%swap3A, %swap3A_12, %swap3A_13], %swap3A_16 {strides = array<i32>} : memref<1x8160x256xf32, #tpu.memory_space<vmem>>, vector<1x8160x256xf32>,
    return
  }
  func.func @transform_0(%arg0: i32) -> (i32, i32, i32) {
    %c0_i32 = arith.constant 0 : i32
    %c0_i32_0 = arith.constant 0 : i32
    %c0_i32_1 = arith.constant 0 : i32
    return %arg0, %c0_i32, %c0_i32_0 : i32, i32, i32
  }
  func.func @transform_1(%arg0: i32) -> (i32, i32) {
    %c0_i32 = arith.constant 0 : i32
    %c0_i32_0 = arith.constant 0 : i32
    %c0_i32_1 = arith.constant 0 : i32
    return %c0_i32, %c0_i32_0 : i32, i32
  }
  func.func @transform_2(%arg0: i32) -> (i32, i32) {
    %c0_i32 = arith.constant 0 : i32
    %c0_i32_0 = arith.constant 0 : i32
    %c0_i32_1 = arith.constant 0 : i32
    return %c0_i32, %c0_i32_0 : i32, i32
  }
  func.func @transform_3(%arg0: i32) -> (i32, i32, i32) {
    %c0_i32 = arith.constant 0 : i32
    %c0_i32_0 = arith.constant 0 : i32
    %c0_i32_1 = arith.constant 0 : i32
    return %arg0, %c0_i32, %c0_i32_0 : i32, i32, i32
  }
}

</mosaic_0001>

<sc_bundles>
// kernel: kernel.4.cloned.1.call-start
scs
__scs_entry_jumppad:
0x0: {  	(pc) =	sbr.rel $0x88, $3  }
0x1: {  	(tag) =	ssettag $0x0;
	lr =	simm.s32 $0x1  }
0x2: {  	[smem:$0x3F9D] =	sst lr;
	_ =	strace $0xD0000000  }
0x3: {  	_ = 	snop  }
0x4: {  	_ = 	snop  }
0x5: {  	_ = 	snop  }
0x6: {  	_ = 	snop  }
0x7: {  	_ = 	snop  }
__scs_overlays_trampoline_lowered:
0x8: {  	[smem:$0x3FAC] =	sst s0  }
0x9: {  	[smem:$0x3FAD] =	sst s1  }
0xa: {  	[smem:$0x3FAE] =	sst s2  }
0xb: {  	[smem:$0x3FAF] =	sst s3  }
0xc: {  	[smem:$0x3FB0] =	sst s4  }
0xd: {  	[smem:$0x3FB1] =	sst s5  }
0xe: {  	[smem:$0x3FB2] =	sst s6  }
0xf: {  	[smem:$0x3FB3] =	sst s7  }
0x10: {  	[smem:$0x3FB4] =	sst s8  }
0x11: {  	[smem:$0x3FB5] =	sst s9;
	s0 =	simm.s32 @!p0 $0x0  }
0x12: {  	s1 =	sld [smem:$0x3F9B];
	s0 =	simm.s32 @p0 $0x1  }
0x13: {  	[smem:$0x3FB6] =	sst s0;
	s0 =	simm.s32 @!p1 $0x0  }
0x14: {  	s2 =	sld [smem:$0x3F9A];
	s0 =	simm.s32 @p1 $0x1  }
0x15: {  	[smem:$0x3FB7] =	sst s0;
	s0 =	simm.s32 @!p2 $0x0  }
0x16: {  	s3 =	sld [smem:$0x3FDB];
	s0 =	simm.s32 @p2 $0x1  }
0x17: {  	s4 =	simm.s32 $0x1BF5;
	[smem:$0x3FB9] =	sst s0  }
0x18: {  	s0 =	sld [smem:$0x3F9C];
	_ =	swait.ge [sflag:s4], $0x0  }
0x19: {  	s7 =	sld [smem:$0x3F9D]  }
0x1a: {  	s8 =	sadd.s32 $0xFFFFE003, lr  }
0x1b: {  	s9 =	sadd.s32 $0xFFFFFEF7, lr;
	s5 =	simm.s32 $0xFFFFFFFF;
	p2 =	slt.u32 s8, $0xFFFFF086  }
0x1c: {  	p1 =	slt.u32 s9, $0xF7A;
	s5 =	simm.s32 @!p2 $0x0  }
0x1d: {  	s5 =	simm.s32 @p1 $0x1;
	p0 =	seq.s32 s7, s2  }
0x1e: {  	s7 =	smul.u32 @!p0 $0xF7A, s2;
	p2 =	seq.s32 @!p0 s5, $0x0  }
0x1f: {  	s9 =	smul.u32 $0xF7A, s1;
	s8 =	simm.s32 @!p0 $0x1BF5;
	p2 =	por !p2, p0  }
0x20: {  	[sflag:s8] =	ssyncset.s32 @!p0 $0xFFFFF086;
	s6 =	sadd.s32 @!p0 s3, s7;
	s7 =	simm.s32 @!p0 $0x108  }
0x21: {  	s3 =	sadd.s32 s3, s9;
	s6 =	sadd.s32 @!p0 $0x88, s6;
	s7 =	simm.s32 @p2 $0x1082  }
0x22: {  	[simem:s7], [sflag:s8] =	dma.local @!p0 [hbm:s6], $0xF7A  }
0x23: {  	s9 =	sor.u32 $0xD0000000, s2;
	s6 =	simm.s32 $0x108;
	_ =	swait.ge @!p0 [sflag:s8], $0x0  }
0x24: {  	s3 =	sadd.s32 $0x88, s3;
	s6 =	simm.s32 @!p1 $0x1082;
	[sflag:s4] =	ssyncset.s32 $0xFFFFF086  }
0x25: {  	[simem:s6], [sflag:s4] =	dma.local [hbm:s3], $0xF7A  }
0x26: {  	[smem:$0x3F9D] =	sst s1;
	(tag) =	ssettag s2;
	_ =	strace s9  }
0x27: {  	s1 =	sld [smem:$0x3FAD]  }
0x28: {  	s2 =	sld [smem:$0x3FAE]  }
0x29: {  	s4 =	sld [smem:$0x3FB0]  }
0x2a: {  	p0 =	seq.s32 s5, $0x0;
	s5 =	sld [smem:$0x3FB1]  }
0x2b: {  	s6 =	sld [smem:$0x3FB2]  }
0x2c: {  	s7 =	sld [smem:$0x3FB3]  }
0x2d: {  	s3 =	simm.s32 $0x108;
	s8 =	sld [smem:$0x3FB4]  }
0x2e: {  	s3 =	simm.s32 @!p0 $0x1082;
	s9 =	sld [smem:$0x3FB5]  }
0x2f: {  	lr =	sadd.s32 s0, s3;
	s0 =	sld [smem:$0x3FAC]  }
0x30: {  	s3 =	sld [smem:$0x3FAF]  }
0x31: {  	[smem:$0x3FB8] =	sst s10  }
0x32: {  	s10 =	sld [smem:$0x3FB6];
	_ =	sdelay $0x3  }
0x33: {  	p0 =	seq.s32 s10, $0x1;
	s10 =	sld [smem:$0x3FB8];
	_ =	sdelay $0x3  }
0x34: {  	[smem:$0x3FB8] =	sst s10  }
0x35: {  	s10 =	sld [smem:$0x3FB7];
	_ =	sdelay $0x3  }
0x36: {  	p1 =	seq.s32 s10, $0x1;
	s10 =	sld [smem:$0x3FB8];
	_ =	sdelay $0x3  }
0x37: {  	[smem:$0x3FB8] =	sst s10  }
0x38: {  	s10 =	sld [smem:$0x3FB9]  }
0x39: {  	_ = 	snop;
	(pc) =	sbr.ind lr, $3  }
0x3a: {  	_ = 	snop  }
0x3b: {  	_ = 	snop  }
0x3c: {  	p2 =	seq.s32 s10, $0x1;
	s10 =	sld [smem:$0x3FB8]  }
0x3d: {  	_ =	shalt  }
0x3e: {  	_ =	shalt  }
0x3f: {  	_ =	shalt  }
0x40: {  	_ =	shalt  }
0x41: {  	_ =	shalt  }
0x42: {  	_ =	shalt  }
0x43: {  	_ =	shalt  }
0x44: {  	_ =	shalt  }
0x45: {  	_ =	shalt  }
0x46: {  	_ =	shalt  }
0x47: {  	_ =	shalt  }
0x48: {  	_ =	shalt  }
0x49: {  	_ =	shalt  }
0x4a: {  	_ =	shalt  }
0x4b: {  	_ =	shalt  }
0x4c: {  	_ =	shalt  }
0x4d: {  	_ =	shalt  }
0x4e: {  	_ =	shalt  }
0x4f: {  	_ =	shalt  }
0x50: {  	_ =	shalt  }
0x51: {  	_ =	shalt  }
0x52: {  	_ =	shalt  }
0x53: {  	_ =	shalt  }
0x54: {  	_ =	shalt  }
0x55: {  	_ =	shalt  }
0x56: {  	_ =	shalt  }
0x57: {  	_ =	shalt  }
0x58: {  	_ =	shalt  }
0x59: {  	_ =	shalt  }
0x5a: {  	_ =	shalt  }
0x5b: {  	_ =	shalt  }
0x5c: {  	_ =	shalt  }
0x5d: {  	_ =	shalt  }
0x5e: {  	_ =	shalt  }
0x5f: {  	_ =	shalt  }
0x60: {  	_ =	shalt  }
0x61: {  	_ =	shalt  }
0x62: {  	_ =	shalt  }
0x63: {  	_ =	shalt  }
0x64: {  	_ =	shalt  }
0x65: {  	_ =	shalt  }
0x66: {  	_ =	shalt  }
0x67: {  	_ =	shalt  }
0x68: {  	_ =	shalt  }
0x69: {  	_ =	shalt  }
0x6a: {  	_ =	shalt  }
0x6b: {  	_ =	shalt  }
0x6c: {  	_ =	shalt  }
0x6d: {  	_ =	shalt  }
0x6e: {  	_ =	shalt  }
0x6f: {  	_ =	shalt  }
0x70: {  	_ =	shalt  }
0x71: {  	_ =	shalt  }
0x72: {  	_ =	shalt  }
0x73: {  	_ =	shalt  }
0x74: {  	_ =	shalt  }
0x75: {  	_ =	shalt  }
0x76: {  	_ =	shalt  }
0x77: {  	_ =	shalt  }
0x78: {  	_ =	shalt  }
0x79: {  	_ =	shalt  }
0x7a: {  	_ =	shalt  }
0x7b: {  	_ =	shalt  }
0x7c: {  	_ =	shalt  }
0x7d: {  	_ =	shalt  }
0x7e: {  	_ =	shalt  }
0x7f: {  	_ =	shalt  }
0x80: {  	_ =	shalt  }
0x81: {  	_ =	shalt  }
0x82: {  	_ =	shalt  }
0x83: {  	_ =	shalt  }
0x84: {  	_ =	shalt  }
0x85: {  	_ =	shalt  }
0x86: {  	_ =	shalt  }
0x87: {  	_ =	shalt  }
.Lfunc_end0:
.L_simem_size_0:
called_computation_lowered:
.L_overlay_start_0:
0x88: {  	s2 =	sld [smem:$0x3FD9]  }
0x89: {  	s3 =	sld [smem:$0x3FFE];
	_ =	sdelay $0x1  }
0x8a: {  	s1 =	srdreg.scid  }
0x8b: {  	s0 =	sand.u32 $0x1, s1  }
0x8c: {  	s17 =	sshll.u32 s0, $0xA;
	s2 =	sadd.s32 s3, s2  }
0x8d: {  	s2 =	sadd.s32 s2, s17  }
0x8e: {  	[smem:$0x3FC4] =	sst s2  }
0x8f: {  	_ = 	snop  }
0x90: {  	s2 =	sld [smem:$0x3FD0];
	(tm) =	ssettm $0x1  }
0x91: {  	s18 =	sld [smem:$0x3FFB];
	_ =	sdelay $0x3  }
0x92: {  	_ =	strace s18  }
0x93: {  	s3 =	sld [smem:$0x3FFC];
	_ =	sdelay $0x3  }
0x94: {  	_ =	strace s3  }
0x95: {  	s3 =	sld [smem:$0x3FFD];
	_ =	sdelay $0x3  }
0x96: {  	_ =	strace s3  }
0x97: {  	_ =	strace $0x8FFFFFFF  }
0x98: {  	s19 =	sld [smem:$0x3FDB];
	_ =	sdelay $0x1  }
0x99: {  	s4 =	simm.s32 $_scs_section_size  }
0x9a: {  	s5 =	simm.s32 $_size__tile_overlayer_lowered;
	s6 =	simm.s32 $_tile_overlayer_lowered  }
0x9b: {  	s22 =	simm.s32 $0x1BFF;
	s21 =	sshll.u32 s6, $0x1;
	s3 =	sadd.s32 s4, s19  }
0x9c: {  	s7 =	simm.s32 $0x0;
	s20 =	sshll.u32 s5, $0x1;
	s5 =	sadd.s32 s21, s3  }
0x9d: {  	[timem:s7], [sflag:s22] =	dma.local [hbm:s5], s20  }
0x9e: {  	_ =	swait.ge [sflag:s22], s20  }
0x9f: {  	s4 =	ssub.s32 $0x0, s20;
	[sflag:s22] =	ssyncset.done $0x0  }
0xa0: {  	[sflag:s22] =	ssyncadd.s32 s4;
	_ =	sdelay $0x1  }
0xa1: {  	s23 =	simm.s32 $0x1B8B  }
0xa2: {  	_ =	swait.ge [sflag:s23], $0x1  }
0xa3: {  	[sflag:s23] =	ssyncset.done $0x0  }
0xa4: {  	s25 =	simm.s32 $0x1B8E;
	s24 =	sld [smem:$0x3FFE];
	[sflag:s23] =	ssyncadd.s32 $0xFFFFFFFF  }
0xa5: {  	s26 =	simm.s32 $execute0_lowered;
	[smem:$0x3FD2] =	sst s25  }
0xa6: {  	s5 =	sshll.u32 s26, $0x1;
	_ =	strace $0x80000046;
	[dreg:$0x1] =	wrdreg $0xFFFFFFFF  }
0xa7: {  	s28 =	simm.s32 $_size_execute0_lowered;
	s3 =	sadd.s32 s3, s5;
	[dreg:$0x0] =	wrdreg $0x0  }
0xa8: {  	s5 =	sshll.u32 s28, $0x1;
	[dreg:$0x2] =	wrdreg s3  }
0xa9: {  	[dreg:$0x3] =	wrdreg s5  }
0xaa: {  	[dreg:$0x4] =	wrdreg $0xC0  }
0xab: {  	_ =	task [dreg:s7], $0x5FFFF  }
0xac: {  	[dreg:$0x1] =	wrdreg $0xFFFFFFFF  }
0xad: {  	[dreg:$0x0] =	wrdreg $0x60  }
0xae: {  	[dreg:$0x2] =	wrdreg s24  }
0xaf: {  	[dreg:$0x3] =	wrdreg s2  }
0xb0: {  	[dreg:$0x4] =	wrdreg $0x9  }
0xb1: {  	_ =	task.clear_ibuf [dreg:s7], $0x5FFFF;
	_ =	strace $0x90000046  }
0xb2: {  	s29 =	simm.s32 $0x9;
	_ =	strace $0x80000048  }
0xb3: {  	_ =	swait.ge [sflag:s29], $0x1  }
0xb4: {  	[sflag:s29] =	ssyncadd.s32 $0xFFFFFFFF  }
0xb5: {  	_ =	strace $0x90000048  }
0xb6: {  	_ =	sfence  }
0xb7: {  	s30 =	sld [smem:$0x0];
	_ =	sdelay $0x2  }
0xb8: {  	s31 =	sshll.u32 s1, $0xD;
	s1 =	sshrl.u32 s1, $0x2  }
0xb9: {  	s3 =	sand.u32 $0x4000, s31;
	s1 =	sadd.s32 s1, s30  }
0xba: {  	s0 =	sor.u32 s3, s0;
	s1 =	sshll.u32 s1, $0x11  }
0xbb: {  	s0 =	sor.u32 s1, s0  }
0xbc: {  	s0 =	sadd.s32 $0x8F2B, s0  }
0xbd: {  	[sflag:s0] =	ssyncadd.remote.s32 $0x1  }
0xbe: {  	_ =	sfence.sel $0xFFFF  }
0xbf: {  	[dreg:$0x0] =	wrdreg $0xFFFFFFFF;
	(pc) =	sbr.abs _section_cstart, $3  }
0xc0: {  	[dreg:$0x1] =	wrdreg $0xFFFFFFFF  }
0xc1: {  	_ =	task.clear_ibuf [dreg:s7], $0x2FFFF;
	_ =	strace $0x9FFFFFFF  }
0xc2: {  	(tm) =	ssettm $0x7FFFFFFF  }
0xc3: {  	_ =	shalt  }
tec
execute0_lowered:
.L_overlay_start_1:
0x0: {  	(tag) =	ssettag $0x1  }
0x1: {  	s1 =	srdreg.scid;
	s4 =	rddreg [dreg:$0x0]  }
0x2: {  	s0 =	stileid.u32;
	s7 =	rddreg [dreg:$0x1];
	s2 =	simm.s32 $0x0  }
0x3: {  	s11 =	simm.s32 $0x60;
	s12 =	simm.s32 $0x100;
	s13 =	simm.s32 $0x1  }
0x4: {  	s3 =	sand.u32 $0x1, s1;
	s31 =	sshll.u32 s0, $0x1;
	s1 =	rddreg [dreg:$0x2]  }
0x5: {  	s14 =	simm.s32 $0x3100;
	[smem:$0x7FF] =	sst s2;
	s5 =	sor.u32 s3, s31  }
0x6: {  	_ =	strace $0x80000047;
	s8 =	ssub.s32 $0x2, s3;
	s6 =	smul.u32 $0xC, s5  }
0x7: {  	s3 =	sadd.s32 $0x1200, s4;
	s9 =	sshrl.u32 s8, $0x1;
	s10 =	smul.u32 $0x600, s5  }
0x8: {  	s8 =	ssub.s32 s8, s9;
	s9 =	simm.s32 $0x2;
	s6 =	sadd.s32 s6, s4  }
0x9: {  	s4 =	sadd.s32 $0x1000, s4;
	s7 =	sadd.s32 s7, s10;
	s8 =	smax.u32 s8, $0x1  }
0xa: {  	s10 =	simm.s32 $0x80;
	s5 =	sadd.s32 $0xE00, s6;
	s6 =	sadd.s32 $0xC00, s6  }
.LBB2_1:
0xb: {  	[tilespmem:s2], [sflag:$0x2] =	stream.linear.gather [hbm4b:s5+s2], $0x60, $0x38;
	[tilespmem:$0x6100] =	vst v63  }
0xc: {  	_ =	swait.ge [sflag:s9], $0x60  }
0xd: {  	[sflag:s9] =	ssyncset.done $0x0  }
0xe: {  	[sflag:s9] =	ssyncadd.s32 $0xFFFFFFA0  }
0xf: {  	[tilespmem:s10], [sflag:$0x2] =	stream.linear.gather [hbm4b:s6+s2], $0x60, $0x38;
	[tilespmem:$0x6100] =	vst v63  }
0x10: {  	_ =	swait.ge [sflag:s9], $0x60  }
0x11: {  	[sflag:s9] =	ssyncset.done $0x0  }
0x12: {  	[sflag:s9] =	ssyncadd.s32 $0xFFFFFFA0  }
0x13: {  	v0 =	vld [tilespmem:$0x0]  }
0x14: {  	v1 =	vld [tilespmem:$0x80]  }
0x15: {  	v2 =	vld [tilespmem:$0x10]  }
0x16: {  	v3 =	vld [tilespmem:$0x90]  }
0x17: {  	v4 =	vld [tilespmem:$0x20]  }
0x18: {  	v5 =	vld [tilespmem:$0xA0];
	vm0 =	vgt.s32 v0, $0x0  }
0x19: {  	v6 =	vld [tilespmem:$0x30];
	vm5 =	vgt.s32 v1, $0x0;
	v0 =	vnsel vm0, $0x0, v0  }
0x1a: {  	v7 =	vld [tilespmem:$0xB0];
	vm6 =	vgt.s32 v2, $0x0;
	v1 =	vnsel vm5, $0x0, v1;
	v0 =	vmin.u32 v0, $0x11F  }
0x1b: {  	v21 =	vld [tilespmem:$0x40];
	vm7 =	vgt.s32 v3, $0x0;
	v20 =	vnsel vm6, $0x0, v2;
	v19 =	vmin.u32 v1, $0x6;
	[tilespmem:$0x0] =	vst v0  }
0x1c: {  	v24 =	vld [tilespmem:$0xC0];
	vm8 =	vgt.s32 v4, $0x0;
	v23 =	vnsel vm7, $0x0, v3;
	v22 =	vmin.u32 v20, $0x11F;
	[tilespmem:$0x80] =	vst v19  }
0x1d: {  	v27 =	vld [tilespmem:$0x50];
	vm9 =	vgt.s32 v5, $0x0;
	v26 =	vnsel vm8, $0x0, v4;
	v25 =	vmin.u32 v23, $0x6;
	[tilespmem:$0x10] =	vst v22  }
0x1e: {  	v30 =	vld [tilespmem:$0xD0];
	vm10 =	vgt.s32 v6, $0x0;
	v29 =	vnsel vm9, $0x0, v5;
	v28 =	vmin.u32 v26, $0x11F;
	[tilespmem:$0x90] =	vst v25  }
0x1f: {  	vm11 =	vgt.s32 v7, $0x0;
	v32 =	vnsel vm10, $0x0, v6;
	v31 =	vmin.u32 v29, $0x6;
	[tilespmem:$0x20] =	vst v28  }
0x20: {  	vm12 =	vgt.s32 v21, $0x0;
	v34 =	vnsel vm11, $0x0, v7;
	v33 =	vmin.u32 v32, $0x11F;
	[tilespmem:$0xA0] =	vst v31  }
0x21: {  	vm13 =	vgt.s32 v24, $0x0;
	v36 =	vnsel vm12, $0x0, v21;
	v35 =	vmin.u32 v34, $0x6;
	[tilespmem:$0x30] =	vst v33  }
0x22: {  	vm14 =	vgt.s32 v27, $0x0;
	v38 =	vnsel vm13, $0x0, v24;
	v37 =	vmin.u32 v36, $0x11F;
	[tilespmem:$0xB0] =	vst v35  }
0x23: {  	vm15 =	vgt.s32 v30, $0x0;
	v40 =	vnsel vm14, $0x0, v27;
	v39 =	vmin.u32 v38, $0x6;
	[tilespmem:$0x40] =	vst v37  }
0x24: {  	v42 =	vnsel vm15, $0x0, v30;
	v41 =	vmin.u32 v40, $0x11F;
	[tilespmem:$0xC0] =	vst v39  }
0x25: {  	v43 =	vmin.u32 v42, $0x6;
	[tilespmem:$0x50] =	vst v41  }
0x26: {  	[tilespmem:$0xD0] =	vst v43  }
0x27: {  	[tilespmem:s12], [sflag:$0x1] =	stream.indirect.gather [hbm4b:s3+s11], $0x80, s2, s11, $0xb8;
	[tilespmem:$0x6100] =	vst v63  }
0x28: {  	_ =	swait.ge [sflag:s13], $0x3000  }
0x29: {  	[sflag:s13] =	ssyncset.done $0x0  }
0x2a: {  	[sflag:s13] =	ssyncadd.s32 $0xFFFFD000  }
0x2b: {  	[tilespmem:s14], [sflag:$0x1] =	stream.indirect.gather [hbm4b:s4+s11], $0x80, s10, s11, $0xb8;
	[tilespmem:$0x6100] =	vst v63  }
0x2c: {  	_ =	swait.ge [sflag:s13], $0x3000  }
0x2d: {  	[sflag:s13] =	ssyncset.done $0x0  }
0x2e: {  	[sflag:s13] =	ssyncadd.s32 $0xFFFFD000  }
0x2f: {  	v30 =	vld [tilespmem:$0x490]  }
0x30: {  	v52 =	vld [tilespmem:$0x3490]  }
0x31: {  	v61 =	vld [tilespmem:$0x580]  }
0x32: {  	v63 =	vld [tilespmem:$0x3580];
	_ =	sdelay $0x4  }
0x33: {  	v1 =	vadd.f32 v52, v30;
	v52 =	vadd.f32 v63, v61;
	v63 =	vld [tilespmem:$0xF80];
	_ =	sdelay $0x4  }
0x34: {  	[tilespmem:$0x1F6C0] =	vst v63;
	v63 =	vld [tilespmem:$0x3F80];
	_ =	sdelay $0x4  }
0x35: {  	[tilespmem:$0x1F6D0] =	vst v63;
	v63 =	vld [tilespmem:$0xF90];
	_ =	sdelay $0x4  }
0x36: {  	[tilespmem:$0x1F6E0] =	vst v63;
	v63 =	vld [tilespmem:$0x3F90];
	_ =	sdelay $0x4  }
0x37: {  	[tilespmem:$0x1F6F0] =	vst v63;
	v63 =	vld [tilespmem:$0x1000];
	_ =	sdelay $0x4  }
0x38: {  	[tilespmem:$0x1F700] =	vst v63;
	v63 =	vld [tilespmem:$0x4000];
	_ =	sdelay $0x4  }
0x39: {  	[tilespmem:$0x1F710] =	vst v63;
	v63 =	vld [tilespmem:$0x1010];
	_ =	sdelay $0x4  }
0x3a: {  	[tilespmem:$0x1F720] =	vst v63;
	v63 =	vld [tilespmem:$0x4010];
	_ =	sdelay $0x4  }
0x3b: {  	[tilespmem:$0x1F730] =	vst v63;
	v63 =	vld [tilespmem:$0x1080];
	_ =	sdelay $0x4  }
0x3c: {  	[tilespmem:$0x1F740] =	vst v63;
	v63 =	vld [tilespmem:$0x4080];
	_ =	sdelay $0x4  }
0x3d: {  	[tilespmem:$0x1F750] =	vst v63;
	v63 =	vld [tilespmem:$0x1090];
	_ =	sdelay $0x4  }
0x3e: {  	[tilespmem:$0x1F760] =	vst v63;
	v63 =	vld [tilespmem:$0x4090];
	_ =	sdelay $0x4  }
0x3f: {  	[tilespmem:$0x1F770] =	vst v63;
	v63 =	vld [tilespmem:$0x1100];
	_ =	sdelay $0x4  }
0x40: {  	[tilespmem:$0x1F780] =	vst v63;
	v63 =	vld [tilespmem:$0x4100];
	_ =	sdelay $0x4  }
0x41: {  	[tilespmem:$0x1F790] =	vst v63;
	v63 =	vld [tilespmem:$0x1110];
	_ =	sdelay $0x4  }
0x42: {  	[tilespmem:$0x1F7A0] =	vst v63;
	v63 =	vld [tilespmem:$0x4110];
	_ =	sdelay $0x4  }
0x43: {  	[tilespmem:$0x1F7B0] =	vst v63;
	v63 =	vld [tilespmem:$0x1180];
	_ =	sdelay $0x4  }
0x44: {  	[tilespmem:$0x1F7C0] =	vst v63;
	v63 =	vld [tilespmem:$0x4180];
	_ =	sdelay $0x4  }
0x45: {  	[tilespmem:$0x1F7D0] =	vst v63;
	v63 =	vld [tilespmem:$0x1190];
	_ =	sdelay $0x4  }
0x46: {  	[tilespmem:$0x1F7E0] =	vst v63;
	v63 =	vld [tilespmem:$0x4190];
	_ =	sdelay $0x4  }
0x47: {  	[tilespmem:$0x1F7F0] =	vst v63;
	v63 =	vld [tilespmem:$0x1200];
	_ =	sdelay $0x4  }
0x48: {  	[tilespmem:$0x1F800] =	vst v63;
	v63 =	vld [tilespmem:$0x4200];
	_ =	sdelay $0x4  }
0x49: {  	[tilespmem:$0x1F810] =	vst v63;
	v63 =	vld [tilespmem:$0x1210];
	_ =	sdelay $0x4  }
0x4a: {  	[tilespmem:$0x1F820] =	vst v63;
	v63 =	vld [tilespmem:$0x4210];
	_ =	sdelay $0x4  }
0x4b: {  	[tilespmem:$0x1F830] =	vst v63;
	v63 =	vld [tilespmem:$0x1280];
	_ =	sdelay $0x4  }
0x4c: {  	[tilespmem:$0x1F840] =	vst v63;
	v63 =	vld [tilespmem:$0x4280];
	_ =	sdelay $0x4  }
0x4d: {  	[tilespmem:$0x1F850] =	vst v63;
	v63 =	vld [tilespmem:$0x1290];
	_ =	sdelay $0x4  }
0x4e: {  	[tilespmem:$0x1F860] =	vst v63;
	v63 =	vld [tilespmem:$0x4290];
	_ =	sdelay $0x4  }
0x4f: {  	[tilespmem:$0x1F870] =	vst v63;
	v63 =	vld [tilespmem:$0x1300];
	_ =	sdelay $0x4  }
0x50: {  	[tilespmem:$0x1F880] =	vst v63;
	v63 =	vld [tilespmem:$0x4300];
	_ =	sdelay $0x4  }
0x51: {  	[tilespmem:$0x1F890] =	vst v63;
	v63 =	vld [tilespmem:$0x1310];
	_ =	sdelay $0x4  }
0x52: {  	[tilespmem:$0x1F8A0] =	vst v63;
	v63 =	vld [tilespmem:$0x4310];
	_ =	sdelay $0x4  }
0x53: {  	[tilespmem:$0x1F8B0] =	vst v63;
	v63 =	vld [tilespmem:$0x1380];
	_ =	sdelay $0x4  }
0x54: {  	[tilespmem:$0x1F8C0] =	vst v63;
	v63 =	vld [tilespmem:$0x4380];
	_ =	sdelay $0x4  }
0x55: {  	[tilespmem:$0x1F8D0] =	vst v63;
	v63 =	vld [tilespmem:$0x1390];
	_ =	sdelay $0x4  }
0x56: {  	[tilespmem:$0x1F8E0] =	vst v63;
	v63 =	vld [tilespmem:$0x4390];
	_ =	sdelay $0x4  }
0x57: {  	[tilespmem:$0x1F8F0] =	vst v63;
	v63 =	vld [tilespmem:$0x1400];
	_ =	sdelay $0x4  }
0x58: {  	[tilespmem:$0x1F900] =	vst v63;
	v63 =	vld [tilespmem:$0x4400];
	_ =	sdelay $0x4  }
0x59: {  	[tilespmem:$0x1F910] =	vst v63;
	v63 =	vld [tilespmem:$0x1410];
	_ =	sdelay $0x4  }
0x5a: {  	[tilespmem:$0x1F920] =	vst v63;
	v63 =	vld [tilespmem:$0x4410];
	_ =	sdelay $0x4  }
0x5b: {  	[tilespmem:$0x1F930] =	vst v63;
	v63 =	vld [tilespmem:$0x1480];
	_ =	sdelay $0x4  }
0x5c: {  	[tilespmem:$0x1F940] =	vst v63;
	v63 =	vld [tilespmem:$0x4480];
	_ =	sdelay $0x4  }
0x5d: {  	[tilespmem:$0x1F950] =	vst v63;
	v63 =	vld [tilespmem:$0x1490];
	_ =	sdelay $0x4  }
0x5e: {  	[tilespmem:$0x1F960] =	vst v63;
	v63 =	vld [tilespmem:$0x4490];
	_ =	sdelay $0x4  }
0x5f: {  	[tilespmem:$0x1F970] =	vst v63;
	v63 =	vld [tilespmem:$0x1500];
	_ =	sdelay $0x4  }
0x60: {  	[tilespmem:$0x1F980] =	vst v63;
	v63 =	vld [tilespmem:$0x4500];
	_ =	sdelay $0x4  }
0x61: {  	[tilespmem:$0x1F990] =	vst v63;
	v63 =	vld [tilespmem:$0x1510];
	_ =	sdelay $0x4  }
0x62: {  	[tilespmem:$0x1F9A0] =	vst v63;
	v63 =	vld [tilespmem:$0x4510];
	_ =	sdelay $0x4  }
0x63: {  	[tilespmem:$0x1F9B0] =	vst v63;
	v63 =	vld [tilespmem:$0x1580];
	_ =	sdelay $0x4  }
0x64: {  	[tilespmem:$0x1F9C0] =	vst v63;
	v63 =	vld [tilespmem:$0x4580];
	_ =	sdelay $0x4  }
0x65: {  	[tilespmem:$0x1F9D0] =	vst v63;
	v63 =	vld [tilespmem:$0x1590];
	_ =	sdelay $0x4  }
0x66: {  	[tilespmem:$0x1F9E0] =	vst v63;
	v63 =	vld [tilespmem:$0x4590];
	_ =	sdelay $0x4  }
0x67: {  	[tilespmem:$0x1F9F0] =	vst v63;
	v63 =	vld [tilespmem:$0x1600];
	_ =	sdelay $0x4  }
0x68: {  	[tilespmem:$0x1FA00] =	vst v63;
	v63 =	vld [tilespmem:$0x4600];
	_ =	sdelay $0x4  }
0x69: {  	[tilespmem:$0x1FA10] =	vst v63;
	v63 =	vld [tilespmem:$0x1610];
	_ =	sdelay $0x4  }
0x6a: {  	[tilespmem:$0x1FA20] =	vst v63;
	v63 =	vld [tilespmem:$0x4610];
	_ =	sdelay $0x4  }
0x6b: {  	[tilespmem:$0x1FA30] =	vst v63;
	v63 =	vld [tilespmem:$0x1680];
	_ =	sdelay $0x4  }
0x6c: {  	[tilespmem:$0x1FA40] =	vst v63;
	v63 =	vld [tilespmem:$0x4680];
	_ =	sdelay $0x4  }
0x6d: {  	[tilespmem:$0x1FA50] =	vst v63;
	v63 =	vld [tilespmem:$0x1690];
	_ =	sdelay $0x4  }
0x6e: {  	[tilespmem:$0x1FA60] =	vst v63;
	v63 =	vld [tilespmem:$0x4690];
	_ =	sdelay $0x4  }
0x6f: {  	[tilespmem:$0x1FA70] =	vst v63;
	v63 =	vld [tilespmem:$0x1700];
	_ =	sdelay $0x4  }
0x70: {  	[tilespmem:$0x1FA80] =	vst v63;
	v63 =	vld [tilespmem:$0x4700];
	_ =	sdelay $0x4  }
0x71: {  	[tilespmem:$0x1FA90] =	vst v63;
	v63 =	vld [tilespmem:$0x1710];
	_ =	sdelay $0x4  }
0x72: {  	[tilespmem:$0x1FAA0] =	vst v63;
	v63 =	vld [tilespmem:$0x4710];
	_ =	sdelay $0x4  }
0x73: {  	[tilespmem:$0x1FAB0] =	vst v63;
	v63 =	vld [tilespmem:$0x1780];
	_ =	sdelay $0x4  }
0x74: {  	[tilespmem:$0x1FAC0] =	vst v63;
	v63 =	vld [tilespmem:$0x4780];
	_ =	sdelay $0x4  }
0x75: {  	[tilespmem:$0x1FAD0] =	vst v63;
	v63 =	vld [tilespmem:$0x1790];
	_ =	sdelay $0x4  }
0x76: {  	[tilespmem:$0x1FAE0] =	vst v63;
	v63 =	vld [tilespmem:$0x4790];
	_ =	sdelay $0x4  }
0x77: {  	[tilespmem:$0x1FAF0] =	vst v63;
	v63 =	vld [tilespmem:$0x1800];
	_ =	sdelay $0x4  }
0x78: {  	[tilespmem:$0x1FB00] =	vst v63;
	v63 =	vld [tilespmem:$0x4800];
	_ =	sdelay $0x4  }
0x79: {  	[tilespmem:$0x1FB10] =	vst v63;
	v63 =	vld [tilespmem:$0x1810];
	_ =	sdelay $0x4  }
0x7a: {  	[tilespmem:$0x1FB20] =	vst v63;
	v63 =	vld [tilespmem:$0x4810];
	_ =	sdelay $0x4  }
0x7b: {  	[tilespmem:$0x1FB30] =	vst v63;
	v63 =	vld [tilespmem:$0x1880];
	_ =	sdelay $0x4  }
0x7c: {  	[tilespmem:$0x1FB40] =	vst v63;
	v63 =	vld [tilespmem:$0x4880];
	_ =	sdelay $0x4  }
0x7d: {  	[tilespmem:$0x1FB50] =	vst v63;
	v63 =	vld [tilespmem:$0x1890];
	_ =	sdelay $0x4  }
0x7e: {  	[tilespmem:$0x1FB60] =	vst v63;
	v63 =	vld [tilespmem:$0x4890];
	_ =	sdelay $0x4  }
0x7f: {  	[tilespmem:$0x1FB70] =	vst v63;
	v63 =	vld [tilespmem:$0x1900];
	_ =	sdelay $0x4  }
0x80: {  	[tilespmem:$0x1FB80] =	vst v63;
	v63 =	vld [tilespmem:$0x4900];
	_ =	sdelay $0x4  }
0x81: {  	[tilespmem:$0x1FB90] =	vst v63;
	v63 =	vld [tilespmem:$0x1910];
	_ =	sdelay $0x4  }
0x82: {  	[tilespmem:$0x1FBA0] =	vst v63;
	v63 =	vld [tilespmem:$0x4910];
	_ =	sdelay $0x4  }
0x83: {  	[tilespmem:$0x1FBB0] =	vst v63;
	v63 =	vld [tilespmem:$0x1980];
	_ =	sdelay $0x4  }
0x84: {  	[tilespmem:$0x1FBC0] =	vst v63;
	v63 =	vld [tilespmem:$0x4980];
	_ =	sdelay $0x3  }
0x85: {  	v44 =	vld [tilespmem:$0x100]  }
0x86: {  	[tilespmem:$0x1FBD0] =	vst v63;
	v63 =	vld [tilespmem:$0x1990]  }
0x87: {  	v45 =	vld [tilespmem:$0x3100]  }
0x88: {  	v46 =	vld [tilespmem:$0x110]  }
0x89: {  	v47 =	vld [tilespmem:$0x3110]  }
0x8a: {  	v48 =	vld [tilespmem:$0x180]  }
0x8b: {  	[tilespmem:$0x1FBE0] =	vst v63;
	v63 =	vld [tilespmem:$0x4990]  }
0x8c: {  	v49 =	vld [tilespmem:$0x3180]  }
0x8d: {  	v50 =	vld [tilespmem:$0x190]  }
0x8e: {  	v51 =	vld [tilespmem:$0x3190]  }
0x8f: {  	v8 =	vld [tilespmem:$0x200]  }
0x90: {  	[tilespmem:$0x1FBF0] =	vst v63;
	v63 =	vld [tilespmem:$0x1A00]  }
0x91: {  	v9 =	vld [tilespmem:$0x3200]  }
0x92: {  	v10 =	vld [tilespmem:$0x210]  }
0x93: {  	v11 =	vld [tilespmem:$0x3210]  }
0x94: {  	v12 =	vld [tilespmem:$0x280]  }
0x95: {  	[tilespmem:$0x1FC00] =	vst v63;
	v63 =	vld [tilespmem:$0x4A00]  }
0x96: {  	v13 =	vld [tilespmem:$0x3280]  }
0x97: {  	v14 =	vld [tilespmem:$0x290]  }
0x98: {  	v15 =	vld [tilespmem:$0x3290]  }
0x99: {  	v16 =	vld [tilespmem:$0x300]  }
0x9a: {  	[tilespmem:$0x1FC10] =	vst v63;
	v63 =	vld [tilespmem:$0x1A10]  }
0x9b: {  	v17 =	vld [tilespmem:$0x3300]  }
0x9c: {  	v18 =	vld [tilespmem:$0x310]  }
0x9d: {  	v19 =	vld [tilespmem:$0x3310]  }
0x9e: {  	v20 =	vld [tilespmem:$0x380]  }
0x9f: {  	[tilespmem:$0x1FC20] =	vst v63;
	v63 =	vld [tilespmem:$0x4A10]  }
0xa0: {  	v21 =	vld [tilespmem:$0x3380]  }
0xa1: {  	v22 =	vld [tilespmem:$0x390]  }
0xa2: {  	v23 =	vld [tilespmem:$0x3390]  }
0xa3: {  	v24 =	vld [tilespmem:$0x400]  }
0xa4: {  	[tilespmem:$0x1FC30] =	vst v63;
	v63 =	vld [tilespmem:$0x1A80]  }
0xa5: {  	v25 =	vld [tilespmem:$0x3400]  }
0xa6: {  	v26 =	vld [tilespmem:$0x410]  }
0xa7: {  	v27 =	vld [tilespmem:$0x3410]  }
0xa8: {  	v28 =	vld [tilespmem:$0x480]  }
0xa9: {  	[tilespmem:$0x1FC40] =	vst v63;
	v63 =	vld [tilespmem:$0x4A80]  }
0xaa: {  	v29 =	vld [tilespmem:$0x3480]  }
0xab: {  	v53 =	vld [tilespmem:$0x500]  }
0xac: {  	v55 =	vld [tilespmem:$0x3500]  }
0xad: {  	v57 =	vld [tilespmem:$0x510]  }
0xae: {  	[tilespmem:$0x1FC50] =	vst v63;
	v63 =	vld [tilespmem:$0x1A90]  }
0xaf: {  	v59 =	vld [tilespmem:$0x3510]  }
0xb0: {  	v32 =	vld [tilespmem:$0x590]  }
0xb1: {  	v34 =	vld [tilespmem:$0x3590]  }
0xb2: {  	v36 =	vld [tilespmem:$0x600]  }
0xb3: {  	[tilespmem:$0x1FC60] =	vst v63;
	v63 =	vld [tilespmem:$0x4A90]  }
0xb4: {  	v38 =	vld [tilespmem:$0x3600]  }
0xb5: {  	v40 =	vld [tilespmem:$0x610]  }
0xb6: {  	v42 =	vld [tilespmem:$0x3610]  }
0xb7: {  	v3 =	vld [tilespmem:$0x780]  }
0xb8: {  	[tilespmem:$0x1FC70] =	vst v63;
	v63 =	vld [tilespmem:$0x1B00]  }
0xb9: {  	v4 =	vld [tilespmem:$0x790]  }
0xba: {  	v6 =	vld [tilespmem:$0x800]  }
0xbb: {  	v5 =	vld [tilespmem:$0x3810]  }
0xbc: {  	v7 =	vld [tilespmem:$0x3880]  }
0xbd: {  	[tilespmem:$0x1FC80] =	vst v63;
	v63 =	vld [tilespmem:$0x4B00]  }
0xbe: {  	v0 =	vadd.f32 v45, v44;
	v44 =	vld [tilespmem:$0x680]  }
0xbf: {  	v2 =	vadd.f32 v47, v46;
	v46 =	vld [tilespmem:$0x3680]  }
0xc0: {  	v47 =	vld [tilespmem:$0x690]  }
0xc1: {  	v54 =	vadd.f32 v49, v48;
	v49 =	vld [tilespmem:$0x3690]  }
0xc2: {  	[tilespmem:$0x1FC90] =	vst v63;
	v63 =	vld [tilespmem:$0x1B10]  }
0xc3: {  	v56 =	vadd.f32 v51, v50;
	v51 =	vld [tilespmem:$0x700]  }
0xc4: {  	v48 =	vadd.f32 v55, v53;
	v53 =	vld [tilespmem:$0x3700]  }
0xc5: {  	v55 =	vld [tilespmem:$0x710]  }
0xc6: {  	v50 =	vadd.f32 v59, v57;
	v57 =	vld [tilespmem:$0x3710]  }
0xc7: {  	[tilespmem:$0x1FCA0] =	vst v63;
	v63 =	vld [tilespmem:$0x4B10]  }
0xc8: {  	v58 =	vadd.f32 v9, v8;
	v8 =	vld [tilespmem:$0x810]  }
0xc9: {  	v60 =	vadd.f32 v11, v10;
	v10 =	vld [tilespmem:$0x880]  }
0xca: {  	v62 =	vadd.f32 v13, v12;
	v12 =	vld [tilespmem:$0x890]  }
0xcb: {  	v9 =	vld [tilespmem:$0x3890]  }
0xcc: {  	[tilespmem:$0x1FCB0] =	vst v63;
	v63 =	vld [tilespmem:$0x1B80]  }
0xcd: {  	v31 =	vadd.f32 v15, v14;
	v14 =	vld [tilespmem:$0x900]  }
0xce: {  	v11 =	vld [tilespmem:$0x3900]  }
0xcf: {  	v33 =	vadd.f32 v17, v16;
	v16 =	vld [tilespmem:$0x910]  }
0xd0: {  	v13 =	vld [tilespmem:$0x3910]  }
0xd1: {  	[tilespmem:$0x1FCC0] =	vst v63;
	v63 =	vld [tilespmem:$0x4B80]  }
0xd2: {  	v35 =	vadd.f32 v19, v18;
	v18 =	vld [tilespmem:$0x980]  }
0xd3: {  	v15 =	vld [tilespmem:$0x3980]  }
0xd4: {  	v37 =	vadd.f32 v21, v20;
	v20 =	vld [tilespmem:$0x990]  }
0xd5: {  	v17 =	vld [tilespmem:$0x3990]  }
0xd6: {  	[tilespmem:$0x1FCD0] =	vst v63;
	v63 =	vld [tilespmem:$0x1B90]  }
0xd7: {  	v39 =	vadd.f32 v23, v22;
	v22 =	vld [tilespmem:$0xA00]  }
0xd8: {  	v19 =	vld [tilespmem:$0x3A00]  }
0xd9: {  	v41 =	vadd.f32 v25, v24;
	v24 =	vld [tilespmem:$0xA10]  }
0xda: {  	v21 =	vld [tilespmem:$0x3A10]  }
0xdb: {  	[tilespmem:$0x1FCE0] =	vst v63;
	v63 =	vld [tilespmem:$0x4B90]  }
0xdc: {  	v43 =	vadd.f32 v27, v26;
	v26 =	vld [tilespmem:$0xA80]  }
0xdd: {  	v23 =	vld [tilespmem:$0x3A80]  }
0xde: {  	v45 =	vadd.f32 v29, v28;
	v28 =	vld [tilespmem:$0xA90]  }
0xdf: {  	v25 =	vld [tilespmem:$0x3A90]  }
0xe0: {  	[tilespmem:$0x1FCF0] =	vst v63;
	v63 =	vld [tilespmem:$0x1C00]  }
0xe1: {  	v30 =	vld [tilespmem:$0xB00]  }
0xe2: {  	v27 =	vld [tilespmem:$0x3B00]  }
0xe3: {  	v29 =	vld [tilespmem:$0x3B10]  }
0xe4: {  	[tilespmem:$0x100] =	vst v0;
	v0 =	vld [tilespmem:$0x3780]  }
0xe5: {  	[tilespmem:$0x1FD00] =	vst v63;
	v63 =	vld [tilespmem:$0x4C00]  }
0xe6: {  	[tilespmem:$0x490] =	vst v1;
	v1 =	vld [tilespmem:$0x3790]  }
0xe7: {  	[tilespmem:$0x110] =	vst v2;
	v2 =	vld [tilespmem:$0x3800]  }
0xe8: {  	[tilespmem:$0x180] =	vst v54;
	v54 =	vadd.f32 v34, v32;
	v32 =	vld [tilespmem:$0xB10]  }
0xe9: {  	v34 =	vld [tilespmem:$0xB80]  }
0xea: {  	[tilespmem:$0x1FD10] =	vst v63;
	v63 =	vld [tilespmem:$0x1C10]  }
0xeb: {  	[tilespmem:$0x290] =	vst v31;
	v31 =	vld [tilespmem:$0x3B80]  }
0xec: {  	[tilespmem:$0x190] =	vst v56;
	v56 =	vadd.f32 v38, v36;
	v36 =	vld [tilespmem:$0xB90]  }
0xed: {  	[tilespmem:$0x300] =	vst v33;
	v33 =	vld [tilespmem:$0x3B90]  }
0xee: {  	v38 =	vld [tilespmem:$0xC00]  }
0xef: {  	[tilespmem:$0x1FD20] =	vst v63;
	v63 =	vld [tilespmem:$0x4C10]  }
0xf0: {  	[tilespmem:$0x310] =	vst v35;
	v35 =	vld [tilespmem:$0x3C00]  }
0xf1: {  	[tilespmem:$0x200] =	vst v58;
	v58 =	vadd.f32 v42, v40;
	v40 =	vld [tilespmem:$0xC10]  }
0xf2: {  	[tilespmem:$0x380] =	vst v37;
	v37 =	vld [tilespmem:$0x3C10]  }
0xf3: {  	v42 =	vld [tilespmem:$0xC80]  }
0xf4: {  	[tilespmem:$0x1FD30] =	vst v63;
	v63 =	vld [tilespmem:$0x1C80]  }
0xf5: {  	[tilespmem:$0x390] =	vst v39;
	v39 =	vld [tilespmem:$0x3C80]  }
0xf6: {  	[tilespmem:$0x400] =	vst v41;
	v41 =	vld [tilespmem:$0x3C90]  }
0xf7: {  	[tilespmem:$0x410] =	vst v43;
	v43 =	vld [tilespmem:$0x3D00]  }
0xf8: {  	[tilespmem:$0x480] =	vst v45;
	v45 =	vld [tilespmem:$0x3D10]  }
0xf9: {  	[tilespmem:$0x1FD40] =	vst v63;
	v63 =	vld [tilespmem:$0x4C80]  }
0xfa: {  	[tilespmem:$0x500] =	vst v48;
	v48 =	vld [tilespmem:$0xD80]  }
0xfb: {  	[tilespmem:$0x580] =	vst v52;
	v52 =	vld [tilespmem:$0xE00]  }
0xfc: {  	[tilespmem:$0x510] =	vst v50;
	v50 =	vld [tilespmem:$0x3E00]  }
0xfd: {  	[tilespmem:$0x610] =	vst v58;
	v58 =	vld [tilespmem:$0xD00]  }
0xfe: {  	[tilespmem:$0x1FD50] =	vst v63;
	v63 =	vld [tilespmem:$0x1C90]  }
0xff: {  	[tilespmem:$0x590] =	vst v54;
	v54 =	vld [tilespmem:$0xE10]  }
0x100: {  	[tilespmem:$0x600] =	vst v56;
	v56 =	vld [tilespmem:$0x3E90]  }
0x101: {  	[tilespmem:$0x210] =	vst v60;
	v59 =	vadd.f32 v46, v44;
	v44 =	vld [tilespmem:$0xC90]  }
0x102: {  	[tilespmem:$0x280] =	vst v62;
	v62 =	vadd.f32 v57, v55;
	v55 =	vld [tilespmem:$0xD10]  }
0x103: {  	v60 =	vadd.f32 v49, v47;
	[tilespmem:$0x1FD60] =	vst v63;
	v63 =	vld [tilespmem:$0x4C90]  }
0x104: {  	v61 =	vadd.f32 v53, v51;
	v46 =	vld [tilespmem:$0x3D80];
	[tilespmem:$0x680] =	vst v59  }
0x105: {  	v49 =	vld [tilespmem:$0xD90];
	[tilespmem:$0x690] =	vst v60;
	v1 =	vadd.f32 v1, v4  }
0x106: {  	v47 =	vld [tilespmem:$0x3D90];
	[tilespmem:$0x700] =	vst v61  }
0x107: {  	[tilespmem:$0x790] =	vst v1;
	v1 =	vadd.f32 v5, v8;
	v8 =	vld [tilespmem:$0x1D10]  }
0x108: {  	v0 =	vadd.f32 v0, v3;
	[tilespmem:$0x1FD70] =	vst v63;
	v63 =	vld [tilespmem:$0x1D00]  }
0x109: {  	v51 =	vld [tilespmem:$0x3E10];
	[tilespmem:$0x710] =	vst v62  }
0x10a: {  	v57 =	vld [tilespmem:$0xE80];
	[tilespmem:$0x780] =	vst v0  }
0x10b: {  	v61 =	vld [tilespmem:$0xF10];
	v5 =	vadd.f32 v9, v12;
	[tilespmem:$0x810] =	vst v1  }
0x10c: {  	v9 =	vadd.f32 v11, v14;
	v11 =	vadd.f32 v13, v16;
	v16 =	vld [tilespmem:$0x1D90];
	[tilespmem:$0x1FD90] =	vst v8  }
0x10d: {  	v8 =	vld [tilespmem:$0x1D80];
	[tilespmem:$0x1FD80] =	vst v63;
	v63 =	vadd.f32 v2, v6  }
0x10e: {  	v53 =	vld [tilespmem:$0x3E80];
	[tilespmem:$0x890] =	vst v5  }
0x10f: {  	[tilespmem:$0x800] =	vst v63;
	v63 =	vadd.f32 v7, v10;
	v10 =	vld [tilespmem:$0x4D80]  }
0x110: {  	v59 =	vld [tilespmem:$0xE90];
	[tilespmem:$0x1F6B0] =	vst v61  }
0x111: {  	v62 =	vld [tilespmem:$0xF00];
	[tilespmem:$0x1FDC0] =	vst v16  }
0x112: {  	v60 =	vld [tilespmem:$0x3F00];
	[tilespmem:$0x1FDA0] =	vst v8  }
0x113: {  	v61 =	vld [tilespmem:$0x3F10];
	[tilespmem:$0x880] =	vst v63  }
0x114: {  	v6 =	vld [tilespmem:$0x4D00];
	[tilespmem:$0x1FDB0] =	vst v10  }
0x115: {  	v7 =	vld [tilespmem:$0x4D10];
	[tilespmem:$0x900] =	vst v9  }
0x116: {  	v18 =	vadd.f32 v15, v18;
	v15 =	vld [tilespmem:$0x4D90]  }
0x117: {  	v4 =	vld [tilespmem:$0x1E00]  }
0x118: {  	v8 =	vld [tilespmem:$0x4E00]  }
0x119: {  	v10 =	vld [tilespmem:$0x1E10]  }
0x11a: {  	v12 =	vld [tilespmem:$0x4E10]  }
0x11b: {  	v14 =	vld [tilespmem:$0x1E80]  }
0x11c: {  	v63 =	vadd.f32 v17, v20;
	v17 =	vld [tilespmem:$0x4E80]  }
0x11d: {  	v5 =	vadd.f32 v19, v22;
	v19 =	vld [tilespmem:$0x1E90]  }
0x11e: {  	v9 =	vadd.f32 v21, v24;
	v21 =	vld [tilespmem:$0x4E90]  }
0x11f: {  	[tilespmem:$0x910] =	vst v11;
	v11 =	vadd.f32 v23, v26;
	v23 =	vld [tilespmem:$0x1F00]  }
0x120: {  	v13 =	vadd.f32 v25, v28;
	v25 =	vld [tilespmem:$0x4F00]  }
0x121: {  	v16 =	vadd.f32 v27, v30;
	v27 =	vld [tilespmem:$0x1F10]  }
0x122: {  	[tilespmem:$0x980] =	vst v18;
	v18 =	vadd.f32 v29, v32;
	v29 =	vld [tilespmem:$0x4F10]  }
0x123: {  	v20 =	vadd.f32 v31, v34;
	v31 =	vld [tilespmem:$0x1F80]  }
0x124: {  	v22 =	vadd.f32 v33, v36;
	v33 =	vld [tilespmem:$0x4F80]  }
0x125: {  	v24 =	vadd.f32 v35, v38;
	v35 =	vld [tilespmem:$0x1F90]  }
0x126: {  	v26 =	vadd.f32 v37, v40;
	v37 =	vld [tilespmem:$0x4F90]  }
0x127: {  	v28 =	vadd.f32 v39, v42;
	v39 =	vld [tilespmem:$0x2000]  }
0x128: {  	v30 =	vadd.f32 v41, v44;
	v41 =	vld [tilespmem:$0x5000]  }
0x129: {  	v32 =	vadd.f32 v43, v58;
	v43 =	vld [tilespmem:$0x2010]  }
0x12a: {  	v34 =	vadd.f32 v45, v55;
	v45 =	vld [tilespmem:$0x5010]  }
0x12b: {  	v38 =	vadd.f32 v47, v49;
	v47 =	vld [tilespmem:$0x2080]  }
0x12c: {  	v49 =	vld [tilespmem:$0x5080]  }
0x12d: {  	v40 =	vadd.f32 v50, v52;
	v50 =	vld [tilespmem:$0x1F6B0]  }
0x12e: {  	v42 =	vadd.f32 v51, v54;
	v51 =	vld [tilespmem:$0x2090]  }
0x12f: {  	v52 =	vld [tilespmem:$0x1F6C0]  }
0x130: {  	v44 =	vadd.f32 v53, v57;
	v53 =	vld [tilespmem:$0x1F6D0]  }
0x131: {  	v54 =	vld [tilespmem:$0x5090]  }
0x132: {  	v55 =	vld [tilespmem:$0x1F6E0]  }
0x133: {  	v36 =	vadd.f32 v46, v48;
	v46 =	vadd.f32 v56, v59;
	v56 =	vld [tilespmem:$0x1F6F0]  }
0x134: {  	v57 =	vld [tilespmem:$0x2100]  }
0x135: {  	v58 =	vld [tilespmem:$0x1F700]  }
0x136: {  	v59 =	vld [tilespmem:$0x1F710]  }
0x137: {  	v48 =	vadd.f32 v60, v62;
	v60 =	vld [tilespmem:$0x5100]  }
0x138: {  	v62 =	vld [tilespmem:$0x1F730]  }
0x139: {  	[tilespmem:$0xA00] =	vst v5;
	v5 =	vld [tilespmem:$0x1F740]  }
0x13a: {  	v3 =	vld [tilespmem:$0x2180]  }
0x13b: {  	[tilespmem:$0xA90] =	vst v13;
	v13 =	vld [tilespmem:$0x1F780]  }
0x13c: {  	[tilespmem:$0xB90] =	vst v22;
	v22 =	vld [tilespmem:$0x1F7C0]  }
0x13d: {  	[tilespmem:$0xC90] =	vst v30;
	v30 =	vld [tilespmem:$0x1F800]  }
0x13e: {  	[tilespmem:$0xD10] =	vst v34;
	v34 =	vld [tilespmem:$0x1F820]  }
0x13f: {  	[tilespmem:$0xE10] =	vst v42;
	v42 =	vld [tilespmem:$0x1F860]  }
0x140: {  	[tilespmem:$0xE90] =	vst v46;
	v46 =	vld [tilespmem:$0x1F880]  }
0x141: {  	[tilespmem:$0xA80] =	vst v11;
	v11 =	vld [tilespmem:$0x1F770]  }
0x142: {  	[tilespmem:$0xB10] =	vst v18;
	v18 =	vld [tilespmem:$0x1F7A0]  }
0x143: {  	[tilespmem:$0xC10] =	vst v26;
	v26 =	vld [tilespmem:$0x1F7E0]  }
0x144: {  	[tilespmem:$0xD90] =	vst v38;
	v38 =	vld [tilespmem:$0x1F840]  }
0x145: {  	v1 =	vadd.f32 v61, v50;
	v61 =	vld [tilespmem:$0x1F720]  }
0x146: {  	[tilespmem:$0x1FDD0] =	vst v4;
	v4 =	vld [tilespmem:$0x2110]  }
0x147: {  	[tilespmem:$0x1FDE0] =	vst v8;
	v8 =	vld [tilespmem:$0x1F750]  }
0x148: {  	[tilespmem:$0x1FDF0] =	vst v10;
	v10 =	vld [tilespmem:$0x1F760]  }
0x149: {  	[tilespmem:$0x1FE10] =	vst v14;
	v14 =	vld [tilespmem:$0x1F790]  }
0x14a: {  	[tilespmem:$0x1FE20] =	vst v17;
	v17 =	vld [tilespmem:$0x5180]  }
0x14b: {  	[tilespmem:$0x1FE30] =	vst v19;
	v19 =	vld [tilespmem:$0x1F7B0]  }
0x14c: {  	[tilespmem:$0x1FE40] =	vst v21;
	v21 =	vld [tilespmem:$0x2190]  }
0x14d: {  	[tilespmem:$0x1FE50] =	vst v23;
	v23 =	vld [tilespmem:$0x1F7D0]  }
0x14e: {  	[tilespmem:$0x1FE60] =	vst v25;
	v25 =	vld [tilespmem:$0x5190]  }
0x14f: {  	[tilespmem:$0x1FE70] =	vst v27;
	v27 =	vld [tilespmem:$0x1F7F0]  }
0x150: {  	[tilespmem:$0x1FE80] =	vst v29;
	v29 =	vld [tilespmem:$0x2200]  }
0x151: {  	[tilespmem:$0x1FE90] =	vst v31;
	v31 =	vld [tilespmem:$0x1F810]  }
0x152: {  	[tilespmem:$0x1FEA0] =	vst v33;
	v33 =	vld [tilespmem:$0x5200]  }
0x153: {  	[tilespmem:$0x1FEB0] =	vst v35;
	v35 =	vld [tilespmem:$0x1F830]  }
0x154: {  	[tilespmem:$0x1FEC0] =	vst v37;
	v37 =	vld [tilespmem:$0x2210]  }
0x155: {  	[tilespmem:$0x1FED0] =	vst v39;
	v39 =	vld [tilespmem:$0x1F850]  }
0x156: {  	[tilespmem:$0x1FEE0] =	vst v41;
	v41 =	vld [tilespmem:$0x5210]  }
0x157: {  	[tilespmem:$0x1FEF0] =	vst v43;
	v43 =	vld [tilespmem:$0x1F870]  }
0x158: {  	[tilespmem:$0x1FF00] =	vst v45;
	v45 =	vld [tilespmem:$0x2280]  }
0x159: {  	[tilespmem:$0x1FF10] =	vst v47;
	v47 =	vld [tilespmem:$0x1F890]  }
0x15a: {  	v2 =	vadd.f32 v59, v58;
	v58 =	vld [tilespmem:$0x5280]  }
0x15b: {  	[tilespmem:$0x1FF20] =	vst v49;
	v49 =	vld [tilespmem:$0x1F8A0]  }
0x15c: {  	v50 =	vld [tilespmem:$0x1F8B0]  }
0x15d: {  	v0 =	vadd.f32 v53, v52;
	v52 =	vld [tilespmem:$0x1F8C0]  }
0x15e: {  	v53 =	vld [tilespmem:$0x1F8D0]  }
0x15f: {  	[tilespmem:$0x1FF50] =	vst v57;
	v57 =	vld [tilespmem:$0x1F8F0]  }
0x160: {  	[tilespmem:$0x1FF60] =	vst v60;
	v60 =	vld [tilespmem:$0x1F900]  }
0x161: {  	[tilespmem:$0x1000] =	vst v2;
	v2 =	vld [tilespmem:$0x5110]  }
0x162: {  	[tilespmem:$0xF10] =	vst v1;
	v1 =	vadd.f32 v56, v55;
	v55 =	vld [tilespmem:$0x2290]  }
0x163: {  	v56 =	vld [tilespmem:$0x1F8E0]  }
0x164: {  	[tilespmem:$0xF00] =	vst v48;
	v48 =	vadd.f32 v47, v46;
	v46 =	vld [tilespmem:$0x5290]  }
0x165: {  	v47 =	vld [tilespmem:$0x2300]  }
0x166: {  	[tilespmem:$0x990] =	vst v63;
	v63 =	vadd.f32 v62, v61;
	v61 =	vld [tilespmem:$0x1F910]  }
0x167: {  	[tilespmem:$0xD80] =	vst v36;
	v36 =	vadd.f32 v35, v34;
	v35 =	vld [tilespmem:$0x5300]  }
0x168: {  	[tilespmem:$0x1FF70] =	vst v4;
	v4 =	vld [tilespmem:$0x1F930]  }
0x169: {  	[tilespmem:$0xE00] =	vst v40;
	v40 =	vadd.f32 v39, v38;
	v38 =	vld [tilespmem:$0x2310]  }
0x16a: {  	[tilespmem:$0xA10] =	vst v9;
	v9 =	vadd.f32 v8, v5;
	v8 =	vld [tilespmem:$0x1F940]  }
0x16b: {  	[tilespmem:$0xC80] =	vst v28;
	v28 =	vadd.f32 v27, v26;
	v26 =	vld [tilespmem:$0x5310]  }
0x16c: {  	[tilespmem:$0x1FE00] =	vst v12;
	v12 =	vadd.f32 v11, v10;
	v11 =	vld [tilespmem:$0x1F960]  }
0x16d: {  	v27 =	vld [tilespmem:$0x2380]  }
0x16e: {  	[tilespmem:$0xB00] =	vst v16;
	v16 =	vadd.f32 v14, v13;
	v14 =	vld [tilespmem:$0x1F980]  }
0x16f: {  	[tilespmem:$0xB80] =	vst v20;
	v20 =	vadd.f32 v19, v18;
	v18 =	vld [tilespmem:$0x1F9A0]  }
0x170: {  	v19 =	vld [tilespmem:$0x1F9B0]  }
0x171: {  	[tilespmem:$0x1FFA0] =	vst v25;
	v25 =	vld [tilespmem:$0x2390]  }
0x172: {  	[tilespmem:$0x1FF90] =	vst v21;
	v21 =	vld [tilespmem:$0x1F9C0]  }
0x173: {  	[tilespmem:$0xC00] =	vst v24;
	v24 =	vadd.f32 v23, v22;
	v22 =	vld [tilespmem:$0x1F9D0]  }
0x174: {  	[tilespmem:$0x1FFC0] =	vst v33;
	v33 =	vld [tilespmem:$0x1F9E0]  }
0x175: {  	v34 =	vld [tilespmem:$0x1F9F0]  }
0x176: {  	[tilespmem:$0x1FFB0] =	vst v29;
	v29 =	vld [tilespmem:$0x2400]  }
0x177: {  	[tilespmem:$0x1FFD0] =	vst v37;
	v37 =	vld [tilespmem:$0x1FA00]  }
0x178: {  	v39 =	vld [tilespmem:$0x1FA10]  }
0x179: {  	[tilespmem:$0xD00] =	vst v32;
	v32 =	vadd.f32 v31, v30;
	v30 =	vld [tilespmem:$0x5400]  }
0x17a: {  	[tilespmem:$0x1FFE0] =	vst v41;
	v41 =	vld [tilespmem:$0x1FA20]  }
0x17b: {  	[tilespmem:$0xE80] =	vst v44;
	v44 =	vadd.f32 v43, v42;
	v42 =	vld [tilespmem:$0x1FA30]  }
0x17c: {  	v31 =	vld [tilespmem:$0x2410]  }
0x17d: {  	[tilespmem:$0x1FFF0] =	vst v45;
	v45 =	vld [tilespmem:$0x1FA50]  }
0x17e: {  	[tilespmem:$0x1FF30] =	vst v51;
	v51 =	vadd.f32 v50, v49;
	v49 =	vld [tilespmem:$0x1FA60]  }
0x17f: {  	v50 =	vld [tilespmem:$0x1FA70]  }
0x180: {  	[tilespmem:$0x1FF40] =	vst v54;
	v54 =	vadd.f32 v53, v52;
	v52 =	vld [tilespmem:$0x1FA80]  }
0x181: {  	v53 =	vld [tilespmem:$0x1FA90]  }
0x182: {  	[tilespmem:$0xF80] =	vst v0;
	v0 =	vld [tilespmem:$0x1FF90]  }
0x183: {  	[tilespmem:$0xF90] =	vst v1;
	v1 =	vld [tilespmem:$0x1FFD0]  }
0x184: {  	[tilespmem:$0x1010] =	vst v63;
	v63 =	vld [tilespmem:$0x1F920]  }
0x185: {  	[tilespmem:$0x1080] =	vst v9;
	v9 =	vld [tilespmem:$0x1F950]  }
0x186: {  	[tilespmem:$0x1090] =	vst v12;
	v12 =	vld [tilespmem:$0x1F970]  }
0x187: {  	[tilespmem:$0x1100] =	vst v16;
	v16 =	vld [tilespmem:$0x1F990]  }
0x188: {  	[tilespmem:$0x1180] =	vst v24;
	v24 =	vld [tilespmem:$0x5380]  }
0x189: {  	[tilespmem:$0x1190] =	vst v28;
	v28 =	vld [tilespmem:$0x5390]  }
0x18a: {  	[tilespmem:$0x1290] =	vst v44;
	v44 =	vld [tilespmem:$0x1FA40]  }
0x18b: {  	[tilespmem:$0x1200] =	vst v32;
	v32 =	vld [tilespmem:$0x5410]  }
0x18c: {  	v59 =	vadd.f32 v57, v56;
	v56 =	vld [tilespmem:$0x1FAA0]  }
0x18d: {  	v57 =	vld [tilespmem:$0x1FAB0]  }
0x18e: {  	[tilespmem:$0x1210] =	vst v36;
	v36 =	vadd.f32 v34, v33;
	v33 =	vld [tilespmem:$0x2480]  }
0x18f: {  	v34 =	vld [tilespmem:$0x5480]  }
0x190: {  	v62 =	vadd.f32 v61, v60;
	v60 =	vld [tilespmem:$0x1FAC0]  }
0x191: {  	v61 =	vld [tilespmem:$0x1FAD0]  }
0x192: {  	[tilespmem:$0x1280] =	vst v40;
	v40 =	vadd.f32 v39, v37;
	v37 =	vld [tilespmem:$0x5490]  }
0x193: {  	v39 =	vld [tilespmem:$0x2500]  }
0x194: {  	v43 =	vadd.f32 v42, v41;
	v41 =	vld [tilespmem:$0x2510]  }
0x195: {  	v42 =	vld [tilespmem:$0x5510]  }
0x196: {  	[tilespmem:$0x1110] =	vst v20;
	v20 =	vadd.f32 v19, v18;
	v18 =	vld [tilespmem:$0x1FB60]  }
0x197: {  	v19 =	vld [tilespmem:$0x1FB70]  }
0x198: {  	v23 =	vadd.f32 v22, v21;
	v21 =	vld [tilespmem:$0x1FB80]  }
0x199: {  	v22 =	vld [tilespmem:$0x1FB90]  }
0x19a: {  	[tilespmem:$0x1380] =	vst v54;
	v54 =	vadd.f32 v53, v52;
	v52 =	vld [tilespmem:$0x1FBA0]  }
0x19b: {  	v53 =	vld [tilespmem:$0x1FBB0]  }
0x19c: {  	[tilespmem:$0x1310] =	vst v51;
	v51 =	vadd.f32 v50, v49;
	v49 =	vld [tilespmem:$0x2600]  }
0x19d: {  	v50 =	vld [tilespmem:$0x5600]  }
0x19e: {  	v46 =	vadd.f32 v46, v55;
	v55 =	vld [tilespmem:$0x2A80]  }
0x19f: {  	v35 =	vadd.f32 v35, v47;
	v47 =	vld [tilespmem:$0x5A80]  }
0x1a0: {  	v26 =	vadd.f32 v26, v38;
	v38 =	vld [tilespmem:$0x2A90]  }
0x1a1: {  	[tilespmem:$0x1590] =	vst v36;
	v36 =	vld [tilespmem:$0x2490]  }
0x1a2: {  	v5 =	vadd.f32 v4, v63;
	v63 =	vld [tilespmem:$0x1FAE0]  }
0x1a3: {  	v4 =	vld [tilespmem:$0x1FAF0]  }
0x1a4: {  	v10 =	vadd.f32 v9, v8;
	v8 =	vld [tilespmem:$0x1FB00]  }
0x1a5: {  	v9 =	vld [tilespmem:$0x1FB10]  }
0x1a6: {  	[tilespmem:$0x1600] =	vst v40;
	v40 =	vld [tilespmem:$0x5500]  }
0x1a7: {  	v13 =	vadd.f32 v12, v11;
	v11 =	vld [tilespmem:$0x1FB20]  }
0x1a8: {  	v12 =	vld [tilespmem:$0x1FB30]  }
0x1a9: {  	[tilespmem:$0x1FF80] =	vst v17;
	v17 =	vadd.f32 v16, v14;
	v14 =	vld [tilespmem:$0x1FB40]  }
0x1aa: {  	v16 =	vld [tilespmem:$0x1FB50]  }
0x1ab: {  	[tilespmem:$0x1610] =	vst v43;
	v43 =	vld [tilespmem:$0x2580]  }
0x1ac: {  	[tilespmem:$0x1300] =	vst v48;
	v48 =	vadd.f32 v45, v44;
	v44 =	vld [tilespmem:$0x5580]  }
0x1ad: {  	v45 =	vld [tilespmem:$0x2590]  }
0x1ae: {  	[tilespmem:$0x1390] =	vst v59;
	v59 =	vadd.f32 v57, v56;
	v56 =	vld [tilespmem:$0x1FBC0]  }
0x1af: {  	v57 =	vld [tilespmem:$0x1FBD0]  }
0x1b0: {  	[tilespmem:$0x1690] =	vst v51;
	v51 =	vld [tilespmem:$0x2610]  }
0x1b1: {  	v24 =	vadd.f32 v24, v27;
	v27 =	vld [tilespmem:$0x5A90]  }
0x1b2: {  	[tilespmem:$0x2310] =	vst v26;
	v26 =	vld [tilespmem:$0x2B00]  }
0x1b3: {  	v25 =	vadd.f32 v28, v25;
	v28 =	vld [tilespmem:$0x5B00]  }
0x1b4: {  	[tilespmem:$0x1680] =	vst v48;
	v48 =	vld [tilespmem:$0x5590]  }
0x1b5: {  	[tilespmem:$0x2390] =	vst v25;
	v25 =	vld [tilespmem:$0x2C90]  }
0x1b6: {  	[tilespmem:$0x1400] =	vst v62;
	v62 =	vadd.f32 v61, v60;
	v60 =	vld [tilespmem:$0x1FBE0]  }
0x1b7: {  	v61 =	vld [tilespmem:$0x1FBF0]  }
0x1b8: {  	[tilespmem:$0x1700] =	vst v54;
	v54 =	vadd.f32 v53, v52;
	v52 =	vld [tilespmem:$0x5610]  }
0x1b9: {  	v53 =	vld [tilespmem:$0x2680]  }
0x1ba: {  	[tilespmem:$0x1510] =	vst v20;
	v20 =	vadd.f32 v19, v18;
	v18 =	vld [tilespmem:$0x1FC80]  }
0x1bb: {  	v19 =	vld [tilespmem:$0x1FC90]  }
0x1bc: {  	[tilespmem:$0x1580] =	vst v23;
	v23 =	vadd.f32 v22, v21;
	v21 =	vld [tilespmem:$0x1FCA0]  }
0x1bd: {  	v22 =	vld [tilespmem:$0x1FCB0]  }
0x1be: {  	[tilespmem:$0x2300] =	vst v35;
	v35 =	vadd.f32 v34, v33;
	v33 =	vld [tilespmem:$0x2B90]  }
0x1bf: {  	v34 =	vld [tilespmem:$0x5B90]  }
0x1c0: {  	v42 =	vadd.f32 v42, v41;
	v41 =	vld [tilespmem:$0x5C80]  }
0x1c1: {  	v50 =	vadd.f32 v50, v49;
	v49 =	vld [tilespmem:$0x5D80]  }
0x1c2: {  	[tilespmem:$0x1410] =	vst v5;
	v5 =	vadd.f32 v4, v63;
	v63 =	vld [tilespmem:$0x1FC00]  }
0x1c3: {  	v4 =	vld [tilespmem:$0x1FC10]  }
0x1c4: {  	[tilespmem:$0x1480] =	vst v10;
	v10 =	vadd.f32 v9, v8;
	v8 =	vld [tilespmem:$0x1FC20]  }
0x1c5: {  	v9 =	vld [tilespmem:$0x1FC30]  }
0x1c6: {  	[tilespmem:$0x1490] =	vst v13;
	v13 =	vadd.f32 v12, v11;
	v11 =	vld [tilespmem:$0x1FC40]  }
0x1c7: {  	v12 =	vld [tilespmem:$0x1FC50]  }
0x1c8: {  	[tilespmem:$0x1500] =	vst v17;
	v17 =	vadd.f32 v16, v14;
	v14 =	vld [tilespmem:$0x1FC60]  }
0x1c9: {  	v16 =	vld [tilespmem:$0x1FC70]  }
0x1ca: {  	[tilespmem:$0x1910] =	vst v54;
	v54 =	vld [tilespmem:$0x5680]  }
0x1cb: {  	[tilespmem:$0x1710] =	vst v59;
	v59 =	vadd.f32 v57, v56;
	v56 =	vld [tilespmem:$0x2690]  }
0x1cc: {  	v57 =	vld [tilespmem:$0x5690]  }
0x1cd: {  	[tilespmem:$0x2480] =	vst v35;
	v35 =	vld [tilespmem:$0x2C00]  }
0x1ce: {  	v37 =	vadd.f32 v37, v36;
	v36 =	vld [tilespmem:$0x5C00]  }
0x1cf: {  	v40 =	vadd.f32 v40, v39;
	v39 =	vld [tilespmem:$0x5C10]  }
0x1d0: {  	[tilespmem:$0x2510] =	vst v42;
	v42 =	vld [tilespmem:$0x5C90]  }
0x1d1: {  	[tilespmem:$0x2290] =	vst v46;
	v46 =	vadd.f32 v44, v43;
	v43 =	vld [tilespmem:$0x2D00]  }
0x1d2: {  	v44 =	vld [tilespmem:$0x5D00]  }
0x1d3: {  	[tilespmem:$0x2600] =	vst v50;
	v50 =	vld [tilespmem:$0x2D90]  }
0x1d4: {  	[tilespmem:$0x1980] =	vst v59;
	v59 =	vld [tilespmem:$0x2700]  }
0x1d5: {  	[tilespmem:$0x2490] =	vst v37;
	v37 =	vld [tilespmem:$0x2C10]  }
0x1d6: {  	[tilespmem:$0x2500] =	vst v40;
	v40 =	vld [tilespmem:$0x2C80]  }
0x1d7: {  	v48 =	vadd.f32 v48, v45;
	v45 =	vld [tilespmem:$0x2D10]  }
0x1d8: {  	[tilespmem:$0x2580] =	vst v46;
	v46 =	vld [tilespmem:$0x5D10]  }
0x1d9: {  	[tilespmem:$0x1780] =	vst v62;
	v62 =	vadd.f32 v61, v60;
	v60 =	vld [tilespmem:$0x5700]  }
0x1da: {  	v61 =	vld [tilespmem:$0x2710]  }
0x1db: {  	[tilespmem:$0x1890] =	vst v20;
	v20 =	vadd.f32 v19, v18;
	v18 =	vld [tilespmem:$0x1FD50]  }
0x1dc: {  	[tilespmem:$0x1900] =	vst v23;
	v23 =	vadd.f32 v22, v21;
	v22 =	vld [tilespmem:$0x5710]  }
0x1dd: {  	v21 =	vld [tilespmem:$0x2790]  }
0x1de: {  	v52 =	vadd.f32 v52, v51;
	v51 =	vld [tilespmem:$0x5D90]  }
0x1df: {  	[tilespmem:$0x2590] =	vst v48;
	v48 =	vld [tilespmem:$0x2D80]  }
0x1e0: {  	[tilespmem:$0x1990] =	vst v62;
	v62 =	vld [tilespmem:$0x1FCC0]  }
0x1e1: {  	[tilespmem:$0x1790] =	vst v5;
	v5 =	vadd.f32 v4, v63;
	v63 =	vld [tilespmem:$0x1FCD0]  }
0x1e2: {  	[tilespmem:$0x1800] =	vst v10;
	v10 =	vadd.f32 v9, v8;
	v8 =	vld [tilespmem:$0x1FCF0]  }
0x1e3: {  	[tilespmem:$0x1810] =	vst v13;
	v13 =	vadd.f32 v12, v11;
	v11 =	vld [tilespmem:$0x1FD10]  }
0x1e4: {  	[tilespmem:$0x1880] =	vst v17;
	v17 =	vadd.f32 v16, v14;
	v14 =	vld [tilespmem:$0x1FD30]  }
0x1e5: {  	[tilespmem:$0x1B10] =	vst v23;
	v23 =	vld [tilespmem:$0x2780]  }
0x1e6: {  	[tilespmem:$0x1B00] =	vst v20;
	v20 =	vld [tilespmem:$0x5780]  }
0x1e7: {  	[tilespmem:$0x1A00] =	vst v5;
	v5 =	vld [tilespmem:$0x1FCE0]  }
0x1e8: {  	[tilespmem:$0x1A10] =	vst v10;
	v10 =	vld [tilespmem:$0x1FD00]  }
0x1e9: {  	[tilespmem:$0x1A80] =	vst v13;
	v13 =	vld [tilespmem:$0x1FD20]  }
0x1ea: {  	v4 =	vadd.f32 v63, v62;
	v63 =	vld [tilespmem:$0x1FD60]  }
0x1eb: {  	v62 =	vld [tilespmem:$0x1FE10]  }
0x1ec: {  	[tilespmem:$0x1B80] =	vst v4;
	v4 =	vld [tilespmem:$0x1FD70]  }
0x1ed: {  	v9 =	vadd.f32 v8, v5;
	v8 =	vld [tilespmem:$0x1FD80]  }
0x1ee: {  	v12 =	vadd.f32 v11, v10;
	v10 =	vld [tilespmem:$0x1FD90]  }
0x1ef: {  	v16 =	vadd.f32 v14, v13;
	v13 =	vld [tilespmem:$0x1FDB0]  }
0x1f0: {  	[tilespmem:$0x1C00] =	vst v12;
	v12 =	vld [tilespmem:$0x1FDA0]  }
0x1f1: {  	v5 =	vadd.f32 v4, v63;
	v4 =	vld [tilespmem:$0x1FDC0]  }
0x1f2: {  	[tilespmem:$0x1B90] =	vst v9;
	v9 =	vadd.f32 v6, v8;
	v6 =	vld [tilespmem:$0x1FDD0]  }
0x1f3: {  	v11 =	vadd.f32 v7, v10;
	v7 =	vld [tilespmem:$0x1FDE0]  }
0x1f4: {  	v10 =	vld [tilespmem:$0x1FE00]  }
0x1f5: {  	v63 =	vld [tilespmem:$0x1FE80]  }
0x1f6: {  	[tilespmem:$0x1D00] =	vst v9;
	v9 =	vld [tilespmem:$0x1FDF0]  }
0x1f7: {  	[tilespmem:$0x1C90] =	vst v5;
	v5 =	vadd.f32 v15, v4;
	v4 =	vld [tilespmem:$0x1FE20]  }
0x1f8: {  	v8 =	vadd.f32 v7, v6;
	v6 =	vld [tilespmem:$0x1FE30]  }
0x1f9: {  	v7 =	vld [tilespmem:$0x1FE40]  }
0x1fa: {  	v14 =	vadd.f32 v13, v12;
	v13 =	vld [tilespmem:$0x1FE70]  }
0x1fb: {  	[tilespmem:$0x1A90] =	vst v17;
	v17 =	vld [tilespmem:$0x1FD40]  }
0x1fc: {  	[tilespmem:$0x1D10] =	vst v11;
	v11 =	vadd.f32 v10, v9;
	v9 =	vld [tilespmem:$0x1FE50]  }
0x1fd: {  	[tilespmem:$0x1D90] =	vst v5;
	v10 =	vld [tilespmem:$0x1FE60]  }
0x1fe: {  	[tilespmem:$0x1E00] =	vst v8;
	v5 =	vadd.f32 v4, v62;
	v8 =	vadd.f32 v7, v6;
	v6 =	vld [tilespmem:$0x1FEA0]  }
0x1ff: {  	v4 =	vadd.f32 v63, v13;
	v62 =	vld [tilespmem:$0x1FED0]  }
0x200: {  	[tilespmem:$0x1E80] =	vst v5;
	v5 =	vld [tilespmem:$0x1FE90]  }
0x201: {  	[tilespmem:$0x1F10] =	vst v4;
	v4 =	vld [tilespmem:$0x1FEE0]  }
0x202: {  	v19 =	vadd.f32 v18, v17;
	v18 =	vld [tilespmem:$0x5790];
	[tilespmem:$0x1E10] =	vst v11;
	v11 =	vadd.f32 v10, v9  }
0x203: {  	v9 =	vld [tilespmem:$0x1FEB0]  }
0x204: {  	[tilespmem:$0x1F00] =	vst v11;
	v11 =	vld [tilespmem:$0x1FEC0]  }
0x205: {  	v17 =	vld [tilespmem:$0x2810]  }
0x206: {  	v7 =	vadd.f32 v6, v5;
	v5 =	vadd.f32 v4, v62;
	v62 =	vld [tilespmem:$0x1FF10]  }
0x207: {  	v4 =	vld [tilespmem:$0x1FF20]  }
0x208: {  	[tilespmem:$0x1F80] =	vst v7;
	v7 =	vld [tilespmem:$0x1FEF0]  }
0x209: {  	v63 =	vadd.f32 v11, v9;
	v9 =	vld [tilespmem:$0x1FF00]  }
0x20a: {  	[tilespmem:$0x1C80] =	vst v19;
	v19 =	vld [tilespmem:$0x2800]  }
0x20b: {  	[tilespmem:$0x1C10] =	vst v16;
	v16 =	vld [tilespmem:$0x5800]  }
0x20c: {  	v12 =	vld [tilespmem:$0x5880]  }
0x20d: {  	[tilespmem:$0x2000] =	vst v5;
	v5 =	vld [tilespmem:$0x1FF30]  }
0x20e: {  	[tilespmem:$0x1F90] =	vst v63;
	v62 =	vadd.f32 v4, v62;
	v63 =	vadd.f32 v9, v7;
	v7 =	vld [tilespmem:$0x1FF40]  }
0x20f: {  	v4 =	vld [tilespmem:$0x1FF60]  }
0x210: {  	[tilespmem:$0x2080] =	vst v62;
	v62 =	vld [tilespmem:$0x1FF50]  }
0x211: {  	[tilespmem:$0x1D80] =	vst v14;
	v14 =	vld [tilespmem:$0x5810]  }
0x212: {  	v15 =	vld [tilespmem:$0x2880]  }
0x213: {  	[tilespmem:$0x2010] =	vst v63;
	v63 =	vadd.f32 v7, v5;
	v5 =	vld [tilespmem:$0x1FF70]  }
0x214: {  	[tilespmem:$0x2380] =	vst v24;
	v13 =	vld [tilespmem:$0x2890]  }
0x215: {  	[tilespmem:$0x2610] =	vst v52;
	v10 =	vld [tilespmem:$0x5890];
	v62 =	vadd.f32 v4, v62  }
0x216: {  	[tilespmem:$0x1E90] =	vst v8;
	v8 =	vld [tilespmem:$0x5900]  }
0x217: {  	v54 =	vadd.f32 v54, v53;
	[tilespmem:$0x2100] =	vst v62;
	v62 =	vld [tilespmem:$0x1FF80]  }
0x218: {  	v6 =	vld [tilespmem:$0x5910];
	[tilespmem:$0x2090] =	vst v63;
	v63 =	vadd.f32 v2, v5  }
0x219: {  	[tilespmem:$0x2680] =	vst v54;
	v22 =	vadd.f32 v22, v61;
	v11 =	vld [tilespmem:$0x2900]  }
0x21a: {  	v20 =	vadd.f32 v20, v23;
	[tilespmem:$0x2110] =	vst v63;
	v63 =	vld [tilespmem:$0x1FFA0]  }
0x21b: {  	[tilespmem:$0x2710] =	vst v22;
	v18 =	vadd.f32 v18, v21;
	v9 =	vld [tilespmem:$0x2910]  }
0x21c: {  	[tilespmem:$0x2780] =	vst v20;
	v7 =	vld [tilespmem:$0x2980];
	v62 =	vadd.f32 v62, v3  }
0x21d: {  	v16 =	vadd.f32 v16, v19;
	[tilespmem:$0x2790] =	vst v18;
	v4 =	vld [tilespmem:$0x5980]  }
0x21e: {  	v14 =	vadd.f32 v14, v17;
	[tilespmem:$0x2180] =	vst v62;
	v62 =	vld [tilespmem:$0x1FFC0]  }
0x21f: {  	[tilespmem:$0x2800] =	vst v16;
	v63 =	vadd.f32 v63, v0;
	v0 =	vld [tilespmem:$0x1FFB0]  }
0x220: {  	v12 =	vadd.f32 v12, v15;
	[tilespmem:$0x2810] =	vst v14;
	v5 =	vld [tilespmem:$0x2990]  }
0x221: {  	v10 =	vadd.f32 v10, v13;
	[tilespmem:$0x2190] =	vst v63;
	v63 =	vld [tilespmem:$0x1FFE0]  }
0x222: {  	[tilespmem:$0x2880] =	vst v12;
	v8 =	vadd.f32 v8, v11;
	v2 =	vld [tilespmem:$0x5990]  }
0x223: {  	[tilespmem:$0x2890] =	vst v10;
	v6 =	vadd.f32 v6, v9;
	v3 =	vld [tilespmem:$0x2A00]  }
0x224: {  	[tilespmem:$0x2900] =	vst v8;
	v62 =	vadd.f32 v62, v0;
	v0 =	vld [tilespmem:$0x5A00]  }
0x225: {  	v52 =	vld [tilespmem:$0x2E00];
	[tilespmem:$0x2910] =	vst v6;
	v4 =	vadd.f32 v4, v7  }
0x226: {  	v63 =	vadd.f32 v63, v1;
	[tilespmem:$0x2200] =	vst v62;
	v62 =	vld [tilespmem:$0x1FFF0]  }
0x227: {  	v53 =	vld [tilespmem:$0x5E00];
	[tilespmem:$0x2980] =	vst v4;
	v2 =	vadd.f32 v2, v5  }
0x228: {  	[tilespmem:$0x2210] =	vst v63;
	v63 =	vadd.f32 v32, v31;
	v31 =	vld [tilespmem:$0x2B80]  }
0x229: {  	[tilespmem:$0x2990] =	vst v2;
	v32 =	vld [tilespmem:$0x5B80];
	v0 =	vadd.f32 v0, v3  }
0x22a: {  	v54 =	vld [tilespmem:$0x2E10];
	[tilespmem:$0x2410] =	vst v63;
	v63 =	vadd.f32 v60, v59  }
0x22b: {  	v61 =	vld [tilespmem:$0x5E80];
	v58 =	vadd.f32 v58, v62;
	[tilespmem:$0x2A00] =	vst v0  }
0x22c: {  	v1 =	vld [tilespmem:$0x2A10];
	v60 =	vadd.f32 v28, v26;
	[tilespmem:$0x2700] =	vst v63  }
0x22d: {  	v59 =	vld [tilespmem:$0x2E80];
	[tilespmem:$0x2280] =	vst v58;
	v58 =	vadd.f32 v30, v29  }
0x22e: {  	v26 =	vld [tilespmem:$0x5E90];
	[tilespmem:$0x2B00] =	vst v60;
	v24 =	vadd.f32 v32, v31  }
0x22f: {  	v28 =	vld [tilespmem:$0x2F00];
	v31 =	vadd.f32 v39, v37;
	[tilespmem:$0x2400] =	vst v58  }
0x230: {  	v62 =	vld [tilespmem:$0x5A10];
	v37 =	vadd.f32 v44, v43;
	[tilespmem:$0x2B80] =	vst v24  }
0x231: {  	v63 =	vld [tilespmem:$0x2E90];
	v39 =	vadd.f32 v46, v45;
	[tilespmem:$0x2C10] =	vst v31  }
0x232: {  	v29 =	vld [tilespmem:$0x2B10];
	v43 =	vadd.f32 v51, v50;
	[tilespmem:$0x2D00] =	vst v37  }
0x233: {  	v30 =	vld [tilespmem:$0x5B10];
	v45 =	vadd.f32 v53, v52;
	[tilespmem:$0x2D10] =	vst v39  }
0x234: {  	v32 =	vld [tilespmem:$0x2F10];
	v58 =	vadd.f32 v57, v56;
	[tilespmem:$0x2D90] =	vst v43  }
0x235: {  	v44 =	vld [tilespmem:$0x3000];
	v56 =	vadd.f32 v47, v55;
	[tilespmem:$0x2E00] =	vst v45  }
0x236: {  	v46 =	vld [tilespmem:$0x6000];
	v1 =	vadd.f32 v62, v1;
	[tilespmem:$0x2690] =	vst v58  }
0x237: {  	v50 =	vld [tilespmem:$0x6010];
	v58 =	vadd.f32 v27, v38;
	[tilespmem:$0x2A80] =	vst v56  }
0x238: {  	v52 =	vld [tilespmem:$0x3080];
	v27 =	vadd.f32 v34, v33;
	[tilespmem:$0x2A10] =	vst v1  }
0x239: {  	v57 =	vld [tilespmem:$0x5E10];
	v33 =	vadd.f32 v41, v40;
	[tilespmem:$0x2A90] =	vst v58  }
0x23a: {  	v34 =	vld [tilespmem:$0x5F10];
	v41 =	vadd.f32 v49, v48;
	[tilespmem:$0x2B90] =	vst v27  }
0x23b: {  	v38 =	vld [tilespmem:$0x5F80];
	v49 =	vadd.f32 v61, v59;
	[tilespmem:$0x2C80] =	vst v33  }
0x23c: {  	v40 =	vld [tilespmem:$0x2F90];
	v51 =	vadd.f32 v26, v63;
	[tilespmem:$0x2D80] =	vst v41  }
0x23d: {  	v48 =	vld [tilespmem:$0x3010];
	v62 =	vadd.f32 v30, v29;
	[tilespmem:$0x2E80] =	vst v49  }
0x23e: {  	v56 =	vld [tilespmem:$0x3090];
	v29 =	vadd.f32 v36, v35;
	[tilespmem:$0x2E90] =	vst v51  }
0x23f: {  	v30 =	vld [tilespmem:$0x5F00];
	v35 =	vadd.f32 v42, v25;
	[tilespmem:$0x2B10] =	vst v62  }
0x240: {  	v36 =	vld [tilespmem:$0x2F80];
	v60 =	vadd.f32 v46, v44;
	[tilespmem:$0x2C00] =	vst v29  }
0x241: {  	v42 =	vld [tilespmem:$0x5F90];
	[tilespmem:$0x2C90] =	vst v35;
	v47 =	vadd.f32 v57, v54  }
0x242: {  	v58 =	vld [tilespmem:$0x6090];
	[tilespmem:$0x3000] =	vst v60;
	v55 =	vadd.f32 v34, v32  }
0x243: {  	v54 =	vld [tilespmem:$0x6080];
	[tilespmem:$0x2E10] =	vst v47;
	v61 =	vadd.f32 v50, v48  }
0x244: {  	v53 =	vadd.f32 v30, v28;
	[tilespmem:$0x2F10] =	vst v55  }
0x245: {  	v57 =	vadd.f32 v38, v36;
	[tilespmem:$0x3010] =	vst v61  }
0x246: {  	v59 =	vadd.f32 v42, v40;
	[tilespmem:$0x2F00] =	vst v53  }
0x247: {  	v63 =	vadd.f32 v58, v56;
	[tilespmem:$0x2F80] =	vst v57  }
0x248: {  	[tilespmem:$0x2F90] =	vst v59;
	v62 =	vadd.f32 v54, v52  }
0x249: {  	p0 =	sne.s32 s8, $0x1;
	[tilespmem:$0x3090] =	vst v63  }
.Ltmp0:
0x24a: {  	[tilespmem:$0x3080] =	vst v62;
	(pc) =	sbr.rel @p0 .LBB2_1-.Ltmp0, $4  }
0x24b: {  	[hbm4b:s7+s2] =	stream.linear.scatter [tilespmem:s12], [sflag:$0x2], $0x3000, $0x38;
	[tilespmem:$0x6100] =	vst v63  }
0x24c: {  	_ =	swait.ge [sflag:s9], $0x3000  }
0x24d: {  	[sflag:s9] =	ssyncset.done $0x0  }
0x24e: {  	s8 =	sadd.s32 $0xFFFFFFFF, s8;
	[sflag:s9] =	ssyncadd.s32 $0xFFFFD000  }
0x24f: {  	_ =	sfence.sel $0x180000  }
0x250: {  	[bflag:$0x0] =	sbarrier.arrive $0xFFFF  }
0x251: {  	p0 =	sne.s32 s0, $0x0;
	_ =	strace $0x90000047  }
0x252: {  	s0 =	sadd.s32 @!p0 $0x100000, s1;
	[bflag:$0x2] =	sbarrier.arrive $0xFFFF  }
0x253: {  	[sflag:s0] =	ssyncadd.tile.s32 @!p0 $0x1;
	_ =	shalt  }
.Lfunc_end2:
_tile_overlayer_lowered:
.L_overlay_start_2:
0x254: {  	(tag) =	ssettag $0x2  }
0x255: {  	s0 =	rddreg [dreg:$0x0];
	s2 =	stileid.u32  }
0x256: {  	s1 =	rddreg [dreg:$0x1];
	p0 =	sne.s32 s2, $0x0  }
0x257: {  	s3 =	rddreg [dreg:$0x2];
	[bflag:$0x3] =	sbarrier.arrive $0xFFFF;
	s2 =	simm.s32 @!p0 $0x1C02  }
0x258: {  	[timem:s3], [sflag:s2] =	dma.local @!p0 [hbm:s0], s1  }
0x259: {  	s0 =	simm.s32 @!p0 $0x2  }
0x25a: {  	_ =	swait.ge @!p0 [sflag:s0], s1  }
0x25b: {  	s1 =	ssub.s32 @!p0 $0x0, s1;
	[sflag:s0] =	ssyncset.done @!p0 $0x0  }
0x25c: {  	[sflag:s0] =	ssyncadd.s32 @!p0 s1  }
0x25d: {  	[bflag:$0x3] =	sbarrier.arrive $0xFFFF  }
0x25e: {  	_ =	shalt  }

</sc_bundles>
